<compile_context>
chip_gen: v7x
topology: tpu7x:2x2x1
jax: 0.10.2.dev20260603
libtpu: 0.0.44.dev20260713+nightly
codegen_flags: <defaults>
</compile_context>

<pallas_src>
import functools

import jax
import jax.numpy as jnp
from jax import lax
from jax.experimental import pallas as pl
from jax.experimental.pallas import tpu as pltpu
from jax.experimental.pallas import tpu_sc as plsc

K = 8
ROWS = 512
TBL = 32


def _silu(x):
    return x * jax.nn.sigmoid(x)


def _embed_body(len_ref, res_ref, coords_ref, tok_ref, pos_ref,
                out_ref, ct_ref):
    b = pl.program_id(0)
    iblk = pl.program_id(1)
    len_b = len_ref[b]
    res = res_ref[0]
    ntok = tok_ref.shape[0]
    f = jnp.where(res == ntok - 2, tok_ref[ntok - 2:ntok - 1, :],
                  tok_ref[ntok - 1:ntok, :])
    for t in range(ntok - 3, -1, -1):
        f = jnp.where(res == t, tok_ref[t:t + 1, :], f)
    feats = f + pos_ref[...]
    R = feats.shape[0]
    ii = iblk * R + lax.broadcasted_iota(jnp.int32, (R, 1), 0)
    maskc = (ii < len_b).astype(jnp.float32)
    pad = jnp.zeros((R, TBL - 20), jnp.float32)
    coors = coords_ref[0]
    out_ref[0] = jnp.concatenate([feats, coors, maskc, pad], axis=1)
    ct_ref[0] = jnp.swapaxes(coors, 0, 1)


def _embed(lengths, residues, coords, tok, pos):
    B, L = residues.shape
    emb = tok.shape[1]
    res3 = residues.reshape(B, L, 1).astype(jnp.int32)
    grid = (B, L // ROWS)
    return pl.pallas_call(
        _embed_body,
        grid=grid,
        in_specs=[
            pl.BlockSpec(memory_space=pltpu.SMEM),
            pl.BlockSpec((1, ROWS, 1), lambda b, i: (b, i, 0)),
            pl.BlockSpec((1, ROWS, 3), lambda b, i: (b, i, 0)),
            pl.BlockSpec(tok.shape, lambda b, i: (0, 0)),
            pl.BlockSpec((ROWS, emb), lambda b, i: (i, 0)),
        ],
        out_specs=[
            pl.BlockSpec((1, ROWS, TBL), lambda b, i: (b, i, 0)),
            pl.BlockSpec((1, 3, ROWS), lambda b, i: (b, 0, i)),
        ],
        out_shape=[
            jax.ShapeDtypeStruct((B, L, TBL), jnp.float32),
            jax.ShapeDtypeStruct((B, 3, L), jnp.float32),
        ],
    )(lengths, res3, coords, tok, pos)


def _topk_body(len_ref, table_ref, ct_ref, idx_ref):
    b = pl.program_id(0)
    iblk = pl.program_id(1)
    L = ct_ref.shape[2]
    len_b = len_ref[b]

    @pl.when(iblk * ROWS >= len_b)
    def _skip():
        idx_ref[0] = jnp.full((K - 1, ROWS), b * L, jnp.int32)

    def extract(W):
        t = table_ref[0]
        xr = t[:, 16:19]
        ct = ct_ref[0][:, 0:W]
        ii = iblk * ROWS + lax.broadcasted_iota(jnp.int32, (ROWS, 1), 0)
        ji = lax.broadcasted_iota(jnp.int32, (1, W), 1)
        nx = (xr[:, 0:1] * xr[:, 0:1] + xr[:, 1:2] * xr[:, 1:2]
              + xr[:, 2:3] * xr[:, 2:3])
        nj = (ct[0:1, :] * ct[0:1, :] + ct[1:2, :] * ct[1:2, :]
              + ct[2:3, :] * ct[2:3, :])
        dist = (nx + nj) - 2.0 * jnp.dot(xr, ct,
                                         preferred_element_type=jnp.float32)
        valid = (ii < len_b) & (ji < len_b)
        rank = jnp.where(valid, dist, jnp.float32(1e5))
        rank = jnp.where(ii == ji, jnp.float32(jnp.inf), rank)
        adj = (jnp.abs(ii - ji) == 1) & (jnp.maximum(ii, ji) < len_b)
        rank = jnp.where(adj, jnp.float32(0.0), rank)
        jif = ji.astype(jnp.float32)
        cols = []
        for _ in range(K - 1):
            mval = jnp.min(rank, axis=1, keepdims=True)
            amin = jnp.min(jnp.where(rank == mval, jif, jnp.float32(W)),
                           axis=1, keepdims=True)
            cols.append(amin)
            rank = jnp.where(jif == amin, jnp.float32(jnp.inf), rank)
        A = jnp.concatenate(cols, axis=1) + jnp.float32(b * L)
        idx_ref[0] = jnp.swapaxes(A, 0, 1).astype(jnp.int32)

    wtiles = (len_b + 511) // 512
    for tix in range(1, L // 512 + 1):
        @pl.when((iblk * ROWS < len_b) & (wtiles == tix))
        def _branch(tix=tix):
            extract(512 * tix)


def _topk(lengths, table, ct):
    B, L, _ = table.shape
    grid = (B, L // ROWS)
    return pl.pallas_call(
        _topk_body,
        grid=grid,
        in_specs=[
            pl.BlockSpec(memory_space=pltpu.SMEM),
            pl.BlockSpec((1, ROWS, TBL), lambda b, i: (b, i, 0)),
            pl.BlockSpec((1, 3, L), lambda b, i: (b, 0, 0)),
        ],
        out_specs=pl.BlockSpec((1, K - 1, ROWS), lambda b, i: (b, 0, i)),
        out_shape=jax.ShapeDtypeStruct((B, K - 1, L), jnp.int32),
    )(lengths, table, ct)


def _sc_gather(table_flat, gidx):
    M = gidx.shape[0]
    N, D = table_flat.shape
    info = plsc.get_sparse_core_info()
    nw = info.num_cores * info.num_subcores
    rows_w = M // nw
    ch = 128
    nch = rows_w // ch
    stage = N // info.num_subcores
    mesh = plsc.VectorSubcoreMesh(core_axis_name="c", subcore_axis_name="s")

    @functools.partial(
        pl.kernel,
        out_type=jax.ShapeDtypeStruct((M, 128), jnp.float32),
        mesh=mesh,
        compiler_params=pltpu.CompilerParams(use_tc_tiling_on_sc=False),
        scratch_types=[
            pltpu.VMEM((rows_w,), jnp.int32),
            pltpu.VMEM((rows_w, D), jnp.float32),
            pltpu.VMEM_SHARED((N, D), jnp.float32),
            pltpu.SemaphoreType.DMA,
        ],
    )
    def gk(table_hbm, idx_hbm, out_hbm, idx_v, rows_v, shared, sem):
        sid = lax.axis_index("s")
        wid = sid * info.num_cores + lax.axis_index("c")
        base = wid * rows_w
        pltpu.sync_copy(table_hbm.at[pl.ds(sid * stage, stage)],
                        shared.at[pl.ds(sid * stage, stage)])
        pltpu.sync_copy(idx_hbm.at[pl.ds(base, rows_w)], idx_v)
        plsc.subcore_barrier()
        cps = [
            pltpu.async_copy(
                shared.at[idx_v.at[pl.ds(c * ch, ch)]],
                rows_v.at[pl.ds(c * ch, ch)],
                sem,
            )
            for c in range(nch)
        ]
        for cp in cps:
            cp.wait()
        pltpu.sync_copy(rows_v, out_hbm.at[pl.ds(base, rows_w), pl.ds(0, D)])

    return gk(table_flat, gidx)


def _mp_body(len_ref, table_ref, g_ref,
             ew1_ref, eb1_ref, ew2_ref, eb2_ref,
             nw1_ref, nb1_ref, nw2_ref, nb2_ref,
             cw1_ref, cb1_ref, cw2_ref, cb2_ref,
             lnw_ref, lnb_ref, *rest, last):
    if last:
        fw_ref, fb_ref, out_ref = rest
    else:
        fw_ref = fb_ref = None
        out_ref, ct_ref = rest
    b = pl.program_id(0)
    iblk = pl.program_id(1)
    len_b = len_ref[b]
    t = table_ref[0]
    feats = t[:, 0:16]
    coors = t[:, 16:19]
    R = feats.shape[0]

    def node_update(m_i, coors_new):
        mu = jnp.mean(feats, axis=1, keepdims=True)
        var = jnp.mean((feats - mu) ** 2, axis=1, keepdims=True)
        normed = ((feats - mu) / jnp.sqrt(var + 1e-5) * lnw_ref[...]
                  + lnb_ref[...])
        d = normed.shape[1]
        h2 = _silu(jnp.dot(normed, nw1_ref[0:d, :],
                           preferred_element_type=jnp.float32)
                   + jnp.dot(m_i, nw1_ref[d:2 * d, :],
                             preferred_element_type=jnp.float32)
                   + nb1_ref[...])
        node_out = (jnp.dot(h2, nw2_ref[...],
                            preferred_element_type=jnp.float32)
                    + nb2_ref[...] + feats)
        if last:
            out_ref[0] = (jnp.dot(node_out, fw_ref[...],
                                  preferred_element_type=jnp.float32)
                          + fb_ref[...])
        else:
            ii = iblk * R + lax.broadcasted_iota(jnp.int32, (R, 1), 0)
            maskc = (ii < len_b).astype(jnp.float32)
            pad = jnp.zeros((R, TBL - 20), jnp.float32)
            out_ref[0] = jnp.concatenate([node_out, coors_new, maskc, pad],
                                         axis=1)
            ct_ref[0] = jnp.swapaxes(coors_new, 0, 1)

    @pl.when(iblk * R >= len_b)
    def _skip():
        node_update(jnp.zeros_like(feats), coors)

    @pl.when(iblk * R < len_b)
    def _full():
        ii = iblk * R + lax.broadcasted_iota(jnp.int32, (R, 1), 0)
        mask_i = ii < len_b
        d = feats.shape[1]

        w1a = ew1_ref[0:d, :]
        w1b = ew1_ref[d:2 * d, :]
        w1c = ew1_ref[2 * d:2 * d + 1, :]
        hi = (jnp.dot(feats, w1a, preferred_element_type=jnp.float32)
              + eb1_ref[...])
        hs = jnp.dot(feats, w1b, preferred_element_type=jnp.float32)

        def edge(h1, m2):
            m_k = _silu(jnp.dot(_silu(h1), ew2_ref[...],
                                preferred_element_type=jnp.float32)
                        + eb2_ref[...])
            return jnp.where(m2, m_k, jnp.float32(0.0))

        m_i = edge(hi + hs, mask_i)
        coors_new = coors
        for k in range(1, K):
            g = g_ref[k - 1]
            fj = g[:, 0:16]
            cj = g[:, 16:19]
            rel = coors - cj
            a = rel[:, 0:1]
            bb = rel[:, 1:2]
            c = rel[:, 2:3]
            rd = a * a + bb * bb + c * c
            m2 = mask_i & (g[:, 19:20] > 0.5)
            m_k = edge(hi + jnp.dot(fj, w1b,
                                    preferred_element_type=jnp.float32)
                       + rd * w1c, m2)
            m_i = m_i + m_k
            if not last:
                cw = (jnp.dot(_silu(jnp.dot(m_k, cw1_ref[...],
                                            preferred_element_type=jnp.float32)
                                    + cb1_ref[...]),
                              cw2_ref[...],
                              preferred_element_type=jnp.float32)
                      + cb2_ref[...])
                cw = jnp.where(m2, cw, jnp.float32(0.0))
                coors_new = coors_new + cw * rel
        if last:
            coors_new = None
        node_update(m_i, coors_new)


def _mp(lengths, table, G, w, final):
    B, L, _ = table.shape
    grid = (B, L // ROWS)
    full = lambda a: pl.BlockSpec(a.shape, lambda b, i: (0,) * a.ndim)
    last = final is not None
    in_specs = [
        pl.BlockSpec(memory_space=pltpu.SMEM),
        pl.BlockSpec((1, ROWS, TBL), lambda b, i: (b, i, 0)),
        pl.BlockSpec((K - 1, ROWS, 128), lambda b, i: (b, i, 0)),
    ] + [full(a) for a in w]
    args = [lengths, table, G, *w]
    if last:
        in_specs += [full(a) for a in final]
        args += list(final)
        out_specs = pl.BlockSpec((1, ROWS, 3), lambda b, i: (b, i, 0))
        out_shape = jax.ShapeDtypeStruct((B, L, 3), jnp.float32)
    else:
        out_specs = [
            pl.BlockSpec((1, ROWS, TBL), lambda b, i: (b, i, 0)),
            pl.BlockSpec((1, 3, ROWS), lambda b, i: (b, 0, i)),
        ]
        out_shape = [
            jax.ShapeDtypeStruct((B, L, TBL), jnp.float32),
            jax.ShapeDtypeStruct((B, 3, L), jnp.float32),
        ]
    return pl.pallas_call(
        functools.partial(_mp_body, last=last),
        grid=grid,
        in_specs=in_specs,
        out_specs=out_specs,
        out_shape=out_shape,
    )(*args)


def kernel(coords, residues, lengths, params):
    B, L, _ = coords.shape
    lengths = lengths.astype(jnp.int32)
    table, ct = _embed(lengths, residues, coords.astype(jnp.float32),
                       params['token_emb'], params['pos_emb'])
    nlayers = len(params['layers'])
    out = None
    for li, lp in enumerate(params['layers']):
        idx_t = _topk(lengths, table, ct)
        G = _sc_gather(table.reshape(B * L, TBL),
                       idx_t.reshape(-1)).reshape(B * (K - 1), L, 128)
        w = (lp['e_w1'], lp['e_b1'].reshape(1, -1),
             lp['e_w2'], lp['e_b2'].reshape(1, -1),
             lp['n_w1'], lp['n_b1'].reshape(1, -1),
             lp['n_w2'], lp['n_b2'].reshape(1, -1),
             lp['c_w1'], lp['c_b1'].reshape(1, -1),
             lp['c_w2'], lp['c_b2'].reshape(1, -1),
             lp['ln_w'].reshape(1, -1), lp['ln_b'].reshape(1, -1))
        if li == nlayers - 1:
            out = _mp(lengths, table, G, w,
                      (params['final_w'], params['final_b'].reshape(1, -1)))
        else:
            table, ct = _mp(lengths, table, G, w, None)
    return out

# --- scband reference (transcript-rebuilt; emitter-appended) ---
"""Pipeline reference for scband-egnn-model-44220983280256 (READ-ONLY COPY).

The authoritative reference and input builder live on the scoring server;
editing this copy changes nothing except your own understanding.
"""

import jax, jax.numpy as jnp
import numpy as np

EMB = 16
DEPTH = 3
K = 8
NUM_TOKENS = 2
MAXLEN = 2048
BATCH = 4

def _linp(key, i, o):
    k1, k2 = jax.random.split(key)
    return (jax.random.normal(k1, (i, o), dtype=jnp.float32) * 0.05,
            jax.random.normal(k2, (o,), dtype=jnp.float32) * 0.01)

def _layer_params(key):
    d = EMB
    ein = d * 2 + 1
    ks = jax.random.split(key, 6)
    p = {}
    p['e_w1'], p['e_b1'] = _linp(ks[0], ein, ein * 2)
    p['e_w2'], p['e_b2'] = _linp(ks[1], ein * 2, d)
    p['ln_w'] = jnp.ones((d,), jnp.float32)
    p['ln_b'] = jnp.zeros((d,), jnp.float32)
    p['n_w1'], p['n_b1'] = _linp(ks[2], d * 2, d * 2)
    p['n_w2'], p['n_b2'] = _linp(ks[3], d * 2, d)
    p['c_w1'], p['c_b1'] = _linp(ks[4], d, d * 4)
    p['c_w2'], p['c_b2'] = _linp(ks[5], d * 4, 1)
    return p

def setup_inputs(seed: int = 0):
    key = jax.random.key(seed)
    ks = jax.random.split(key, 10)
    B, L = BATCH, MAXLEN
    coords = jax.random.normal(ks[0], (B, L, 3), dtype=jnp.float32)
    residues = jax.random.randint(ks[1], (B, L), 0, NUM_TOKENS)
    lengths = jax.random.randint(ks[2], (B,), 0, L)
    params = {
        'token_emb': jax.random.normal(ks[3], (NUM_TOKENS, EMB), dtype=jnp.float32) * 0.05,
        'pos_emb': jax.random.normal(ks[4], (MAXLEN, EMB), dtype=jnp.float32) * 0.05,
        'layers': [_layer_params(ks[5 + i]) for i in range(DEPTH)],
    }
    fw, fb = _linp(ks[8], EMB, 3)
    params['final_w'] = fw
    params['final_b'] = fb
    return {'coords': coords, 'residues': residues, 'lengths': lengths, 'params': params}

def _silu(x):
    return x * jax.nn.sigmoid(x)

def _lin(x, w, b):
    return x @ w + b

def _ln(x, w, b, eps=1e-5):
    mu = x.mean(-1, keepdims=True)
    var = ((x - mu) ** 2).mean(-1, keepdims=True)
    return (x - mu) / jnp.sqrt(var + eps) * w + b

def _egnn_layer(p, feats, coors, mask, adj_mat):
    b, n, d = feats.shape
    rel_coors = coors[:, :, None, :] - coors[:, None, :, :]
    rel_dist = jnp.sum(rel_coors ** 2, axis=-1)
    ranking = jnp.where(mask[:, :, None] & mask[:, None, :], rel_dist, 1e5)
    eye = jnp.eye(n, dtype=bool)[None]
    adj = adj_mat & (~eye)
    ranking = jnp.where(eye, -1.0, ranking)
    ranking = jnp.where(adj, 0.0, ranking)
    neg_rank, nbhd_idx = jax.lax.top_k(-ranking, K)
    bidx = jnp.arange(b)[:, None, None]
    iidx = jnp.arange(n)[None, :, None]
    rel_coors_k = rel_coors[bidx, iidx, nbhd_idx]
    rel_dist_k = rel_dist[bidx, iidx, nbhd_idx][..., None]
    feats_j = feats[bidx, nbhd_idx]
    feats_i = jnp.broadcast_to(feats[:, :, None, :], (b, n, K, d))
    edge_input = jnp.concatenate([feats_i, feats_j, rel_dist_k], axis=-1)
    m_ij = _silu(_lin(_silu(_lin(edge_input, p['e_w1'], p['e_b1'])), p['e_w2'], p['e_b2']))
    mask_j = mask[bidx, nbhd_idx]
    m2 = mask[:, :, None] & mask_j
    coor_w = _lin(_silu(_lin(m_ij, p['c_w1'], p['c_b1'])), p['c_w2'], p['c_b2'])[..., 0]
    coor_w = jnp.where(m2, coor_w, 0.0)
    coors_out = jnp.einsum('bij,bijc->bic', coor_w, rel_coors_k) + coors
    m_ij = jnp.where(m2[..., None], m_ij, 0.0)
    m_i = m_ij.sum(axis=2)
    normed = _ln(feats, p['ln_w'], p['ln_b'])
    node_in = jnp.concatenate([normed, m_i], axis=-1)
    node_out = _lin(_silu(_lin(node_in, p['n_w1'], p['n_b1'])), p['n_w2'], p['n_b2']) + feats
    return node_out, coors_out

def _forward(coords, residues, lengths, params):
    B, L, _ = coords.shape
    ar = jnp.arange(L)
    mask = ar[None, :] < lengths[:, None]
    ii = ar[:, None]
    jj = ar[None, :]
    adj = (jnp.abs(ii - jj) == 1)[None] & (jnp.maximum(ii, jj)[None] < lengths[:, None, None])
    feats = params['token_emb'][residues] + params['pos_emb'][ar][None]
    coors = coords
    for lp in params['layers']:
        feats, coors = _egnn_layer(lp, feats, coors, mask, adj)
    return feats @ params['final_w'] + params['final_b']

def reference(coords, residues, lengths, params):
    return _forward(coords, residues, lengths, params)

if __name__ == "__main__":
    import jax
    _d = setup_inputs()
    print(jax.jit(kernel)(*tuple(_d.values())))

</pallas_src>

<mosaic_0001>
#map = affine_map<(d0, d1) -> (0, 0)>
#map1 = affine_map<(d0, d1) -> (0)>
module attributes {stable_mosaic.version = 14 : i64} {
  func.func @gk(%arg0: i32, %arg1: i32, %arg2: memref<8192x32xf32, #tpu.memory_space<hbm>>, %arg3: memref<57344xi32, #tpu.memory_space<hbm>>, %arg4: memref<57344x128xf32, #tpu.memory_space<hbm>>, %arg5: memref<1792xi32, #tpu.memory_space<vmem>>, %arg6: memref<1792x32xf32, #tpu.memory_space<vmem>>, %arg7: memref<8192x32xf32, #tpu.memory_space<vmem_shared>>, %arg8: memref<!tpu.dma_semaphore, #tpu.memory_space<semaphore_mem>>) attributes {dimension_semantics = [#tpu.dimension_semantics<core_parallel>, #tpu.dimension_semantics<subcore_parallel>], iteration_bounds = array<i64: 2, 16>, scalar_prefetch = 0 : i64, scratch_operands = 4 : i64, tpu.core_type = #tpu.core_type<sc_vector_subcore>, window_params = [{transform_indices = #map}, {transform_indices = #map1}, {transform_indices = #map}]} {
    %mul3A = arith.constant 2 : i32
    %mul3A_0 = arith.muli %arg1, %mul3A : i32
    %add3A = arith.addi %mul3A_0, %arg0 : i32
    %mul3A_1 = arith.constant 1792 : i32
    %mul3A_2 = arith.muli %add3A, %mul3A_1 : i32
    %mul3A_3 = arith.constant 512 : i32
    %mul3A_4 = arith.muli %arg1, %mul3A_3 : i32
    %mul3A_5 = arith.constant 512 : i32
    %mul3A_6 = arith.muli %arg1, %mul3A_5 : i32
    "tpu.region"() ({
      %run_scoped3A = tpu.sem_alloc : memref<!tpu.dma_semaphore, #tpu.memory_space<semaphore_mem>>
      %dma_start3A_229 = arith.constant 0 : i32
      %dma_start3A_230 = tpu.memref_slice %arg7[%mul3A_6, %dma_start3A_229] : memref<8192x32xf32, #tpu.memory_space<vmem_shared>> -> memref<512x32xf32, #tpu.memory_space<vmem_shared>>
      %dma_start3A_231 = arith.constant 0 : i32
      %dma_start3A_232 = tpu.memref_slice %arg2[%mul3A_4, %dma_start3A_231] : memref<8192x32xf32, #tpu.memory_space<hbm>> -> memref<512x32xf32, #tpu.memory_space<hbm>>
      tpu.enqueue_dma source(%dma_start3A_232 : memref<512x32xf32, #tpu.memory_space<hbm>>) target(%dma_start3A_230 : memref<512x32xf32, #tpu.memory_space<vmem_shared>>) target_semaphore(%run_scoped3A : memref<!tpu.dma_semaphore, #tpu.memory_space<semaphore_mem>>)
      %dma_wait3A_233 = arith.constant 0 : i32
      %dma_wait3A_234 = tpu.memref_slice %arg7[%mul3A_6, %dma_wait3A_233] : memref<8192x32xf32, #tpu.memory_space<vmem_shared>> -> memref<512x32xf32, #tpu.memory_space<vmem_shared>>
      %dma_wait3A_235 = arith.constant 0 : i32
      %dma_wait3A_236 = tpu.memref_slice %arg2[%mul3A_4, %dma_wait3A_235] : memref<8192x32xf32, #tpu.memory_space<hbm>> -> memref<512x32xf32, #tpu.memory_space<hbm>>
      tpu.wait_dma2 semaphore(%run_scoped3A : memref<!tpu.dma_semaphore, #tpu.memory_space<semaphore_mem>>) src(%dma_wait3A_236 : memref<512x32xf32, #tpu.memory_space<hbm>>) dst(%dma_wait3A_234 : memref<512x32xf32, #tpu.memory_space<vmem_shared>>)
      tpu.yield
    }) : () -> ()
    "tpu.region"() ({
      %run_scoped3A = tpu.sem_alloc : memref<!tpu.dma_semaphore, #tpu.memory_space<semaphore_mem>>
      %dma_start3A_229 = tpu.memref_slice %arg3[%mul3A_2] : memref<57344xi32, #tpu.memory_space<hbm>> -> memref<1792xi32, #tpu.memory_space<hbm>>
      %dma_start3A_230 = tpu.memref_slice %arg3[%mul3A_2] : memref<57344xi32, #tpu.memory_space<hbm>> -> memref<1792xi32, #tpu.memory_space<hbm>>
      tpu.enqueue_dma source(%dma_start3A_230 : memref<1792xi32, #tpu.memory_space<hbm>>) target(%arg5 : memref<1792xi32, #tpu.memory_space<vmem>>) target_semaphore(%run_scoped3A : memref<!tpu.dma_semaphore, #tpu.memory_space<semaphore_mem>>)
      %dma_wait3A_231 = tpu.memref_slice %arg3[%mul3A_2] : memref<57344xi32, #tpu.memory_space<hbm>> -> memref<1792xi32, #tpu.memory_space<hbm>>
      %dma_wait3A_232 = tpu.memref_slice %arg3[%mul3A_2] : memref<57344xi32, #tpu.memory_space<hbm>> -> memref<1792xi32, #tpu.memory_space<hbm>>
      tpu.wait_dma2 semaphore(%run_scoped3A : memref<!tpu.dma_semaphore, #tpu.memory_space<semaphore_mem>>) src(%dma_wait3A_232 : memref<1792xi32, #tpu.memory_space<hbm>>) dst(%arg5 : memref<1792xi32, #tpu.memory_space<vmem>>)
      tpu.yield
    }) : () -> ()
    %barrier3A = arith.constant 0 : index
    tpu.barrier barrier_id(%barrier3A)
    %dma_start3A = arith.constant 0 : i32
    %dma_start3A_7 = arith.constant 0 : i32
    %dma_start3A_8 = tpu.memref_slice %arg6[%dma_start3A, %dma_start3A_7] : memref<1792x32xf32, #tpu.memory_space<vmem>> -> memref<128x32xf32, #tpu.memory_space<vmem>>
    %dma_start3A_9 = arith.constant 0 : i32
    %dma_start3A_10 = tpu.memref_slice %arg5[%dma_start3A_9] : memref<1792xi32, #tpu.memory_space<vmem>> -> memref<128xi32, #tpu.memory_space<vmem>>
    %dma_start3A_11 = arith.constant 0 : i32
    %dma_start3A_12 = arith.constant 0 : i32
    %dma_start3A_13 = tpu.memref_slice %arg7[%dma_start3A_11, %dma_start3A_12] : memref<8192x32xf32, #tpu.memory_space<vmem_shared>> -> memref<8192x32xf32, #tpu.memory_space<vmem_shared>>
    tpu.enqueue_indirect_dma source(%dma_start3A_13 : memref<8192x32xf32, #tpu.memory_space<vmem_shared>>) target(%dma_start3A_8 : memref<128x32xf32, #tpu.memory_space<vmem>>) offsets(%dma_start3A_10 : memref<128xi32, #tpu.memory_space<vmem>>) semaphore(%arg8 : memref<!tpu.dma_semaphore, #tpu.memory_space<semaphore_mem>>)
    %dma_start3A_14 = arith.constant 128 : i32
    %dma_start3A_15 = arith.constant 0 : i32
    %dma_start3A_16 = tpu.memref_slice %arg6[%dma_start3A_14, %dma_start3A_15] : memref<1792x32xf32, #tpu.memory_space<vmem>> -> memref<128x32xf32, #tpu.memory_space<vmem>>
    %dma_start3A_17 = arith.constant 128 : i32
    %dma_start3A_18 = tpu.memref_slice %arg5[%dma_start3A_17] : memref<1792xi32, #tpu.memory_space<vmem>> -> memref<128xi32, #tpu.memory_space<vmem>>
    %dma_start3A_19 = arith.constant 0 : i32
    %dma_start3A_20 = arith.constant 0 : i32
    %dma_start3A_21 = tpu.memref_slice %arg7[%dma_start3A_19, %dma_start3A_20] : memref<8192x32xf32, #tpu.memory_space<vmem_shared>> -> memref<8192x32xf32, #tpu.memory_space<vmem_shared>>
    tpu.enqueue_indirect_dma source(%dma_start3A_21 : memref<8192x32xf32, #tpu.memory_space<vmem_shared>>) target(%dma_start3A_16 : memref<128x32xf32, #tpu.memory_space<vmem>>) offsets(%dma_start3A_18 : memref<128xi32, #tpu.memory_space<vmem>>) semaphore(%arg8 : memref<!tpu.dma_semaphore, #tpu.memory_space<semaphore_mem>>)
    %dma_start3A_22 = arith.constant 256 : i32
    %dma_start3A_23 = arith.constant 0 : i32
    %dma_start3A_24 = tpu.memref_slice %arg6[%dma_start3A_22, %dma_start3A_23] : memref<1792x32xf32, #tpu.memory_space<vmem>> -> memref<128x32xf32, #tpu.memory_space<vmem>>
    %dma_start3A_25 = arith.constant 256 : i32
    %dma_start3A_26 = tpu.memref_slice %arg5[%dma_start3A_25] : memref<1792xi32, #tpu.memory_space<vmem>> -> memref<128xi32, #tpu.memory_space<vmem>>
    %dma_start3A_27 = arith.constant 0 : i32
    %dma_start3A_28 = arith.constant 0 : i32
    %dma_start3A_29 = tpu.memref_slice %arg7[%dma_start3A_27, %dma_start3A_28] : memref<8192x32xf32, #tpu.memory_space<vmem_shared>> -> memref<8192x32xf32, #tpu.memory_space<vmem_shared>>
    tpu.enqueue_indirect_dma source(%dma_start3A_29 : memref<8192x32xf32, #tpu.memory_space<vmem_shared>>) target(%dma_start3A_24 : memref<128x32xf32, #tpu.memory_space<vmem>>) offsets(%dma_start3A_26 : memref<128xi32, #tpu.memory_space<vmem>>) semaphore(%arg8 : memref<!tpu.dma_semaphore, #tpu.memory_space<semaphore_mem>>)
    %dma_start3A_30 = arith.constant 384 : i32
    %dma_start3A_31 = arith.constant 0 : i32
    %dma_start3A_32 = tpu.memref_slice %arg6[%dma_start3A_30, %dma_start3A_31] : memref<1792x32xf32, #tpu.memory_space<vmem>> -> memref<128x32xf32, #tpu.memory_space<vmem>>
    %dma_start3A_33 = arith.constant 384 : i32
    %dma_start3A_34 = tpu.memref_slice %arg5[%dma_start3A_33] : memref<1792xi32, #tpu.memory_space<vmem>> -> memref<128xi32, #tpu.memory_space<vmem>>
    %dma_start3A_35 = arith.constant 0 : i32
    %dma_start3A_36 = arith.constant 0 : i32
    %dma_start3A_37 = tpu.memref_slice %arg7[%dma_start3A_35, %dma_start3A_36] : memref<8192x32xf32, #tpu.memory_space<vmem_shared>> -> memref<8192x32xf32, #tpu.memory_space<vmem_shared>>
    tpu.enqueue_indirect_dma source(%dma_start3A_37 : memref<8192x32xf32, #tpu.memory_space<vmem_shared>>) target(%dma_start3A_32 : memref<128x32xf32, #tpu.memory_space<vmem>>) offsets(%dma_start3A_34 : memref<128xi32, #tpu.memory_space<vmem>>) semaphore(%arg8 : memref<!tpu.dma_semaphore, #tpu.memory_space<semaphore_mem>>)
    %dma_start3A_38 = arith.constant 512 : i32
    %dma_start3A_39 = arith.constant 0 : i32
    %dma_start3A_40 = tpu.memref_slice %arg6[%dma_start3A_38, %dma_start3A_39] : memref<1792x32xf32, #tpu.memory_space<vmem>> -> memref<128x32xf32, #tpu.memory_space<vmem>>
    %dma_start3A_41 = arith.constant 512 : i32
    %dma_start3A_42 = tpu.memref_slice %arg5[%dma_start3A_41] : memref<1792xi32, #tpu.memory_space<vmem>> -> memref<128xi32, #tpu.memory_space<vmem>>
    %dma_start3A_43 = arith.constant 0 : i32
    %dma_start3A_44 = arith.constant 0 : i32
    %dma_start3A_45 = tpu.memref_slice %arg7[%dma_start3A_43, %dma_start3A_44] : memref<8192x32xf32, #tpu.memory_space<vmem_shared>> -> memref<8192x32xf32, #tpu.memory_space<vmem_shared>>
    tpu.enqueue_indirect_dma source(%dma_start3A_45 : memref<8192x32xf32, #tpu.memory_space<vmem_shared>>) target(%dma_start3A_40 : memref<128x32xf32, #tpu.memory_space<vmem>>) offsets(%dma_start3A_42 : memref<128xi32, #tpu.memory_space<vmem>>) semaphore(%arg8 : memref<!tpu.dma_semaphore, #tpu.memory_space<semaphore_mem>>)
    %dma_start3A_46 = arith.constant 640 : i32
    %dma_start3A_47 = arith.constant 0 : i32
    %dma_start3A_48 = tpu.memref_slice %arg6[%dma_start3A_46, %dma_start3A_47] : memref<1792x32xf32, #tpu.memory_space<vmem>> -> memref<128x32xf32, #tpu.memory_space<vmem>>
    %dma_start3A_49 = arith.constant 640 : i32
    %dma_start3A_50 = tpu.memref_slice %arg5[%dma_start3A_49] : memref<1792xi32, #tpu.memory_space<vmem>> -> memref<128xi32, #tpu.memory_space<vmem>>
    %dma_start3A_51 = arith.constant 0 : i32
    %dma_start3A_52 = arith.constant 0 : i32
    %dma_start3A_53 = tpu.memref_slice %arg7[%dma_start3A_51, %dma_start3A_52] : memref<8192x32xf32, #tpu.memory_space<vmem_shared>> -> memref<8192x32xf32, #tpu.memory_space<vmem_shared>>
    tpu.enqueue_indirect_dma source(%dma_start3A_53 : memref<8192x32xf32, #tpu.memory_space<vmem_shared>>) target(%dma_start3A_48 : memref<128x32xf32, #tpu.memory_space<vmem>>) offsets(%dma_start3A_50 : memref<128xi32, #tpu.memory_space<vmem>>) semaphore(%arg8 : memref<!tpu.dma_semaphore, #tpu.memory_space<semaphore_mem>>)
    %dma_start3A_54 = arith.constant 768 : i32
    %dma_start3A_55 = arith.constant 0 : i32
    %dma_start3A_56 = tpu.memref_slice %arg6[%dma_start3A_54, %dma_start3A_55] : memref<1792x32xf32, #tpu.memory_space<vmem>> -> memref<128x32xf32, #tpu.memory_space<vmem>>
    %dma_start3A_57 = arith.constant 768 : i32
    %dma_start3A_58 = tpu.memref_slice %arg5[%dma_start3A_57] : memref<1792xi32, #tpu.memory_space<vmem>> -> memref<128xi32, #tpu.memory_space<vmem>>
    %dma_start3A_59 = arith.constant 0 : i32
    %dma_start3A_60 = arith.constant 0 : i32
    %dma_start3A_61 = tpu.memref_slice %arg7[%dma_start3A_59, %dma_start3A_60] : memref<8192x32xf32, #tpu.memory_space<vmem_shared>> -> memref<8192x32xf32, #tpu.memory_space<vmem_shared>>
    tpu.enqueue_indirect_dma source(%dma_start3A_61 : memref<8192x32xf32, #tpu.memory_space<vmem_shared>>) target(%dma_start3A_56 : memref<128x32xf32, #tpu.memory_space<vmem>>) offsets(%dma_start3A_58 : memref<128xi32, #tpu.memory_space<vmem>>) semaphore(%arg8 : memref<!tpu.dma_semaphore, #tpu.memory_space<semaphore_mem>>)
    %dma_start3A_62 = arith.constant 896 : i32
    %dma_start3A_63 = arith.constant 0 : i32
    %dma_start3A_64 = tpu.memref_slice %arg6[%dma_start3A_62, %dma_start3A_63] : memref<1792x32xf32, #tpu.memory_space<vmem>> -> memref<128x32xf32, #tpu.memory_space<vmem>>
    %dma_start3A_65 = arith.constant 896 : i32
    %dma_start3A_66 = tpu.memref_slice %arg5[%dma_start3A_65] : memref<1792xi32, #tpu.memory_space<vmem>> -> memref<128xi32, #tpu.memory_space<vmem>>
    %dma_start3A_67 = arith.constant 0 : i32
    %dma_start3A_68 = arith.constant 0 : i32
    %dma_start3A_69 = tpu.memref_slice %arg7[%dma_start3A_67, %dma_start3A_68] : memref<8192x32xf32, #tpu.memory_space<vmem_shared>> -> memref<8192x32xf32, #tpu.memory_space<vmem_shared>>
    tpu.enqueue_indirect_dma source(%dma_start3A_69 : memref<8192x32xf32, #tpu.memory_space<vmem_shared>>) target(%dma_start3A_64 : memref<128x32xf32, #tpu.memory_space<vmem>>) offsets(%dma_start3A_66 : memref<128xi32, #tpu.memory_space<vmem>>) semaphore(%arg8 : memref<!tpu.dma_semaphore, #tpu.memory_space<semaphore_mem>>)
    %dma_start3A_70 = arith.constant 1024 : i32
    %dma_start3A_71 = arith.constant 0 : i32
    %dma_start3A_72 = tpu.memref_slice %arg6[%dma_start3A_70, %dma_start3A_71] : memref<1792x32xf32, #tpu.memory_space<vmem>> -> memref<128x32xf32, #tpu.memory_space<vmem>>
    %dma_start3A_73 = arith.constant 1024 : i32
    %dma_start3A_74 = tpu.memref_slice %arg5[%dma_start3A_73] : memref<1792xi32, #tpu.memory_space<vmem>> -> memref<128xi32, #tpu.memory_space<vmem>>
    %dma_start3A_75 = arith.constant 0 : i32
    %dma_start3A_76 = arith.constant 0 : i32
    %dma_start3A_77 = tpu.memref_slice %arg7[%dma_start3A_75, %dma_start3A_76] : memref<8192x32xf32, #tpu.memory_space<vmem_shared>> -> memref<8192x32xf32, #tpu.memory_space<vmem_shared>>
    tpu.enqueue_indirect_dma source(%dma_start3A_77 : memref<8192x32xf32, #tpu.memory_space<vmem_shared>>) target(%dma_start3A_72 : memref<128x32xf32, #tpu.memory_space<vmem>>) offsets(%dma_start3A_74 : memref<128xi32, #tpu.memory_space<vmem>>) semaphore(%arg8 : memref<!tpu.dma_semaphore, #tpu.memory_space<semaphore_mem>>)
    %dma_start3A_78 = arith.constant 1152 : i32
    %dma_start3A_79 = arith.constant 0 : i32
    %dma_start3A_80 = tpu.memref_slice %arg6[%dma_start3A_78, %dma_start3A_79] : memref<1792x32xf32, #tpu.memory_space<vmem>> -> memref<128x32xf32, #tpu.memory_space<vmem>>
    %dma_start3A_81 = arith.constant 1152 : i32
    %dma_start3A_82 = tpu.memref_slice %arg5[%dma_start3A_81] : memref<1792xi32, #tpu.memory_space<vmem>> -> memref<128xi32, #tpu.memory_space<vmem>>
    %dma_start3A_83 = arith.constant 0 : i32
    %dma_start3A_84 = arith.constant 0 : i32
    %dma_start3A_85 = tpu.memref_slice %arg7[%dma_start3A_83, %dma_start3A_84] : memref<8192x32xf32, #tpu.memory_space<vmem_shared>> -> memref<8192x32xf32, #tpu.memory_space<vmem_shared>>
    tpu.enqueue_indirect_dma source(%dma_start3A_85 : memref<8192x32xf32, #tpu.memory_space<vmem_shared>>) target(%dma_start3A_80 : memref<128x32xf32, #tpu.memory_space<vmem>>) offsets(%dma_start3A_82 : memref<128xi32, #tpu.memory_space<vmem>>) semaphore(%arg8 : memref<!tpu.dma_semaphore, #tpu.memory_space<semaphore_mem>>)
    %dma_start3A_86 = arith.constant 1280 : i32
    %dma_start3A_87 = arith.constant 0 : i32
    %dma_start3A_88 = tpu.memref_slice %arg6[%dma_start3A_86, %dma_start3A_87] : memref<1792x32xf32, #tpu.memory_space<vmem>> -> memref<128x32xf32, #tpu.memory_space<vmem>>
    %dma_start3A_89 = arith.constant 1280 : i32
    %dma_start3A_90 = tpu.memref_slice %arg5[%dma_start3A_89] : memref<1792xi32, #tpu.memory_space<vmem>> -> memref<128xi32, #tpu.memory_space<vmem>>
    %dma_start3A_91 = arith.constant 0 : i32
    %dma_start3A_92 = arith.constant 0 : i32
    %dma_start3A_93 = tpu.memref_slice %arg7[%dma_start3A_91, %dma_start3A_92] : memref<8192x32xf32, #tpu.memory_space<vmem_shared>> -> memref<8192x32xf32, #tpu.memory_space<vmem_shared>>
    tpu.enqueue_indirect_dma source(%dma_start3A_93 : memref<8192x32xf32, #tpu.memory_space<vmem_shared>>) target(%dma_start3A_88 : memref<128x32xf32, #tpu.memory_space<vmem>>) offsets(%dma_start3A_90 : memref<128xi32, #tpu.memory_space<vmem>>) semaphore(%arg8 : memref<!tpu.dma_semaphore, #tpu.memory_space<semaphore_mem>>)
    %dma_start3A_94 = arith.constant 1408 : i32
    %dma_start3A_95 = arith.constant 0 : i32
    %dma_start3A_96 = tpu.memref_slice %arg6[%dma_start3A_94, %dma_start3A_95] : memref<1792x32xf32, #tpu.memory_space<vmem>> -> memref<128x32xf32, #tpu.memory_space<vmem>>
    %dma_start3A_97 = arith.constant 1408 : i32
    %dma_start3A_98 = tpu.memref_slice %arg5[%dma_start3A_97] : memref<1792xi32, #tpu.memory_space<vmem>> -> memref<128xi32, #tpu.memory_space<vmem>>
    %dma_start3A_99 = arith.constant 0 : i32
    %dma_start3A_100 = arith.constant 0 : i32
    %dma_start3A_101 = tpu.memref_slice %arg7[%dma_start3A_99, %dma_start3A_100] : memref<8192x32xf32, #tpu.memory_space<vmem_shared>> -> memref<8192x32xf32, #tpu.memory_space<vmem_shared>>
    tpu.enqueue_indirect_dma source(%dma_start3A_101 : memref<8192x32xf32, #tpu.memory_space<vmem_shared>>) target(%dma_start3A_96 : memref<128x32xf32, #tpu.memory_space<vmem>>) offsets(%dma_start3A_98 : memref<128xi32, #tpu.memory_space<vmem>>) semaphore(%arg8 : memref<!tpu.dma_semaphore, #tpu.memory_space<semaphore_mem>>)
    %dma_start3A_102 = arith.constant 1536 : i32
    %dma_start3A_103 = arith.constant 0 : i32
    %dma_start3A_104 = tpu.memref_slice %arg6[%dma_start3A_102, %dma_start3A_103] : memref<1792x32xf32, #tpu.memory_space<vmem>> -> memref<128x32xf32, #tpu.memory_space<vmem>>
    %dma_start3A_105 = arith.constant 1536 : i32
    %dma_start3A_106 = tpu.memref_slice %arg5[%dma_start3A_105] : memref<1792xi32, #tpu.memory_space<vmem>> -> memref<128xi32, #tpu.memory_space<vmem>>
    %dma_start3A_107 = arith.constant 0 : i32
    %dma_start3A_108 = arith.constant 0 : i32
    %dma_start3A_109 = tpu.memref_slice %arg7[%dma_start3A_107, %dma_start3A_108] : memref<8192x32xf32, #tpu.memory_space<vmem_shared>> -> memref<8192x32xf32, #tpu.memory_space<vmem_shared>>
    tpu.enqueue_indirect_dma source(%dma_start3A_109 : memref<8192x32xf32, #tpu.memory_space<vmem_shared>>) target(%dma_start3A_104 : memref<128x32xf32, #tpu.memory_space<vmem>>) offsets(%dma_start3A_106 : memref<128xi32, #tpu.memory_space<vmem>>) semaphore(%arg8 : memref<!tpu.dma_semaphore, #tpu.memory_space<semaphore_mem>>)
    %dma_start3A_110 = arith.constant 1664 : i32
    %dma_start3A_111 = arith.constant 0 : i32
    %dma_start3A_112 = tpu.memref_slice %arg6[%dma_start3A_110, %dma_start3A_111] : memref<1792x32xf32, #tpu.memory_space<vmem>> -> memref<128x32xf32, #tpu.memory_space<vmem>>
    %dma_start3A_113 = arith.constant 1664 : i32
    %dma_start3A_114 = tpu.memref_slice %arg5[%dma_start3A_113] : memref<1792xi32, #tpu.memory_space<vmem>> -> memref<128xi32, #tpu.memory_space<vmem>>
    %dma_start3A_115 = arith.constant 0 : i32
    %dma_start3A_116 = arith.constant 0 : i32
    %dma_start3A_117 = tpu.memref_slice %arg7[%dma_start3A_115, %dma_start3A_116] : memref<8192x32xf32, #tpu.memory_space<vmem_shared>> -> memref<8192x32xf32, #tpu.memory_space<vmem_shared>>
    tpu.enqueue_indirect_dma source(%dma_start3A_117 : memref<8192x32xf32, #tpu.memory_space<vmem_shared>>) target(%dma_start3A_112 : memref<128x32xf32, #tpu.memory_space<vmem>>) offsets(%dma_start3A_114 : memref<128xi32, #tpu.memory_space<vmem>>) semaphore(%arg8 : memref<!tpu.dma_semaphore, #tpu.memory_space<semaphore_mem>>)
    %dma_wait3A = arith.constant 0 : i32
    %dma_wait3A_118 = arith.constant 0 : i32
    %dma_wait3A_119 = tpu.memref_slice %arg6[%dma_wait3A, %dma_wait3A_118] : memref<1792x32xf32, #tpu.memory_space<vmem>> -> memref<128x32xf32, #tpu.memory_space<vmem>>
    %dma_wait3A_120 = arith.constant 0 : i32
    %dma_wait3A_121 = tpu.memref_slice %arg5[%dma_wait3A_120] : memref<1792xi32, #tpu.memory_space<vmem>> -> memref<128xi32, #tpu.memory_space<vmem>>
    %dma_wait3A_122 = arith.constant 0 : i32
    %dma_wait3A_123 = arith.constant 0 : i32
    %dma_wait3A_124 = tpu.memref_slice %arg7[%dma_wait3A_122, %dma_wait3A_123] : memref<8192x32xf32, #tpu.memory_space<vmem_shared>> -> memref<8192x32xf32, #tpu.memory_space<vmem_shared>>
    tpu.wait_indirect_dma semaphore(%arg8 : memref<!tpu.dma_semaphore, #tpu.memory_space<semaphore_mem>>) src(%dma_wait3A_124 : memref<8192x32xf32, #tpu.memory_space<vmem_shared>>) dst(%dma_wait3A_119 : memref<128x32xf32, #tpu.memory_space<vmem>>)
    %dma_wait3A_125 = arith.constant 128 : i32
    %dma_wait3A_126 = arith.constant 0 : i32
    %dma_wait3A_127 = tpu.memref_slice %arg6[%dma_wait3A_125, %dma_wait3A_126] : memref<1792x32xf32, #tpu.memory_space<vmem>> -> memref<128x32xf32, #tpu.memory_space<vmem>>
    %dma_wait3A_128 = arith.constant 128 : i32
    %dma_wait3A_129 = tpu.memref_slice %arg5[%dma_wait3A_128] : memref<1792xi32, #tpu.memory_space<vmem>> -> memref<128xi32, #tpu.memory_space<vmem>>
    %dma_wait3A_130 = arith.constant 0 : i32
    %dma_wait3A_131 = arith.constant 0 : i32
    %dma_wait3A_132 = tpu.memref_slice %arg7[%dma_wait3A_130, %dma_wait3A_131] : memref<8192x32xf32, #tpu.memory_space<vmem_shared>> -> memref<8192x32xf32, #tpu.memory_space<vmem_shared>>
    tpu.wait_indirect_dma semaphore(%arg8 : memref<!tpu.dma_semaphore, #tpu.memory_space<semaphore_mem>>) src(%dma_wait3A_132 : memref<8192x32xf32, #tpu.memory_space<vmem_shared>>) dst(%dma_wait3A_127 : memref<128x32xf32, #tpu.memory_space<vmem>>)
    %dma_wait3A_133 = arith.constant 256 : i32
    %dma_wait3A_134 = arith.constant 0 : i32
    %dma_wait3A_135 = tpu.memref_slice %arg6[%dma_wait3A_133, %dma_wait3A_134] : memref<1792x32xf32, #tpu.memory_space<vmem>> -> memref<128x32xf32, #tpu.memory_space<vmem>>
    %dma_wait3A_136 = arith.constant 256 : i32
    %dma_wait3A_137 = tpu.memref_slice %arg5[%dma_wait3A_136] : memref<1792xi32, #tpu.memory_space<vmem>> -> memref<128xi32, #tpu.memory_space<vmem>>
    %dma_wait3A_138 = arith.constant 0 : i32
    %dma_wait3A_139 = arith.constant 0 : i32
    %dma_wait3A_140 = tpu.memref_slice %arg7[%dma_wait3A_138, %dma_wait3A_139] : memref<8192x32xf32, #tpu.memory_space<vmem_shared>> -> memref<8192x32xf32, #tpu.memory_space<vmem_shared>>
    tpu.wait_indirect_dma semaphore(%arg8 : memref<!tpu.dma_semaphore, #tpu.memory_space<semaphore_mem>>) src(%dma_wait3A_140 : memref<8192x32xf32, #tpu.memory_space<vmem_shared>>) dst(%dma_wait3A_135 : memref<128x32xf32, #tpu.memory_space<vmem>>)
    %dma_wait3A_141 = arith.constant 384 : i32
    %dma_wait3A_142 = arith.constant 0 : i32
    %dma_wait3A_143 = tpu.memref_slice %arg6[%dma_wait3A_141, %dma_wait3A_142] : memref<1792x32xf32, #tpu.memory_space<vmem>> -> memref<128x32xf32, #tpu.memory_space<vmem>>
    %dma_wait3A_144 = arith.constant 384 : i32
    %dma_wait3A_145 = tpu.memref_slice %arg5[%dma_wait3A_144] : memref<1792xi32, #tpu.memory_space<vmem>> -> memref<128xi32, #tpu.memory_space<vmem>>
    %dma_wait3A_146 = arith.constant 0 : i32
    %dma_wait3A_147 = arith.constant 0 : i32
    %dma_wait3A_148 = tpu.memref_slice %arg7[%dma_wait3A_146, %dma_wait3A_147] : memref<8192x32xf32, #tpu.memory_space<vmem_shared>> -> memref<8192x32xf32, #tpu.memory_space<vmem_shared>>
    tpu.wait_indirect_dma semaphore(%arg8 : memref<!tpu.dma_semaphore, #tpu.memory_space<semaphore_mem>>) src(%dma_wait3A_148 : memref<8192x32xf32, #tpu.memory_space<vmem_shared>>) dst(%dma_wait3A_143 : memref<128x32xf32, #tpu.memory_space<vmem>>)
    %dma_wait3A_149 = arith.constant 512 : i32
    %dma_wait3A_150 = arith.constant 0 : i32
    %dma_wait3A_151 = tpu.memref_slice %arg6[%dma_wait3A_149, %dma_wait3A_150] : memref<1792x32xf32, #tpu.memory_space<vmem>> -> memref<128x32xf32, #tpu.memory_space<vmem>>
    %dma_wait3A_152 = arith.constant 512 : i32
    %dma_wait3A_153 = tpu.memref_slice %arg5[%dma_wait3A_152] : memref<1792xi32, #tpu.memory_space<vmem>> -> memref<128xi32, #tpu.memory_space<vmem>>
    %dma_wait3A_154 = arith.constant 0 : i32
    %dma_wait3A_155 = arith.constant 0 : i32
    %dma_wait3A_156 = tpu.memref_slice %arg7[%dma_wait3A_154, %dma_wait3A_155] : memref<8192x32xf32, #tpu.memory_space<vmem_shared>> -> memref<8192x32xf32, #tpu.memory_space<vmem_shared>>
    tpu.wait_indirect_dma semaphore(%arg8 : memref<!tpu.dma_semaphore, #tpu.memory_space<semaphore_mem>>) src(%dma_wait3A_156 : memref<8192x32xf32, #tpu.memory_space<vmem_shared>>) dst(%dma_wait3A_151 : memref<128x32xf32, #tpu.memory_space<vmem>>)
    %dma_wait3A_157 = arith.constant 640 : i32
    %dma_wait3A_158 = arith.constant 0 : i32
    %dma_wait3A_159 = tpu.memref_slice %arg6[%dma_wait3A_157, %dma_wait3A_158] : memref<1792x32xf32, #tpu.memory_space<vmem>> -> memref<128x32xf32, #tpu.memory_space<vmem>>
    %dma_wait3A_160 = arith.constant 640 : i32
    %dma_wait3A_161 = tpu.memref_slice %arg5[%dma_wait3A_160] : memref<1792xi32, #tpu.memory_space<vmem>> -> memref<128xi32, #tpu.memory_space<vmem>>
    %dma_wait3A_162 = arith.constant 0 : i32
    %dma_wait3A_163 = arith.constant 0 : i32
    %dma_wait3A_164 = tpu.memref_slice %arg7[%dma_wait3A_162, %dma_wait3A_163] : memref<8192x32xf32, #tpu.memory_space<vmem_shared>> -> memref<8192x32xf32, #tpu.memory_space<vmem_shared>>
    tpu.wait_indirect_dma semaphore(%arg8 : memref<!tpu.dma_semaphore, #tpu.memory_space<semaphore_mem>>) src(%dma_wait3A_164 : memref<8192x32xf32, #tpu.memory_space<vmem_shared>>) dst(%dma_wait3A_159 : memref<128x32xf32, #tpu.memory_space<vmem>>)
    %dma_wait3A_165 = arith.constant 768 : i32
    %dma_wait3A_166 = arith.constant 0 : i32
    %dma_wait3A_167 = tpu.memref_slice %arg6[%dma_wait3A_165, %dma_wait3A_166] : memref<1792x32xf32, #tpu.memory_space<vmem>> -> memref<128x32xf32, #tpu.memory_space<vmem>>
    %dma_wait3A_168 = arith.constant 768 : i32
    %dma_wait3A_169 = tpu.memref_slice %arg5[%dma_wait3A_168] : memref<1792xi32, #tpu.memory_space<vmem>> -> memref<128xi32, #tpu.memory_space<vmem>>
    %dma_wait3A_170 = arith.constant 0 : i32
    %dma_wait3A_171 = arith.constant 0 : i32
    %dma_wait3A_172 = tpu.memref_slice %arg7[%dma_wait3A_170, %dma_wait3A_171] : memref<8192x32xf32, #tpu.memory_space<vmem_shared>> -> memref<8192x32xf32, #tpu.memory_space<vmem_shared>>
    tpu.wait_indirect_dma semaphore(%arg8 : memref<!tpu.dma_semaphore, #tpu.memory_space<semaphore_mem>>) src(%dma_wait3A_172 : memref<8192x32xf32, #tpu.memory_space<vmem_shared>>) dst(%dma_wait3A_167 : memref<128x32xf32, #tpu.memory_space<vmem>>)
    %dma_wait3A_173 = arith.constant 896 : i32
    %dma_wait3A_174 = arith.constant 0 : i32
    %dma_wait3A_175 = tpu.memref_slice %arg6[%dma_wait3A_173, %dma_wait3A_174] : memref<1792x32xf32, #tpu.memory_space<vmem>> -> memref<128x32xf32, #tpu.memory_space<vmem>>
    %dma_wait3A_176 = arith.constant 896 : i32
    %dma_wait3A_177 = tpu.memref_slice %arg5[%dma_wait3A_176] : memref<1792xi32, #tpu.memory_space<vmem>> -> memref<128xi32, #tpu.memory_space<vmem>>
    %dma_wait3A_178 = arith.constant 0 : i32
    %dma_wait3A_179 = arith.constant 0 : i32
    %dma_wait3A_180 = tpu.memref_slice %arg7[%dma_wait3A_178, %dma_wait3A_179] : memref<8192x32xf32, #tpu.memory_space<vmem_shared>> -> memref<8192x32xf32, #tpu.memory_space<vmem_shared>>
    tpu.wait_indirect_dma semaphore(%arg8 : memref<!tpu.dma_semaphore, #tpu.memory_space<semaphore_mem>>) src(%dma_wait3A_180 : memref<8192x32xf32, #tpu.memory_space<vmem_shared>>) dst(%dma_wait3A_175 : memref<128x32xf32, #tpu.memory_space<vmem>>)
    %dma_wait3A_181 = arith.constant 1024 : i32
    %dma_wait3A_182 = arith.constant 0 : i32
    %dma_wait3A_183 = tpu.memref_slice %arg6[%dma_wait3A_181, %dma_wait3A_182] : memref<1792x32xf32, #tpu.memory_space<vmem>> -> memref<128x32xf32, #tpu.memory_space<vmem>>
    %dma_wait3A_184 = arith.constant 1024 : i32
    %dma_wait3A_185 = tpu.memref_slice %arg5[%dma_wait3A_184] : memref<1792xi32, #tpu.memory_space<vmem>> -> memref<128xi32, #tpu.memory_space<vmem>>
    %dma_wait3A_186 = arith.constant 0 : i32
    %dma_wait3A_187 = arith.constant 0 : i32
    %dma_wait3A_188 = tpu.memref_slice %arg7[%dma_wait3A_186, %dma_wait3A_187] : memref<8192x32xf32, #tpu.memory_space<vmem_shared>> -> memref<8192x32xf32, #tpu.memory_space<vmem_shared>>
    tpu.wait_indirect_dma semaphore(%arg8 : memref<!tpu.dma_semaphore, #tpu.memory_space<semaphore_mem>>) src(%dma_wait3A_188 : memref<8192x32xf32, #tpu.memory_space<vmem_shared>>) dst(%dma_wait3A_183 : memref<128x32xf32, #tpu.memory_space<vmem>>)
    %dma_wait3A_189 = arith.constant 1152 : i32
    %dma_wait3A_190 = arith.constant 0 : i32
    %dma_wait3A_191 = tpu.memref_slice %arg6[%dma_wait3A_189, %dma_wait3A_190] : memref<1792x32xf32, #tpu.memory_space<vmem>> -> memref<128x32xf32, #tpu.memory_space<vmem>>
    %dma_wait3A_192 = arith.constant 1152 : i32
    %dma_wait3A_193 = tpu.memref_slice %arg5[%dma_wait3A_192] : memref<1792xi32, #tpu.memory_space<vmem>> -> memref<128xi32, #tpu.memory_space<vmem>>
    %dma_wait3A_194 = arith.constant 0 : i32
    %dma_wait3A_195 = arith.constant 0 : i32
    %dma_wait3A_196 = tpu.memref_slice %arg7[%dma_wait3A_194, %dma_wait3A_195] : memref<8192x32xf32, #tpu.memory_space<vmem_shared>> -> memref<8192x32xf32, #tpu.memory_space<vmem_shared>>
    tpu.wait_indirect_dma semaphore(%arg8 : memref<!tpu.dma_semaphore, #tpu.memory_space<semaphore_mem>>) src(%dma_wait3A_196 : memref<8192x32xf32, #tpu.memory_space<vmem_shared>>) dst(%dma_wait3A_191 : memref<128x32xf32, #tpu.memory_space<vmem>>)
    %dma_wait3A_197 = arith.constant 1280 : i32
    %dma_wait3A_198 = arith.constant 0 : i32
    %dma_wait3A_199 = tpu.memref_slice %arg6[%dma_wait3A_197, %dma_wait3A_198] : memref<1792x32xf32, #tpu.memory_space<vmem>> -> memref<128x32xf32, #tpu.memory_space<vmem>>
    %dma_wait3A_200 = arith.constant 1280 : i32
    %dma_wait3A_201 = tpu.memref_slice %arg5[%dma_wait3A_200] : memref<1792xi32, #tpu.memory_space<vmem>> -> memref<128xi32, #tpu.memory_space<vmem>>
    %dma_wait3A_202 = arith.constant 0 : i32
    %dma_wait3A_203 = arith.constant 0 : i32
    %dma_wait3A_204 = tpu.memref_slice %arg7[%dma_wait3A_202, %dma_wait3A_203] : memref<8192x32xf32, #tpu.memory_space<vmem_shared>> -> memref<8192x32xf32, #tpu.memory_space<vmem_shared>>
    tpu.wait_indirect_dma semaphore(%arg8 : memref<!tpu.dma_semaphore, #tpu.memory_space<semaphore_mem>>) src(%dma_wait3A_204 : memref<8192x32xf32, #tpu.memory_space<vmem_shared>>) dst(%dma_wait3A_199 : memref<128x32xf32, #tpu.memory_space<vmem>>)
    %dma_wait3A_205 = arith.constant 1408 : i32
    %dma_wait3A_206 = arith.constant 0 : i32
    %dma_wait3A_207 = tpu.memref_slice %arg6[%dma_wait3A_205, %dma_wait3A_206] : memref<1792x32xf32, #tpu.memory_space<vmem>> -> memref<128x32xf32, #tpu.memory_space<vmem>>
    %dma_wait3A_208 = arith.constant 1408 : i32
    %dma_wait3A_209 = tpu.memref_slice %arg5[%dma_wait3A_208] : memref<1792xi32, #tpu.memory_space<vmem>> -> memref<128xi32, #tpu.memory_space<vmem>>
    %dma_wait3A_210 = arith.constant 0 : i32
    %dma_wait3A_211 = arith.constant 0 : i32
    %dma_wait3A_212 = tpu.memref_slice %arg7[%dma_wait3A_210, %dma_wait3A_211] : memref<8192x32xf32, #tpu.memory_space<vmem_shared>> -> memref<8192x32xf32, #tpu.memory_space<vmem_shared>>
    tpu.wait_indirect_dma semaphore(%arg8 : memref<!tpu.dma_semaphore, #tpu.memory_space<semaphore_mem>>) src(%dma_wait3A_212 : memref<8192x32xf32, #tpu.memory_space<vmem_shared>>) dst(%dma_wait3A_207 : memref<128x32xf32, #tpu.memory_space<vmem>>)
    %dma_wait3A_213 = arith.constant 1536 : i32
    %dma_wait3A_214 = arith.constant 0 : i32
    %dma_wait3A_215 = tpu.memref_slice %arg6[%dma_wait3A_213, %dma_wait3A_214] : memref<1792x32xf32, #tpu.memory_space<vmem>> -> memref<128x32xf32, #tpu.memory_space<vmem>>
    %dma_wait3A_216 = arith.constant 1536 : i32
    %dma_wait3A_217 = tpu.memref_slice %arg5[%dma_wait3A_216] : memref<1792xi32, #tpu.memory_space<vmem>> -> memref<128xi32, #tpu.memory_space<vmem>>
    %dma_wait3A_218 = arith.constant 0 : i32
    %dma_wait3A_219 = arith.constant 0 : i32
    %dma_wait3A_220 = tpu.memref_slice %arg7[%dma_wait3A_218, %dma_wait3A_219] : memref<8192x32xf32, #tpu.memory_space<vmem_shared>> -> memref<8192x32xf32, #tpu.memory_space<vmem_shared>>
    tpu.wait_indirect_dma semaphore(%arg8 : memref<!tpu.dma_semaphore, #tpu.memory_space<semaphore_mem>>) src(%dma_wait3A_220 : memref<8192x32xf32, #tpu.memory_space<vmem_shared>>) dst(%dma_wait3A_215 : memref<128x32xf32, #tpu.memory_space<vmem>>)
    %dma_wait3A_221 = arith.constant 1664 : i32
    %dma_wait3A_222 = arith.constant 0 : i32
    %dma_wait3A_223 = tpu.memref_slice %arg6[%dma_wait3A_221, %dma_wait3A_222] : memref<1792x32xf32, #tpu.memory_space<vmem>> -> memref<128x32xf32, #tpu.memory_space<vmem>>
    %dma_wait3A_224 = arith.constant 1664 : i32
    %dma_wait3A_225 = tpu.memref_slice %arg5[%dma_wait3A_224] : memref<1792xi32, #tpu.memory_space<vmem>> -> memref<128xi32, #tpu.memory_space<vmem>>
    %dma_wait3A_226 = arith.constant 0 : i32
    %dma_wait3A_227 = arith.constant 0 : i32
    %dma_wait3A_228 = tpu.memref_slice %arg7[%dma_wait3A_226, %dma_wait3A_227] : memref<8192x32xf32, #tpu.memory_space<vmem_shared>> -> memref<8192x32xf32, #tpu.memory_space<vmem_shared>>
    tpu.wait_indirect_dma semaphore(%arg8 : memref<!tpu.dma_semaphore, #tpu.memory_space<semaphore_mem>>) src(%dma_wait3A_228 : memref<8192x32xf32, #tpu.memory_space<vmem_shared>>) dst(%dma_wait3A_223 : memref<128x32xf32, #tpu.memory_space<vmem>>)
    "tpu.region"() ({
      %run_scoped3A = tpu.sem_alloc : memref<!tpu.dma_semaphore, #tpu.memory_space<semaphore_mem>>
      %dma_start3A_229 = arith.constant 0 : i32
      %dma_start3A_230 = tpu.memref_slice %arg4[%mul3A_2, %dma_start3A_229] : memref<57344x128xf32, #tpu.memory_space<hbm>> -> memref<1792x32xf32, #tpu.memory_space<hbm>>
      %dma_start3A_231 = arith.constant 0 : i32
      %dma_start3A_232 = tpu.memref_slice %arg4[%mul3A_2, %dma_start3A_231] : memref<57344x128xf32, #tpu.memory_space<hbm>> -> memref<1792x32xf32, #tpu.memory_space<hbm>>
      tpu.enqueue_dma source(%arg6 : memref<1792x32xf32, #tpu.memory_space<vmem>>) target(%dma_start3A_232 : memref<1792x32xf32, #tpu.memory_space<hbm>>) target_semaphore(%run_scoped3A : memref<!tpu.dma_semaphore, #tpu.memory_space<semaphore_mem>>)
      %dma_wait3A_233 = arith.constant 0 : i32
      %dma_wait3A_234 = tpu.memref_slice %arg4[%mul3A_2, %dma_wait3A_233] : memref<57344x128xf32, #tpu.memory_space<hbm>> -> memref<1792x32xf32, #tpu.memory_space<hbm>>
      %dma_wait3A_235 = arith.constant 0 : i32
      %dma_wait3A_236 = tpu.memref_slice %arg4[%mul3A_2, %dma_wait3A_235] : memref<57344x128xf32, #tpu.memory_space<hbm>> -> memref<1792x32xf32, #tpu.memory_space<hbm>>
      tpu.wait_dma2 semaphore(%run_scoped3A : memref<!tpu.dma_semaphore, #tpu.memory_space<semaphore_mem>>) src(%arg6 : memref<1792x32xf32, #tpu.memory_space<vmem>>) dst(%dma_wait3A_236 : memref<1792x32xf32, #tpu.memory_space<hbm>>)
      tpu.yield
    }) : () -> ()
    return
  }
}

#map = affine_map<(d0, d1) -> (0, 0)>
#map1 = affine_map<(d0, d1) -> (0)>
module attributes {stable_mosaic.version = 14 : i64} {
  func.func @gk(%arg0: i32, %arg1: i32, %arg2: memref<8192x32xf32, #tpu.memory_space<hbm>>, %arg3: memref<57344xi32, #tpu.memory_space<hbm>>, %arg4: memref<57344x128xf32, #tpu.memory_space<hbm>>, %arg5: memref<1792xi32, #tpu.memory_space<vmem>>, %arg6: memref<1792x32xf32, #tpu.memory_space<vmem>>, %arg7: memref<8192x32xf32, #tpu.memory_space<vmem_shared>>, %arg8: memref<!tpu.dma_semaphore, #tpu.memory_space<semaphore_mem>>) attributes {dimension_semantics = [#tpu.dimension_semantics<core_parallel>, #tpu.dimension_semantics<subcore_parallel>], iteration_bounds = array<i64: 2, 16>, scalar_prefetch = 0 : i64, scratch_operands = 4 : i64, tpu.core_type = #tpu.core_type<sc_vector_subcore>, window_params = [{transform_indices = #map}, {transform_indices = #map1}, {transform_indices = #map}]} {
    %mul3A = arith.constant 2 : i32
    %mul3A_0 = arith.muli %arg1, %mul3A : i32
    %add3A = arith.addi %mul3A_0, %arg0 : i32
    %mul3A_1 = arith.constant 1792 : i32
    %mul3A_2 = arith.muli %add3A, %mul3A_1 : i32
    %mul3A_3 = arith.constant 512 : i32
    %mul3A_4 = arith.muli %arg1, %mul3A_3 : i32
    %mul3A_5 = arith.constant 512 : i32
    %mul3A_6 = arith.muli %arg1, %mul3A_5 : i32
    "tpu.region"() ({
      %run_scoped3A = tpu.sem_alloc : memref<!tpu.dma_semaphore, #tpu.memory_space<semaphore_mem>>
      %dma_start3A_229 = arith.constant 0 : i32
      %dma_start3A_230 = tpu.memref_slice %arg7[%mul3A_6, %dma_start3A_229] : memref<8192x32xf32, #tpu.memory_space<vmem_shared>> -> memref<512x32xf32, #tpu.memory_space<vmem_shared>>
      %dma_start3A_231 = arith.constant 0 : i32
      %dma_start3A_232 = tpu.memref_slice %arg2[%mul3A_4, %dma_start3A_231] : memref<8192x32xf32, #tpu.memory_space<hbm>> -> memref<512x32xf32, #tpu.memory_space<hbm>>
      tpu.enqueue_dma source(%dma_start3A_232 : memref<512x32xf32, #tpu.memory_space<hbm>>) target(%dma_start3A_230 : memref<512x32xf32, #tpu.memory_space<vmem_shared>>) target_semaphore(%run_scoped3A : memref<!tpu.dma_semaphore, #tpu.memory_space<semaphore_mem>>)
      %dma_wait3A_233 = arith.constant 0 : i32
      %dma_wait3A_234 = tpu.memref_slice %arg7[%mul3A_6, %dma_wait3A_233] : memref<8192x32xf32, #tpu.memory_space<vmem_shared>> -> memref<512x32xf32, #tpu.memory_space<vmem_shared>>
      %dma_wait3A_235 = arith.constant 0 : i32
      %dma_wait3A_236 = tpu.memref_slice %arg2[%mul3A_4, %dma_wait3A_235] : memref<8192x32xf32, #tpu.memory_space<hbm>> -> memref<512x32xf32, #tpu.memory_space<hbm>>
      tpu.wait_dma2 semaphore(%run_scoped3A : memref<!tpu.dma_semaphore, #tpu.memory_space<semaphore_mem>>) src(%dma_wait3A_236 : memref<512x32xf32, #tpu.memory_space<hbm>>) dst(%dma_wait3A_234 : memref<512x32xf32, #tpu.memory_space<vmem_shared>>)
      tpu.yield
    }) : () -> ()
    "tpu.region"() ({
      %run_scoped3A = tpu.sem_alloc : memref<!tpu.dma_semaphore, #tpu.memory_space<semaphore_mem>>
      %dma_start3A_229 = tpu.memref_slice %arg3[%mul3A_2] : memref<57344xi32, #tpu.memory_space<hbm>> -> memref<1792xi32, #tpu.memory_space<hbm>>
      %dma_start3A_230 = tpu.memref_slice %arg3[%mul3A_2] : memref<57344xi32, #tpu.memory_space<hbm>> -> memref<1792xi32, #tpu.memory_space<hbm>>
      tpu.enqueue_dma source(%dma_start3A_230 : memref<1792xi32, #tpu.memory_space<hbm>>) target(%arg5 : memref<1792xi32, #tpu.memory_space<vmem>>) target_semaphore(%run_scoped3A : memref<!tpu.dma_semaphore, #tpu.memory_space<semaphore_mem>>)
      %dma_wait3A_231 = tpu.memref_slice %arg3[%mul3A_2] : memref<57344xi32, #tpu.memory_space<hbm>> -> memref<1792xi32, #tpu.memory_space<hbm>>
      %dma_wait3A_232 = tpu.memref_slice %arg3[%mul3A_2] : memref<57344xi32, #tpu.memory_space<hbm>> -> memref<1792xi32, #tpu.memory_space<hbm>>
      tpu.wait_dma2 semaphore(%run_scoped3A : memref<!tpu.dma_semaphore, #tpu.memory_space<semaphore_mem>>) src(%dma_wait3A_232 : memref<1792xi32, #tpu.memory_space<hbm>>) dst(%arg5 : memref<1792xi32, #tpu.memory_space<vmem>>)
      tpu.yield
    }) : () -> ()
    %barrier3A = arith.constant 0 : index
    tpu.barrier barrier_id(%barrier3A)
    %dma_start3A = arith.constant 0 : i32
    %dma_start3A_7 = arith.constant 0 : i32
    %dma_start3A_8 = tpu.memref_slice %arg6[%dma_start3A, %dma_start3A_7] : memref<1792x32xf32, #tpu.memory_space<vmem>> -> memref<128x32xf32, #tpu.memory_space<vmem>>
    %dma_start3A_9 = arith.constant 0 : i32
    %dma_start3A_10 = tpu.memref_slice %arg5[%dma_start3A_9] : memref<1792xi32, #tpu.memory_space<vmem>> -> memref<128xi32, #tpu.memory_space<vmem>>
    %dma_start3A_11 = arith.constant 0 : i32
    %dma_start3A_12 = arith.constant 0 : i32
    %dma_start3A_13 = tpu.memref_slice %arg7[%dma_start3A_11, %dma_start3A_12] : memref<8192x32xf32, #tpu.memory_space<vmem_shared>> -> memref<8192x32xf32, #tpu.memory_space<vmem_shared>>
    tpu.enqueue_indirect_dma source(%dma_start3A_13 : memref<8192x32xf32, #tpu.memory_space<vmem_shared>>) target(%dma_start3A_8 : memref<128x32xf32, #tpu.memory_space<vmem>>) offsets(%dma_start3A_10 : memref<128xi32, #tpu.memory_space<vmem>>) semaphore(%arg8 : memref<!tpu.dma_semaphore, #tpu.memory_space<semaphore_mem>>)
    %dma_start3A_14 = arith.constant 128 : i32
    %dma_start3A_15 = arith.constant 0 : i32
    %dma_start3A_16 = tpu.memref_slice %arg6[%dma_start3A_14, %dma_start3A_15] : memref<1792x32xf32, #tpu.memory_space<vmem>> -> memref<128x32xf32, #tpu.memory_space<vmem>>
    %dma_start3A_17 = arith.constant 128 : i32
    %dma_start3A_18 = tpu.memref_slice %arg5[%dma_start3A_17] : memref<1792xi32, #tpu.memory_space<vmem>> -> memref<128xi32, #tpu.memory_space<vmem>>
    %dma_start3A_19 = arith.constant 0 : i32
    %dma_start3A_20 = arith.constant 0 : i32
    %dma_start3A_21 = tpu.memref_slice %arg7[%dma_start3A_19, %dma_start3A_20] : memref<8192x32xf32, #tpu.memory_space<vmem_shared>> -> memref<8192x32xf32, #tpu.memory_space<vmem_shared>>
    tpu.enqueue_indirect_dma source(%dma_start3A_21 : memref<8192x32xf32, #tpu.memory_space<vmem_shared>>) target(%dma_start3A_16 : memref<128x32xf32, #tpu.memory_space<vmem>>) offsets(%dma_start3A_18 : memref<128xi32, #tpu.memory_space<vmem>>) semaphore(%arg8 : memref<!tpu.dma_semaphore, #tpu.memory_space<semaphore_mem>>)
    %dma_start3A_22 = arith.constant 256 : i32
    %dma_start3A_23 = arith.constant 0 : i32
    %dma_start3A_24 = tpu.memref_slice %arg6[%dma_start3A_22, %dma_start3A_23] : memref<1792x32xf32, #tpu.memory_space<vmem>> -> memref<128x32xf32, #tpu.memory_space<vmem>>
    %dma_start3A_25 = arith.constant 256 : i32
    %dma_start3A_26 = tpu.memref_slice %arg5[%dma_start3A_25] : memref<1792xi32, #tpu.memory_space<vmem>> -> memref<128xi32, #tpu.memory_space<vmem>>
    %dma_start3A_27 = arith.constant 0 : i32
    %dma_start3A_28 = arith.constant 0 : i32
    %dma_start3A_29 = tpu.memref_slice %arg7[%dma_start3A_27, %dma_start3A_28] : memref<8192x32xf32, #tpu.memory_space<vmem_shared>> -> memref<8192x32xf32, #tpu.memory_space<vmem_shared>>
    tpu.enqueue_indirect_dma source(%dma_start3A_29 : memref<8192x32xf32, #tpu.memory_space<vmem_shared>>) target(%dma_start3A_24 : memref<128x32xf32, #tpu.memory_space<vmem>>) offsets(%dma_start3A_26 : memref<128xi32, #tpu.memory_space<vmem>>) semaphore(%arg8 : memref<!tpu.dma_semaphore, #tpu.memory_space<semaphore_mem>>)
    %dma_start3A_30 = arith.constant 384 : i32
    %dma_start3A_31 = arith.constant 0 : i32
    %dma_start3A_32 = tpu.memref_slice %arg6[%dma_start3A_30, %dma_start3A_31] : memref<1792x32xf32, #tpu.memory_space<vmem>> -> memref<128x32xf32, #tpu.memory_space<vmem>>
    %dma_start3A_33 = arith.constant 384 : i32
    %dma_start3A_34 = tpu.memref_slice %arg5[%dma_start3A_33] : memref<1792xi32, #tpu.memory_space<vmem>> -> memref<128xi32, #tpu.memory_space<vmem>>
    %dma_start3A_35 = arith.constant 0 : i32
    %dma_start3A_36 = arith.constant 0 : i32
    %dma_start3A_37 = tpu.memref_slice %arg7[%dma_start3A_35, %dma_start3A_36] : memref<8192x32xf32, #tpu.memory_space<vmem_shared>> -> memref<8192x32xf32, #tpu.memory_space<vmem_shared>>
    tpu.enqueue_indirect_dma source(%dma_start3A_37 : memref<8192x32xf32, #tpu.memory_space<vmem_shared>>) target(%dma_start3A_32 : memref<128x32xf32, #tpu.memory_space<vmem>>) offsets(%dma_start3A_34 : memref<128xi32, #tpu.memory_space<vmem>>) semaphore(%arg8 : memref<!tpu.dma_semaphore, #tpu.memory_space<semaphore_mem>>)
    %dma_start3A_38 = arith.constant 512 : i32
    %dma_start3A_39 = arith.constant 0 : i32
    %dma_start3A_40 = tpu.memref_slice %arg6[%dma_start3A_38, %dma_start3A_39] : memref<1792x32xf32, #tpu.memory_space<vmem>> -> memref<128x32xf32, #tpu.memory_space<vmem>>
    %dma_start3A_41 = arith.constant 512 : i32
    %dma_start3A_42 = tpu.memref_slice %arg5[%dma_start3A_41] : memref<1792xi32, #tpu.memory_space<vmem>> -> memref<128xi32, #tpu.memory_space<vmem>>
    %dma_start3A_43 = arith.constant 0 : i32
    %dma_start3A_44 = arith.constant 0 : i32
    %dma_start3A_45 = tpu.memref_slice %arg7[%dma_start3A_43, %dma_start3A_44] : memref<8192x32xf32, #tpu.memory_space<vmem_shared>> -> memref<8192x32xf32, #tpu.memory_space<vmem_shared>>
    tpu.enqueue_indirect_dma source(%dma_start3A_45 : memref<8192x32xf32, #tpu.memory_space<vmem_shared>>) target(%dma_start3A_40 : memref<128x32xf32, #tpu.memory_space<vmem>>) offsets(%dma_start3A_42 : memref<128xi32, #tpu.memory_space<vmem>>) semaphore(%arg8 : memref<!tpu.dma_semaphore, #tpu.memory_space<semaphore_mem>>)
    %dma_start3A_46 = arith.constant 640 : i32
    %dma_start3A_47 = arith.constant 0 : i32
    %dma_start3A_48 = tpu.memref_slice %arg6[%dma_start3A_46, %dma_start3A_47] : memref<1792x32xf32, #tpu.memory_space<vmem>> -> memref<128x32xf32, #tpu.memory_space<vmem>>
    %dma_start3A_49 = arith.constant 640 : i32
    %dma_start3A_50 = tpu.memref_slice %arg5[%dma_start3A_49] : memref<1792xi32, #tpu.memory_space<vmem>> -> memref<128xi32, #tpu.memory_space<vmem>>
    %dma_start3A_51 = arith.constant 0 : i32
    %dma_start3A_52 = arith.constant 0 : i32
    %dma_start3A_53 = tpu.memref_slice %arg7[%dma_start3A_51, %dma_start3A_52] : memref<8192x32xf32, #tpu.memory_space<vmem_shared>> -> memref<8192x32xf32, #tpu.memory_space<vmem_shared>>
    tpu.enqueue_indirect_dma source(%dma_start3A_53 : memref<8192x32xf32, #tpu.memory_space<vmem_shared>>) target(%dma_start3A_48 : memref<128x32xf32, #tpu.memory_space<vmem>>) offsets(%dma_start3A_50 : memref<128xi32, #tpu.memory_space<vmem>>) semaphore(%arg8 : memref<!tpu.dma_semaphore, #tpu.memory_space<semaphore_mem>>)
    %dma_start3A_54 = arith.constant 768 : i32
    %dma_start3A_55 = arith.constant 0 : i32
    %dma_start3A_56 = tpu.memref_slice %arg6[%dma_start3A_54, %dma_start3A_55] : memref<1792x32xf32, #tpu.memory_space<vmem>> -> memref<128x32xf32, #tpu.memory_space<vmem>>
    %dma_start3A_57 = arith.constant 768 : i32
    %dma_start3A_58 = tpu.memref_slice %arg5[%dma_start3A_57] : memref<1792xi32, #tpu.memory_space<vmem>> -> memref<128xi32, #tpu.memory_space<vmem>>
    %dma_start3A_59 = arith.constant 0 : i32
    %dma_start3A_60 = arith.constant 0 : i32
    %dma_start3A_61 = tpu.memref_slice %arg7[%dma_start3A_59, %dma_start3A_60] : memref<8192x32xf32, #tpu.memory_space<vmem_shared>> -> memref<8192x32xf32, #tpu.memory_space<vmem_shared>>
    tpu.enqueue_indirect_dma source(%dma_start3A_61 : memref<8192x32xf32, #tpu.memory_space<vmem_shared>>) target(%dma_start3A_56 : memref<128x32xf32, #tpu.memory_space<vmem>>) offsets(%dma_start3A_58 : memref<128xi32, #tpu.memory_space<vmem>>) semaphore(%arg8 : memref<!tpu.dma_semaphore, #tpu.memory_space<semaphore_mem>>)
    %dma_start3A_62 = arith.constant 896 : i32
    %dma_start3A_63 = arith.constant 0 : i32
    %dma_start3A_64 = tpu.memref_slice %arg6[%dma_start3A_62, %dma_start3A_63] : memref<1792x32xf32, #tpu.memory_space<vmem>> -> memref<128x32xf32, #tpu.memory_space<vmem>>
    %dma_start3A_65 = arith.constant 896 : i32
    %dma_start3A_66 = tpu.memref_slice %arg5[%dma_start3A_65] : memref<1792xi32, #tpu.memory_space<vmem>> -> memref<128xi32, #tpu.memory_space<vmem>>
    %dma_start3A_67 = arith.constant 0 : i32
    %dma_start3A_68 = arith.constant 0 : i32
    %dma_start3A_69 = tpu.memref_slice %arg7[%dma_start3A_67, %dma_start3A_68] : memref<8192x32xf32, #tpu.memory_space<vmem_shared>> -> memref<8192x32xf32, #tpu.memory_space<vmem_shared>>
    tpu.enqueue_indirect_dma source(%dma_start3A_69 : memref<8192x32xf32, #tpu.memory_space<vmem_shared>>) target(%dma_start3A_64 : memref<128x32xf32, #tpu.memory_space<vmem>>) offsets(%dma_start3A_66 : memref<128xi32, #tpu.memory_space<vmem>>) semaphore(%arg8 : memref<!tpu.dma_semaphore, #tpu.memory_space<semaphore_mem>>)
    %dma_start3A_70 = arith.constant 1024 : i32
    %dma_start3A_71 = arith.constant 0 : i32
    %dma_start3A_72 = tpu.memref_slice %arg6[%dma_start3A_70, %dma_start3A_71] : memref<1792x32xf32, #tpu.memory_space<vmem>> -> memref<128x32xf32, #tpu.memory_space<vmem>>
    %dma_start3A_73 = arith.constant 1024 : i32
    %dma_start3A_74 = tpu.memref_slice %arg5[%dma_start3A_73] : memref<1792xi32, #tpu.memory_space<vmem>> -> memref<128xi32, #tpu.memory_space<vmem>>
    %dma_start3A_75 = arith.constant 0 : i32
    %dma_start3A_76 = arith.constant 0 : i32
    %dma_start3A_77 = tpu.memref_slice %arg7[%dma_start3A_75, %dma_start3A_76] : memref<8192x32xf32, #tpu.memory_space<vmem_shared>> -> memref<8192x32xf32, #tpu.memory_space<vmem_shared>>
    tpu.enqueue_indirect_dma source(%dma_start3A_77 : memref<8192x32xf32, #tpu.memory_space<vmem_shared>>) target(%dma_start3A_72 : memref<128x32xf32, #tpu.memory_space<vmem>>) offsets(%dma_start3A_74 : memref<128xi32, #tpu.memory_space<vmem>>) semaphore(%arg8 : memref<!tpu.dma_semaphore, #tpu.memory_space<semaphore_mem>>)
    %dma_start3A_78 = arith.constant 1152 : i32
    %dma_start3A_79 = arith.constant 0 : i32
    %dma_start3A_80 = tpu.memref_slice %arg6[%dma_start3A_78, %dma_start3A_79] : memref<1792x32xf32, #tpu.memory_space<vmem>> -> memref<128x32xf32, #tpu.memory_space<vmem>>
    %dma_start3A_81 = arith.constant 1152 : i32
    %dma_start3A_82 = tpu.memref_slice %arg5[%dma_start3A_81] : memref<1792xi32, #tpu.memory_space<vmem>> -> memref<128xi32, #tpu.memory_space<vmem>>
    %dma_start3A_83 = arith.constant 0 : i32
    %dma_start3A_84 = arith.constant 0 : i32
    %dma_start3A_85 = tpu.memref_slice %arg7[%dma_start3A_83, %dma_start3A_84] : memref<8192x32xf32, #tpu.memory_space<vmem_shared>> -> memref<8192x32xf32, #tpu.memory_space<vmem_shared>>
    tpu.enqueue_indirect_dma source(%dma_start3A_85 : memref<8192x32xf32, #tpu.memory_space<vmem_shared>>) target(%dma_start3A_80 : memref<128x32xf32, #tpu.memory_space<vmem>>) offsets(%dma_start3A_82 : memref<128xi32, #tpu.memory_space<vmem>>) semaphore(%arg8 : memref<!tpu.dma_semaphore, #tpu.memory_space<semaphore_mem>>)
    %dma_start3A_86 = arith.constant 1280 : i32
    %dma_start3A_87 = arith.constant 0 : i32
    %dma_start3A_88 = tpu.memref_slice %arg6[%dma_start3A_86, %dma_start3A_87] : memref<1792x32xf32, #tpu.memory_space<vmem>> -> memref<128x32xf32, #tpu.memory_space<vmem>>
    %dma_start3A_89 = arith.constant 1280 : i32
    %dma_start3A_90 = tpu.memref_slice %arg5[%dma_start3A_89] : memref<1792xi32, #tpu.memory_space<vmem>> -> memref<128xi32, #tpu.memory_space<vmem>>
    %dma_start3A_91 = arith.constant 0 : i32
    %dma_start3A_92 = arith.constant 0 : i32
    %dma_start3A_93 = tpu.memref_slice %arg7[%dma_start3A_91, %dma_start3A_92] : memref<8192x32xf32, #tpu.memory_space<vmem_shared>> -> memref<8192x32xf32, #tpu.memory_space<vmem_shared>>
    tpu.enqueue_indirect_dma source(%dma_start3A_93 : memref<8192x32xf32, #tpu.memory_space<vmem_shared>>) target(%dma_start3A_88 : memref<128x32xf32, #tpu.memory_space<vmem>>) offsets(%dma_start3A_90 : memref<128xi32, #tpu.memory_space<vmem>>) semaphore(%arg8 : memref<!tpu.dma_semaphore, #tpu.memory_space<semaphore_mem>>)
    %dma_start3A_94 = arith.constant 1408 : i32
    %dma_start3A_95 = arith.constant 0 : i32
    %dma_start3A_96 = tpu.memref_slice %arg6[%dma_start3A_94, %dma_start3A_95] : memref<1792x32xf32, #tpu.memory_space<vmem>> -> memref<128x32xf32, #tpu.memory_space<vmem>>
    %dma_start3A_97 = arith.constant 1408 : i32
    %dma_start3A_98 = tpu.memref_slice %arg5[%dma_start3A_97] : memref<1792xi32, #tpu.memory_space<vmem>> -> memref<128xi32, #tpu.memory_space<vmem>>
    %dma_start3A_99 = arith.constant 0 : i32
    %dma_start3A_100 = arith.constant 0 : i32
    %dma_start3A_101 = tpu.memref_slice %arg7[%dma_start3A_99, %dma_start3A_100] : memref<8192x32xf32, #tpu.memory_space<vmem_shared>> -> memref<8192x32xf32, #tpu.memory_space<vmem_shared>>
    tpu.enqueue_indirect_dma source(%dma_start3A_101 : memref<8192x32xf32, #tpu.memory_space<vmem_shared>>) target(%dma_start3A_96 : memref<128x32xf32, #tpu.memory_space<vmem>>) offsets(%dma_start3A_98 : memref<128xi32, #tpu.memory_space<vmem>>) semaphore(%arg8 : memref<!tpu.dma_semaphore, #tpu.memory_space<semaphore_mem>>)
    %dma_start3A_102 = arith.constant 1536 : i32
    %dma_start3A_103 = arith.constant 0 : i32
    %dma_start3A_104 = tpu.memref_slice %arg6[%dma_start3A_102, %dma_start3A_103] : memref<1792x32xf32, #tpu.memory_space<vmem>> -> memref<128x32xf32, #tpu.memory_space<vmem>>
    %dma_start3A_105 = arith.constant 1536 : i32
    %dma_start3A_106 = tpu.memref_slice %arg5[%dma_start3A_105] : memref<1792xi32, #tpu.memory_space<vmem>> -> memref<128xi32, #tpu.memory_space<vmem>>
    %dma_start3A_107 = arith.constant 0 : i32
    %dma_start3A_108 = arith.constant 0 : i32
    %dma_start3A_109 = tpu.memref_slice %arg7[%dma_start3A_107, %dma_start3A_108] : memref<8192x32xf32, #tpu.memory_space<vmem_shared>> -> memref<8192x32xf32, #tpu.memory_space<vmem_shared>>
    tpu.enqueue_indirect_dma source(%dma_start3A_109 : memref<8192x32xf32, #tpu.memory_space<vmem_shared>>) target(%dma_start3A_104 : memref<128x32xf32, #tpu.memory_space<vmem>>) offsets(%dma_start3A_106 : memref<128xi32, #tpu.memory_space<vmem>>) semaphore(%arg8 : memref<!tpu.dma_semaphore, #tpu.memory_space<semaphore_mem>>)
    %dma_start3A_110 = arith.constant 1664 : i32
    %dma_start3A_111 = arith.constant 0 : i32
    %dma_start3A_112 = tpu.memref_slice %arg6[%dma_start3A_110, %dma_start3A_111] : memref<1792x32xf32, #tpu.memory_space<vmem>> -> memref<128x32xf32, #tpu.memory_space<vmem>>
    %dma_start3A_113 = arith.constant 1664 : i32
    %dma_start3A_114 = tpu.memref_slice %arg5[%dma_start3A_113] : memref<1792xi32, #tpu.memory_space<vmem>> -> memref<128xi32, #tpu.memory_space<vmem>>
    %dma_start3A_115 = arith.constant 0 : i32
    %dma_start3A_116 = arith.constant 0 : i32
    %dma_start3A_117 = tpu.memref_slice %arg7[%dma_start3A_115, %dma_start3A_116] : memref<8192x32xf32, #tpu.memory_space<vmem_shared>> -> memref<8192x32xf32, #tpu.memory_space<vmem_shared>>
    tpu.enqueue_indirect_dma source(%dma_start3A_117 : memref<8192x32xf32, #tpu.memory_space<vmem_shared>>) target(%dma_start3A_112 : memref<128x32xf32, #tpu.memory_space<vmem>>) offsets(%dma_start3A_114 : memref<128xi32, #tpu.memory_space<vmem>>) semaphore(%arg8 : memref<!tpu.dma_semaphore, #tpu.memory_space<semaphore_mem>>)
    %dma_wait3A = arith.constant 0 : i32
    %dma_wait3A_118 = arith.constant 0 : i32
    %dma_wait3A_119 = tpu.memref_slice %arg6[%dma_wait3A, %dma_wait3A_118] : memref<1792x32xf32, #tpu.memory_space<vmem>> -> memref<128x32xf32, #tpu.memory_space<vmem>>
    %dma_wait3A_120 = arith.constant 0 : i32
    %dma_wait3A_121 = tpu.memref_slice %arg5[%dma_wait3A_120] : memref<1792xi32, #tpu.memory_space<vmem>> -> memref<128xi32, #tpu.memory_space<vmem>>
    %dma_wait3A_122 = arith.constant 0 : i32
    %dma_wait3A_123 = arith.constant 0 : i32
    %dma_wait3A_124 = tpu.memref_slice %arg7[%dma_wait3A_122, %dma_wait3A_123] : memref<8192x32xf32, #tpu.memory_space<vmem_shared>> -> memref<8192x32xf32, #tpu.memory_space<vmem_shared>>
    tpu.wait_indirect_dma semaphore(%arg8 : memref<!tpu.dma_semaphore, #tpu.memory_space<semaphore_mem>>) src(%dma_wait3A_124 : memref<8192x32xf32, #tpu.memory_space<vmem_shared>>) dst(%dma_wait3A_119 : memref<128x32xf32, #tpu.memory_space<vmem>>)
    %dma_wait3A_125 = arith.constant 128 : i32
    %dma_wait3A_126 = arith.constant 0 : i32
    %dma_wait3A_127 = tpu.memref_slice %arg6[%dma_wait3A_125, %dma_wait3A_126] : memref<1792x32xf32, #tpu.memory_space<vmem>> -> memref<128x32xf32, #tpu.memory_space<vmem>>
    %dma_wait3A_128 = arith.constant 128 : i32
    %dma_wait3A_129 = tpu.memref_slice %arg5[%dma_wait3A_128] : memref<1792xi32, #tpu.memory_space<vmem>> -> memref<128xi32, #tpu.memory_space<vmem>>
    %dma_wait3A_130 = arith.constant 0 : i32
    %dma_wait3A_131 = arith.constant 0 : i32
    %dma_wait3A_132 = tpu.memref_slice %arg7[%dma_wait3A_130, %dma_wait3A_131] : memref<8192x32xf32, #tpu.memory_space<vmem_shared>> -> memref<8192x32xf32, #tpu.memory_space<vmem_shared>>
    tpu.wait_indirect_dma semaphore(%arg8 : memref<!tpu.dma_semaphore, #tpu.memory_space<semaphore_mem>>) src(%dma_wait3A_132 : memref<8192x32xf32, #tpu.memory_space<vmem_shared>>) dst(%dma_wait3A_127 : memref<128x32xf32, #tpu.memory_space<vmem>>)
    %dma_wait3A_133 = arith.constant 256 : i32
    %dma_wait3A_134 = arith.constant 0 : i32
    %dma_wait3A_135 = tpu.memref_slice %arg6[%dma_wait3A_133, %dma_wait3A_134] : memref<1792x32xf32, #tpu.memory_space<vmem>> -> memref<128x32xf32, #tpu.memory_space<vmem>>
    %dma_wait3A_136 = arith.constant 256 : i32
    %dma_wait3A_137 = tpu.memref_slice %arg5[%dma_wait3A_136] : memref<1792xi32, #tpu.memory_space<vmem>> -> memref<128xi32, #tpu.memory_space<vmem>>
    %dma_wait3A_138 = arith.constant 0 : i32
    %dma_wait3A_139 = arith.constant 0 : i32
    %dma_wait3A_140 = tpu.memref_slice %arg7[%dma_wait3A_138, %dma_wait3A_139] : memref<8192x32xf32, #tpu.memory_space<vmem_shared>> -> memref<8192x32xf32, #tpu.memory_space<vmem_shared>>
    tpu.wait_indirect_dma semaphore(%arg8 : memref<!tpu.dma_semaphore, #tpu.memory_space<semaphore_mem>>) src(%dma_wait3A_140 : memref<8192x32xf32, #tpu.memory_space<vmem_shared>>) dst(%dma_wait3A_135 : memref<128x32xf32, #tpu.memory_space<vmem>>)
    %dma_wait3A_141 = arith.constant 384 : i32
    %dma_wait3A_142 = arith.constant 0 : i32
    %dma_wait3A_143 = tpu.memref_slice %arg6[%dma_wait3A_141, %dma_wait3A_142] : memref<1792x32xf32, #tpu.memory_space<vmem>> -> memref<128x32xf32, #tpu.memory_space<vmem>>
    %dma_wait3A_144 = arith.constant 384 : i32
    %dma_wait3A_145 = tpu.memref_slice %arg5[%dma_wait3A_144] : memref<1792xi32, #tpu.memory_space<vmem>> -> memref<128xi32, #tpu.memory_space<vmem>>
    %dma_wait3A_146 = arith.constant 0 : i32
    %dma_wait3A_147 = arith.constant 0 : i32
    %dma_wait3A_148 = tpu.memref_slice %arg7[%dma_wait3A_146, %dma_wait3A_147] : memref<8192x32xf32, #tpu.memory_space<vmem_shared>> -> memref<8192x32xf32, #tpu.memory_space<vmem_shared>>
    tpu.wait_indirect_dma semaphore(%arg8 : memref<!tpu.dma_semaphore, #tpu.memory_space<semaphore_mem>>) src(%dma_wait3A_148 : memref<8192x32xf32, #tpu.memory_space<vmem_shared>>) dst(%dma_wait3A_143 : memref<128x32xf32, #tpu.memory_space<vmem>>)
    %dma_wait3A_149 = arith.constant 512 : i32
    %dma_wait3A_150 = arith.constant 0 : i32
    %dma_wait3A_151 = tpu.memref_slice %arg6[%dma_wait3A_149, %dma_wait3A_150] : memref<1792x32xf32, #tpu.memory_space<vmem>> -> memref<128x32xf32, #tpu.memory_space<vmem>>
    %dma_wait3A_152 = arith.constant 512 : i32
    %dma_wait3A_153 = tpu.memref_slice %arg5[%dma_wait3A_152] : memref<1792xi32, #tpu.memory_space<vmem>> -> memref<128xi32, #tpu.memory_space<vmem>>
    %dma_wait3A_154 = arith.constant 0 : i32
    %dma_wait3A_155 = arith.constant 0 : i32
    %dma_wait3A_156 = tpu.memref_slice %arg7[%dma_wait3A_154, %dma_wait3A_155] : memref<8192x32xf32, #tpu.memory_space<vmem_shared>> -> memref<8192x32xf32, #tpu.memory_space<vmem_shared>>
    tpu.wait_indirect_dma semaphore(%arg8 : memref<!tpu.dma_semaphore, #tpu.memory_space<semaphore_mem>>) src(%dma_wait3A_156 : memref<8192x32xf32, #tpu.memory_space<vmem_shared>>) dst(%dma_wait3A_151 : memref<128x32xf32, #tpu.memory_space<vmem>>)
    %dma_wait3A_157 = arith.constant 640 : i32
    %dma_wait3A_158 = arith.constant 0 : i32
    %dma_wait3A_159 = tpu.memref_slice %arg6[%dma_wait3A_157, %dma_wait3A_158] : memref<1792x32xf32, #tpu.memory_space<vmem>> -> memref<128x32xf32, #tpu.memory_space<vmem>>
    %dma_wait3A_160 = arith.constant 640 : i32
    %dma_wait3A_161 = tpu.memref_slice %arg5[%dma_wait3A_160] : memref<1792xi32, #tpu.memory_space<vmem>> -> memref<128xi32, #tpu.memory_space<vmem>>
    %dma_wait3A_162 = arith.constant 0 : i32
    %dma_wait3A_163 = arith.constant 0 : i32
    %dma_wait3A_164 = tpu.memref_slice %arg7[%dma_wait3A_162, %dma_wait3A_163] : memref<8192x32xf32, #tpu.memory_space<vmem_shared>> -> memref<8192x32xf32, #tpu.memory_space<vmem_shared>>
    tpu.wait_indirect_dma semaphore(%arg8 : memref<!tpu.dma_semaphore, #tpu.memory_space<semaphore_mem>>) src(%dma_wait3A_164 : memref<8192x32xf32, #tpu.memory_space<vmem_shared>>) dst(%dma_wait3A_159 : memref<128x32xf32, #tpu.memory_space<vmem>>)
    %dma_wait3A_165 = arith.constant 768 : i32
    %dma_wait3A_166 = arith.constant 0 : i32
    %dma_wait3A_167 = tpu.memref_slice %arg6[%dma_wait3A_165, %dma_wait3A_166] : memref<1792x32xf32, #tpu.memory_space<vmem>> -> memref<128x32xf32, #tpu.memory_space<vmem>>
    %dma_wait3A_168 = arith.constant 768 : i32
    %dma_wait3A_169 = tpu.memref_slice %arg5[%dma_wait3A_168] : memref<1792xi32, #tpu.memory_space<vmem>> -> memref<128xi32, #tpu.memory_space<vmem>>
    %dma_wait3A_170 = arith.constant 0 : i32
    %dma_wait3A_171 = arith.constant 0 : i32
    %dma_wait3A_172 = tpu.memref_slice %arg7[%dma_wait3A_170, %dma_wait3A_171] : memref<8192x32xf32, #tpu.memory_space<vmem_shared>> -> memref<8192x32xf32, #tpu.memory_space<vmem_shared>>
    tpu.wait_indirect_dma semaphore(%arg8 : memref<!tpu.dma_semaphore, #tpu.memory_space<semaphore_mem>>) src(%dma_wait3A_172 : memref<8192x32xf32, #tpu.memory_space<vmem_shared>>) dst(%dma_wait3A_167 : memref<128x32xf32, #tpu.memory_space<vmem>>)
    %dma_wait3A_173 = arith.constant 896 : i32
    %dma_wait3A_174 = arith.constant 0 : i32
    %dma_wait3A_175 = tpu.memref_slice %arg6[%dma_wait3A_173, %dma_wait3A_174] : memref<1792x32xf32, #tpu.memory_space<vmem>> -> memref<128x32xf32, #tpu.memory_space<vmem>>
    %dma_wait3A_176 = arith.constant 896 : i32
    %dma_wait3A_177 = tpu.memref_slice %arg5[%dma_wait3A_176] : memref<1792xi32, #tpu.memory_space<vmem>> -> memref<128xi32, #tpu.memory_space<vmem>>
    %dma_wait3A_178 = arith.constant 0 : i32
    %dma_wait3A_179 = arith.constant 0 : i32
    %dma_wait3A_180 = tpu.memref_slice %arg7[%dma_wait3A_178, %dma_wait3A_179] : memref<8192x32xf32, #tpu.memory_space<vmem_shared>> -> memref<8192x32xf32, #tpu.memory_space<vmem_shared>>
    tpu.wait_indirect_dma semaphore(%arg8 : memref<!tpu.dma_semaphore, #tpu.memory_space<semaphore_mem>>) src(%dma_wait3A_180 : memref<8192x32xf32, #tpu.memory_space<vmem_shared>>) dst(%dma_wait3A_175 : memref<128x32xf32, #tpu.memory_space<vmem>>)
    %dma_wait3A_181 = arith.constant 1024 : i32
    %dma_wait3A_182 = arith.constant 0 : i32
    %dma_wait3A_183 = tpu.memref_slice %arg6[%dma_wait3A_181, %dma_wait3A_182] : memref<1792x32xf32, #tpu.memory_space<vmem>> -> memref<128x32xf32, #tpu.memory_space<vmem>>
    %dma_wait3A_184 = arith.constant 1024 : i32
    %dma_wait3A_185 = tpu.memref_slice %arg5[%dma_wait3A_184] : memref<1792xi32, #tpu.memory_space<vmem>> -> memref<128xi32, #tpu.memory_space<vmem>>
    %dma_wait3A_186 = arith.constant 0 : i32
    %dma_wait3A_187 = arith.constant 0 : i32
    %dma_wait3A_188 = tpu.memref_slice %arg7[%dma_wait3A_186, %dma_wait3A_187] : memref<8192x32xf32, #tpu.memory_space<vmem_shared>> -> memref<8192x32xf32, #tpu.memory_space<vmem_shared>>
    tpu.wait_indirect_dma semaphore(%arg8 : memref<!tpu.dma_semaphore, #tpu.memory_space<semaphore_mem>>) src(%dma_wait3A_188 : memref<8192x32xf32, #tpu.memory_space<vmem_shared>>) dst(%dma_wait3A_183 : memref<128x32xf32, #tpu.memory_space<vmem>>)
    %dma_wait3A_189 = arith.constant 1152 : i32
    %dma_wait3A_190 = arith.constant 0 : i32
    %dma_wait3A_191 = tpu.memref_slice %arg6[%dma_wait3A_189, %dma_wait3A_190] : memref<1792x32xf32, #tpu.memory_space<vmem>> -> memref<128x32xf32, #tpu.memory_space<vmem>>
    %dma_wait3A_192 = arith.constant 1152 : i32
    %dma_wait3A_193 = tpu.memref_slice %arg5[%dma_wait3A_192] : memref<1792xi32, #tpu.memory_space<vmem>> -> memref<128xi32, #tpu.memory_space<vmem>>
    %dma_wait3A_194 = arith.constant 0 : i32
    %dma_wait3A_195 = arith.constant 0 : i32
    %dma_wait3A_196 = tpu.memref_slice %arg7[%dma_wait3A_194, %dma_wait3A_195] : memref<8192x32xf32, #tpu.memory_space<vmem_shared>> -> memref<8192x32xf32, #tpu.memory_space<vmem_shared>>
    tpu.wait_indirect_dma semaphore(%arg8 : memref<!tpu.dma_semaphore, #tpu.memory_space<semaphore_mem>>) src(%dma_wait3A_196 : memref<8192x32xf32, #tpu.memory_space<vmem_shared>>) dst(%dma_wait3A_191 : memref<128x32xf32, #tpu.memory_space<vmem>>)
    %dma_wait3A_197 = arith.constant 1280 : i32
    %dma_wait3A_198 = arith.constant 0 : i32
    %dma_wait3A_199 = tpu.memref_slice %arg6[%dma_wait3A_197, %dma_wait3A_198] : memref<1792x32xf32, #tpu.memory_space<vmem>> -> memref<128x32xf32, #tpu.memory_space<vmem>>
    %dma_wait3A_200 = arith.constant 1280 : i32
    %dma_wait3A_201 = tpu.memref_slice %arg5[%dma_wait3A_200] : memref<1792xi32, #tpu.memory_space<vmem>> -> memref<128xi32, #tpu.memory_space<vmem>>
    %dma_wait3A_202 = arith.constant 0 : i32
    %dma_wait3A_203 = arith.constant 0 : i32
    %dma_wait3A_204 = tpu.memref_slice %arg7[%dma_wait3A_202, %dma_wait3A_203] : memref<8192x32xf32, #tpu.memory_space<vmem_shared>> -> memref<8192x32xf32, #tpu.memory_space<vmem_shared>>
    tpu.wait_indirect_dma semaphore(%arg8 : memref<!tpu.dma_semaphore, #tpu.memory_space<semaphore_mem>>) src(%dma_wait3A_204 : memref<8192x32xf32, #tpu.memory_space<vmem_shared>>) dst(%dma_wait3A_199 : memref<128x32xf32, #tpu.memory_space<vmem>>)
    %dma_wait3A_205 = arith.constant 1408 : i32
    %dma_wait3A_206 = arith.constant 0 : i32
    %dma_wait3A_207 = tpu.memref_slice %arg6[%dma_wait3A_205, %dma_wait3A_206] : memref<1792x32xf32, #tpu.memory_space<vmem>> -> memref<128x32xf32, #tpu.memory_space<vmem>>
    %dma_wait3A_208 = arith.constant 1408 : i32
    %dma_wait3A_209 = tpu.memref_slice %arg5[%dma_wait3A_208] : memref<1792xi32, #tpu.memory_space<vmem>> -> memref<128xi32, #tpu.memory_space<vmem>>
    %dma_wait3A_210 = arith.constant 0 : i32
    %dma_wait3A_211 = arith.constant 0 : i32
    %dma_wait3A_212 = tpu.memref_slice %arg7[%dma_wait3A_210, %dma_wait3A_211] : memref<8192x32xf32, #tpu.memory_space<vmem_shared>> -> memref<8192x32xf32, #tpu.memory_space<vmem_shared>>
    tpu.wait_indirect_dma semaphore(%arg8 : memref<!tpu.dma_semaphore, #tpu.memory_space<semaphore_mem>>) src(%dma_wait3A_212 : memref<8192x32xf32, #tpu.memory_space<vmem_shared>>) dst(%dma_wait3A_207 : memref<128x32xf32, #tpu.memory_space<vmem>>)
    %dma_wait3A_213 = arith.constant 1536 : i32
    %dma_wait3A_214 = arith.constant 0 : i32
    %dma_wait3A_215 = tpu.memref_slice %arg6[%dma_wait3A_213, %dma_wait3A_214] : memref<1792x32xf32, #tpu.memory_space<vmem>> -> memref<128x32xf32, #tpu.memory_space<vmem>>
    %dma_wait3A_216 = arith.constant 1536 : i32
    %dma_wait3A_217 = tpu.memref_slice %arg5[%dma_wait3A_216] : memref<1792xi32, #tpu.memory_space<vmem>> -> memref<128xi32, #tpu.memory_space<vmem>>
    %dma_wait3A_218 = arith.constant 0 : i32
    %dma_wait3A_219 = arith.constant 0 : i32
    %dma_wait3A_220 = tpu.memref_slice %arg7[%dma_wait3A_218, %dma_wait3A_219] : memref<8192x32xf32, #tpu.memory_space<vmem_shared>> -> memref<8192x32xf32, #tpu.memory_space<vmem_shared>>
    tpu.wait_indirect_dma semaphore(%arg8 : memref<!tpu.dma_semaphore, #tpu.memory_space<semaphore_mem>>) src(%dma_wait3A_220 : memref<8192x32xf32, #tpu.memory_space<vmem_shared>>) dst(%dma_wait3A_215 : memref<128x32xf32, #tpu.memory_space<vmem>>)
    %dma_wait3A_221 = arith.constant 1664 : i32
    %dma_wait3A_222 = arith.constant 0 : i32
    %dma_wait3A_223 = tpu.memref_slice %arg6[%dma_wait3A_221, %dma_wait3A_222] : memref<1792x32xf32, #tpu.memory_space<vmem>> -> memref<128x32xf32, #tpu.memory_space<vmem>>
    %dma_wait3A_224 = arith.constant 1664 : i32
    %dma_wait3A_225 = tpu.memref_slice %arg5[%dma_wait3A_224] : memref<1792xi32, #tpu.memory_space<vmem>> -> memref<128xi32, #tpu.memory_space<vmem>>
    %dma_wait3A_226 = arith.constant 0 : i32
    %dma_wait3A_227 = arith.constant 0 : i32
    %dma_wait3A_228 = tpu.memref_slice %arg7[%dma_wait3A_226, %dma_wait3A_227] : memref<8192x32xf32, #tpu.memory_space<vmem_shared>> -> memref<8192x32xf32, #tpu.memory_space<vmem_shared>>
    tpu.wait_indirect_dma semaphore(%arg8 : memref<!tpu.dma_semaphore, #tpu.memory_space<semaphore_mem>>) src(%dma_wait3A_228 : memref<8192x32xf32, #tpu.memory_space<vmem_shared>>) dst(%dma_wait3A_223 : memref<128x32xf32, #tpu.memory_space<vmem>>)
    "tpu.region"() ({
      %run_scoped3A = tpu.sem_alloc : memref<!tpu.dma_semaphore, #tpu.memory_space<semaphore_mem>>
      %dma_start3A_229 = arith.constant 0 : i32
      %dma_start3A_230 = tpu.memref_slice %arg4[%mul3A_2, %dma_start3A_229] : memref<57344x128xf32, #tpu.memory_space<hbm>> -> memref<1792x32xf32, #tpu.memory_space<hbm>>
      %dma_start3A_231 = arith.constant 0 : i32
      %dma_start3A_232 = tpu.memref_slice %arg4[%mul3A_2, %dma_start3A_231] : memref<57344x128xf32, #tpu.memory_space<hbm>> -> memref<1792x32xf32, #tpu.memory_space<hbm>>
      tpu.enqueue_dma source(%arg6 : memref<1792x32xf32, #tpu.memory_space<vmem>>) target(%dma_start3A_232 : memref<1792x32xf32, #tpu.memory_space<hbm>>) target_semaphore(%run_scoped3A : memref<!tpu.dma_semaphore, #tpu.memory_space<semaphore_mem>>)
      %dma_wait3A_233 = arith.constant 0 : i32
      %dma_wait3A_234 = tpu.memref_slice %arg4[%mul3A_2, %dma_wait3A_233] : memref<57344x128xf32, #tpu.memory_space<hbm>> -> memref<1792x32xf32, #tpu.memory_space<hbm>>
      %dma_wait3A_235 = arith.constant 0 : i32
      %dma_wait3A_236 = tpu.memref_slice %arg4[%mul3A_2, %dma_wait3A_235] : memref<57344x128xf32, #tpu.memory_space<hbm>> -> memref<1792x32xf32, #tpu.memory_space<hbm>>
      tpu.wait_dma2 semaphore(%run_scoped3A : memref<!tpu.dma_semaphore, #tpu.memory_space<semaphore_mem>>) src(%arg6 : memref<1792x32xf32, #tpu.memory_space<vmem>>) dst(%dma_wait3A_236 : memref<1792x32xf32, #tpu.memory_space<hbm>>)
      tpu.yield
    }) : () -> ()
    return
  }
}

#map = affine_map<(d0, d1) -> (0, 0)>
#map1 = affine_map<(d0, d1) -> (0)>
module attributes {stable_mosaic.version = 14 : i64} {
  func.func @gk(%arg0: i32, %arg1: i32, %arg2: memref<8192x32xf32, #tpu.memory_space<hbm>>, %arg3: memref<57344xi32, #tpu.memory_space<hbm>>, %arg4: memref<57344x128xf32, #tpu.memory_space<hbm>>, %arg5: memref<1792xi32, #tpu.memory_space<vmem>>, %arg6: memref<1792x32xf32, #tpu.memory_space<vmem>>, %arg7: memref<8192x32xf32, #tpu.memory_space<vmem_shared>>, %arg8: memref<!tpu.dma_semaphore, #tpu.memory_space<semaphore_mem>>) attributes {dimension_semantics = [#tpu.dimension_semantics<core_parallel>, #tpu.dimension_semantics<subcore_parallel>], iteration_bounds = array<i64: 2, 16>, scalar_prefetch = 0 : i64, scratch_operands = 4 : i64, tpu.core_type = #tpu.core_type<sc_vector_subcore>, window_params = [{transform_indices = #map}, {transform_indices = #map1}, {transform_indices = #map}]} {
    %mul3A = arith.constant 2 : i32
    %mul3A_0 = arith.muli %arg1, %mul3A : i32
    %add3A = arith.addi %mul3A_0, %arg0 : i32
    %mul3A_1 = arith.constant 1792 : i32
    %mul3A_2 = arith.muli %add3A, %mul3A_1 : i32
    %mul3A_3 = arith.constant 512 : i32
    %mul3A_4 = arith.muli %arg1, %mul3A_3 : i32
    %mul3A_5 = arith.constant 512 : i32
    %mul3A_6 = arith.muli %arg1, %mul3A_5 : i32
    "tpu.region"() ({
      %run_scoped3A = tpu.sem_alloc : memref<!tpu.dma_semaphore, #tpu.memory_space<semaphore_mem>>
      %dma_start3A_229 = arith.constant 0 : i32
      %dma_start3A_230 = tpu.memref_slice %arg7[%mul3A_6, %dma_start3A_229] : memref<8192x32xf32, #tpu.memory_space<vmem_shared>> -> memref<512x32xf32, #tpu.memory_space<vmem_shared>>
      %dma_start3A_231 = arith.constant 0 : i32
      %dma_start3A_232 = tpu.memref_slice %arg2[%mul3A_4, %dma_start3A_231] : memref<8192x32xf32, #tpu.memory_space<hbm>> -> memref<512x32xf32, #tpu.memory_space<hbm>>
      tpu.enqueue_dma source(%dma_start3A_232 : memref<512x32xf32, #tpu.memory_space<hbm>>) target(%dma_start3A_230 : memref<512x32xf32, #tpu.memory_space<vmem_shared>>) target_semaphore(%run_scoped3A : memref<!tpu.dma_semaphore, #tpu.memory_space<semaphore_mem>>)
      %dma_wait3A_233 = arith.constant 0 : i32
      %dma_wait3A_234 = tpu.memref_slice %arg7[%mul3A_6, %dma_wait3A_233] : memref<8192x32xf32, #tpu.memory_space<vmem_shared>> -> memref<512x32xf32, #tpu.memory_space<vmem_shared>>
      %dma_wait3A_235 = arith.constant 0 : i32
      %dma_wait3A_236 = tpu.memref_slice %arg2[%mul3A_4, %dma_wait3A_235] : memref<8192x32xf32, #tpu.memory_space<hbm>> -> memref<512x32xf32, #tpu.memory_space<hbm>>
      tpu.wait_dma2 semaphore(%run_scoped3A : memref<!tpu.dma_semaphore, #tpu.memory_space<semaphore_mem>>) src(%dma_wait3A_236 : memref<512x32xf32, #tpu.memory_space<hbm>>) dst(%dma_wait3A_234 : memref<512x32xf32, #tpu.memory_space<vmem_shared>>)
      tpu.yield
    }) : () -> ()
    "tpu.region"() ({
      %run_scoped3A = tpu.sem_alloc : memref<!tpu.dma_semaphore, #tpu.memory_space<semaphore_mem>>
      %dma_start3A_229 = tpu.memref_slice %arg3[%mul3A_2] : memref<57344xi32, #tpu.memory_space<hbm>> -> memref<1792xi32, #tpu.memory_space<hbm>>
      %dma_start3A_230 = tpu.memref_slice %arg3[%mul3A_2] : memref<57344xi32, #tpu.memory_space<hbm>> -> memref<1792xi32, #tpu.memory_space<hbm>>
      tpu.enqueue_dma source(%dma_start3A_230 : memref<1792xi32, #tpu.memory_space<hbm>>) target(%arg5 : memref<1792xi32, #tpu.memory_space<vmem>>) target_semaphore(%run_scoped3A : memref<!tpu.dma_semaphore, #tpu.memory_space<semaphore_mem>>)
      %dma_wait3A_231 = tpu.memref_slice %arg3[%mul3A_2] : memref<57344xi32, #tpu.memory_space<hbm>> -> memref<1792xi32, #tpu.memory_space<hbm>>
      %dma_wait3A_232 = tpu.memref_slice %arg3[%mul3A_2] : memref<57344xi32, #tpu.memory_space<hbm>> -> memref<1792xi32, #tpu.memory_space<hbm>>
      tpu.wait_dma2 semaphore(%run_scoped3A : memref<!tpu.dma_semaphore, #tpu.memory_space<semaphore_mem>>) src(%dma_wait3A_232 : memref<1792xi32, #tpu.memory_space<hbm>>) dst(%arg5 : memref<1792xi32, #tpu.memory_space<vmem>>)
      tpu.yield
    }) : () -> ()
    %barrier3A = arith.constant 0 : index
    tpu.barrier barrier_id(%barrier3A)
    %dma_start3A = arith.constant 0 : i32
    %dma_start3A_7 = arith.constant 0 : i32
    %dma_start3A_8 = tpu.memref_slice %arg6[%dma_start3A, %dma_start3A_7] : memref<1792x32xf32, #tpu.memory_space<vmem>> -> memref<128x32xf32, #tpu.memory_space<vmem>>
    %dma_start3A_9 = arith.constant 0 : i32
    %dma_start3A_10 = tpu.memref_slice %arg5[%dma_start3A_9] : memref<1792xi32, #tpu.memory_space<vmem>> -> memref<128xi32, #tpu.memory_space<vmem>>
    %dma_start3A_11 = arith.constant 0 : i32
    %dma_start3A_12 = arith.constant 0 : i32
    %dma_start3A_13 = tpu.memref_slice %arg7[%dma_start3A_11, %dma_start3A_12] : memref<8192x32xf32, #tpu.memory_space<vmem_shared>> -> memref<8192x32xf32, #tpu.memory_space<vmem_shared>>
    tpu.enqueue_indirect_dma source(%dma_start3A_13 : memref<8192x32xf32, #tpu.memory_space<vmem_shared>>) target(%dma_start3A_8 : memref<128x32xf32, #tpu.memory_space<vmem>>) offsets(%dma_start3A_10 : memref<128xi32, #tpu.memory_space<vmem>>) semaphore(%arg8 : memref<!tpu.dma_semaphore, #tpu.memory_space<semaphore_mem>>)
    %dma_start3A_14 = arith.constant 128 : i32
    %dma_start3A_15 = arith.constant 0 : i32
    %dma_start3A_16 = tpu.memref_slice %arg6[%dma_start3A_14, %dma_start3A_15] : memref<1792x32xf32, #tpu.memory_space<vmem>> -> memref<128x32xf32, #tpu.memory_space<vmem>>
    %dma_start3A_17 = arith.constant 128 : i32
    %dma_start3A_18 = tpu.memref_slice %arg5[%dma_start3A_17] : memref<1792xi32, #tpu.memory_space<vmem>> -> memref<128xi32, #tpu.memory_space<vmem>>
    %dma_start3A_19 = arith.constant 0 : i32
    %dma_start3A_20 = arith.constant 0 : i32
    %dma_start3A_21 = tpu.memref_slice %arg7[%dma_start3A_19, %dma_start3A_20] : memref<8192x32xf32, #tpu.memory_space<vmem_shared>> -> memref<8192x32xf32, #tpu.memory_space<vmem_shared>>
    tpu.enqueue_indirect_dma source(%dma_start3A_21 : memref<8192x32xf32, #tpu.memory_space<vmem_shared>>) target(%dma_start3A_16 : memref<128x32xf32, #tpu.memory_space<vmem>>) offsets(%dma_start3A_18 : memref<128xi32, #tpu.memory_space<vmem>>) semaphore(%arg8 : memref<!tpu.dma_semaphore, #tpu.memory_space<semaphore_mem>>)
    %dma_start3A_22 = arith.constant 256 : i32
    %dma_start3A_23 = arith.constant 0 : i32
    %dma_start3A_24 = tpu.memref_slice %arg6[%dma_start3A_22, %dma_start3A_23] : memref<1792x32xf32, #tpu.memory_space<vmem>> -> memref<128x32xf32, #tpu.memory_space<vmem>>
    %dma_start3A_25 = arith.constant 256 : i32
    %dma_start3A_26 = tpu.memref_slice %arg5[%dma_start3A_25] : memref<1792xi32, #tpu.memory_space<vmem>> -> memref<128xi32, #tpu.memory_space<vmem>>
    %dma_start3A_27 = arith.constant 0 : i32
    %dma_start3A_28 = arith.constant 0 : i32
    %dma_start3A_29 = tpu.memref_slice %arg7[%dma_start3A_27, %dma_start3A_28] : memref<8192x32xf32, #tpu.memory_space<vmem_shared>> -> memref<8192x32xf32, #tpu.memory_space<vmem_shared>>
    tpu.enqueue_indirect_dma source(%dma_start3A_29 : memref<8192x32xf32, #tpu.memory_space<vmem_shared>>) target(%dma_start3A_24 : memref<128x32xf32, #tpu.memory_space<vmem>>) offsets(%dma_start3A_26 : memref<128xi32, #tpu.memory_space<vmem>>) semaphore(%arg8 : memref<!tpu.dma_semaphore, #tpu.memory_space<semaphore_mem>>)
    %dma_start3A_30 = arith.constant 384 : i32
    %dma_start3A_31 = arith.constant 0 : i32
    %dma_start3A_32 = tpu.memref_slice %arg6[%dma_start3A_30, %dma_start3A_31] : memref<1792x32xf32, #tpu.memory_space<vmem>> -> memref<128x32xf32, #tpu.memory_space<vmem>>
    %dma_start3A_33 = arith.constant 384 : i32
    %dma_start3A_34 = tpu.memref_slice %arg5[%dma_start3A_33] : memref<1792xi32, #tpu.memory_space<vmem>> -> memref<128xi32, #tpu.memory_space<vmem>>
    %dma_start3A_35 = arith.constant 0 : i32
    %dma_start3A_36 = arith.constant 0 : i32
    %dma_start3A_37 = tpu.memref_slice %arg7[%dma_start3A_35, %dma_start3A_36] : memref<8192x32xf32, #tpu.memory_space<vmem_shared>> -> memref<8192x32xf32, #tpu.memory_space<vmem_shared>>
    tpu.enqueue_indirect_dma source(%dma_start3A_37 : memref<8192x32xf32, #tpu.memory_space<vmem_shared>>) target(%dma_start3A_32 : memref<128x32xf32, #tpu.memory_space<vmem>>) offsets(%dma_start3A_34 : memref<128xi32, #tpu.memory_space<vmem>>) semaphore(%arg8 : memref<!tpu.dma_semaphore, #tpu.memory_space<semaphore_mem>>)
    %dma_start3A_38 = arith.constant 512 : i32
    %dma_start3A_39 = arith.constant 0 : i32
    %dma_start3A_40 = tpu.memref_slice %arg6[%dma_start3A_38, %dma_start3A_39] : memref<1792x32xf32, #tpu.memory_space<vmem>> -> memref<128x32xf32, #tpu.memory_space<vmem>>
    %dma_start3A_41 = arith.constant 512 : i32
    %dma_start3A_42 = tpu.memref_slice %arg5[%dma_start3A_41] : memref<1792xi32, #tpu.memory_space<vmem>> -> memref<128xi32, #tpu.memory_space<vmem>>
    %dma_start3A_43 = arith.constant 0 : i32
    %dma_start3A_44 = arith.constant 0 : i32
    %dma_start3A_45 = tpu.memref_slice %arg7[%dma_start3A_43, %dma_start3A_44] : memref<8192x32xf32, #tpu.memory_space<vmem_shared>> -> memref<8192x32xf32, #tpu.memory_space<vmem_shared>>
    tpu.enqueue_indirect_dma source(%dma_start3A_45 : memref<8192x32xf32, #tpu.memory_space<vmem_shared>>) target(%dma_start3A_40 : memref<128x32xf32, #tpu.memory_space<vmem>>) offsets(%dma_start3A_42 : memref<128xi32, #tpu.memory_space<vmem>>) semaphore(%arg8 : memref<!tpu.dma_semaphore, #tpu.memory_space<semaphore_mem>>)
    %dma_start3A_46 = arith.constant 640 : i32
    %dma_start3A_47 = arith.constant 0 : i32
    %dma_start3A_48 = tpu.memref_slice %arg6[%dma_start3A_46, %dma_start3A_47] : memref<1792x32xf32, #tpu.memory_space<vmem>> -> memref<128x32xf32, #tpu.memory_space<vmem>>
    %dma_start3A_49 = arith.constant 640 : i32
    %dma_start3A_50 = tpu.memref_slice %arg5[%dma_start3A_49] : memref<1792xi32, #tpu.memory_space<vmem>> -> memref<128xi32, #tpu.memory_space<vmem>>
    %dma_start3A_51 = arith.constant 0 : i32
    %dma_start3A_52 = arith.constant 0 : i32
    %dma_start3A_53 = tpu.memref_slice %arg7[%dma_start3A_51, %dma_start3A_52] : memref<8192x32xf32, #tpu.memory_space<vmem_shared>> -> memref<8192x32xf32, #tpu.memory_space<vmem_shared>>
    tpu.enqueue_indirect_dma source(%dma_start3A_53 : memref<8192x32xf32, #tpu.memory_space<vmem_shared>>) target(%dma_start3A_48 : memref<128x32xf32, #tpu.memory_space<vmem>>) offsets(%dma_start3A_50 : memref<128xi32, #tpu.memory_space<vmem>>) semaphore(%arg8 : memref<!tpu.dma_semaphore, #tpu.memory_space<semaphore_mem>>)
    %dma_start3A_54 = arith.constant 768 : i32
    %dma_start3A_55 = arith.constant 0 : i32
    %dma_start3A_56 = tpu.memref_slice %arg6[%dma_start3A_54, %dma_start3A_55] : memref<1792x32xf32, #tpu.memory_space<vmem>> -> memref<128x32xf32, #tpu.memory_space<vmem>>
    %dma_start3A_57 = arith.constant 768 : i32
    %dma_start3A_58 = tpu.memref_slice %arg5[%dma_start3A_57] : memref<1792xi32, #tpu.memory_space<vmem>> -> memref<128xi32, #tpu.memory_space<vmem>>
    %dma_start3A_59 = arith.constant 0 : i32
    %dma_start3A_60 = arith.constant 0 : i32
    %dma_start3A_61 = tpu.memref_slice %arg7[%dma_start3A_59, %dma_start3A_60] : memref<8192x32xf32, #tpu.memory_space<vmem_shared>> -> memref<8192x32xf32, #tpu.memory_space<vmem_shared>>
    tpu.enqueue_indirect_dma source(%dma_start3A_61 : memref<8192x32xf32, #tpu.memory_space<vmem_shared>>) target(%dma_start3A_56 : memref<128x32xf32, #tpu.memory_space<vmem>>) offsets(%dma_start3A_58 : memref<128xi32, #tpu.memory_space<vmem>>) semaphore(%arg8 : memref<!tpu.dma_semaphore, #tpu.memory_space<semaphore_mem>>)
    %dma_start3A_62 = arith.constant 896 : i32
    %dma_start3A_63 = arith.constant 0 : i32
    %dma_start3A_64 = tpu.memref_slice %arg6[%dma_start3A_62, %dma_start3A_63] : memref<1792x32xf32, #tpu.memory_space<vmem>> -> memref<128x32xf32, #tpu.memory_space<vmem>>
    %dma_start3A_65 = arith.constant 896 : i32
    %dma_start3A_66 = tpu.memref_slice %arg5[%dma_start3A_65] : memref<1792xi32, #tpu.memory_space<vmem>> -> memref<128xi32, #tpu.memory_space<vmem>>
    %dma_start3A_67 = arith.constant 0 : i32
    %dma_start3A_68 = arith.constant 0 : i32
    %dma_start3A_69 = tpu.memref_slice %arg7[%dma_start3A_67, %dma_start3A_68] : memref<8192x32xf32, #tpu.memory_space<vmem_shared>> -> memref<8192x32xf32, #tpu.memory_space<vmem_shared>>
    tpu.enqueue_indirect_dma source(%dma_start3A_69 : memref<8192x32xf32, #tpu.memory_space<vmem_shared>>) target(%dma_start3A_64 : memref<128x32xf32, #tpu.memory_space<vmem>>) offsets(%dma_start3A_66 : memref<128xi32, #tpu.memory_space<vmem>>) semaphore(%arg8 : memref<!tpu.dma_semaphore, #tpu.memory_space<semaphore_mem>>)
    %dma_start3A_70 = arith.constant 1024 : i32
    %dma_start3A_71 = arith.constant 0 : i32
    %dma_start3A_72 = tpu.memref_slice %arg6[%dma_start3A_70, %dma_start3A_71] : memref<1792x32xf32, #tpu.memory_space<vmem>> -> memref<128x32xf32, #tpu.memory_space<vmem>>
    %dma_start3A_73 = arith.constant 1024 : i32
    %dma_start3A_74 = tpu.memref_slice %arg5[%dma_start3A_73] : memref<1792xi32, #tpu.memory_space<vmem>> -> memref<128xi32, #tpu.memory_space<vmem>>
    %dma_start3A_75 = arith.constant 0 : i32
    %dma_start3A_76 = arith.constant 0 : i32
    %dma_start3A_77 = tpu.memref_slice %arg7[%dma_start3A_75, %dma_start3A_76] : memref<8192x32xf32, #tpu.memory_space<vmem_shared>> -> memref<8192x32xf32, #tpu.memory_space<vmem_shared>>
    tpu.enqueue_indirect_dma source(%dma_start3A_77 : memref<8192x32xf32, #tpu.memory_space<vmem_shared>>) target(%dma_start3A_72 : memref<128x32xf32, #tpu.memory_space<vmem>>) offsets(%dma_start3A_74 : memref<128xi32, #tpu.memory_space<vmem>>) semaphore(%arg8 : memref<!tpu.dma_semaphore, #tpu.memory_space<semaphore_mem>>)
    %dma_start3A_78 = arith.constant 1152 : i32
    %dma_start3A_79 = arith.constant 0 : i32
    %dma_start3A_80 = tpu.memref_slice %arg6[%dma_start3A_78, %dma_start3A_79] : memref<1792x32xf32, #tpu.memory_space<vmem>> -> memref<128x32xf32, #tpu.memory_space<vmem>>
    %dma_start3A_81 = arith.constant 1152 : i32
    %dma_start3A_82 = tpu.memref_slice %arg5[%dma_start3A_81] : memref<1792xi32, #tpu.memory_space<vmem>> -> memref<128xi32, #tpu.memory_space<vmem>>
    %dma_start3A_83 = arith.constant 0 : i32
    %dma_start3A_84 = arith.constant 0 : i32
    %dma_start3A_85 = tpu.memref_slice %arg7[%dma_start3A_83, %dma_start3A_84] : memref<8192x32xf32, #tpu.memory_space<vmem_shared>> -> memref<8192x32xf32, #tpu.memory_space<vmem_shared>>
    tpu.enqueue_indirect_dma source(%dma_start3A_85 : memref<8192x32xf32, #tpu.memory_space<vmem_shared>>) target(%dma_start3A_80 : memref<128x32xf32, #tpu.memory_space<vmem>>) offsets(%dma_start3A_82 : memref<128xi32, #tpu.memory_space<vmem>>) semaphore(%arg8 : memref<!tpu.dma_semaphore, #tpu.memory_space<semaphore_mem>>)
    %dma_start3A_86 = arith.constant 1280 : i32
    %dma_start3A_87 = arith.constant 0 : i32
    %dma_start3A_88 = tpu.memref_slice %arg6[%dma_start3A_86, %dma_start3A_87] : memref<1792x32xf32, #tpu.memory_space<vmem>> -> memref<128x32xf32, #tpu.memory_space<vmem>>
    %dma_start3A_89 = arith.constant 1280 : i32
    %dma_start3A_90 = tpu.memref_slice %arg5[%dma_start3A_89] : memref<1792xi32, #tpu.memory_space<vmem>> -> memref<128xi32, #tpu.memory_space<vmem>>
    %dma_start3A_91 = arith.constant 0 : i32
    %dma_start3A_92 = arith.constant 0 : i32
    %dma_start3A_93 = tpu.memref_slice %arg7[%dma_start3A_91, %dma_start3A_92] : memref<8192x32xf32, #tpu.memory_space<vmem_shared>> -> memref<8192x32xf32, #tpu.memory_space<vmem_shared>>
    tpu.enqueue_indirect_dma source(%dma_start3A_93 : memref<8192x32xf32, #tpu.memory_space<vmem_shared>>) target(%dma_start3A_88 : memref<128x32xf32, #tpu.memory_space<vmem>>) offsets(%dma_start3A_90 : memref<128xi32, #tpu.memory_space<vmem>>) semaphore(%arg8 : memref<!tpu.dma_semaphore, #tpu.memory_space<semaphore_mem>>)
    %dma_start3A_94 = arith.constant 1408 : i32
    %dma_start3A_95 = arith.constant 0 : i32
    %dma_start3A_96 = tpu.memref_slice %arg6[%dma_start3A_94, %dma_start3A_95] : memref<1792x32xf32, #tpu.memory_space<vmem>> -> memref<128x32xf32, #tpu.memory_space<vmem>>
    %dma_start3A_97 = arith.constant 1408 : i32
    %dma_start3A_98 = tpu.memref_slice %arg5[%dma_start3A_97] : memref<1792xi32, #tpu.memory_space<vmem>> -> memref<128xi32, #tpu.memory_space<vmem>>
    %dma_start3A_99 = arith.constant 0 : i32
    %dma_start3A_100 = arith.constant 0 : i32
    %dma_start3A_101 = tpu.memref_slice %arg7[%dma_start3A_99, %dma_start3A_100] : memref<8192x32xf32, #tpu.memory_space<vmem_shared>> -> memref<8192x32xf32, #tpu.memory_space<vmem_shared>>
    tpu.enqueue_indirect_dma source(%dma_start3A_101 : memref<8192x32xf32, #tpu.memory_space<vmem_shared>>) target(%dma_start3A_96 : memref<128x32xf32, #tpu.memory_space<vmem>>) offsets(%dma_start3A_98 : memref<128xi32, #tpu.memory_space<vmem>>) semaphore(%arg8 : memref<!tpu.dma_semaphore, #tpu.memory_space<semaphore_mem>>)
    %dma_start3A_102 = arith.constant 1536 : i32
    %dma_start3A_103 = arith.constant 0 : i32
    %dma_start3A_104 = tpu.memref_slice %arg6[%dma_start3A_102, %dma_start3A_103] : memref<1792x32xf32, #tpu.memory_space<vmem>> -> memref<128x32xf32, #tpu.memory_space<vmem>>
    %dma_start3A_105 = arith.constant 1536 : i32
    %dma_start3A_106 = tpu.memref_slice %arg5[%dma_start3A_105] : memref<1792xi32, #tpu.memory_space<vmem>> -> memref<128xi32, #tpu.memory_space<vmem>>
    %dma_start3A_107 = arith.constant 0 : i32
    %dma_start3A_108 = arith.constant 0 : i32
    %dma_start3A_109 = tpu.memref_slice %arg7[%dma_start3A_107, %dma_start3A_108] : memref<8192x32xf32, #tpu.memory_space<vmem_shared>> -> memref<8192x32xf32, #tpu.memory_space<vmem_shared>>
    tpu.enqueue_indirect_dma source(%dma_start3A_109 : memref<8192x32xf32, #tpu.memory_space<vmem_shared>>) target(%dma_start3A_104 : memref<128x32xf32, #tpu.memory_space<vmem>>) offsets(%dma_start3A_106 : memref<128xi32, #tpu.memory_space<vmem>>) semaphore(%arg8 : memref<!tpu.dma_semaphore, #tpu.memory_space<semaphore_mem>>)
    %dma_start3A_110 = arith.constant 1664 : i32
    %dma_start3A_111 = arith.constant 0 : i32
    %dma_start3A_112 = tpu.memref_slice %arg6[%dma_start3A_110, %dma_start3A_111] : memref<1792x32xf32, #tpu.memory_space<vmem>> -> memref<128x32xf32, #tpu.memory_space<vmem>>
    %dma_start3A_113 = arith.constant 1664 : i32
    %dma_start3A_114 = tpu.memref_slice %arg5[%dma_start3A_113] : memref<1792xi32, #tpu.memory_space<vmem>> -> memref<128xi32, #tpu.memory_space<vmem>>
    %dma_start3A_115 = arith.constant 0 : i32
    %dma_start3A_116 = arith.constant 0 : i32
    %dma_start3A_117 = tpu.memref_slice %arg7[%dma_start3A_115, %dma_start3A_116] : memref<8192x32xf32, #tpu.memory_space<vmem_shared>> -> memref<8192x32xf32, #tpu.memory_space<vmem_shared>>
    tpu.enqueue_indirect_dma source(%dma_start3A_117 : memref<8192x32xf32, #tpu.memory_space<vmem_shared>>) target(%dma_start3A_112 : memref<128x32xf32, #tpu.memory_space<vmem>>) offsets(%dma_start3A_114 : memref<128xi32, #tpu.memory_space<vmem>>) semaphore(%arg8 : memref<!tpu.dma_semaphore, #tpu.memory_space<semaphore_mem>>)
    %dma_wait3A = arith.constant 0 : i32
    %dma_wait3A_118 = arith.constant 0 : i32
    %dma_wait3A_119 = tpu.memref_slice %arg6[%dma_wait3A, %dma_wait3A_118] : memref<1792x32xf32, #tpu.memory_space<vmem>> -> memref<128x32xf32, #tpu.memory_space<vmem>>
    %dma_wait3A_120 = arith.constant 0 : i32
    %dma_wait3A_121 = tpu.memref_slice %arg5[%dma_wait3A_120] : memref<1792xi32, #tpu.memory_space<vmem>> -> memref<128xi32, #tpu.memory_space<vmem>>
    %dma_wait3A_122 = arith.constant 0 : i32
    %dma_wait3A_123 = arith.constant 0 : i32
    %dma_wait3A_124 = tpu.memref_slice %arg7[%dma_wait3A_122, %dma_wait3A_123] : memref<8192x32xf32, #tpu.memory_space<vmem_shared>> -> memref<8192x32xf32, #tpu.memory_space<vmem_shared>>
    tpu.wait_indirect_dma semaphore(%arg8 : memref<!tpu.dma_semaphore, #tpu.memory_space<semaphore_mem>>) src(%dma_wait3A_124 : memref<8192x32xf32, #tpu.memory_space<vmem_shared>>) dst(%dma_wait3A_119 : memref<128x32xf32, #tpu.memory_space<vmem>>)
    %dma_wait3A_125 = arith.constant 128 : i32
    %dma_wait3A_126 = arith.constant 0 : i32
    %dma_wait3A_127 = tpu.memref_slice %arg6[%dma_wait3A_125, %dma_wait3A_126] : memref<1792x32xf32, #tpu.memory_space<vmem>> -> memref<128x32xf32, #tpu.memory_space<vmem>>
    %dma_wait3A_128 = arith.constant 128 : i32
    %dma_wait3A_129 = tpu.memref_slice %arg5[%dma_wait3A_128] : memref<1792xi32, #tpu.memory_space<vmem>> -> memref<128xi32, #tpu.memory_space<vmem>>
    %dma_wait3A_130 = arith.constant 0 : i32
    %dma_wait3A_131 = arith.constant 0 : i32
    %dma_wait3A_132 = tpu.memref_slice %arg7[%dma_wait3A_130, %dma_wait3A_131] : memref<8192x32xf32, #tpu.memory_space<vmem_shared>> -> memref<8192x32xf32, #tpu.memory_space<vmem_shared>>
    tpu.wait_indirect_dma semaphore(%arg8 : memref<!tpu.dma_semaphore, #tpu.memory_space<semaphore_mem>>) src(%dma_wait3A_132 : memref<8192x32xf32, #tpu.memory_space<vmem_shared>>) dst(%dma_wait3A_127 : memref<128x32xf32, #tpu.memory_space<vmem>>)
    %dma_wait3A_133 = arith.constant 256 : i32
    %dma_wait3A_134 = arith.constant 0 : i32
    %dma_wait3A_135 = tpu.memref_slice %arg6[%dma_wait3A_133, %dma_wait3A_134] : memref<1792x32xf32, #tpu.memory_space<vmem>> -> memref<128x32xf32, #tpu.memory_space<vmem>>
    %dma_wait3A_136 = arith.constant 256 : i32
    %dma_wait3A_137 = tpu.memref_slice %arg5[%dma_wait3A_136] : memref<1792xi32, #tpu.memory_space<vmem>> -> memref<128xi32, #tpu.memory_space<vmem>>
    %dma_wait3A_138 = arith.constant 0 : i32
    %dma_wait3A_139 = arith.constant 0 : i32
    %dma_wait3A_140 = tpu.memref_slice %arg7[%dma_wait3A_138, %dma_wait3A_139] : memref<8192x32xf32, #tpu.memory_space<vmem_shared>> -> memref<8192x32xf32, #tpu.memory_space<vmem_shared>>
    tpu.wait_indirect_dma semaphore(%arg8 : memref<!tpu.dma_semaphore, #tpu.memory_space<semaphore_mem>>) src(%dma_wait3A_140 : memref<8192x32xf32, #tpu.memory_space<vmem_shared>>) dst(%dma_wait3A_135 : memref<128x32xf32, #tpu.memory_space<vmem>>)
    %dma_wait3A_141 = arith.constant 384 : i32
    %dma_wait3A_142 = arith.constant 0 : i32
    %dma_wait3A_143 = tpu.memref_slice %arg6[%dma_wait3A_141, %dma_wait3A_142] : memref<1792x32xf32, #tpu.memory_space<vmem>> -> memref<128x32xf32, #tpu.memory_space<vmem>>
    %dma_wait3A_144 = arith.constant 384 : i32
    %dma_wait3A_145 = tpu.memref_slice %arg5[%dma_wait3A_144] : memref<1792xi32, #tpu.memory_space<vmem>> -> memref<128xi32, #tpu.memory_space<vmem>>
    %dma_wait3A_146 = arith.constant 0 : i32
    %dma_wait3A_147 = arith.constant 0 : i32
    %dma_wait3A_148 = tpu.memref_slice %arg7[%dma_wait3A_146, %dma_wait3A_147] : memref<8192x32xf32, #tpu.memory_space<vmem_shared>> -> memref<8192x32xf32, #tpu.memory_space<vmem_shared>>
    tpu.wait_indirect_dma semaphore(%arg8 : memref<!tpu.dma_semaphore, #tpu.memory_space<semaphore_mem>>) src(%dma_wait3A_148 : memref<8192x32xf32, #tpu.memory_space<vmem_shared>>) dst(%dma_wait3A_143 : memref<128x32xf32, #tpu.memory_space<vmem>>)
    %dma_wait3A_149 = arith.constant 512 : i32
    %dma_wait3A_150 = arith.constant 0 : i32
    %dma_wait3A_151 = tpu.memref_slice %arg6[%dma_wait3A_149, %dma_wait3A_150] : memref<1792x32xf32, #tpu.memory_space<vmem>> -> memref<128x32xf32, #tpu.memory_space<vmem>>
    %dma_wait3A_152 = arith.constant 512 : i32
    %dma_wait3A_153 = tpu.memref_slice %arg5[%dma_wait3A_152] : memref<1792xi32, #tpu.memory_space<vmem>> -> memref<128xi32, #tpu.memory_space<vmem>>
    %dma_wait3A_154 = arith.constant 0 : i32
    %dma_wait3A_155 = arith.constant 0 : i32
    %dma_wait3A_156 = tpu.memref_slice %arg7[%dma_wait3A_154, %dma_wait3A_155] : memref<8192x32xf32, #tpu.memory_space<vmem_shared>> -> memref<8192x32xf32, #tpu.memory_space<vmem_shared>>
    tpu.wait_indirect_dma semaphore(%arg8 : memref<!tpu.dma_semaphore, #tpu.memory_space<semaphore_mem>>) src(%dma_wait3A_156 : memref<8192x32xf32, #tpu.memory_space<vmem_shared>>) dst(%dma_wait3A_151 : memref<128x32xf32, #tpu.memory_space<vmem>>)
    %dma_wait3A_157 = arith.constant 640 : i32
    %dma_wait3A_158 = arith.constant 0 : i32
    %dma_wait3A_159 = tpu.memref_slice %arg6[%dma_wait3A_157, %dma_wait3A_158] : memref<1792x32xf32, #tpu.memory_space<vmem>> -> memref<128x32xf32, #tpu.memory_space<vmem>>
    %dma_wait3A_160 = arith.constant 640 : i32
    %dma_wait3A_161 = tpu.memref_slice %arg5[%dma_wait3A_160] : memref<1792xi32, #tpu.memory_space<vmem>> -> memref<128xi32, #tpu.memory_space<vmem>>
    %dma_wait3A_162 = arith.constant 0 : i32
    %dma_wait3A_163 = arith.constant 0 : i32
    %dma_wait3A_164 = tpu.memref_slice %arg7[%dma_wait3A_162, %dma_wait3A_163] : memref<8192x32xf32, #tpu.memory_space<vmem_shared>> -> memref<8192x32xf32, #tpu.memory_space<vmem_shared>>
    tpu.wait_indirect_dma semaphore(%arg8 : memref<!tpu.dma_semaphore, #tpu.memory_space<semaphore_mem>>) src(%dma_wait3A_164 : memref<8192x32xf32, #tpu.memory_space<vmem_shared>>) dst(%dma_wait3A_159 : memref<128x32xf32, #tpu.memory_space<vmem>>)
    %dma_wait3A_165 = arith.constant 768 : i32
    %dma_wait3A_166 = arith.constant 0 : i32
    %dma_wait3A_167 = tpu.memref_slice %arg6[%dma_wait3A_165, %dma_wait3A_166] : memref<1792x32xf32, #tpu.memory_space<vmem>> -> memref<128x32xf32, #tpu.memory_space<vmem>>
    %dma_wait3A_168 = arith.constant 768 : i32
    %dma_wait3A_169 = tpu.memref_slice %arg5[%dma_wait3A_168] : memref<1792xi32, #tpu.memory_space<vmem>> -> memref<128xi32, #tpu.memory_space<vmem>>
    %dma_wait3A_170 = arith.constant 0 : i32
    %dma_wait3A_171 = arith.constant 0 : i32
    %dma_wait3A_172 = tpu.memref_slice %arg7[%dma_wait3A_170, %dma_wait3A_171] : memref<8192x32xf32, #tpu.memory_space<vmem_shared>> -> memref<8192x32xf32, #tpu.memory_space<vmem_shared>>
    tpu.wait_indirect_dma semaphore(%arg8 : memref<!tpu.dma_semaphore, #tpu.memory_space<semaphore_mem>>) src(%dma_wait3A_172 : memref<8192x32xf32, #tpu.memory_space<vmem_shared>>) dst(%dma_wait3A_167 : memref<128x32xf32, #tpu.memory_space<vmem>>)
    %dma_wait3A_173 = arith.constant 896 : i32
    %dma_wait3A_174 = arith.constant 0 : i32
    %dma_wait3A_175 = tpu.memref_slice %arg6[%dma_wait3A_173, %dma_wait3A_174] : memref<1792x32xf32, #tpu.memory_space<vmem>> -> memref<128x32xf32, #tpu.memory_space<vmem>>
    %dma_wait3A_176 = arith.constant 896 : i32
    %dma_wait3A_177 = tpu.memref_slice %arg5[%dma_wait3A_176] : memref<1792xi32, #tpu.memory_space<vmem>> -> memref<128xi32, #tpu.memory_space<vmem>>
    %dma_wait3A_178 = arith.constant 0 : i32
    %dma_wait3A_179 = arith.constant 0 : i32
    %dma_wait3A_180 = tpu.memref_slice %arg7[%dma_wait3A_178, %dma_wait3A_179] : memref<8192x32xf32, #tpu.memory_space<vmem_shared>> -> memref<8192x32xf32, #tpu.memory_space<vmem_shared>>
    tpu.wait_indirect_dma semaphore(%arg8 : memref<!tpu.dma_semaphore, #tpu.memory_space<semaphore_mem>>) src(%dma_wait3A_180 : memref<8192x32xf32, #tpu.memory_space<vmem_shared>>) dst(%dma_wait3A_175 : memref<128x32xf32, #tpu.memory_space<vmem>>)
    %dma_wait3A_181 = arith.constant 1024 : i32
    %dma_wait3A_182 = arith.constant 0 : i32
    %dma_wait3A_183 = tpu.memref_slice %arg6[%dma_wait3A_181, %dma_wait3A_182] : memref<1792x32xf32, #tpu.memory_space<vmem>> -> memref<128x32xf32, #tpu.memory_space<vmem>>
    %dma_wait3A_184 = arith.constant 1024 : i32
    %dma_wait3A_185 = tpu.memref_slice %arg5[%dma_wait3A_184] : memref<1792xi32, #tpu.memory_space<vmem>> -> memref<128xi32, #tpu.memory_space<vmem>>
    %dma_wait3A_186 = arith.constant 0 : i32
    %dma_wait3A_187 = arith.constant 0 : i32
    %dma_wait3A_188 = tpu.memref_slice %arg7[%dma_wait3A_186, %dma_wait3A_187] : memref<8192x32xf32, #tpu.memory_space<vmem_shared>> -> memref<8192x32xf32, #tpu.memory_space<vmem_shared>>
    tpu.wait_indirect_dma semaphore(%arg8 : memref<!tpu.dma_semaphore, #tpu.memory_space<semaphore_mem>>) src(%dma_wait3A_188 : memref<8192x32xf32, #tpu.memory_space<vmem_shared>>) dst(%dma_wait3A_183 : memref<128x32xf32, #tpu.memory_space<vmem>>)
    %dma_wait3A_189 = arith.constant 1152 : i32
    %dma_wait3A_190 = arith.constant 0 : i32
    %dma_wait3A_191 = tpu.memref_slice %arg6[%dma_wait3A_189, %dma_wait3A_190] : memref<1792x32xf32, #tpu.memory_space<vmem>> -> memref<128x32xf32, #tpu.memory_space<vmem>>
    %dma_wait3A_192 = arith.constant 1152 : i32
    %dma_wait3A_193 = tpu.memref_slice %arg5[%dma_wait3A_192] : memref<1792xi32, #tpu.memory_space<vmem>> -> memref<128xi32, #tpu.memory_space<vmem>>
    %dma_wait3A_194 = arith.constant 0 : i32
    %dma_wait3A_195 = arith.constant 0 : i32
    %dma_wait3A_196 = tpu.memref_slice %arg7[%dma_wait3A_194, %dma_wait3A_195] : memref<8192x32xf32, #tpu.memory_space<vmem_shared>> -> memref<8192x32xf32, #tpu.memory_space<vmem_shared>>
    tpu.wait_indirect_dma semaphore(%arg8 : memref<!tpu.dma_semaphore, #tpu.memory_space<semaphore_mem>>) src(%dma_wait3A_196 : memref<8192x32xf32, #tpu.memory_space<vmem_shared>>) dst(%dma_wait3A_191 : memref<128x32xf32, #tpu.memory_space<vmem>>)
    %dma_wait3A_197 = arith.constant 1280 : i32
    %dma_wait3A_198 = arith.constant 0 : i32
    %dma_wait3A_199 = tpu.memref_slice %arg6[%dma_wait3A_197, %dma_wait3A_198] : memref<1792x32xf32, #tpu.memory_space<vmem>> -> memref<128x32xf32, #tpu.memory_space<vmem>>
    %dma_wait3A_200 = arith.constant 1280 : i32
    %dma_wait3A_201 = tpu.memref_slice %arg5[%dma_wait3A_200] : memref<1792xi32, #tpu.memory_space<vmem>> -> memref<128xi32, #tpu.memory_space<vmem>>
    %dma_wait3A_202 = arith.constant 0 : i32
    %dma_wait3A_203 = arith.constant 0 : i32
    %dma_wait3A_204 = tpu.memref_slice %arg7[%dma_wait3A_202, %dma_wait3A_203] : memref<8192x32xf32, #tpu.memory_space<vmem_shared>> -> memref<8192x32xf32, #tpu.memory_space<vmem_shared>>
    tpu.wait_indirect_dma semaphore(%arg8 : memref<!tpu.dma_semaphore, #tpu.memory_space<semaphore_mem>>) src(%dma_wait3A_204 : memref<8192x32xf32, #tpu.memory_space<vmem_shared>>) dst(%dma_wait3A_199 : memref<128x32xf32, #tpu.memory_space<vmem>>)
    %dma_wait3A_205 = arith.constant 1408 : i32
    %dma_wait3A_206 = arith.constant 0 : i32
    %dma_wait3A_207 = tpu.memref_slice %arg6[%dma_wait3A_205, %dma_wait3A_206] : memref<1792x32xf32, #tpu.memory_space<vmem>> -> memref<128x32xf32, #tpu.memory_space<vmem>>
    %dma_wait3A_208 = arith.constant 1408 : i32
    %dma_wait3A_209 = tpu.memref_slice %arg5[%dma_wait3A_208] : memref<1792xi32, #tpu.memory_space<vmem>> -> memref<128xi32, #tpu.memory_space<vmem>>
    %dma_wait3A_210 = arith.constant 0 : i32
    %dma_wait3A_211 = arith.constant 0 : i32
    %dma_wait3A_212 = tpu.memref_slice %arg7[%dma_wait3A_210, %dma_wait3A_211] : memref<8192x32xf32, #tpu.memory_space<vmem_shared>> -> memref<8192x32xf32, #tpu.memory_space<vmem_shared>>
    tpu.wait_indirect_dma semaphore(%arg8 : memref<!tpu.dma_semaphore, #tpu.memory_space<semaphore_mem>>) src(%dma_wait3A_212 : memref<8192x32xf32, #tpu.memory_space<vmem_shared>>) dst(%dma_wait3A_207 : memref<128x32xf32, #tpu.memory_space<vmem>>)
    %dma_wait3A_213 = arith.constant 1536 : i32
    %dma_wait3A_214 = arith.constant 0 : i32
    %dma_wait3A_215 = tpu.memref_slice %arg6[%dma_wait3A_213, %dma_wait3A_214] : memref<1792x32xf32, #tpu.memory_space<vmem>> -> memref<128x32xf32, #tpu.memory_space<vmem>>
    %dma_wait3A_216 = arith.constant 1536 : i32
    %dma_wait3A_217 = tpu.memref_slice %arg5[%dma_wait3A_216] : memref<1792xi32, #tpu.memory_space<vmem>> -> memref<128xi32, #tpu.memory_space<vmem>>
    %dma_wait3A_218 = arith.constant 0 : i32
    %dma_wait3A_219 = arith.constant 0 : i32
    %dma_wait3A_220 = tpu.memref_slice %arg7[%dma_wait3A_218, %dma_wait3A_219] : memref<8192x32xf32, #tpu.memory_space<vmem_shared>> -> memref<8192x32xf32, #tpu.memory_space<vmem_shared>>
    tpu.wait_indirect_dma semaphore(%arg8 : memref<!tpu.dma_semaphore, #tpu.memory_space<semaphore_mem>>) src(%dma_wait3A_220 : memref<8192x32xf32, #tpu.memory_space<vmem_shared>>) dst(%dma_wait3A_215 : memref<128x32xf32, #tpu.memory_space<vmem>>)
    %dma_wait3A_221 = arith.constant 1664 : i32
    %dma_wait3A_222 = arith.constant 0 : i32
    %dma_wait3A_223 = tpu.memref_slice %arg6[%dma_wait3A_221, %dma_wait3A_222] : memref<1792x32xf32, #tpu.memory_space<vmem>> -> memref<128x32xf32, #tpu.memory_space<vmem>>
    %dma_wait3A_224 = arith.constant 1664 : i32
    %dma_wait3A_225 = tpu.memref_slice %arg5[%dma_wait3A_224] : memref<1792xi32, #tpu.memory_space<vmem>> -> memref<128xi32, #tpu.memory_space<vmem>>
    %dma_wait3A_226 = arith.constant 0 : i32
    %dma_wait3A_227 = arith.constant 0 : i32
    %dma_wait3A_228 = tpu.memref_slice %arg7[%dma_wait3A_226, %dma_wait3A_227] : memref<8192x32xf32, #tpu.memory_space<vmem_shared>> -> memref<8192x32xf32, #tpu.memory_space<vmem_shared>>
    tpu.wait_indirect_dma semaphore(%arg8 : memref<!tpu.dma_semaphore, #tpu.memory_space<semaphore_mem>>) src(%dma_wait3A_228 : memref<8192x32xf32, #tpu.memory_space<vmem_shared>>) dst(%dma_wait3A_223 : memref<128x32xf32, #tpu.memory_space<vmem>>)
    "tpu.region"() ({
      %run_scoped3A = tpu.sem_alloc : memref<!tpu.dma_semaphore, #tpu.memory_space<semaphore_mem>>
      %dma_start3A_229 = arith.constant 0 : i32
      %dma_start3A_230 = tpu.memref_slice %arg4[%mul3A_2, %dma_start3A_229] : memref<57344x128xf32, #tpu.memory_space<hbm>> -> memref<1792x32xf32, #tpu.memory_space<hbm>>
      %dma_start3A_231 = arith.constant 0 : i32
      %dma_start3A_232 = tpu.memref_slice %arg4[%mul3A_2, %dma_start3A_231] : memref<57344x128xf32, #tpu.memory_space<hbm>> -> memref<1792x32xf32, #tpu.memory_space<hbm>>
      tpu.enqueue_dma source(%arg6 : memref<1792x32xf32, #tpu.memory_space<vmem>>) target(%dma_start3A_232 : memref<1792x32xf32, #tpu.memory_space<hbm>>) target_semaphore(%run_scoped3A : memref<!tpu.dma_semaphore, #tpu.memory_space<semaphore_mem>>)
      %dma_wait3A_233 = arith.constant 0 : i32
      %dma_wait3A_234 = tpu.memref_slice %arg4[%mul3A_2, %dma_wait3A_233] : memref<57344x128xf32, #tpu.memory_space<hbm>> -> memref<1792x32xf32, #tpu.memory_space<hbm>>
      %dma_wait3A_235 = arith.constant 0 : i32
      %dma_wait3A_236 = tpu.memref_slice %arg4[%mul3A_2, %dma_wait3A_235] : memref<57344x128xf32, #tpu.memory_space<hbm>> -> memref<1792x32xf32, #tpu.memory_space<hbm>>
      tpu.wait_dma2 semaphore(%run_scoped3A : memref<!tpu.dma_semaphore, #tpu.memory_space<semaphore_mem>>) src(%arg6 : memref<1792x32xf32, #tpu.memory_space<vmem>>) dst(%dma_wait3A_236 : memref<1792x32xf32, #tpu.memory_space<hbm>>)
      tpu.yield
    }) : () -> ()
    return
  }
}

module attributes {stable_mosaic.version = 14 : i64} {
  func.func @_embed_body(%arg0: i32, %arg1: i32, %arg2: memref<4xi32, #tpu.memory_space<smem>>, %arg3: memref<1x512x1xi32, #tpu.memory_space<vmem>>, %arg4: memref<1x512x3xf32, #tpu.memory_space<vmem>>, %arg5: memref<2x16xf32, #tpu.memory_space<vmem>>, %arg6: memref<512x16xf32, #tpu.memory_space<vmem>>, %arg7: memref<1x512x32xf32, #tpu.memory_space<vmem>>, %arg8: memref<1x3x512xf32, #tpu.memory_space<vmem>>) attributes {dimension_semantics = [#tpu.dimension_semantics<arbitrary>, #tpu.dimension_semantics<arbitrary>], iteration_bounds = array<i64: 4, 4>, scalar_prefetch = 0 : i64, scratch_operands = 0 : i64, tpu.core_type = #tpu.core_type<tc>, window_params = [{transform_indices = @transform_0, window_bounds = array<i64: 4>}, {transform_indices = @transform_1, window_bounds = array<i64: 1, 512, 1>}, {transform_indices = @transform_2, window_bounds = array<i64: 1, 512, 3>}, {pipeline_mode = #tpu.pipeline_mode<synchronous>, transform_indices = @transform_3, window_bounds = array<i64: 2, 16>}, {transform_indices = @transform_4, window_bounds = array<i64: 512, 16>}, {transform_indices = @transform_5, window_bounds = array<i64: 1, 512, 32>}, {transform_indices = @transform_6, window_bounds = array<i64: 1, 3, 512>}]} {
    %get3A = arith.index_cast %arg0 : i32 to index
    %get3A_0 = memref.load %arg2[%get3A] : memref<4xi32, #tpu.memory_space<smem>>
    %get3A_1 = arith.constant 0 : index
    %get3A_2 = arith.constant 0 : index
    %get3A_3 = arith.constant 0 : index
    %get3A_4 = vector.load %arg3[%get3A_1, %get3A_2, %get3A_3] : memref<1x512x1xi32, #tpu.memory_space<vmem>>, vector<1x512x1xi32>
    %get3A_5 = vector.shape_cast %get3A_4 : vector<1x512x1xi32> to vector<512x1xi32>
    %eq3A = arith.constant 0 : i32
    %eq3A_6 = vector.broadcast %eq3A : i32 to vector<512x1xi32>
    %eq3A_7 = arith.cmpi eq, %get3A_5, %eq3A_6 : vector<512x1xi32>
    %get3A_8 = arith.constant 0 : index
    %get3A_9 = arith.constant 0 : index
    %get3A_10 = vector.load %arg5[%get3A_8, %get3A_9] : memref<2x16xf32, #tpu.memory_space<vmem>>, vector<1x16xf32>
    %get3A_11 = arith.constant 1 : index
    %get3A_12 = arith.constant 0 : index
    %get3A_13 = vector.load %arg5[%get3A_11, %get3A_12] : memref<2x16xf32, #tpu.memory_space<vmem>>, vector<1x16xf32>
    %broadcast_in_dim3A = vector.shape_cast %eq3A_7 : vector<512x1xi1> to vector<512x1xi1>
    %broadcast_in_dim3A_14 = vector.broadcast %broadcast_in_dim3A : vector<512x1xi1> to vector<512x16xi1>
    %broadcast_in_dim3A_15 = vector.shape_cast %get3A_10 : vector<1x16xf32> to vector<1x16xf32>
    %broadcast_in_dim3A_16 = vector.broadcast %broadcast_in_dim3A_15 : vector<1x16xf32> to vector<512x16xf32>
    %broadcast_in_dim3A_17 = vector.shape_cast %get3A_13 : vector<1x16xf32> to vector<1x16xf32>
    %broadcast_in_dim3A_18 = vector.broadcast %broadcast_in_dim3A_17 : vector<1x16xf32> to vector<512x16xf32>
    %select_n3A = arith.select %broadcast_in_dim3A_14, %broadcast_in_dim3A_16, %broadcast_in_dim3A_18 : vector<512x16xi1>, vector<512x16xf32>
    %get3A_19 = arith.constant 0 : index
    %get3A_20 = arith.constant 0 : index
    %get3A_21 = vector.load %arg6[%get3A_19, %get3A_20] : memref<512x16xf32, #tpu.memory_space<vmem>>, vector<512x16xf32>
    %add3A = arith.addf %select_n3A, %get3A_21 : vector<512x16xf32>
    %mul3A = arith.constant 512 : i32
    %mul3A_22 = arith.muli %arg1, %mul3A : i32
    %iota3A = tpu.iota {dimensions = array<i32: 0>} : vector<512x1xi32>
    %add3A_23 = vector.broadcast %mul3A_22 : i32 to vector<512x1xi32>
    %add3A_24 = arith.addi %add3A_23, %iota3A : vector<512x1xi32>
    %lt3A = vector.broadcast %get3A_0 : i32 to vector<512x1xi32>
    %lt3A_25 = arith.cmpi slt, %add3A_24, %lt3A : vector<512x1xi32>
    %convert_element_type3A = arith.extui %lt3A_25 : vector<512x1xi1> to vector<512x1xi32>
    %convert_element_type3A_26 = arith.sitofp %convert_element_type3A : vector<512x1xi32> to vector<512x1xf32>
    %broadcast_in_dim3A_27 = arith.constant 0.000000e+00 : f32
    %broadcast_in_dim3A_28 = vector.broadcast %broadcast_in_dim3A_27 : f32 to vector<512x12xf32>
    %get3A_29 = arith.constant 0 : index
    %get3A_30 = arith.constant 0 : index
    %get3A_31 = arith.constant 0 : index
    %get3A_32 = vector.load %arg4[%get3A_29, %get3A_30, %get3A_31] : memref<1x512x3xf32, #tpu.memory_space<vmem>>, vector<1x512x3xf32>
    %get3A_33 = vector.shape_cast %get3A_32 : vector<1x512x3xf32> to vector<512x3xf32>
    %concatenate3A = tpu.concatenate %add3A, %get3A_33, %convert_element_type3A_26, %broadcast_in_dim3A_28 in 1 : vector<512x16xf32>, vector<512x3xf32>, vector<512x1xf32>, vector<512x12xf32> -> vector<512x32xf32>
    %swap3A = arith.constant 0 : index
    %swap3A_34 = arith.constant 0 : index
    %swap3A_35 = arith.constant 0 : index
    %swap3A_36 = vector.load %arg7[%swap3A, %swap3A_34, %swap3A_35] : memref<1x512x32xf32, #tpu.memory_space<vmem>>, vector<1x512x32xf32>
    %swap3A_37 = vector.shape_cast %swap3A_36 : vector<1x512x32xf32> to vector<512x32xf32>
    %swap3A_38 = vector.shape_cast %concatenate3A : vector<512x32xf32> to vector<1x512x32xf32>
    tpu.vector_store %arg7[%swap3A, %swap3A_34, %swap3A_35], %swap3A_38 {strides = array<i32>} : memref<1x512x32xf32, #tpu.memory_space<vmem>>, vector<1x512x32xf32>,
    %transpose3A = tpu.transpose %get3A_33, [1, 0] : vector<512x3xf32> -> vector<3x512xf32>
    %swap3A_39 = arith.constant 0 : index
    %swap3A_40 = arith.constant 0 : index
    %swap3A_41 = arith.constant 0 : index
    %swap3A_42 = vector.load %arg8[%swap3A_39, %swap3A_40, %swap3A_41] : memref<1x3x512xf32, #tpu.memory_space<vmem>>, vector<1x3x512xf32>
    %swap3A_43 = vector.shape_cast %swap3A_42 : vector<1x3x512xf32> to vector<3x512xf32>
    %swap3A_44 = vector.shape_cast %transpose3A : vector<3x512xf32> to vector<1x3x512xf32>
    tpu.vector_store %arg8[%swap3A_39, %swap3A_40, %swap3A_41], %swap3A_44 {strides = array<i32>} : memref<1x3x512xf32, #tpu.memory_space<vmem>>, vector<1x3x512xf32>,
    return
  }
  func.func @transform_0(%arg0: i32, %arg1: i32) -> i32 {
    %c0_i32 = arith.constant 0 : i32
    %c0_i32_0 = arith.constant 0 : i32
    return %c0_i32 : i32
  }
  func.func @transform_1(%arg0: i32, %arg1: i32) -> (i32, i32, i32) {
    %c0_i32 = arith.constant 0 : i32
    %c0_i32_0 = arith.constant 0 : i32
    return %arg0, %arg1, %c0_i32 : i32, i32, i32
  }
  func.func @transform_2(%arg0: i32, %arg1: i32) -> (i32, i32, i32) {
    %c0_i32 = arith.constant 0 : i32
    %c0_i32_0 = arith.constant 0 : i32
    return %arg0, %arg1, %c0_i32 : i32, i32, i32
  }
  func.func @transform_3(%arg0: i32, %arg1: i32) -> (i32, i32) {
    %c0_i32 = arith.constant 0 : i32
    %c0_i32_0 = arith.constant 0 : i32
    %c0_i32_1 = arith.constant 0 : i32
    return %c0_i32, %c0_i32_0 : i32, i32
  }
  func.func @transform_4(%arg0: i32, %arg1: i32) -> (i32, i32) {
    %c0_i32 = arith.constant 0 : i32
    %c0_i32_0 = arith.constant 0 : i32
    return %arg1, %c0_i32 : i32, i32
  }
  func.func @transform_5(%arg0: i32, %arg1: i32) -> (i32, i32, i32) {
    %c0_i32 = arith.constant 0 : i32
    %c0_i32_0 = arith.constant 0 : i32
    return %arg0, %arg1, %c0_i32 : i32, i32, i32
  }
  func.func @transform_6(%arg0: i32, %arg1: i32) -> (i32, i32, i32) {
    %c0_i32 = arith.constant 0 : i32
    %c0_i32_0 = arith.constant 0 : i32
    return %arg0, %c0_i32, %arg1 : i32, i32, i32
  }
}

module attributes {stable_mosaic.version = 14 : i64} {
  func.func @_topk_body(%arg0: i32, %arg1: i32, %arg2: memref<4xi32, #tpu.memory_space<smem>>, %arg3: memref<1x512x32xf32, #tpu.memory_space<vmem>>, %arg4: memref<1x3x2048xf32, #tpu.memory_space<vmem>>, %arg5: memref<1x7x512xi32, #tpu.memory_space<vmem>>) attributes {dimension_semantics = [#tpu.dimension_semantics<arbitrary>, #tpu.dimension_semantics<arbitrary>], iteration_bounds = array<i64: 4, 4>, scalar_prefetch = 0 : i64, scratch_operands = 0 : i64, tpu.core_type = #tpu.core_type<tc>, window_params = [{transform_indices = @transform_0, window_bounds = array<i64: 4>}, {transform_indices = @transform_1, window_bounds = array<i64: 1, 512, 32>}, {transform_indices = @transform_2, window_bounds = array<i64: 1, 3, 2048>}, {transform_indices = @transform_3, window_bounds = array<i64: 1, 7, 512>}]} {
    %get3A = arith.index_cast %arg0 : i32 to index
    %get3A_0 = memref.load %arg2[%get3A] : memref<4xi32, #tpu.memory_space<smem>>
    %mul3A = arith.constant 512 : i32
    %mul3A_1 = arith.muli %arg1, %mul3A : i32
    %ge3A = arith.cmpi sge, %mul3A_1, %get3A_0 : i32
    %convert_element_type3A = arith.extui %ge3A : i1 to i32
    %cond3A = arith.constant 0 : i32
    %cond3A_2 = arith.cmpi ne, %convert_element_type3A, %cond3A : i32
    scf.if %cond3A_2 {
      %mul3A_54 = arith.constant 2048 : i32
      %mul3A_55 = arith.muli %arg0, %mul3A_54 : i32
      %broadcast_in_dim3A = vector.broadcast %mul3A_55 : i32 to vector<7x512xi32>
      %swap3A = arith.constant 0 : index
      %swap3A_56 = arith.constant 0 : index
      %swap3A_57 = arith.constant 0 : index
      %swap3A_58 = vector.load %arg5[%swap3A, %swap3A_56, %swap3A_57] : memref<1x7x512xi32, #tpu.memory_space<vmem>>, vector<1x7x512xi32>
      %swap3A_59 = vector.shape_cast %swap3A_58 : vector<1x7x512xi32> to vector<7x512xi32>
      %swap3A_60 = vector.shape_cast %broadcast_in_dim3A : vector<7x512xi32> to vector<1x7x512xi32>
      tpu.vector_store %arg5[%swap3A, %swap3A_56, %swap3A_57], %swap3A_60 {strides = array<i32>} : memref<1x7x512xi32, #tpu.memory_space<vmem>>, vector<1x7x512xi32>,
    } else {
    }
    %add3A = arith.constant 511 : i32
    %add3A_3 = arith.addi %get3A_0, %add3A : i32
    %jit3A = arith.constant 512 : i32
    %div3A = arith.divsi %add3A_3, %jit3A : i32
    %sign3A = arith.constant 0 : i32
    %sign3A_4 = arith.cmpi sgt, %add3A_3, %sign3A : i32
    %sign3A_5 = arith.extui %sign3A_4 : i1 to i32
    %sign3A_6 = arith.constant 0 : i32
    %sign3A_7 = arith.cmpi slt, %add3A_3, %sign3A_6 : i32
    %sign3A_8 = arith.extui %sign3A_7 : i1 to i32
    %sign3A_9 = arith.subi %sign3A_5, %sign3A_8 : i32
    %sign3A_10 = arith.constant 0 : i32
    %sign3A_11 = arith.cmpi sgt, %jit3A, %sign3A_10 : i32
    %sign3A_12 = arith.extui %sign3A_11 : i1 to i32
    %sign3A_13 = arith.constant 0 : i32
    %sign3A_14 = arith.cmpi slt, %jit3A, %sign3A_13 : i32
    %sign3A_15 = arith.extui %sign3A_14 : i1 to i32
    %sign3A_16 = arith.subi %sign3A_12, %sign3A_15 : i32
    %ne3A = arith.cmpi ne, %sign3A_9, %sign3A_16 : i32
    %rem3A = arith.remsi %add3A_3, %jit3A : i32
    %ne3A_17 = arith.constant 0 : i32
    %ne3A_18 = arith.cmpi ne, %rem3A, %ne3A_17 : i32
    %and3A = arith.andi %ne3A, %ne3A_18 : i1
    %sub3A = arith.constant 1 : i32
    %sub3A_19 = arith.subi %div3A, %sub3A : i32
    %select_n3A = arith.select %and3A, %sub3A_19, %div3A : i32
    %mul3A_20 = arith.constant 512 : i32
    %mul3A_21 = arith.muli %arg1, %mul3A_20 : i32
    %lt3A = arith.cmpi slt, %mul3A_21, %get3A_0 : i32
    %eq3A = arith.constant 1 : i32
    %eq3A_22 = arith.cmpi eq, %select_n3A, %eq3A : i32
    %and3A_23 = arith.andi %lt3A, %eq3A_22 : i1
    %convert_element_type3A_24 = arith.extui %and3A_23 : i1 to i32
    %cond3A_25 = arith.constant 0 : i32
    %cond3A_26 = arith.cmpi ne, %convert_element_type3A_24, %cond3A_25 : i32
    scf.if %cond3A_26 {
      %get3A_54 = arith.constant 0 : index
      %get3A_55 = arith.constant 0 : index
      %get3A_56 = arith.constant 0 : index
      %get3A_57 = vector.load %arg3[%get3A_54, %get3A_55, %get3A_56] : memref<1x512x32xf32, #tpu.memory_space<vmem>>, vector<1x512x32xf32>
      %get3A_58 = vector.shape_cast %get3A_57 : vector<1x512x32xf32> to vector<512x32xf32>
      %slice3A = vector.extract_strided_slice %get3A_58 {offsets = [0, 16], sizes = [512, 3], strides = [1, 1]} : vector<512x32xf32> to vector<512x3xf32>
      %get3A_59 = arith.constant 0 : index
      %get3A_60 = arith.constant 0 : index
      %get3A_61 = arith.constant 0 : index
      %get3A_62 = vector.load %arg4[%get3A_59, %get3A_60, %get3A_61] : memref<1x3x2048xf32, #tpu.memory_space<vmem>>, vector<1x3x2048xf32>
      %get3A_63 = vector.shape_cast %get3A_62 : vector<1x3x2048xf32> to vector<3x2048xf32>
      %slice3A_64 = vector.extract_strided_slice %get3A_63 {offsets = [0, 0], sizes = [3, 512], strides = [1, 1]} : vector<3x2048xf32> to vector<3x512xf32>
      %mul3A_65 = arith.constant 512 : i32
      %mul3A_66 = arith.muli %arg1, %mul3A_65 : i32
      %iota3A = tpu.iota {dimensions = array<i32: 0>} : vector<512x1xi32>
      %add3A_67 = vector.broadcast %mul3A_66 : i32 to vector<512x1xi32>
      %add3A_68 = arith.addi %add3A_67, %iota3A : vector<512x1xi32>
      %iota3A_69 = tpu.iota {dimensions = array<i32: 1>} : vector<1x512xi32>
      %slice3A_70 = vector.extract_strided_slice %slice3A {offsets = [0, 0], sizes = [512, 1], strides = [1, 1]} : vector<512x3xf32> to vector<512x1xf32>
      %slice3A_71 = vector.extract_strided_slice %slice3A {offsets = [0, 0], sizes = [512, 1], strides = [1, 1]} : vector<512x3xf32> to vector<512x1xf32>
      %mul3A_72 = arith.mulf %slice3A_70, %slice3A_71 : vector<512x1xf32>
      %slice3A_73 = vector.extract_strided_slice %slice3A {offsets = [0, 1], sizes = [512, 1], strides = [1, 1]} : vector<512x3xf32> to vector<512x1xf32>
      %slice3A_74 = vector.extract_strided_slice %slice3A {offsets = [0, 1], sizes = [512, 1], strides = [1, 1]} : vector<512x3xf32> to vector<512x1xf32>
      %mul3A_75 = arith.mulf %slice3A_73, %slice3A_74 : vector<512x1xf32>
      %add3A_76 = arith.addf %mul3A_72, %mul3A_75 : vector<512x1xf32>
      %slice3A_77 = vector.extract_strided_slice %slice3A {offsets = [0, 2], sizes = [512, 1], strides = [1, 1]} : vector<512x3xf32> to vector<512x1xf32>
      %slice3A_78 = vector.extract_strided_slice %slice3A {offsets = [0, 2], sizes = [512, 1], strides = [1, 1]} : vector<512x3xf32> to vector<512x1xf32>
      %mul3A_79 = arith.mulf %slice3A_77, %slice3A_78 : vector<512x1xf32>
      %add3A_80 = arith.addf %add3A_76, %mul3A_79 : vector<512x1xf32>
      %slice3A_81 = vector.extract_strided_slice %slice3A_64 {offsets = [0, 0], sizes = [1, 512], strides = [1, 1]} : vector<3x512xf32> to vector<1x512xf32>
      %slice3A_82 = vector.extract_strided_slice %slice3A_64 {offsets = [0, 0], sizes = [1, 512], strides = [1, 1]} : vector<3x512xf32> to vector<1x512xf32>
      %mul3A_83 = arith.mulf %slice3A_81, %slice3A_82 : vector<1x512xf32>
      %slice3A_84 = vector.extract_strided_slice %slice3A_64 {offsets = [1, 0], sizes = [1, 512], strides = [1, 1]} : vector<3x512xf32> to vector<1x512xf32>
      %slice3A_85 = vector.extract_strided_slice %slice3A_64 {offsets = [1, 0], sizes = [1, 512], strides = [1, 1]} : vector<3x512xf32> to vector<1x512xf32>
      %mul3A_86 = arith.mulf %slice3A_84, %slice3A_85 : vector<1x512xf32>
      %add3A_87 = arith.addf %mul3A_83, %mul3A_86 : vector<1x512xf32>
      %slice3A_88 = vector.extract_strided_slice %slice3A_64 {offsets = [2, 0], sizes = [1, 512], strides = [1, 1]} : vector<3x512xf32> to vector<1x512xf32>
      %slice3A_89 = vector.extract_strided_slice %slice3A_64 {offsets = [2, 0], sizes = [1, 512], strides = [1, 1]} : vector<3x512xf32> to vector<1x512xf32>
      %mul3A_90 = arith.mulf %slice3A_88, %slice3A_89 : vector<1x512xf32>
      %add3A_91 = arith.addf %add3A_87, %mul3A_90 : vector<1x512xf32>
      %add3A_92 = vector.broadcast %add3A_80 : vector<512x1xf32> to vector<512x512xf32>
      %add3A_93 = vector.broadcast %add3A_91 : vector<1x512xf32> to vector<512x512xf32>
      %add3A_94 = arith.addf %add3A_92, %add3A_93 : vector<512x512xf32>
      %dot_general3A = arith.constant dense<0.000000e+00> : vector<512x512xf32>
      %dot_general3A_95 = tpu.matmul %slice3A, %slice3A_64, %dot_general3A {dimension_numbers = #tpu.dot_dimension_numbers<[1], [0], [0], [1], [0, 0, 1, 1], [], []>, transpose_lhs_hint = false} : vector<512x3xf32>, vector<3x512xf32>, vector<512x512xf32> -> vector<512x512xf32>
      %mul3A_96 = arith.constant 2.000000e+00 : f32
      %mul3A_97 = vector.broadcast %mul3A_96 : f32 to vector<512x512xf32>
      %mul3A_98 = arith.mulf %mul3A_97, %dot_general3A_95 : vector<512x512xf32>
      %sub3A_99 = arith.subf %add3A_94, %mul3A_98 : vector<512x512xf32>
      %lt3A_100 = vector.broadcast %get3A_0 : i32 to vector<512x1xi32>
      %lt3A_101 = arith.cmpi slt, %add3A_68, %lt3A_100 : vector<512x1xi32>
      %lt3A_102 = vector.broadcast %get3A_0 : i32 to vector<1x512xi32>
      %lt3A_103 = arith.cmpi slt, %iota3A_69, %lt3A_102 : vector<1x512xi32>
      %and3A_104 = vector.broadcast %lt3A_101 : vector<512x1xi1> to vector<512x512xi1>
      %and3A_105 = vector.broadcast %lt3A_103 : vector<1x512xi1> to vector<512x512xi1>
      %and3A_106 = arith.andi %and3A_104, %and3A_105 : vector<512x512xi1>
      %jit3A_107 = arith.constant 1.000000e+05 : f32
      %broadcast_in_dim3A = vector.broadcast %jit3A_107 : f32 to vector<512x512xf32>
      %select_n3A_108 = arith.select %and3A_106, %sub3A_99, %broadcast_in_dim3A : vector<512x512xi1>, vector<512x512xf32>
      %eq3A_109 = vector.broadcast %add3A_68 : vector<512x1xi32> to vector<512x512xi32>
      %eq3A_110 = vector.broadcast %iota3A_69 : vector<1x512xi32> to vector<512x512xi32>
      %eq3A_111 = arith.cmpi eq, %eq3A_109, %eq3A_110 : vector<512x512xi32>
      %jit3A_112 = arith.constant 0x7F800000 : f32
      %broadcast_in_dim3A_113 = vector.broadcast %jit3A_112 : f32 to vector<512x512xf32>
      %select_n3A_114 = arith.select %eq3A_111, %broadcast_in_dim3A_113, %select_n3A_108 : vector<512x512xi1>, vector<512x512xf32>
      %sub3A_115 = vector.broadcast %add3A_68 : vector<512x1xi32> to vector<512x512xi32>
      %sub3A_116 = vector.broadcast %iota3A_69 : vector<1x512xi32> to vector<512x512xi32>
      %sub3A_117 = arith.subi %sub3A_115, %sub3A_116 : vector<512x512xi32>
      %abs3A = math.absi %sub3A_117 : vector<512x512xi32>
      %eq3A_118 = arith.constant 1 : i32
      %eq3A_119 = vector.broadcast %eq3A_118 : i32 to vector<512x512xi32>
      %eq3A_120 = arith.cmpi eq, %abs3A, %eq3A_119 : vector<512x512xi32>
      %max3A = vector.broadcast %add3A_68 : vector<512x1xi32> to vector<512x512xi32>
      %max3A_121 = vector.broadcast %iota3A_69 : vector<1x512xi32> to vector<512x512xi32>
      %max3A_122 = arith.maxsi %max3A, %max3A_121 : vector<512x512xi32>
      %lt3A_123 = vector.broadcast %get3A_0 : i32 to vector<512x512xi32>
      %lt3A_124 = arith.cmpi slt, %max3A_122, %lt3A_123 : vector<512x512xi32>
      %and3A_125 = arith.andi %eq3A_120, %lt3A_124 : vector<512x512xi1>
      %jit3A_126 = arith.constant 0.000000e+00 : f32
      %broadcast_in_dim3A_127 = vector.broadcast %jit3A_126 : f32 to vector<512x512xf32>
      %select_n3A_128 = arith.select %and3A_125, %broadcast_in_dim3A_127, %select_n3A_114 : vector<512x512xi1>, vector<512x512xf32>
      %convert_element_type3A_129 = arith.sitofp %iota3A_69 : vector<1x512xi32> to vector<1x512xf32>
      %reduce_min3A = arith.constant dense<0x7F800000> : vector<512xf32>
      %reduce_min3A_130 = vector.multi_reduction <minimumf>, %select_n3A_128, %reduce_min3A [1] : vector<512x512xf32> to vector<512xf32>
      %broadcast_in_dim3A_131 = vector.shape_cast %reduce_min3A_130 : vector<512xf32> to vector<512x1xf32>
      %eq3A_132 = vector.broadcast %broadcast_in_dim3A_131 : vector<512x1xf32> to vector<512x512xf32>
      %eq3A_133 = arith.cmpf oeq, %select_n3A_128, %eq3A_132 : vector<512x512xf32>
      %jit3A_134 = arith.constant 5.120000e+02 : f32
      %broadcast_in_dim3A_135 = vector.shape_cast %convert_element_type3A_129 : vector<1x512xf32> to vector<1x512xf32>
      %broadcast_in_dim3A_136 = vector.broadcast %broadcast_in_dim3A_135 : vector<1x512xf32> to vector<512x512xf32>
      %broadcast_in_dim3A_137 = vector.broadcast %jit3A_134 : f32 to vector<512x512xf32>
      %select_n3A_138 = arith.select %eq3A_133, %broadcast_in_dim3A_136, %broadcast_in_dim3A_137 : vector<512x512xi1>, vector<512x512xf32>
      %reduce_min3A_139 = arith.constant dense<0x7F800000> : vector<512xf32>
      %reduce_min3A_140 = vector.multi_reduction <minimumf>, %select_n3A_138, %reduce_min3A_139 [1] : vector<512x512xf32> to vector<512xf32>
      %broadcast_in_dim3A_141 = vector.shape_cast %reduce_min3A_140 : vector<512xf32> to vector<512x1xf32>
      %eq3A_142 = vector.broadcast %convert_element_type3A_129 : vector<1x512xf32> to vector<512x512xf32>
      %eq3A_143 = vector.broadcast %broadcast_in_dim3A_141 : vector<512x1xf32> to vector<512x512xf32>
      %eq3A_144 = arith.cmpf oeq, %eq3A_142, %eq3A_143 : vector<512x512xf32>
      %jit3A_145 = arith.constant 0x7F800000 : f32
      %broadcast_in_dim3A_146 = vector.broadcast %jit3A_145 : f32 to vector<512x512xf32>
      %select_n3A_147 = arith.select %eq3A_144, %broadcast_in_dim3A_146, %select_n3A_128 : vector<512x512xi1>, vector<512x512xf32>
      %reduce_min3A_148 = arith.constant dense<0x7F800000> : vector<512xf32>
      %reduce_min3A_149 = vector.multi_reduction <minimumf>, %select_n3A_147, %reduce_min3A_148 [1] : vector<512x512xf32> to vector<512xf32>
      %broadcast_in_dim3A_150 = vector.shape_cast %reduce_min3A_149 : vector<512xf32> to vector<512x1xf32>
      %eq3A_151 = vector.broadcast %broadcast_in_dim3A_150 : vector<512x1xf32> to vector<512x512xf32>
      %eq3A_152 = arith.cmpf oeq, %select_n3A_147, %eq3A_151 : vector<512x512xf32>
      %jit3A_153 = arith.constant 5.120000e+02 : f32
      %broadcast_in_dim3A_154 = vector.shape_cast %convert_element_type3A_129 : vector<1x512xf32> to vector<1x512xf32>
      %broadcast_in_dim3A_155 = vector.broadcast %broadcast_in_dim3A_154 : vector<1x512xf32> to vector<512x512xf32>
      %broadcast_in_dim3A_156 = vector.broadcast %jit3A_153 : f32 to vector<512x512xf32>
      %select_n3A_157 = arith.select %eq3A_152, %broadcast_in_dim3A_155, %broadcast_in_dim3A_156 : vector<512x512xi1>, vector<512x512xf32>
      %reduce_min3A_158 = arith.constant dense<0x7F800000> : vector<512xf32>
      %reduce_min3A_159 = vector.multi_reduction <minimumf>, %select_n3A_157, %reduce_min3A_158 [1] : vector<512x512xf32> to vector<512xf32>
      %broadcast_in_dim3A_160 = vector.shape_cast %reduce_min3A_159 : vector<512xf32> to vector<512x1xf32>
      %eq3A_161 = vector.broadcast %convert_element_type3A_129 : vector<1x512xf32> to vector<512x512xf32>
      %eq3A_162 = vector.broadcast %broadcast_in_dim3A_160 : vector<512x1xf32> to vector<512x512xf32>
      %eq3A_163 = arith.cmpf oeq, %eq3A_161, %eq3A_162 : vector<512x512xf32>
      %jit3A_164 = arith.constant 0x7F800000 : f32
      %broadcast_in_dim3A_165 = vector.broadcast %jit3A_164 : f32 to vector<512x512xf32>
      %select_n3A_166 = arith.select %eq3A_163, %broadcast_in_dim3A_165, %select_n3A_147 : vector<512x512xi1>, vector<512x512xf32>
      %reduce_min3A_167 = arith.constant dense<0x7F800000> : vector<512xf32>
      %reduce_min3A_168 = vector.multi_reduction <minimumf>, %select_n3A_166, %reduce_min3A_167 [1] : vector<512x512xf32> to vector<512xf32>
      %broadcast_in_dim3A_169 = vector.shape_cast %reduce_min3A_168 : vector<512xf32> to vector<512x1xf32>
      %eq3A_170 = vector.broadcast %broadcast_in_dim3A_169 : vector<512x1xf32> to vector<512x512xf32>
      %eq3A_171 = arith.cmpf oeq, %select_n3A_166, %eq3A_170 : vector<512x512xf32>
      %jit3A_172 = arith.constant 5.120000e+02 : f32
      %broadcast_in_dim3A_173 = vector.shape_cast %convert_element_type3A_129 : vector<1x512xf32> to vector<1x512xf32>
      %broadcast_in_dim3A_174 = vector.broadcast %broadcast_in_dim3A_173 : vector<1x512xf32> to vector<512x512xf32>
      %broadcast_in_dim3A_175 = vector.broadcast %jit3A_172 : f32 to vector<512x512xf32>
      %select_n3A_176 = arith.select %eq3A_171, %broadcast_in_dim3A_174, %broadcast_in_dim3A_175 : vector<512x512xi1>, vector<512x512xf32>
      %reduce_min3A_177 = arith.constant dense<0x7F800000> : vector<512xf32>
      %reduce_min3A_178 = vector.multi_reduction <minimumf>, %select_n3A_176, %reduce_min3A_177 [1] : vector<512x512xf32> to vector<512xf32>
      %broadcast_in_dim3A_179 = vector.shape_cast %reduce_min3A_178 : vector<512xf32> to vector<512x1xf32>
      %eq3A_180 = vector.broadcast %convert_element_type3A_129 : vector<1x512xf32> to vector<512x512xf32>
      %eq3A_181 = vector.broadcast %broadcast_in_dim3A_179 : vector<512x1xf32> to vector<512x512xf32>
      %eq3A_182 = arith.cmpf oeq, %eq3A_180, %eq3A_181 : vector<512x512xf32>
      %jit3A_183 = arith.constant 0x7F800000 : f32
      %broadcast_in_dim3A_184 = vector.broadcast %jit3A_183 : f32 to vector<512x512xf32>
      %select_n3A_185 = arith.select %eq3A_182, %broadcast_in_dim3A_184, %select_n3A_166 : vector<512x512xi1>, vector<512x512xf32>
      %reduce_min3A_186 = arith.constant dense<0x7F800000> : vector<512xf32>
      %reduce_min3A_187 = vector.multi_reduction <minimumf>, %select_n3A_185, %reduce_min3A_186 [1] : vector<512x512xf32> to vector<512xf32>
      %broadcast_in_dim3A_188 = vector.shape_cast %reduce_min3A_187 : vector<512xf32> to vector<512x1xf32>
      %eq3A_189 = vector.broadcast %broadcast_in_dim3A_188 : vector<512x1xf32> to vector<512x512xf32>
      %eq3A_190 = arith.cmpf oeq, %select_n3A_185, %eq3A_189 : vector<512x512xf32>
      %jit3A_191 = arith.constant 5.120000e+02 : f32
      %broadcast_in_dim3A_192 = vector.shape_cast %convert_element_type3A_129 : vector<1x512xf32> to vector<1x512xf32>
      %broadcast_in_dim3A_193 = vector.broadcast %broadcast_in_dim3A_192 : vector<1x512xf32> to vector<512x512xf32>
      %broadcast_in_dim3A_194 = vector.broadcast %jit3A_191 : f32 to vector<512x512xf32>
      %select_n3A_195 = arith.select %eq3A_190, %broadcast_in_dim3A_193, %broadcast_in_dim3A_194 : vector<512x512xi1>, vector<512x512xf32>
      %reduce_min3A_196 = arith.constant dense<0x7F800000> : vector<512xf32>
      %reduce_min3A_197 = vector.multi_reduction <minimumf>, %select_n3A_195, %reduce_min3A_196 [1] : vector<512x512xf32> to vector<512xf32>
      %broadcast_in_dim3A_198 = vector.shape_cast %reduce_min3A_197 : vector<512xf32> to vector<512x1xf32>
      %eq3A_199 = vector.broadcast %convert_element_type3A_129 : vector<1x512xf32> to vector<512x512xf32>
      %eq3A_200 = vector.broadcast %broadcast_in_dim3A_198 : vector<512x1xf32> to vector<512x512xf32>
      %eq3A_201 = arith.cmpf oeq, %eq3A_199, %eq3A_200 : vector<512x512xf32>
      %jit3A_202 = arith.constant 0x7F800000 : f32
      %broadcast_in_dim3A_203 = vector.broadcast %jit3A_202 : f32 to vector<512x512xf32>
      %select_n3A_204 = arith.select %eq3A_201, %broadcast_in_dim3A_203, %select_n3A_185 : vector<512x512xi1>, vector<512x512xf32>
      %reduce_min3A_205 = arith.constant dense<0x7F800000> : vector<512xf32>
      %reduce_min3A_206 = vector.multi_reduction <minimumf>, %select_n3A_204, %reduce_min3A_205 [1] : vector<512x512xf32> to vector<512xf32>
      %broadcast_in_dim3A_207 = vector.shape_cast %reduce_min3A_206 : vector<512xf32> to vector<512x1xf32>
      %eq3A_208 = vector.broadcast %broadcast_in_dim3A_207 : vector<512x1xf32> to vector<512x512xf32>
      %eq3A_209 = arith.cmpf oeq, %select_n3A_204, %eq3A_208 : vector<512x512xf32>
      %jit3A_210 = arith.constant 5.120000e+02 : f32
      %broadcast_in_dim3A_211 = vector.shape_cast %convert_element_type3A_129 : vector<1x512xf32> to vector<1x512xf32>
      %broadcast_in_dim3A_212 = vector.broadcast %broadcast_in_dim3A_211 : vector<1x512xf32> to vector<512x512xf32>
      %broadcast_in_dim3A_213 = vector.broadcast %jit3A_210 : f32 to vector<512x512xf32>
      %select_n3A_214 = arith.select %eq3A_209, %broadcast_in_dim3A_212, %broadcast_in_dim3A_213 : vector<512x512xi1>, vector<512x512xf32>
      %reduce_min3A_215 = arith.constant dense<0x7F800000> : vector<512xf32>
      %reduce_min3A_216 = vector.multi_reduction <minimumf>, %select_n3A_214, %reduce_min3A_215 [1] : vector<512x512xf32> to vector<512xf32>
      %broadcast_in_dim3A_217 = vector.shape_cast %reduce_min3A_216 : vector<512xf32> to vector<512x1xf32>
      %eq3A_218 = vector.broadcast %convert_element_type3A_129 : vector<1x512xf32> to vector<512x512xf32>
      %eq3A_219 = vector.broadcast %broadcast_in_dim3A_217 : vector<512x1xf32> to vector<512x512xf32>
      %eq3A_220 = arith.cmpf oeq, %eq3A_218, %eq3A_219 : vector<512x512xf32>
      %jit3A_221 = arith.constant 0x7F800000 : f32
      %broadcast_in_dim3A_222 = vector.broadcast %jit3A_221 : f32 to vector<512x512xf32>
      %select_n3A_223 = arith.select %eq3A_220, %broadcast_in_dim3A_222, %select_n3A_204 : vector<512x512xi1>, vector<512x512xf32>
      %reduce_min3A_224 = arith.constant dense<0x7F800000> : vector<512xf32>
      %reduce_min3A_225 = vector.multi_reduction <minimumf>, %select_n3A_223, %reduce_min3A_224 [1] : vector<512x512xf32> to vector<512xf32>
      %broadcast_in_dim3A_226 = vector.shape_cast %reduce_min3A_225 : vector<512xf32> to vector<512x1xf32>
      %eq3A_227 = vector.broadcast %broadcast_in_dim3A_226 : vector<512x1xf32> to vector<512x512xf32>
      %eq3A_228 = arith.cmpf oeq, %select_n3A_223, %eq3A_227 : vector<512x512xf32>
      %jit3A_229 = arith.constant 5.120000e+02 : f32
      %broadcast_in_dim3A_230 = vector.shape_cast %convert_element_type3A_129 : vector<1x512xf32> to vector<1x512xf32>
      %broadcast_in_dim3A_231 = vector.broadcast %broadcast_in_dim3A_230 : vector<1x512xf32> to vector<512x512xf32>
      %broadcast_in_dim3A_232 = vector.broadcast %jit3A_229 : f32 to vector<512x512xf32>
      %select_n3A_233 = arith.select %eq3A_228, %broadcast_in_dim3A_231, %broadcast_in_dim3A_232 : vector<512x512xi1>, vector<512x512xf32>
      %reduce_min3A_234 = arith.constant dense<0x7F800000> : vector<512xf32>
      %reduce_min3A_235 = vector.multi_reduction <minimumf>, %select_n3A_233, %reduce_min3A_234 [1] : vector<512x512xf32> to vector<512xf32>
      %broadcast_in_dim3A_236 = vector.shape_cast %reduce_min3A_235 : vector<512xf32> to vector<512x1xf32>
      %eq3A_237 = vector.broadcast %convert_element_type3A_129 : vector<1x512xf32> to vector<512x512xf32>
      %eq3A_238 = vector.broadcast %broadcast_in_dim3A_236 : vector<512x1xf32> to vector<512x512xf32>
      %eq3A_239 = arith.cmpf oeq, %eq3A_237, %eq3A_238 : vector<512x512xf32>
      %jit3A_240 = arith.constant 0x7F800000 : f32
      %broadcast_in_dim3A_241 = vector.broadcast %jit3A_240 : f32 to vector<512x512xf32>
      %select_n3A_242 = arith.select %eq3A_239, %broadcast_in_dim3A_241, %select_n3A_223 : vector<512x512xi1>, vector<512x512xf32>
      %reduce_min3A_243 = arith.constant dense<0x7F800000> : vector<512xf32>
      %reduce_min3A_244 = vector.multi_reduction <minimumf>, %select_n3A_242, %reduce_min3A_243 [1] : vector<512x512xf32> to vector<512xf32>
      %broadcast_in_dim3A_245 = vector.shape_cast %reduce_min3A_244 : vector<512xf32> to vector<512x1xf32>
      %eq3A_246 = vector.broadcast %broadcast_in_dim3A_245 : vector<512x1xf32> to vector<512x512xf32>
      %eq3A_247 = arith.cmpf oeq, %select_n3A_242, %eq3A_246 : vector<512x512xf32>
      %jit3A_248 = arith.constant 5.120000e+02 : f32
      %broadcast_in_dim3A_249 = vector.shape_cast %convert_element_type3A_129 : vector<1x512xf32> to vector<1x512xf32>
      %broadcast_in_dim3A_250 = vector.broadcast %broadcast_in_dim3A_249 : vector<1x512xf32> to vector<512x512xf32>
      %broadcast_in_dim3A_251 = vector.broadcast %jit3A_248 : f32 to vector<512x512xf32>
      %select_n3A_252 = arith.select %eq3A_247, %broadcast_in_dim3A_250, %broadcast_in_dim3A_251 : vector<512x512xi1>, vector<512x512xf32>
      %reduce_min3A_253 = arith.constant dense<0x7F800000> : vector<512xf32>
      %reduce_min3A_254 = vector.multi_reduction <minimumf>, %select_n3A_252, %reduce_min3A_253 [1] : vector<512x512xf32> to vector<512xf32>
      %broadcast_in_dim3A_255 = vector.shape_cast %reduce_min3A_254 : vector<512xf32> to vector<512x1xf32>
      %concatenate3A = tpu.concatenate %broadcast_in_dim3A_141, %broadcast_in_dim3A_160, %broadcast_in_dim3A_179, %broadcast_in_dim3A_198, %broadcast_in_dim3A_217, %broadcast_in_dim3A_236, %broadcast_in_dim3A_255 in 1 : vector<512x1xf32>, vector<512x1xf32>, vector<512x1xf32>, vector<512x1xf32>, vector<512x1xf32>, vector<512x1xf32>, vector<512x1xf32> -> vector<512x7xf32>
      %mul3A_256 = arith.constant 2048 : i32
      %mul3A_257 = arith.muli %arg0, %mul3A_256 : i32
      %convert_element_type3A_258 = arith.sitofp %mul3A_257 : i32 to f32
      %add3A_259 = vector.broadcast %convert_element_type3A_258 : f32 to vector<512x7xf32>
      %add3A_260 = arith.addf %concatenate3A, %add3A_259 : vector<512x7xf32>
      %transpose3A = tpu.transpose %add3A_260, [1, 0] : vector<512x7xf32> -> vector<7x512xf32>
      %convert_element_type3A_261 = arith.fptosi %transpose3A : vector<7x512xf32> to vector<7x512xi32>
      %swap3A = arith.constant 0 : index
      %swap3A_262 = arith.constant 0 : index
      %swap3A_263 = arith.constant 0 : index
      %swap3A_264 = vector.load %arg5[%swap3A, %swap3A_262, %swap3A_263] : memref<1x7x512xi32, #tpu.memory_space<vmem>>, vector<1x7x512xi32>
      %swap3A_265 = vector.shape_cast %swap3A_264 : vector<1x7x512xi32> to vector<7x512xi32>
      %swap3A_266 = vector.shape_cast %convert_element_type3A_261 : vector<7x512xi32> to vector<1x7x512xi32>
      tpu.vector_store %arg5[%swap3A, %swap3A_262, %swap3A_263], %swap3A_266 {strides = array<i32>} : memref<1x7x512xi32, #tpu.memory_space<vmem>>, vector<1x7x512xi32>,
    } else {
    }
    %mul3A_27 = arith.constant 512 : i32
    %mul3A_28 = arith.muli %arg1, %mul3A_27 : i32
    %lt3A_29 = arith.cmpi slt, %mul3A_28, %get3A_0 : i32
    %eq3A_30 = arith.constant 2 : i32
    %eq3A_31 = arith.cmpi eq, %select_n3A, %eq3A_30 : i32
    %and3A_32 = arith.andi %lt3A_29, %eq3A_31 : i1
    %convert_element_type3A_33 = arith.extui %and3A_32 : i1 to i32
    %cond3A_34 = arith.constant 0 : i32
    %cond3A_35 = arith.cmpi ne, %convert_element_type3A_33, %cond3A_34 : i32
    scf.if %cond3A_35 {
      %get3A_54 = arith.constant 0 : index
      %get3A_55 = arith.constant 0 : index
      %get3A_56 = arith.constant 0 : index
      %get3A_57 = vector.load %arg3[%get3A_54, %get3A_55, %get3A_56] : memref<1x512x32xf32, #tpu.memory_space<vmem>>, vector<1x512x32xf32>
      %get3A_58 = vector.shape_cast %get3A_57 : vector<1x512x32xf32> to vector<512x32xf32>
      %slice3A = vector.extract_strided_slice %get3A_58 {offsets = [0, 16], sizes = [512, 3], strides = [1, 1]} : vector<512x32xf32> to vector<512x3xf32>
      %get3A_59 = arith.constant 0 : index
      %get3A_60 = arith.constant 0 : index
      %get3A_61 = arith.constant 0 : index
      %get3A_62 = vector.load %arg4[%get3A_59, %get3A_60, %get3A_61] : memref<1x3x2048xf32, #tpu.memory_space<vmem>>, vector<1x3x2048xf32>
      %get3A_63 = vector.shape_cast %get3A_62 : vector<1x3x2048xf32> to vector<3x2048xf32>
      %slice3A_64 = vector.extract_strided_slice %get3A_63 {offsets = [0, 0], sizes = [3, 1024], strides = [1, 1]} : vector<3x2048xf32> to vector<3x1024xf32>
      %mul3A_65 = arith.constant 512 : i32
      %mul3A_66 = arith.muli %arg1, %mul3A_65 : i32
      %iota3A = tpu.iota {dimensions = array<i32: 0>} : vector<512x1xi32>
      %add3A_67 = vector.broadcast %mul3A_66 : i32 to vector<512x1xi32>
      %add3A_68 = arith.addi %add3A_67, %iota3A : vector<512x1xi32>
      %iota3A_69 = tpu.iota {dimensions = array<i32: 1>} : vector<1x1024xi32>
      %slice3A_70 = vector.extract_strided_slice %slice3A {offsets = [0, 0], sizes = [512, 1], strides = [1, 1]} : vector<512x3xf32> to vector<512x1xf32>
      %slice3A_71 = vector.extract_strided_slice %slice3A {offsets = [0, 0], sizes = [512, 1], strides = [1, 1]} : vector<512x3xf32> to vector<512x1xf32>
      %mul3A_72 = arith.mulf %slice3A_70, %slice3A_71 : vector<512x1xf32>
      %slice3A_73 = vector.extract_strided_slice %slice3A {offsets = [0, 1], sizes = [512, 1], strides = [1, 1]} : vector<512x3xf32> to vector<512x1xf32>
      %slice3A_74 = vector.extract_strided_slice %slice3A {offsets = [0, 1], sizes = [512, 1], strides = [1, 1]} : vector<512x3xf32> to vector<512x1xf32>
      %mul3A_75 = arith.mulf %slice3A_73, %slice3A_74 : vector<512x1xf32>
      %add3A_76 = arith.addf %mul3A_72, %mul3A_75 : vector<512x1xf32>
      %slice3A_77 = vector.extract_strided_slice %slice3A {offsets = [0, 2], sizes = [512, 1], strides = [1, 1]} : vector<512x3xf32> to vector<512x1xf32>
      %slice3A_78 = vector.extract_strided_slice %slice3A {offsets = [0, 2], sizes = [512, 1], strides = [1, 1]} : vector<512x3xf32> to vector<512x1xf32>
      %mul3A_79 = arith.mulf %slice3A_77, %slice3A_78 : vector<512x1xf32>
      %add3A_80 = arith.addf %add3A_76, %mul3A_79 : vector<512x1xf32>
      %slice3A_81 = vector.extract_strided_slice %slice3A_64 {offsets = [0, 0], sizes = [1, 1024], strides = [1, 1]} : vector<3x1024xf32> to vector<1x1024xf32>
      %slice3A_82 = vector.extract_strided_slice %slice3A_64 {offsets = [0, 0], sizes = [1, 1024], strides = [1, 1]} : vector<3x1024xf32> to vector<1x1024xf32>
      %mul3A_83 = arith.mulf %slice3A_81, %slice3A_82 : vector<1x1024xf32>
      %slice3A_84 = vector.extract_strided_slice %slice3A_64 {offsets = [1, 0], sizes = [1, 1024], strides = [1, 1]} : vector<3x1024xf32> to vector<1x1024xf32>
      %slice3A_85 = vector.extract_strided_slice %slice3A_64 {offsets = [1, 0], sizes = [1, 1024], strides = [1, 1]} : vector<3x1024xf32> to vector<1x1024xf32>
      %mul3A_86 = arith.mulf %slice3A_84, %slice3A_85 : vector<1x1024xf32>
      %add3A_87 = arith.addf %mul3A_83, %mul3A_86 : vector<1x1024xf32>
      %slice3A_88 = vector.extract_strided_slice %slice3A_64 {offsets = [2, 0], sizes = [1, 1024], strides = [1, 1]} : vector<3x1024xf32> to vector<1x1024xf32>
      %slice3A_89 = vector.extract_strided_slice %slice3A_64 {offsets = [2, 0], sizes = [1, 1024], strides = [1, 1]} : vector<3x1024xf32> to vector<1x1024xf32>
      %mul3A_90 = arith.mulf %slice3A_88, %slice3A_89 : vector<1x1024xf32>
      %add3A_91 = arith.addf %add3A_87, %mul3A_90 : vector<1x1024xf32>
      %add3A_92 = vector.broadcast %add3A_80 : vector<512x1xf32> to vector<512x1024xf32>
      %add3A_93 = vector.broadcast %add3A_91 : vector<1x1024xf32> to vector<512x1024xf32>
      %add3A_94 = arith.addf %add3A_92, %add3A_93 : vector<512x1024xf32>
      %dot_general3A = arith.constant dense<0.000000e+00> : vector<512x1024xf32>
      %dot_general3A_95 = tpu.matmul %slice3A, %slice3A_64, %dot_general3A {dimension_numbers = #tpu.dot_dimension_numbers<[1], [0], [0], [1], [0, 0, 1, 1], [], []>, transpose_lhs_hint = false} : vector<512x3xf32>, vector<3x1024xf32>, vector<512x1024xf32> -> vector<512x1024xf32>
      %mul3A_96 = arith.constant 2.000000e+00 : f32
      %mul3A_97 = vector.broadcast %mul3A_96 : f32 to vector<512x1024xf32>
      %mul3A_98 = arith.mulf %mul3A_97, %dot_general3A_95 : vector<512x1024xf32>
      %sub3A_99 = arith.subf %add3A_94, %mul3A_98 : vector<512x1024xf32>
      %lt3A_100 = vector.broadcast %get3A_0 : i32 to vector<512x1xi32>
      %lt3A_101 = arith.cmpi slt, %add3A_68, %lt3A_100 : vector<512x1xi32>
      %lt3A_102 = vector.broadcast %get3A_0 : i32 to vector<1x1024xi32>
      %lt3A_103 = arith.cmpi slt, %iota3A_69, %lt3A_102 : vector<1x1024xi32>
      %and3A_104 = vector.broadcast %lt3A_101 : vector<512x1xi1> to vector<512x1024xi1>
      %and3A_105 = vector.broadcast %lt3A_103 : vector<1x1024xi1> to vector<512x1024xi1>
      %and3A_106 = arith.andi %and3A_104, %and3A_105 : vector<512x1024xi1>
      %jit3A_107 = arith.constant 1.000000e+05 : f32
      %broadcast_in_dim3A = vector.broadcast %jit3A_107 : f32 to vector<512x1024xf32>
      %select_n3A_108 = arith.select %and3A_106, %sub3A_99, %broadcast_in_dim3A : vector<512x1024xi1>, vector<512x1024xf32>
      %eq3A_109 = vector.broadcast %add3A_68 : vector<512x1xi32> to vector<512x1024xi32>
      %eq3A_110 = vector.broadcast %iota3A_69 : vector<1x1024xi32> to vector<512x1024xi32>
      %eq3A_111 = arith.cmpi eq, %eq3A_109, %eq3A_110 : vector<512x1024xi32>
      %jit3A_112 = arith.constant 0x7F800000 : f32
      %broadcast_in_dim3A_113 = vector.broadcast %jit3A_112 : f32 to vector<512x1024xf32>
      %select_n3A_114 = arith.select %eq3A_111, %broadcast_in_dim3A_113, %select_n3A_108 : vector<512x1024xi1>, vector<512x1024xf32>
      %sub3A_115 = vector.broadcast %add3A_68 : vector<512x1xi32> to vector<512x1024xi32>
      %sub3A_116 = vector.broadcast %iota3A_69 : vector<1x1024xi32> to vector<512x1024xi32>
      %sub3A_117 = arith.subi %sub3A_115, %sub3A_116 : vector<512x1024xi32>
      %abs3A = math.absi %sub3A_117 : vector<512x1024xi32>
      %eq3A_118 = arith.constant 1 : i32
      %eq3A_119 = vector.broadcast %eq3A_118 : i32 to vector<512x1024xi32>
      %eq3A_120 = arith.cmpi eq, %abs3A, %eq3A_119 : vector<512x1024xi32>
      %max3A = vector.broadcast %add3A_68 : vector<512x1xi32> to vector<512x1024xi32>
      %max3A_121 = vector.broadcast %iota3A_69 : vector<1x1024xi32> to vector<512x1024xi32>
      %max3A_122 = arith.maxsi %max3A, %max3A_121 : vector<512x1024xi32>
      %lt3A_123 = vector.broadcast %get3A_0 : i32 to vector<512x1024xi32>
      %lt3A_124 = arith.cmpi slt, %max3A_122, %lt3A_123 : vector<512x1024xi32>
      %and3A_125 = arith.andi %eq3A_120, %lt3A_124 : vector<512x1024xi1>
      %jit3A_126 = arith.constant 0.000000e+00 : f32
      %broadcast_in_dim3A_127 = vector.broadcast %jit3A_126 : f32 to vector<512x1024xf32>
      %select_n3A_128 = arith.select %and3A_125, %broadcast_in_dim3A_127, %select_n3A_114 : vector<512x1024xi1>, vector<512x1024xf32>
      %convert_element_type3A_129 = arith.sitofp %iota3A_69 : vector<1x1024xi32> to vector<1x1024xf32>
      %reduce_min3A = arith.constant dense<0x7F800000> : vector<512xf32>
      %reduce_min3A_130 = vector.multi_reduction <minimumf>, %select_n3A_128, %reduce_min3A [1] : vector<512x1024xf32> to vector<512xf32>
      %broadcast_in_dim3A_131 = vector.shape_cast %reduce_min3A_130 : vector<512xf32> to vector<512x1xf32>
      %eq3A_132 = vector.broadcast %broadcast_in_dim3A_131 : vector<512x1xf32> to vector<512x1024xf32>
      %eq3A_133 = arith.cmpf oeq, %select_n3A_128, %eq3A_132 : vector<512x1024xf32>
      %jit3A_134 = arith.constant 1.024000e+03 : f32
      %broadcast_in_dim3A_135 = vector.shape_cast %convert_element_type3A_129 : vector<1x1024xf32> to vector<1x1024xf32>
      %broadcast_in_dim3A_136 = vector.broadcast %broadcast_in_dim3A_135 : vector<1x1024xf32> to vector<512x1024xf32>
      %broadcast_in_dim3A_137 = vector.broadcast %jit3A_134 : f32 to vector<512x1024xf32>
      %select_n3A_138 = arith.select %eq3A_133, %broadcast_in_dim3A_136, %broadcast_in_dim3A_137 : vector<512x1024xi1>, vector<512x1024xf32>
      %reduce_min3A_139 = arith.constant dense<0x7F800000> : vector<512xf32>
      %reduce_min3A_140 = vector.multi_reduction <minimumf>, %select_n3A_138, %reduce_min3A_139 [1] : vector<512x1024xf32> to vector<512xf32>
      %broadcast_in_dim3A_141 = vector.shape_cast %reduce_min3A_140 : vector<512xf32> to vector<512x1xf32>
      %eq3A_142 = vector.broadcast %convert_element_type3A_129 : vector<1x1024xf32> to vector<512x1024xf32>
      %eq3A_143 = vector.broadcast %broadcast_in_dim3A_141 : vector<512x1xf32> to vector<512x1024xf32>
      %eq3A_144 = arith.cmpf oeq, %eq3A_142, %eq3A_143 : vector<512x1024xf32>
      %jit3A_145 = arith.constant 0x7F800000 : f32
      %broadcast_in_dim3A_146 = vector.broadcast %jit3A_145 : f32 to vector<512x1024xf32>
      %select_n3A_147 = arith.select %eq3A_144, %broadcast_in_dim3A_146, %select_n3A_128 : vector<512x1024xi1>, vector<512x1024xf32>
      %reduce_min3A_148 = arith.constant dense<0x7F800000> : vector<512xf32>
      %reduce_min3A_149 = vector.multi_reduction <minimumf>, %select_n3A_147, %reduce_min3A_148 [1] : vector<512x1024xf32> to vector<512xf32>
      %broadcast_in_dim3A_150 = vector.shape_cast %reduce_min3A_149 : vector<512xf32> to vector<512x1xf32>
      %eq3A_151 = vector.broadcast %broadcast_in_dim3A_150 : vector<512x1xf32> to vector<512x1024xf32>
      %eq3A_152 = arith.cmpf oeq, %select_n3A_147, %eq3A_151 : vector<512x1024xf32>
      %jit3A_153 = arith.constant 1.024000e+03 : f32
      %broadcast_in_dim3A_154 = vector.shape_cast %convert_element_type3A_129 : vector<1x1024xf32> to vector<1x1024xf32>
      %broadcast_in_dim3A_155 = vector.broadcast %broadcast_in_dim3A_154 : vector<1x1024xf32> to vector<512x1024xf32>
      %broadcast_in_dim3A_156 = vector.broadcast %jit3A_153 : f32 to vector<512x1024xf32>
      %select_n3A_157 = arith.select %eq3A_152, %broadcast_in_dim3A_155, %broadcast_in_dim3A_156 : vector<512x1024xi1>, vector<512x1024xf32>
      %reduce_min3A_158 = arith.constant dense<0x7F800000> : vector<512xf32>
      %reduce_min3A_159 = vector.multi_reduction <minimumf>, %select_n3A_157, %reduce_min3A_158 [1] : vector<512x1024xf32> to vector<512xf32>
      %broadcast_in_dim3A_160 = vector.shape_cast %reduce_min3A_159 : vector<512xf32> to vector<512x1xf32>
      %eq3A_161 = vector.broadcast %convert_element_type3A_129 : vector<1x1024xf32> to vector<512x1024xf32>
      %eq3A_162 = vector.broadcast %broadcast_in_dim3A_160 : vector<512x1xf32> to vector<512x1024xf32>
      %eq3A_163 = arith.cmpf oeq, %eq3A_161, %eq3A_162 : vector<512x1024xf32>
      %jit3A_164 = arith.constant 0x7F800000 : f32
      %broadcast_in_dim3A_165 = vector.broadcast %jit3A_164 : f32 to vector<512x1024xf32>
      %select_n3A_166 = arith.select %eq3A_163, %broadcast_in_dim3A_165, %select_n3A_147 : vector<512x1024xi1>, vector<512x1024xf32>
      %reduce_min3A_167 = arith.constant dense<0x7F800000> : vector<512xf32>
      %reduce_min3A_168 = vector.multi_reduction <minimumf>, %select_n3A_166, %reduce_min3A_167 [1] : vector<512x1024xf32> to vector<512xf32>
      %broadcast_in_dim3A_169 = vector.shape_cast %reduce_min3A_168 : vector<512xf32> to vector<512x1xf32>
      %eq3A_170 = vector.broadcast %broadcast_in_dim3A_169 : vector<512x1xf32> to vector<512x1024xf32>
      %eq3A_171 = arith.cmpf oeq, %select_n3A_166, %eq3A_170 : vector<512x1024xf32>
      %jit3A_172 = arith.constant 1.024000e+03 : f32
      %broadcast_in_dim3A_173 = vector.shape_cast %convert_element_type3A_129 : vector<1x1024xf32> to vector<1x1024xf32>
      %broadcast_in_dim3A_174 = vector.broadcast %broadcast_in_dim3A_173 : vector<1x1024xf32> to vector<512x1024xf32>
      %broadcast_in_dim3A_175 = vector.broadcast %jit3A_172 : f32 to vector<512x1024xf32>
      %select_n3A_176 = arith.select %eq3A_171, %broadcast_in_dim3A_174, %broadcast_in_dim3A_175 : vector<512x1024xi1>, vector<512x1024xf32>
      %reduce_min3A_177 = arith.constant dense<0x7F800000> : vector<512xf32>
      %reduce_min3A_178 = vector.multi_reduction <minimumf>, %select_n3A_176, %reduce_min3A_177 [1] : vector<512x1024xf32> to vector<512xf32>
      %broadcast_in_dim3A_179 = vector.shape_cast %reduce_min3A_178 : vector<512xf32> to vector<512x1xf32>
      %eq3A_180 = vector.broadcast %convert_element_type3A_129 : vector<1x1024xf32> to vector<512x1024xf32>
      %eq3A_181 = vector.broadcast %broadcast_in_dim3A_179 : vector<512x1xf32> to vector<512x1024xf32>
      %eq3A_182 = arith.cmpf oeq, %eq3A_180, %eq3A_181 : vector<512x1024xf32>
      %jit3A_183 = arith.constant 0x7F800000 : f32
      %broadcast_in_dim3A_184 = vector.broadcast %jit3A_183 : f32 to vector<512x1024xf32>
      %select_n3A_185 = arith.select %eq3A_182, %broadcast_in_dim3A_184, %select_n3A_166 : vector<512x1024xi1>, vector<512x1024xf32>
      %reduce_min3A_186 = arith.constant dense<0x7F800000> : vector<512xf32>
      %reduce_min3A_187 = vector.multi_reduction <minimumf>, %select_n3A_185, %reduce_min3A_186 [1] : vector<512x1024xf32> to vector<512xf32>
      %broadcast_in_dim3A_188 = vector.shape_cast %reduce_min3A_187 : vector<512xf32> to vector<512x1xf32>
      %eq3A_189 = vector.broadcast %broadcast_in_dim3A_188 : vector<512x1xf32> to vector<512x1024xf32>
      %eq3A_190 = arith.cmpf oeq, %select_n3A_185, %eq3A_189 : vector<512x1024xf32>
      %jit3A_191 = arith.constant 1.024000e+03 : f32
      %broadcast_in_dim3A_192 = vector.shape_cast %convert_element_type3A_129 : vector<1x1024xf32> to vector<1x1024xf32>
      %broadcast_in_dim3A_193 = vector.broadcast %broadcast_in_dim3A_192 : vector<1x1024xf32> to vector<512x1024xf32>
      %broadcast_in_dim3A_194 = vector.broadcast %jit3A_191 : f32 to vector<512x1024xf32>
      %select_n3A_195 = arith.select %eq3A_190, %broadcast_in_dim3A_193, %broadcast_in_dim3A_194 : vector<512x1024xi1>, vector<512x1024xf32>
      %reduce_min3A_196 = arith.constant dense<0x7F800000> : vector<512xf32>
      %reduce_min3A_197 = vector.multi_reduction <minimumf>, %select_n3A_195, %reduce_min3A_196 [1] : vector<512x1024xf32> to vector<512xf32>
      %broadcast_in_dim3A_198 = vector.shape_cast %reduce_min3A_197 : vector<512xf32> to vector<512x1xf32>
      %eq3A_199 = vector.broadcast %convert_element_type3A_129 : vector<1x1024xf32> to vector<512x1024xf32>
      %eq3A_200 = vector.broadcast %broadcast_in_dim3A_198 : vector<512x1xf32> to vector<512x1024xf32>
      %eq3A_201 = arith.cmpf oeq, %eq3A_199, %eq3A_200 : vector<512x1024xf32>
      %jit3A_202 = arith.constant 0x7F800000 : f32
      %broadcast_in_dim3A_203 = vector.broadcast %jit3A_202 : f32 to vector<512x1024xf32>
      %select_n3A_204 = arith.select %eq3A_201, %broadcast_in_dim3A_203, %select_n3A_185 : vector<512x1024xi1>, vector<512x1024xf32>
      %reduce_min3A_205 = arith.constant dense<0x7F800000> : vector<512xf32>
      %reduce_min3A_206 = vector.multi_reduction <minimumf>, %select_n3A_204, %reduce_min3A_205 [1] : vector<512x1024xf32> to vector<512xf32>
      %broadcast_in_dim3A_207 = vector.shape_cast %reduce_min3A_206 : vector<512xf32> to vector<512x1xf32>
      %eq3A_208 = vector.broadcast %broadcast_in_dim3A_207 : vector<512x1xf32> to vector<512x1024xf32>
      %eq3A_209 = arith.cmpf oeq, %select_n3A_204, %eq3A_208 : vector<512x1024xf32>
      %jit3A_210 = arith.constant 1.024000e+03 : f32
      %broadcast_in_dim3A_211 = vector.shape_cast %convert_element_type3A_129 : vector<1x1024xf32> to vector<1x1024xf32>
      %broadcast_in_dim3A_212 = vector.broadcast %broadcast_in_dim3A_211 : vector<1x1024xf32> to vector<512x1024xf32>
      %broadcast_in_dim3A_213 = vector.broadcast %jit3A_210 : f32 to vector<512x1024xf32>
      %select_n3A_214 = arith.select %eq3A_209, %broadcast_in_dim3A_212, %broadcast_in_dim3A_213 : vector<512x1024xi1>, vector<512x1024xf32>
      %reduce_min3A_215 = arith.constant dense<0x7F800000> : vector<512xf32>
      %reduce_min3A_216 = vector.multi_reduction <minimumf>, %select_n3A_214, %reduce_min3A_215 [1] : vector<512x1024xf32> to vector<512xf32>
      %broadcast_in_dim3A_217 = vector.shape_cast %reduce_min3A_216 : vector<512xf32> to vector<512x1xf32>
      %eq3A_218 = vector.broadcast %convert_element_type3A_129 : vector<1x1024xf32> to vector<512x1024xf32>
      %eq3A_219 = vector.broadcast %broadcast_in_dim3A_217 : vector<512x1xf32> to vector<512x1024xf32>
      %eq3A_220 = arith.cmpf oeq, %eq3A_218, %eq3A_219 : vector<512x1024xf32>
      %jit3A_221 = arith.constant 0x7F800000 : f32
      %broadcast_in_dim3A_222 = vector.broadcast %jit3A_221 : f32 to vector<512x1024xf32>
      %select_n3A_223 = arith.select %eq3A_220, %broadcast_in_dim3A_222, %select_n3A_204 : vector<512x1024xi1>, vector<512x1024xf32>
      %reduce_min3A_224 = arith.constant dense<0x7F800000> : vector<512xf32>
      %reduce_min3A_225 = vector.multi_reduction <minimumf>, %select_n3A_223, %reduce_min3A_224 [1] : vector<512x1024xf32> to vector<512xf32>
      %broadcast_in_dim3A_226 = vector.shape_cast %reduce_min3A_225 : vector<512xf32> to vector<512x1xf32>
      %eq3A_227 = vector.broadcast %broadcast_in_dim3A_226 : vector<512x1xf32> to vector<512x1024xf32>
      %eq3A_228 = arith.cmpf oeq, %select_n3A_223, %eq3A_227 : vector<512x1024xf32>
      %jit3A_229 = arith.constant 1.024000e+03 : f32
      %broadcast_in_dim3A_230 = vector.shape_cast %convert_element_type3A_129 : vector<1x1024xf32> to vector<1x1024xf32>
      %broadcast_in_dim3A_231 = vector.broadcast %broadcast_in_dim3A_230 : vector<1x1024xf32> to vector<512x1024xf32>
      %broadcast_in_dim3A_232 = vector.broadcast %jit3A_229 : f32 to vector<512x1024xf32>
      %select_n3A_233 = arith.select %eq3A_228, %broadcast_in_dim3A_231, %broadcast_in_dim3A_232 : vector<512x1024xi1>, vector<512x1024xf32>
      %reduce_min3A_234 = arith.constant dense<0x7F800000> : vector<512xf32>
      %reduce_min3A_235 = vector.multi_reduction <minimumf>, %select_n3A_233, %reduce_min3A_234 [1] : vector<512x1024xf32> to vector<512xf32>
      %broadcast_in_dim3A_236 = vector.shape_cast %reduce_min3A_235 : vector<512xf32> to vector<512x1xf32>
      %eq3A_237 = vector.broadcast %convert_element_type3A_129 : vector<1x1024xf32> to vector<512x1024xf32>
      %eq3A_238 = vector.broadcast %broadcast_in_dim3A_236 : vector<512x1xf32> to vector<512x1024xf32>
      %eq3A_239 = arith.cmpf oeq, %eq3A_237, %eq3A_238 : vector<512x1024xf32>
      %jit3A_240 = arith.constant 0x7F800000 : f32
      %broadcast_in_dim3A_241 = vector.broadcast %jit3A_240 : f32 to vector<512x1024xf32>
      %select_n3A_242 = arith.select %eq3A_239, %broadcast_in_dim3A_241, %select_n3A_223 : vector<512x1024xi1>, vector<512x1024xf32>
      %reduce_min3A_243 = arith.constant dense<0x7F800000> : vector<512xf32>
      %reduce_min3A_244 = vector.multi_reduction <minimumf>, %select_n3A_242, %reduce_min3A_243 [1] : vector<512x1024xf32> to vector<512xf32>
      %broadcast_in_dim3A_245 = vector.shape_cast %reduce_min3A_244 : vector<512xf32> to vector<512x1xf32>
      %eq3A_246 = vector.broadcast %broadcast_in_dim3A_245 : vector<512x1xf32> to vector<512x1024xf32>
      %eq3A_247 = arith.cmpf oeq, %select_n3A_242, %eq3A_246 : vector<512x1024xf32>
      %jit3A_248 = arith.constant 1.024000e+03 : f32
      %broadcast_in_dim3A_249 = vector.shape_cast %convert_element_type3A_129 : vector<1x1024xf32> to vector<1x1024xf32>
      %broadcast_in_dim3A_250 = vector.broadcast %broadcast_in_dim3A_249 : vector<1x1024xf32> to vector<512x1024xf32>
      %broadcast_in_dim3A_251 = vector.broadcast %jit3A_248 : f32 to vector<512x1024xf32>
      %select_n3A_252 = arith.select %eq3A_247, %broadcast_in_dim3A_250, %broadcast_in_dim3A_251 : vector<512x1024xi1>, vector<512x1024xf32>
      %reduce_min3A_253 = arith.constant dense<0x7F800000> : vector<512xf32>
      %reduce_min3A_254 = vector.multi_reduction <minimumf>, %select_n3A_252, %reduce_min3A_253 [1] : vector<512x1024xf32> to vector<512xf32>
      %broadcast_in_dim3A_255 = vector.shape_cast %reduce_min3A_254 : vector<512xf32> to vector<512x1xf32>
      %concatenate3A = tpu.concatenate %broadcast_in_dim3A_141, %broadcast_in_dim3A_160, %broadcast_in_dim3A_179, %broadcast_in_dim3A_198, %broadcast_in_dim3A_217, %broadcast_in_dim3A_236, %broadcast_in_dim3A_255 in 1 : vector<512x1xf32>, vector<512x1xf32>, vector<512x1xf32>, vector<512x1xf32>, vector<512x1xf32>, vector<512x1xf32>, vector<512x1xf32> -> vector<512x7xf32>
      %mul3A_256 = arith.constant 2048 : i32
      %mul3A_257 = arith.muli %arg0, %mul3A_256 : i32
      %convert_element_type3A_258 = arith.sitofp %mul3A_257 : i32 to f32
      %add3A_259 = vector.broadcast %convert_element_type3A_258 : f32 to vector<512x7xf32>
      %add3A_260 = arith.addf %concatenate3A, %add3A_259 : vector<512x7xf32>
      %transpose3A = tpu.transpose %add3A_260, [1, 0] : vector<512x7xf32> -> vector<7x512xf32>
      %convert_element_type3A_261 = arith.fptosi %transpose3A : vector<7x512xf32> to vector<7x512xi32>
      %swap3A = arith.constant 0 : index
      %swap3A_262 = arith.constant 0 : index
      %swap3A_263 = arith.constant 0 : index
      %swap3A_264 = vector.load %arg5[%swap3A, %swap3A_262, %swap3A_263] : memref<1x7x512xi32, #tpu.memory_space<vmem>>, vector<1x7x512xi32>
      %swap3A_265 = vector.shape_cast %swap3A_264 : vector<1x7x512xi32> to vector<7x512xi32>
      %swap3A_266 = vector.shape_cast %convert_element_type3A_261 : vector<7x512xi32> to vector<1x7x512xi32>
      tpu.vector_store %arg5[%swap3A, %swap3A_262, %swap3A_263], %swap3A_266 {strides = array<i32>} : memref<1x7x512xi32, #tpu.memory_space<vmem>>, vector<1x7x512xi32>,
    } else {
    }
    %mul3A_36 = arith.constant 512 : i32
    %mul3A_37 = arith.muli %arg1, %mul3A_36 : i32
    %lt3A_38 = arith.cmpi slt, %mul3A_37, %get3A_0 : i32
    %eq3A_39 = arith.constant 3 : i32
    %eq3A_40 = arith.cmpi eq, %select_n3A, %eq3A_39 : i32
    %and3A_41 = arith.andi %lt3A_38, %eq3A_40 : i1
    %convert_element_type3A_42 = arith.extui %and3A_41 : i1 to i32
    %cond3A_43 = arith.constant 0 : i32
    %cond3A_44 = arith.cmpi ne, %convert_element_type3A_42, %cond3A_43 : i32
    scf.if %cond3A_44 {
      %get3A_54 = arith.constant 0 : index
      %get3A_55 = arith.constant 0 : index
      %get3A_56 = arith.constant 0 : index
      %get3A_57 = vector.load %arg3[%get3A_54, %get3A_55, %get3A_56] : memref<1x512x32xf32, #tpu.memory_space<vmem>>, vector<1x512x32xf32>
      %get3A_58 = vector.shape_cast %get3A_57 : vector<1x512x32xf32> to vector<512x32xf32>
      %slice3A = vector.extract_strided_slice %get3A_58 {offsets = [0, 16], sizes = [512, 3], strides = [1, 1]} : vector<512x32xf32> to vector<512x3xf32>
      %get3A_59 = arith.constant 0 : index
      %get3A_60 = arith.constant 0 : index
      %get3A_61 = arith.constant 0 : index
      %get3A_62 = vector.load %arg4[%get3A_59, %get3A_60, %get3A_61] : memref<1x3x2048xf32, #tpu.memory_space<vmem>>, vector<1x3x2048xf32>
      %get3A_63 = vector.shape_cast %get3A_62 : vector<1x3x2048xf32> to vector<3x2048xf32>
      %slice3A_64 = vector.extract_strided_slice %get3A_63 {offsets = [0, 0], sizes = [3, 1536], strides = [1, 1]} : vector<3x2048xf32> to vector<3x1536xf32>
      %mul3A_65 = arith.constant 512 : i32
      %mul3A_66 = arith.muli %arg1, %mul3A_65 : i32
      %iota3A = tpu.iota {dimensions = array<i32: 0>} : vector<512x1xi32>
      %add3A_67 = vector.broadcast %mul3A_66 : i32 to vector<512x1xi32>
      %add3A_68 = arith.addi %add3A_67, %iota3A : vector<512x1xi32>
      %iota3A_69 = tpu.iota {dimensions = array<i32: 1>} : vector<1x1536xi32>
      %slice3A_70 = vector.extract_strided_slice %slice3A {offsets = [0, 0], sizes = [512, 1], strides = [1, 1]} : vector<512x3xf32> to vector<512x1xf32>
      %slice3A_71 = vector.extract_strided_slice %slice3A {offsets = [0, 0], sizes = [512, 1], strides = [1, 1]} : vector<512x3xf32> to vector<512x1xf32>
      %mul3A_72 = arith.mulf %slice3A_70, %slice3A_71 : vector<512x1xf32>
      %slice3A_73 = vector.extract_strided_slice %slice3A {offsets = [0, 1], sizes = [512, 1], strides = [1, 1]} : vector<512x3xf32> to vector<512x1xf32>
      %slice3A_74 = vector.extract_strided_slice %slice3A {offsets = [0, 1], sizes = [512, 1], strides = [1, 1]} : vector<512x3xf32> to vector<512x1xf32>
      %mul3A_75 = arith.mulf %slice3A_73, %slice3A_74 : vector<512x1xf32>
      %add3A_76 = arith.addf %mul3A_72, %mul3A_75 : vector<512x1xf32>
      %slice3A_77 = vector.extract_strided_slice %slice3A {offsets = [0, 2], sizes = [512, 1], strides = [1, 1]} : vector<512x3xf32> to vector<512x1xf32>
      %slice3A_78 = vector.extract_strided_slice %slice3A {offsets = [0, 2], sizes = [512, 1], strides = [1, 1]} : vector<512x3xf32> to vector<512x1xf32>
      %mul3A_79 = arith.mulf %slice3A_77, %slice3A_78 : vector<512x1xf32>
      %add3A_80 = arith.addf %add3A_76, %mul3A_79 : vector<512x1xf32>
      %slice3A_81 = vector.extract_strided_slice %slice3A_64 {offsets = [0, 0], sizes = [1, 1536], strides = [1, 1]} : vector<3x1536xf32> to vector<1x1536xf32>
      %slice3A_82 = vector.extract_strided_slice %slice3A_64 {offsets = [0, 0], sizes = [1, 1536], strides = [1, 1]} : vector<3x1536xf32> to vector<1x1536xf32>
      %mul3A_83 = arith.mulf %slice3A_81, %slice3A_82 : vector<1x1536xf32>
      %slice3A_84 = vector.extract_strided_slice %slice3A_64 {offsets = [1, 0], sizes = [1, 1536], strides = [1, 1]} : vector<3x1536xf32> to vector<1x1536xf32>
      %slice3A_85 = vector.extract_strided_slice %slice3A_64 {offsets = [1, 0], sizes = [1, 1536], strides = [1, 1]} : vector<3x1536xf32> to vector<1x1536xf32>
      %mul3A_86 = arith.mulf %slice3A_84, %slice3A_85 : vector<1x1536xf32>
      %add3A_87 = arith.addf %mul3A_83, %mul3A_86 : vector<1x1536xf32>
      %slice3A_88 = vector.extract_strided_slice %slice3A_64 {offsets = [2, 0], sizes = [1, 1536], strides = [1, 1]} : vector<3x1536xf32> to vector<1x1536xf32>
      %slice3A_89 = vector.extract_strided_slice %slice3A_64 {offsets = [2, 0], sizes = [1, 1536], strides = [1, 1]} : vector<3x1536xf32> to vector<1x1536xf32>
      %mul3A_90 = arith.mulf %slice3A_88, %slice3A_89 : vector<1x1536xf32>
      %add3A_91 = arith.addf %add3A_87, %mul3A_90 : vector<1x1536xf32>
      %add3A_92 = vector.broadcast %add3A_80 : vector<512x1xf32> to vector<512x1536xf32>
      %add3A_93 = vector.broadcast %add3A_91 : vector<1x1536xf32> to vector<512x1536xf32>
      %add3A_94 = arith.addf %add3A_92, %add3A_93 : vector<512x1536xf32>
      %dot_general3A = arith.constant dense<0.000000e+00> : vector<512x1536xf32>
      %dot_general3A_95 = tpu.matmul %slice3A, %slice3A_64, %dot_general3A {dimension_numbers = #tpu.dot_dimension_numbers<[1], [0], [0], [1], [0, 0, 1, 1], [], []>, transpose_lhs_hint = false} : vector<512x3xf32>, vector<3x1536xf32>, vector<512x1536xf32> -> vector<512x1536xf32>
      %mul3A_96 = arith.constant 2.000000e+00 : f32
      %mul3A_97 = vector.broadcast %mul3A_96 : f32 to vector<512x1536xf32>
      %mul3A_98 = arith.mulf %mul3A_97, %dot_general3A_95 : vector<512x1536xf32>
      %sub3A_99 = arith.subf %add3A_94, %mul3A_98 : vector<512x1536xf32>
      %lt3A_100 = vector.broadcast %get3A_0 : i32 to vector<512x1xi32>
      %lt3A_101 = arith.cmpi slt, %add3A_68, %lt3A_100 : vector<512x1xi32>
      %lt3A_102 = vector.broadcast %get3A_0 : i32 to vector<1x1536xi32>
      %lt3A_103 = arith.cmpi slt, %iota3A_69, %lt3A_102 : vector<1x1536xi32>
      %and3A_104 = vector.broadcast %lt3A_101 : vector<512x1xi1> to vector<512x1536xi1>
      %and3A_105 = vector.broadcast %lt3A_103 : vector<1x1536xi1> to vector<512x1536xi1>
      %and3A_106 = arith.andi %and3A_104, %and3A_105 : vector<512x1536xi1>
      %jit3A_107 = arith.constant 1.000000e+05 : f32
      %broadcast_in_dim3A = vector.broadcast %jit3A_107 : f32 to vector<512x1536xf32>
      %select_n3A_108 = arith.select %and3A_106, %sub3A_99, %broadcast_in_dim3A : vector<512x1536xi1>, vector<512x1536xf32>
      %eq3A_109 = vector.broadcast %add3A_68 : vector<512x1xi32> to vector<512x1536xi32>
      %eq3A_110 = vector.broadcast %iota3A_69 : vector<1x1536xi32> to vector<512x1536xi32>
      %eq3A_111 = arith.cmpi eq, %eq3A_109, %eq3A_110 : vector<512x1536xi32>
      %jit3A_112 = arith.constant 0x7F800000 : f32
      %broadcast_in_dim3A_113 = vector.broadcast %jit3A_112 : f32 to vector<512x1536xf32>
      %select_n3A_114 = arith.select %eq3A_111, %broadcast_in_dim3A_113, %select_n3A_108 : vector<512x1536xi1>, vector<512x1536xf32>
      %sub3A_115 = vector.broadcast %add3A_68 : vector<512x1xi32> to vector<512x1536xi32>
      %sub3A_116 = vector.broadcast %iota3A_69 : vector<1x1536xi32> to vector<512x1536xi32>
      %sub3A_117 = arith.subi %sub3A_115, %sub3A_116 : vector<512x1536xi32>
      %abs3A = math.absi %sub3A_117 : vector<512x1536xi32>
      %eq3A_118 = arith.constant 1 : i32
      %eq3A_119 = vector.broadcast %eq3A_118 : i32 to vector<512x1536xi32>
      %eq3A_120 = arith.cmpi eq, %abs3A, %eq3A_119 : vector<512x1536xi32>
      %max3A = vector.broadcast %add3A_68 : vector<512x1xi32> to vector<512x1536xi32>
      %max3A_121 = vector.broadcast %iota3A_69 : vector<1x1536xi32> to vector<512x1536xi32>
      %max3A_122 = arith.maxsi %max3A, %max3A_121 : vector<512x1536xi32>
      %lt3A_123 = vector.broadcast %get3A_0 : i32 to vector<512x1536xi32>
      %lt3A_124 = arith.cmpi slt, %max3A_122, %lt3A_123 : vector<512x1536xi32>
      %and3A_125 = arith.andi %eq3A_120, %lt3A_124 : vector<512x1536xi1>
      %jit3A_126 = arith.constant 0.000000e+00 : f32
      %broadcast_in_dim3A_127 = vector.broadcast %jit3A_126 : f32 to vector<512x1536xf32>
      %select_n3A_128 = arith.select %and3A_125, %broadcast_in_dim3A_127, %select_n3A_114 : vector<512x1536xi1>, vector<512x1536xf32>
      %convert_element_type3A_129 = arith.sitofp %iota3A_69 : vector<1x1536xi32> to vector<1x1536xf32>
      %reduce_min3A = arith.constant dense<0x7F800000> : vector<512xf32>
      %reduce_min3A_130 = vector.multi_reduction <minimumf>, %select_n3A_128, %reduce_min3A [1] : vector<512x1536xf32> to vector<512xf32>
      %broadcast_in_dim3A_131 = vector.shape_cast %reduce_min3A_130 : vector<512xf32> to vector<512x1xf32>
      %eq3A_132 = vector.broadcast %broadcast_in_dim3A_131 : vector<512x1xf32> to vector<512x1536xf32>
      %eq3A_133 = arith.cmpf oeq, %select_n3A_128, %eq3A_132 : vector<512x1536xf32>
      %jit3A_134 = arith.constant 1.536000e+03 : f32
      %broadcast_in_dim3A_135 = vector.shape_cast %convert_element_type3A_129 : vector<1x1536xf32> to vector<1x1536xf32>
      %broadcast_in_dim3A_136 = vector.broadcast %broadcast_in_dim3A_135 : vector<1x1536xf32> to vector<512x1536xf32>
      %broadcast_in_dim3A_137 = vector.broadcast %jit3A_134 : f32 to vector<512x1536xf32>
      %select_n3A_138 = arith.select %eq3A_133, %broadcast_in_dim3A_136, %broadcast_in_dim3A_137 : vector<512x1536xi1>, vector<512x1536xf32>
      %reduce_min3A_139 = arith.constant dense<0x7F800000> : vector<512xf32>
      %reduce_min3A_140 = vector.multi_reduction <minimumf>, %select_n3A_138, %reduce_min3A_139 [1] : vector<512x1536xf32> to vector<512xf32>
      %broadcast_in_dim3A_141 = vector.shape_cast %reduce_min3A_140 : vector<512xf32> to vector<512x1xf32>
      %eq3A_142 = vector.broadcast %convert_element_type3A_129 : vector<1x1536xf32> to vector<512x1536xf32>
      %eq3A_143 = vector.broadcast %broadcast_in_dim3A_141 : vector<512x1xf32> to vector<512x1536xf32>
      %eq3A_144 = arith.cmpf oeq, %eq3A_142, %eq3A_143 : vector<512x1536xf32>
      %jit3A_145 = arith.constant 0x7F800000 : f32
      %broadcast_in_dim3A_146 = vector.broadcast %jit3A_145 : f32 to vector<512x1536xf32>
      %select_n3A_147 = arith.select %eq3A_144, %broadcast_in_dim3A_146, %select_n3A_128 : vector<512x1536xi1>, vector<512x1536xf32>
      %reduce_min3A_148 = arith.constant dense<0x7F800000> : vector<512xf32>
      %reduce_min3A_149 = vector.multi_reduction <minimumf>, %select_n3A_147, %reduce_min3A_148 [1] : vector<512x1536xf32> to vector<512xf32>
      %broadcast_in_dim3A_150 = vector.shape_cast %reduce_min3A_149 : vector<512xf32> to vector<512x1xf32>
      %eq3A_151 = vector.broadcast %broadcast_in_dim3A_150 : vector<512x1xf32> to vector<512x1536xf32>
      %eq3A_152 = arith.cmpf oeq, %select_n3A_147, %eq3A_151 : vector<512x1536xf32>
      %jit3A_153 = arith.constant 1.536000e+03 : f32
      %broadcast_in_dim3A_154 = vector.shape_cast %convert_element_type3A_129 : vector<1x1536xf32> to vector<1x1536xf32>
      %broadcast_in_dim3A_155 = vector.broadcast %broadcast_in_dim3A_154 : vector<1x1536xf32> to vector<512x1536xf32>
      %broadcast_in_dim3A_156 = vector.broadcast %jit3A_153 : f32 to vector<512x1536xf32>
      %select_n3A_157 = arith.select %eq3A_152, %broadcast_in_dim3A_155, %broadcast_in_dim3A_156 : vector<512x1536xi1>, vector<512x1536xf32>
      %reduce_min3A_158 = arith.constant dense<0x7F800000> : vector<512xf32>
      %reduce_min3A_159 = vector.multi_reduction <minimumf>, %select_n3A_157, %reduce_min3A_158 [1] : vector<512x1536xf32> to vector<512xf32>
      %broadcast_in_dim3A_160 = vector.shape_cast %reduce_min3A_159 : vector<512xf32> to vector<512x1xf32>
      %eq3A_161 = vector.broadcast %convert_element_type3A_129 : vector<1x1536xf32> to vector<512x1536xf32>
      %eq3A_162 = vector.broadcast %broadcast_in_dim3A_160 : vector<512x1xf32> to vector<512x1536xf32>
      %eq3A_163 = arith.cmpf oeq, %eq3A_161, %eq3A_162 : vector<512x1536xf32>
      %jit3A_164 = arith.constant 0x7F800000 : f32
      %broadcast_in_dim3A_165 = vector.broadcast %jit3A_164 : f32 to vector<512x1536xf32>
      %select_n3A_166 = arith.select %eq3A_163, %broadcast_in_dim3A_165, %select_n3A_147 : vector<512x1536xi1>, vector<512x1536xf32>
      %reduce_min3A_167 = arith.constant dense<0x7F800000> : vector<512xf32>
      %reduce_min3A_168 = vector.multi_reduction <minimumf>, %select_n3A_166, %reduce_min3A_167 [1] : vector<512x1536xf32> to vector<512xf32>
      %broadcast_in_dim3A_169 = vector.shape_cast %reduce_min3A_168 : vector<512xf32> to vector<512x1xf32>
      %eq3A_170 = vector.broadcast %broadcast_in_dim3A_169 : vector<512x1xf32> to vector<512x1536xf32>
      %eq3A_171 = arith.cmpf oeq, %select_n3A_166, %eq3A_170 : vector<512x1536xf32>
      %jit3A_172 = arith.constant 1.536000e+03 : f32
      %broadcast_in_dim3A_173 = vector.shape_cast %convert_element_type3A_129 : vector<1x1536xf32> to vector<1x1536xf32>
      %broadcast_in_dim3A_174 = vector.broadcast %broadcast_in_dim3A_173 : vector<1x1536xf32> to vector<512x1536xf32>
      %broadcast_in_dim3A_175 = vector.broadcast %jit3A_172 : f32 to vector<512x1536xf32>
      %select_n3A_176 = arith.select %eq3A_171, %broadcast_in_dim3A_174, %broadcast_in_dim3A_175 : vector<512x1536xi1>, vector<512x1536xf32>
      %reduce_min3A_177 = arith.constant dense<0x7F800000> : vector<512xf32>
      %reduce_min3A_178 = vector.multi_reduction <minimumf>, %select_n3A_176, %reduce_min3A_177 [1] : vector<512x1536xf32> to vector<512xf32>
      %broadcast_in_dim3A_179 = vector.shape_cast %reduce_min3A_178 : vector<512xf32> to vector<512x1xf32>
      %eq3A_180 = vector.broadcast %convert_element_type3A_129 : vector<1x1536xf32> to vector<512x1536xf32>
      %eq3A_181 = vector.broadcast %broadcast_in_dim3A_179 : vector<512x1xf32> to vector<512x1536xf32>
      %eq3A_182 = arith.cmpf oeq, %eq3A_180, %eq3A_181 : vector<512x1536xf32>
      %jit3A_183 = arith.constant 0x7F800000 : f32
      %broadcast_in_dim3A_184 = vector.broadcast %jit3A_183 : f32 to vector<512x1536xf32>
      %select_n3A_185 = arith.select %eq3A_182, %broadcast_in_dim3A_184, %select_n3A_166 : vector<512x1536xi1>, vector<512x1536xf32>
      %reduce_min3A_186 = arith.constant dense<0x7F800000> : vector<512xf32>
      %reduce_min3A_187 = vector.multi_reduction <minimumf>, %select_n3A_185, %reduce_min3A_186 [1] : vector<512x1536xf32> to vector<512xf32>
      %broadcast_in_dim3A_188 = vector.shape_cast %reduce_min3A_187 : vector<512xf32> to vector<512x1xf32>
      %eq3A_189 = vector.broadcast %broadcast_in_dim3A_188 : vector<512x1xf32> to vector<512x1536xf32>
      %eq3A_190 = arith.cmpf oeq, %select_n3A_185, %eq3A_189 : vector<512x1536xf32>
      %jit3A_191 = arith.constant 1.536000e+03 : f32
      %broadcast_in_dim3A_192 = vector.shape_cast %convert_element_type3A_129 : vector<1x1536xf32> to vector<1x1536xf32>
      %broadcast_in_dim3A_193 = vector.broadcast %broadcast_in_dim3A_192 : vector<1x1536xf32> to vector<512x1536xf32>
      %broadcast_in_dim3A_194 = vector.broadcast %jit3A_191 : f32 to vector<512x1536xf32>
      %select_n3A_195 = arith.select %eq3A_190, %broadcast_in_dim3A_193, %broadcast_in_dim3A_194 : vector<512x1536xi1>, vector<512x1536xf32>
      %reduce_min3A_196 = arith.constant dense<0x7F800000> : vector<512xf32>
      %reduce_min3A_197 = vector.multi_reduction <minimumf>, %select_n3A_195, %reduce_min3A_196 [1] : vector<512x1536xf32> to vector<512xf32>
      %broadcast_in_dim3A_198 = vector.shape_cast %reduce_min3A_197 : vector<512xf32> to vector<512x1xf32>
      %eq3A_199 = vector.broadcast %convert_element_type3A_129 : vector<1x1536xf32> to vector<512x1536xf32>
      %eq3A_200 = vector.broadcast %broadcast_in_dim3A_198 : vector<512x1xf32> to vector<512x1536xf32>
      %eq3A_201 = arith.cmpf oeq, %eq3A_199, %eq3A_200 : vector<512x1536xf32>
      %jit3A_202 = arith.constant 0x7F800000 : f32
      %broadcast_in_dim3A_203 = vector.broadcast %jit3A_202 : f32 to vector<512x1536xf32>
      %select_n3A_204 = arith.select %eq3A_201, %broadcast_in_dim3A_203, %select_n3A_185 : vector<512x1536xi1>, vector<512x1536xf32>
      %reduce_min3A_205 = arith.constant dense<0x7F800000> : vector<512xf32>
      %reduce_min3A_206 = vector.multi_reduction <minimumf>, %select_n3A_204, %reduce_min3A_205 [1] : vector<512x1536xf32> to vector<512xf32>
      %broadcast_in_dim3A_207 = vector.shape_cast %reduce_min3A_206 : vector<512xf32> to vector<512x1xf32>
      %eq3A_208 = vector.broadcast %broadcast_in_dim3A_207 : vector<512x1xf32> to vector<512x1536xf32>
      %eq3A_209 = arith.cmpf oeq, %select_n3A_204, %eq3A_208 : vector<512x1536xf32>
      %jit3A_210 = arith.constant 1.536000e+03 : f32
      %broadcast_in_dim3A_211 = vector.shape_cast %convert_element_type3A_129 : vector<1x1536xf32> to vector<1x1536xf32>
      %broadcast_in_dim3A_212 = vector.broadcast %broadcast_in_dim3A_211 : vector<1x1536xf32> to vector<512x1536xf32>
      %broadcast_in_dim3A_213 = vector.broadcast %jit3A_210 : f32 to vector<512x1536xf32>
      %select_n3A_214 = arith.select %eq3A_209, %broadcast_in_dim3A_212, %broadcast_in_dim3A_213 : vector<512x1536xi1>, vector<512x1536xf32>
      %reduce_min3A_215 = arith.constant dense<0x7F800000> : vector<512xf32>
      %reduce_min3A_216 = vector.multi_reduction <minimumf>, %select_n3A_214, %reduce_min3A_215 [1] : vector<512x1536xf32> to vector<512xf32>
      %broadcast_in_dim3A_217 = vector.shape_cast %reduce_min3A_216 : vector<512xf32> to vector<512x1xf32>
      %eq3A_218 = vector.broadcast %convert_element_type3A_129 : vector<1x1536xf32> to vector<512x1536xf32>
      %eq3A_219 = vector.broadcast %broadcast_in_dim3A_217 : vector<512x1xf32> to vector<512x1536xf32>
      %eq3A_220 = arith.cmpf oeq, %eq3A_218, %eq3A_219 : vector<512x1536xf32>
      %jit3A_221 = arith.constant 0x7F800000 : f32
      %broadcast_in_dim3A_222 = vector.broadcast %jit3A_221 : f32 to vector<512x1536xf32>
      %select_n3A_223 = arith.select %eq3A_220, %broadcast_in_dim3A_222, %select_n3A_204 : vector<512x1536xi1>, vector<512x1536xf32>
      %reduce_min3A_224 = arith.constant dense<0x7F800000> : vector<512xf32>
      %reduce_min3A_225 = vector.multi_reduction <minimumf>, %select_n3A_223, %reduce_min3A_224 [1] : vector<512x1536xf32> to vector<512xf32>
      %broadcast_in_dim3A_226 = vector.shape_cast %reduce_min3A_225 : vector<512xf32> to vector<512x1xf32>
      %eq3A_227 = vector.broadcast %broadcast_in_dim3A_226 : vector<512x1xf32> to vector<512x1536xf32>
      %eq3A_228 = arith.cmpf oeq, %select_n3A_223, %eq3A_227 : vector<512x1536xf32>
      %jit3A_229 = arith.constant 1.536000e+03 : f32
      %broadcast_in_dim3A_230 = vector.shape_cast %convert_element_type3A_129 : vector<1x1536xf32> to vector<1x1536xf32>
      %broadcast_in_dim3A_231 = vector.broadcast %broadcast_in_dim3A_230 : vector<1x1536xf32> to vector<512x1536xf32>
      %broadcast_in_dim3A_232 = vector.broadcast %jit3A_229 : f32 to vector<512x1536xf32>
      %select_n3A_233 = arith.select %eq3A_228, %broadcast_in_dim3A_231, %broadcast_in_dim3A_232 : vector<512x1536xi1>, vector<512x1536xf32>
      %reduce_min3A_234 = arith.constant dense<0x7F800000> : vector<512xf32>
      %reduce_min3A_235 = vector.multi_reduction <minimumf>, %select_n3A_233, %reduce_min3A_234 [1] : vector<512x1536xf32> to vector<512xf32>
      %broadcast_in_dim3A_236 = vector.shape_cast %reduce_min3A_235 : vector<512xf32> to vector<512x1xf32>
      %eq3A_237 = vector.broadcast %convert_element_type3A_129 : vector<1x1536xf32> to vector<512x1536xf32>
      %eq3A_238 = vector.broadcast %broadcast_in_dim3A_236 : vector<512x1xf32> to vector<512x1536xf32>
      %eq3A_239 = arith.cmpf oeq, %eq3A_237, %eq3A_238 : vector<512x1536xf32>
      %jit3A_240 = arith.constant 0x7F800000 : f32
      %broadcast_in_dim3A_241 = vector.broadcast %jit3A_240 : f32 to vector<512x1536xf32>
      %select_n3A_242 = arith.select %eq3A_239, %broadcast_in_dim3A_241, %select_n3A_223 : vector<512x1536xi1>, vector<512x1536xf32>
      %reduce_min3A_243 = arith.constant dense<0x7F800000> : vector<512xf32>
      %reduce_min3A_244 = vector.multi_reduction <minimumf>, %select_n3A_242, %reduce_min3A_243 [1] : vector<512x1536xf32> to vector<512xf32>
      %broadcast_in_dim3A_245 = vector.shape_cast %reduce_min3A_244 : vector<512xf32> to vector<512x1xf32>
      %eq3A_246 = vector.broadcast %broadcast_in_dim3A_245 : vector<512x1xf32> to vector<512x1536xf32>
      %eq3A_247 = arith.cmpf oeq, %select_n3A_242, %eq3A_246 : vector<512x1536xf32>
      %jit3A_248 = arith.constant 1.536000e+03 : f32
      %broadcast_in_dim3A_249 = vector.shape_cast %convert_element_type3A_129 : vector<1x1536xf32> to vector<1x1536xf32>
      %broadcast_in_dim3A_250 = vector.broadcast %broadcast_in_dim3A_249 : vector<1x1536xf32> to vector<512x1536xf32>
      %broadcast_in_dim3A_251 = vector.broadcast %jit3A_248 : f32 to vector<512x1536xf32>
      %select_n3A_252 = arith.select %eq3A_247, %broadcast_in_dim3A_250, %broadcast_in_dim3A_251 : vector<512x1536xi1>, vector<512x1536xf32>
      %reduce_min3A_253 = arith.constant dense<0x7F800000> : vector<512xf32>
      %reduce_min3A_254 = vector.multi_reduction <minimumf>, %select_n3A_252, %reduce_min3A_253 [1] : vector<512x1536xf32> to vector<512xf32>
      %broadcast_in_dim3A_255 = vector.shape_cast %reduce_min3A_254 : vector<512xf32> to vector<512x1xf32>
      %concatenate3A = tpu.concatenate %broadcast_in_dim3A_141, %broadcast_in_dim3A_160, %broadcast_in_dim3A_179, %broadcast_in_dim3A_198, %broadcast_in_dim3A_217, %broadcast_in_dim3A_236, %broadcast_in_dim3A_255 in 1 : vector<512x1xf32>, vector<512x1xf32>, vector<512x1xf32>, vector<512x1xf32>, vector<512x1xf32>, vector<512x1xf32>, vector<512x1xf32> -> vector<512x7xf32>
      %mul3A_256 = arith.constant 2048 : i32
      %mul3A_257 = arith.muli %arg0, %mul3A_256 : i32
      %convert_element_type3A_258 = arith.sitofp %mul3A_257 : i32 to f32
      %add3A_259 = vector.broadcast %convert_element_type3A_258 : f32 to vector<512x7xf32>
      %add3A_260 = arith.addf %concatenate3A, %add3A_259 : vector<512x7xf32>
      %transpose3A = tpu.transpose %add3A_260, [1, 0] : vector<512x7xf32> -> vector<7x512xf32>
      %convert_element_type3A_261 = arith.fptosi %transpose3A : vector<7x512xf32> to vector<7x512xi32>
      %swap3A = arith.constant 0 : index
      %swap3A_262 = arith.constant 0 : index
      %swap3A_263 = arith.constant 0 : index
      %swap3A_264 = vector.load %arg5[%swap3A, %swap3A_262, %swap3A_263] : memref<1x7x512xi32, #tpu.memory_space<vmem>>, vector<1x7x512xi32>
      %swap3A_265 = vector.shape_cast %swap3A_264 : vector<1x7x512xi32> to vector<7x512xi32>
      %swap3A_266 = vector.shape_cast %convert_element_type3A_261 : vector<7x512xi32> to vector<1x7x512xi32>
      tpu.vector_store %arg5[%swap3A, %swap3A_262, %swap3A_263], %swap3A_266 {strides = array<i32>} : memref<1x7x512xi32, #tpu.memory_space<vmem>>, vector<1x7x512xi32>,
    } else {
    }
    %mul3A_45 = arith.constant 512 : i32
    %mul3A_46 = arith.muli %arg1, %mul3A_45 : i32
    %lt3A_47 = arith.cmpi slt, %mul3A_46, %get3A_0 : i32
    %eq3A_48 = arith.constant 4 : i32
    %eq3A_49 = arith.cmpi eq, %select_n3A, %eq3A_48 : i32
    %and3A_50 = arith.andi %lt3A_47, %eq3A_49 : i1
    %convert_element_type3A_51 = arith.extui %and3A_50 : i1 to i32
    %cond3A_52 = arith.constant 0 : i32
    %cond3A_53 = arith.cmpi ne, %convert_element_type3A_51, %cond3A_52 : i32
    scf.if %cond3A_53 {
      %get3A_54 = arith.constant 0 : index
      %get3A_55 = arith.constant 0 : index
      %get3A_56 = arith.constant 0 : index
      %get3A_57 = vector.load %arg3[%get3A_54, %get3A_55, %get3A_56] : memref<1x512x32xf32, #tpu.memory_space<vmem>>, vector<1x512x32xf32>
      %get3A_58 = vector.shape_cast %get3A_57 : vector<1x512x32xf32> to vector<512x32xf32>
      %slice3A = vector.extract_strided_slice %get3A_58 {offsets = [0, 16], sizes = [512, 3], strides = [1, 1]} : vector<512x32xf32> to vector<512x3xf32>
      %get3A_59 = arith.constant 0 : index
      %get3A_60 = arith.constant 0 : index
      %get3A_61 = arith.constant 0 : index
      %get3A_62 = vector.load %arg4[%get3A_59, %get3A_60, %get3A_61] : memref<1x3x2048xf32, #tpu.memory_space<vmem>>, vector<1x3x2048xf32>
      %get3A_63 = vector.shape_cast %get3A_62 : vector<1x3x2048xf32> to vector<3x2048xf32>
      %mul3A_64 = arith.constant 512 : i32
      %mul3A_65 = arith.muli %arg1, %mul3A_64 : i32
      %iota3A = tpu.iota {dimensions = array<i32: 0>} : vector<512x1xi32>
      %add3A_66 = vector.broadcast %mul3A_65 : i32 to vector<512x1xi32>
      %add3A_67 = arith.addi %add3A_66, %iota3A : vector<512x1xi32>
      %iota3A_68 = tpu.iota {dimensions = array<i32: 1>} : vector<1x2048xi32>
      %slice3A_69 = vector.extract_strided_slice %slice3A {offsets = [0, 0], sizes = [512, 1], strides = [1, 1]} : vector<512x3xf32> to vector<512x1xf32>
      %slice3A_70 = vector.extract_strided_slice %slice3A {offsets = [0, 0], sizes = [512, 1], strides = [1, 1]} : vector<512x3xf32> to vector<512x1xf32>
      %mul3A_71 = arith.mulf %slice3A_69, %slice3A_70 : vector<512x1xf32>
      %slice3A_72 = vector.extract_strided_slice %slice3A {offsets = [0, 1], sizes = [512, 1], strides = [1, 1]} : vector<512x3xf32> to vector<512x1xf32>
      %slice3A_73 = vector.extract_strided_slice %slice3A {offsets = [0, 1], sizes = [512, 1], strides = [1, 1]} : vector<512x3xf32> to vector<512x1xf32>
      %mul3A_74 = arith.mulf %slice3A_72, %slice3A_73 : vector<512x1xf32>
      %add3A_75 = arith.addf %mul3A_71, %mul3A_74 : vector<512x1xf32>
      %slice3A_76 = vector.extract_strided_slice %slice3A {offsets = [0, 2], sizes = [512, 1], strides = [1, 1]} : vector<512x3xf32> to vector<512x1xf32>
      %slice3A_77 = vector.extract_strided_slice %slice3A {offsets = [0, 2], sizes = [512, 1], strides = [1, 1]} : vector<512x3xf32> to vector<512x1xf32>
      %mul3A_78 = arith.mulf %slice3A_76, %slice3A_77 : vector<512x1xf32>
      %add3A_79 = arith.addf %add3A_75, %mul3A_78 : vector<512x1xf32>
      %slice3A_80 = vector.extract_strided_slice %get3A_63 {offsets = [0, 0], sizes = [1, 2048], strides = [1, 1]} : vector<3x2048xf32> to vector<1x2048xf32>
      %slice3A_81 = vector.extract_strided_slice %get3A_63 {offsets = [0, 0], sizes = [1, 2048], strides = [1, 1]} : vector<3x2048xf32> to vector<1x2048xf32>
      %mul3A_82 = arith.mulf %slice3A_80, %slice3A_81 : vector<1x2048xf32>
      %slice3A_83 = vector.extract_strided_slice %get3A_63 {offsets = [1, 0], sizes = [1, 2048], strides = [1, 1]} : vector<3x2048xf32> to vector<1x2048xf32>
      %slice3A_84 = vector.extract_strided_slice %get3A_63 {offsets = [1, 0], sizes = [1, 2048], strides = [1, 1]} : vector<3x2048xf32> to vector<1x2048xf32>
      %mul3A_85 = arith.mulf %slice3A_83, %slice3A_84 : vector<1x2048xf32>
      %add3A_86 = arith.addf %mul3A_82, %mul3A_85 : vector<1x2048xf32>
      %slice3A_87 = vector.extract_strided_slice %get3A_63 {offsets = [2, 0], sizes = [1, 2048], strides = [1, 1]} : vector<3x2048xf32> to vector<1x2048xf32>
      %slice3A_88 = vector.extract_strided_slice %get3A_63 {offsets = [2, 0], sizes = [1, 2048], strides = [1, 1]} : vector<3x2048xf32> to vector<1x2048xf32>
      %mul3A_89 = arith.mulf %slice3A_87, %slice3A_88 : vector<1x2048xf32>
      %add3A_90 = arith.addf %add3A_86, %mul3A_89 : vector<1x2048xf32>
      %add3A_91 = vector.broadcast %add3A_79 : vector<512x1xf32> to vector<512x2048xf32>
      %add3A_92 = vector.broadcast %add3A_90 : vector<1x2048xf32> to vector<512x2048xf32>
      %add3A_93 = arith.addf %add3A_91, %add3A_92 : vector<512x2048xf32>
      %dot_general3A = arith.constant dense<0.000000e+00> : vector<512x2048xf32>
      %dot_general3A_94 = tpu.matmul %slice3A, %get3A_63, %dot_general3A {dimension_numbers = #tpu.dot_dimension_numbers<[1], [0], [0], [1], [0, 0, 1, 1], [], []>, transpose_lhs_hint = false} : vector<512x3xf32>, vector<3x2048xf32>, vector<512x2048xf32> -> vector<512x2048xf32>
      %mul3A_95 = arith.constant 2.000000e+00 : f32
      %mul3A_96 = vector.broadcast %mul3A_95 : f32 to vector<512x2048xf32>
      %mul3A_97 = arith.mulf %mul3A_96, %dot_general3A_94 : vector<512x2048xf32>
      %sub3A_98 = arith.subf %add3A_93, %mul3A_97 : vector<512x2048xf32>
      %lt3A_99 = vector.broadcast %get3A_0 : i32 to vector<512x1xi32>
      %lt3A_100 = arith.cmpi slt, %add3A_67, %lt3A_99 : vector<512x1xi32>
      %lt3A_101 = vector.broadcast %get3A_0 : i32 to vector<1x2048xi32>
      %lt3A_102 = arith.cmpi slt, %iota3A_68, %lt3A_101 : vector<1x2048xi32>
      %and3A_103 = vector.broadcast %lt3A_100 : vector<512x1xi1> to vector<512x2048xi1>
      %and3A_104 = vector.broadcast %lt3A_102 : vector<1x2048xi1> to vector<512x2048xi1>
      %and3A_105 = arith.andi %and3A_103, %and3A_104 : vector<512x2048xi1>
      %jit3A_106 = arith.constant 1.000000e+05 : f32
      %broadcast_in_dim3A = vector.broadcast %jit3A_106 : f32 to vector<512x2048xf32>
      %select_n3A_107 = arith.select %and3A_105, %sub3A_98, %broadcast_in_dim3A : vector<512x2048xi1>, vector<512x2048xf32>
      %eq3A_108 = vector.broadcast %add3A_67 : vector<512x1xi32> to vector<512x2048xi32>
      %eq3A_109 = vector.broadcast %iota3A_68 : vector<1x2048xi32> to vector<512x2048xi32>
      %eq3A_110 = arith.cmpi eq, %eq3A_108, %eq3A_109 : vector<512x2048xi32>
      %jit3A_111 = arith.constant 0x7F800000 : f32
      %broadcast_in_dim3A_112 = vector.broadcast %jit3A_111 : f32 to vector<512x2048xf32>
      %select_n3A_113 = arith.select %eq3A_110, %broadcast_in_dim3A_112, %select_n3A_107 : vector<512x2048xi1>, vector<512x2048xf32>
      %sub3A_114 = vector.broadcast %add3A_67 : vector<512x1xi32> to vector<512x2048xi32>
      %sub3A_115 = vector.broadcast %iota3A_68 : vector<1x2048xi32> to vector<512x2048xi32>
      %sub3A_116 = arith.subi %sub3A_114, %sub3A_115 : vector<512x2048xi32>
      %abs3A = math.absi %sub3A_116 : vector<512x2048xi32>
      %eq3A_117 = arith.constant 1 : i32
      %eq3A_118 = vector.broadcast %eq3A_117 : i32 to vector<512x2048xi32>
      %eq3A_119 = arith.cmpi eq, %abs3A, %eq3A_118 : vector<512x2048xi32>
      %max3A = vector.broadcast %add3A_67 : vector<512x1xi32> to vector<512x2048xi32>
      %max3A_120 = vector.broadcast %iota3A_68 : vector<1x2048xi32> to vector<512x2048xi32>
      %max3A_121 = arith.maxsi %max3A, %max3A_120 : vector<512x2048xi32>
      %lt3A_122 = vector.broadcast %get3A_0 : i32 to vector<512x2048xi32>
      %lt3A_123 = arith.cmpi slt, %max3A_121, %lt3A_122 : vector<512x2048xi32>
      %and3A_124 = arith.andi %eq3A_119, %lt3A_123 : vector<512x2048xi1>
      %jit3A_125 = arith.constant 0.000000e+00 : f32
      %broadcast_in_dim3A_126 = vector.broadcast %jit3A_125 : f32 to vector<512x2048xf32>
      %select_n3A_127 = arith.select %and3A_124, %broadcast_in_dim3A_126, %select_n3A_113 : vector<512x2048xi1>, vector<512x2048xf32>
      %convert_element_type3A_128 = arith.sitofp %iota3A_68 : vector<1x2048xi32> to vector<1x2048xf32>
      %reduce_min3A = arith.constant dense<0x7F800000> : vector<512xf32>
      %reduce_min3A_129 = vector.multi_reduction <minimumf>, %select_n3A_127, %reduce_min3A [1] : vector<512x2048xf32> to vector<512xf32>
      %broadcast_in_dim3A_130 = vector.shape_cast %reduce_min3A_129 : vector<512xf32> to vector<512x1xf32>
      %eq3A_131 = vector.broadcast %broadcast_in_dim3A_130 : vector<512x1xf32> to vector<512x2048xf32>
      %eq3A_132 = arith.cmpf oeq, %select_n3A_127, %eq3A_131 : vector<512x2048xf32>
      %jit3A_133 = arith.constant 2.048000e+03 : f32
      %broadcast_in_dim3A_134 = vector.shape_cast %convert_element_type3A_128 : vector<1x2048xf32> to vector<1x2048xf32>
      %broadcast_in_dim3A_135 = vector.broadcast %broadcast_in_dim3A_134 : vector<1x2048xf32> to vector<512x2048xf32>
      %broadcast_in_dim3A_136 = vector.broadcast %jit3A_133 : f32 to vector<512x2048xf32>
      %select_n3A_137 = arith.select %eq3A_132, %broadcast_in_dim3A_135, %broadcast_in_dim3A_136 : vector<512x2048xi1>, vector<512x2048xf32>
      %reduce_min3A_138 = arith.constant dense<0x7F800000> : vector<512xf32>
      %reduce_min3A_139 = vector.multi_reduction <minimumf>, %select_n3A_137, %reduce_min3A_138 [1] : vector<512x2048xf32> to vector<512xf32>
      %broadcast_in_dim3A_140 = vector.shape_cast %reduce_min3A_139 : vector<512xf32> to vector<512x1xf32>
      %eq3A_141 = vector.broadcast %convert_element_type3A_128 : vector<1x2048xf32> to vector<512x2048xf32>
      %eq3A_142 = vector.broadcast %broadcast_in_dim3A_140 : vector<512x1xf32> to vector<512x2048xf32>
      %eq3A_143 = arith.cmpf oeq, %eq3A_141, %eq3A_142 : vector<512x2048xf32>
      %jit3A_144 = arith.constant 0x7F800000 : f32
      %broadcast_in_dim3A_145 = vector.broadcast %jit3A_144 : f32 to vector<512x2048xf32>
      %select_n3A_146 = arith.select %eq3A_143, %broadcast_in_dim3A_145, %select_n3A_127 : vector<512x2048xi1>, vector<512x2048xf32>
      %reduce_min3A_147 = arith.constant dense<0x7F800000> : vector<512xf32>
      %reduce_min3A_148 = vector.multi_reduction <minimumf>, %select_n3A_146, %reduce_min3A_147 [1] : vector<512x2048xf32> to vector<512xf32>
      %broadcast_in_dim3A_149 = vector.shape_cast %reduce_min3A_148 : vector<512xf32> to vector<512x1xf32>
      %eq3A_150 = vector.broadcast %broadcast_in_dim3A_149 : vector<512x1xf32> to vector<512x2048xf32>
      %eq3A_151 = arith.cmpf oeq, %select_n3A_146, %eq3A_150 : vector<512x2048xf32>
      %jit3A_152 = arith.constant 2.048000e+03 : f32
      %broadcast_in_dim3A_153 = vector.shape_cast %convert_element_type3A_128 : vector<1x2048xf32> to vector<1x2048xf32>
      %broadcast_in_dim3A_154 = vector.broadcast %broadcast_in_dim3A_153 : vector<1x2048xf32> to vector<512x2048xf32>
      %broadcast_in_dim3A_155 = vector.broadcast %jit3A_152 : f32 to vector<512x2048xf32>
      %select_n3A_156 = arith.select %eq3A_151, %broadcast_in_dim3A_154, %broadcast_in_dim3A_155 : vector<512x2048xi1>, vector<512x2048xf32>
      %reduce_min3A_157 = arith.constant dense<0x7F800000> : vector<512xf32>
      %reduce_min3A_158 = vector.multi_reduction <minimumf>, %select_n3A_156, %reduce_min3A_157 [1] : vector<512x2048xf32> to vector<512xf32>
      %broadcast_in_dim3A_159 = vector.shape_cast %reduce_min3A_158 : vector<512xf32> to vector<512x1xf32>
      %eq3A_160 = vector.broadcast %convert_element_type3A_128 : vector<1x2048xf32> to vector<512x2048xf32>
      %eq3A_161 = vector.broadcast %broadcast_in_dim3A_159 : vector<512x1xf32> to vector<512x2048xf32>
      %eq3A_162 = arith.cmpf oeq, %eq3A_160, %eq3A_161 : vector<512x2048xf32>
      %jit3A_163 = arith.constant 0x7F800000 : f32
      %broadcast_in_dim3A_164 = vector.broadcast %jit3A_163 : f32 to vector<512x2048xf32>
      %select_n3A_165 = arith.select %eq3A_162, %broadcast_in_dim3A_164, %select_n3A_146 : vector<512x2048xi1>, vector<512x2048xf32>
      %reduce_min3A_166 = arith.constant dense<0x7F800000> : vector<512xf32>
      %reduce_min3A_167 = vector.multi_reduction <minimumf>, %select_n3A_165, %reduce_min3A_166 [1] : vector<512x2048xf32> to vector<512xf32>
      %broadcast_in_dim3A_168 = vector.shape_cast %reduce_min3A_167 : vector<512xf32> to vector<512x1xf32>
      %eq3A_169 = vector.broadcast %broadcast_in_dim3A_168 : vector<512x1xf32> to vector<512x2048xf32>
      %eq3A_170 = arith.cmpf oeq, %select_n3A_165, %eq3A_169 : vector<512x2048xf32>
      %jit3A_171 = arith.constant 2.048000e+03 : f32
      %broadcast_in_dim3A_172 = vector.shape_cast %convert_element_type3A_128 : vector<1x2048xf32> to vector<1x2048xf32>
      %broadcast_in_dim3A_173 = vector.broadcast %broadcast_in_dim3A_172 : vector<1x2048xf32> to vector<512x2048xf32>
      %broadcast_in_dim3A_174 = vector.broadcast %jit3A_171 : f32 to vector<512x2048xf32>
      %select_n3A_175 = arith.select %eq3A_170, %broadcast_in_dim3A_173, %broadcast_in_dim3A_174 : vector<512x2048xi1>, vector<512x2048xf32>
      %reduce_min3A_176 = arith.constant dense<0x7F800000> : vector<512xf32>
      %reduce_min3A_177 = vector.multi_reduction <minimumf>, %select_n3A_175, %reduce_min3A_176 [1] : vector<512x2048xf32> to vector<512xf32>
      %broadcast_in_dim3A_178 = vector.shape_cast %reduce_min3A_177 : vector<512xf32> to vector<512x1xf32>
      %eq3A_179 = vector.broadcast %convert_element_type3A_128 : vector<1x2048xf32> to vector<512x2048xf32>
      %eq3A_180 = vector.broadcast %broadcast_in_dim3A_178 : vector<512x1xf32> to vector<512x2048xf32>
      %eq3A_181 = arith.cmpf oeq, %eq3A_179, %eq3A_180 : vector<512x2048xf32>
      %jit3A_182 = arith.constant 0x7F800000 : f32
      %broadcast_in_dim3A_183 = vector.broadcast %jit3A_182 : f32 to vector<512x2048xf32>
      %select_n3A_184 = arith.select %eq3A_181, %broadcast_in_dim3A_183, %select_n3A_165 : vector<512x2048xi1>, vector<512x2048xf32>
      %reduce_min3A_185 = arith.constant dense<0x7F800000> : vector<512xf32>
      %reduce_min3A_186 = vector.multi_reduction <minimumf>, %select_n3A_184, %reduce_min3A_185 [1] : vector<512x2048xf32> to vector<512xf32>
      %broadcast_in_dim3A_187 = vector.shape_cast %reduce_min3A_186 : vector<512xf32> to vector<512x1xf32>
      %eq3A_188 = vector.broadcast %broadcast_in_dim3A_187 : vector<512x1xf32> to vector<512x2048xf32>
      %eq3A_189 = arith.cmpf oeq, %select_n3A_184, %eq3A_188 : vector<512x2048xf32>
      %jit3A_190 = arith.constant 2.048000e+03 : f32
      %broadcast_in_dim3A_191 = vector.shape_cast %convert_element_type3A_128 : vector<1x2048xf32> to vector<1x2048xf32>
      %broadcast_in_dim3A_192 = vector.broadcast %broadcast_in_dim3A_191 : vector<1x2048xf32> to vector<512x2048xf32>
      %broadcast_in_dim3A_193 = vector.broadcast %jit3A_190 : f32 to vector<512x2048xf32>
      %select_n3A_194 = arith.select %eq3A_189, %broadcast_in_dim3A_192, %broadcast_in_dim3A_193 : vector<512x2048xi1>, vector<512x2048xf32>
      %reduce_min3A_195 = arith.constant dense<0x7F800000> : vector<512xf32>
      %reduce_min3A_196 = vector.multi_reduction <minimumf>, %select_n3A_194, %reduce_min3A_195 [1] : vector<512x2048xf32> to vector<512xf32>
      %broadcast_in_dim3A_197 = vector.shape_cast %reduce_min3A_196 : vector<512xf32> to vector<512x1xf32>
      %eq3A_198 = vector.broadcast %convert_element_type3A_128 : vector<1x2048xf32> to vector<512x2048xf32>
      %eq3A_199 = vector.broadcast %broadcast_in_dim3A_197 : vector<512x1xf32> to vector<512x2048xf32>
      %eq3A_200 = arith.cmpf oeq, %eq3A_198, %eq3A_199 : vector<512x2048xf32>
      %jit3A_201 = arith.constant 0x7F800000 : f32
      %broadcast_in_dim3A_202 = vector.broadcast %jit3A_201 : f32 to vector<512x2048xf32>
      %select_n3A_203 = arith.select %eq3A_200, %broadcast_in_dim3A_202, %select_n3A_184 : vector<512x2048xi1>, vector<512x2048xf32>
      %reduce_min3A_204 = arith.constant dense<0x7F800000> : vector<512xf32>
      %reduce_min3A_205 = vector.multi_reduction <minimumf>, %select_n3A_203, %reduce_min3A_204 [1] : vector<512x2048xf32> to vector<512xf32>
      %broadcast_in_dim3A_206 = vector.shape_cast %reduce_min3A_205 : vector<512xf32> to vector<512x1xf32>
      %eq3A_207 = vector.broadcast %broadcast_in_dim3A_206 : vector<512x1xf32> to vector<512x2048xf32>
      %eq3A_208 = arith.cmpf oeq, %select_n3A_203, %eq3A_207 : vector<512x2048xf32>
      %jit3A_209 = arith.constant 2.048000e+03 : f32
      %broadcast_in_dim3A_210 = vector.shape_cast %convert_element_type3A_128 : vector<1x2048xf32> to vector<1x2048xf32>
      %broadcast_in_dim3A_211 = vector.broadcast %broadcast_in_dim3A_210 : vector<1x2048xf32> to vector<512x2048xf32>
      %broadcast_in_dim3A_212 = vector.broadcast %jit3A_209 : f32 to vector<512x2048xf32>
      %select_n3A_213 = arith.select %eq3A_208, %broadcast_in_dim3A_211, %broadcast_in_dim3A_212 : vector<512x2048xi1>, vector<512x2048xf32>
      %reduce_min3A_214 = arith.constant dense<0x7F800000> : vector<512xf32>
      %reduce_min3A_215 = vector.multi_reduction <minimumf>, %select_n3A_213, %reduce_min3A_214 [1] : vector<512x2048xf32> to vector<512xf32>
      %broadcast_in_dim3A_216 = vector.shape_cast %reduce_min3A_215 : vector<512xf32> to vector<512x1xf32>
      %eq3A_217 = vector.broadcast %convert_element_type3A_128 : vector<1x2048xf32> to vector<512x2048xf32>
      %eq3A_218 = vector.broadcast %broadcast_in_dim3A_216 : vector<512x1xf32> to vector<512x2048xf32>
      %eq3A_219 = arith.cmpf oeq, %eq3A_217, %eq3A_218 : vector<512x2048xf32>
      %jit3A_220 = arith.constant 0x7F800000 : f32
      %broadcast_in_dim3A_221 = vector.broadcast %jit3A_220 : f32 to vector<512x2048xf32>
      %select_n3A_222 = arith.select %eq3A_219, %broadcast_in_dim3A_221, %select_n3A_203 : vector<512x2048xi1>, vector<512x2048xf32>
      %reduce_min3A_223 = arith.constant dense<0x7F800000> : vector<512xf32>
      %reduce_min3A_224 = vector.multi_reduction <minimumf>, %select_n3A_222, %reduce_min3A_223 [1] : vector<512x2048xf32> to vector<512xf32>
      %broadcast_in_dim3A_225 = vector.shape_cast %reduce_min3A_224 : vector<512xf32> to vector<512x1xf32>
      %eq3A_226 = vector.broadcast %broadcast_in_dim3A_225 : vector<512x1xf32> to vector<512x2048xf32>
      %eq3A_227 = arith.cmpf oeq, %select_n3A_222, %eq3A_226 : vector<512x2048xf32>
      %jit3A_228 = arith.constant 2.048000e+03 : f32
      %broadcast_in_dim3A_229 = vector.shape_cast %convert_element_type3A_128 : vector<1x2048xf32> to vector<1x2048xf32>
      %broadcast_in_dim3A_230 = vector.broadcast %broadcast_in_dim3A_229 : vector<1x2048xf32> to vector<512x2048xf32>
      %broadcast_in_dim3A_231 = vector.broadcast %jit3A_228 : f32 to vector<512x2048xf32>
      %select_n3A_232 = arith.select %eq3A_227, %broadcast_in_dim3A_230, %broadcast_in_dim3A_231 : vector<512x2048xi1>, vector<512x2048xf32>
      %reduce_min3A_233 = arith.constant dense<0x7F800000> : vector<512xf32>
      %reduce_min3A_234 = vector.multi_reduction <minimumf>, %select_n3A_232, %reduce_min3A_233 [1] : vector<512x2048xf32> to vector<512xf32>
      %broadcast_in_dim3A_235 = vector.shape_cast %reduce_min3A_234 : vector<512xf32> to vector<512x1xf32>
      %eq3A_236 = vector.broadcast %convert_element_type3A_128 : vector<1x2048xf32> to vector<512x2048xf32>
      %eq3A_237 = vector.broadcast %broadcast_in_dim3A_235 : vector<512x1xf32> to vector<512x2048xf32>
      %eq3A_238 = arith.cmpf oeq, %eq3A_236, %eq3A_237 : vector<512x2048xf32>
      %jit3A_239 = arith.constant 0x7F800000 : f32
      %broadcast_in_dim3A_240 = vector.broadcast %jit3A_239 : f32 to vector<512x2048xf32>
      %select_n3A_241 = arith.select %eq3A_238, %broadcast_in_dim3A_240, %select_n3A_222 : vector<512x2048xi1>, vector<512x2048xf32>
      %reduce_min3A_242 = arith.constant dense<0x7F800000> : vector<512xf32>
      %reduce_min3A_243 = vector.multi_reduction <minimumf>, %select_n3A_241, %reduce_min3A_242 [1] : vector<512x2048xf32> to vector<512xf32>
      %broadcast_in_dim3A_244 = vector.shape_cast %reduce_min3A_243 : vector<512xf32> to vector<512x1xf32>
      %eq3A_245 = vector.broadcast %broadcast_in_dim3A_244 : vector<512x1xf32> to vector<512x2048xf32>
      %eq3A_246 = arith.cmpf oeq, %select_n3A_241, %eq3A_245 : vector<512x2048xf32>
      %jit3A_247 = arith.constant 2.048000e+03 : f32
      %broadcast_in_dim3A_248 = vector.shape_cast %convert_element_type3A_128 : vector<1x2048xf32> to vector<1x2048xf32>
      %broadcast_in_dim3A_249 = vector.broadcast %broadcast_in_dim3A_248 : vector<1x2048xf32> to vector<512x2048xf32>
      %broadcast_in_dim3A_250 = vector.broadcast %jit3A_247 : f32 to vector<512x2048xf32>
      %select_n3A_251 = arith.select %eq3A_246, %broadcast_in_dim3A_249, %broadcast_in_dim3A_250 : vector<512x2048xi1>, vector<512x2048xf32>
      %reduce_min3A_252 = arith.constant dense<0x7F800000> : vector<512xf32>
      %reduce_min3A_253 = vector.multi_reduction <minimumf>, %select_n3A_251, %reduce_min3A_252 [1] : vector<512x2048xf32> to vector<512xf32>
      %broadcast_in_dim3A_254 = vector.shape_cast %reduce_min3A_253 : vector<512xf32> to vector<512x1xf32>
      %concatenate3A = tpu.concatenate %broadcast_in_dim3A_140, %broadcast_in_dim3A_159, %broadcast_in_dim3A_178, %broadcast_in_dim3A_197, %broadcast_in_dim3A_216, %broadcast_in_dim3A_235, %broadcast_in_dim3A_254 in 1 : vector<512x1xf32>, vector<512x1xf32>, vector<512x1xf32>, vector<512x1xf32>, vector<512x1xf32>, vector<512x1xf32>, vector<512x1xf32> -> vector<512x7xf32>
      %mul3A_255 = arith.constant 2048 : i32
      %mul3A_256 = arith.muli %arg0, %mul3A_255 : i32
      %convert_element_type3A_257 = arith.sitofp %mul3A_256 : i32 to f32
      %add3A_258 = vector.broadcast %convert_element_type3A_257 : f32 to vector<512x7xf32>
      %add3A_259 = arith.addf %concatenate3A, %add3A_258 : vector<512x7xf32>
      %transpose3A = tpu.transpose %add3A_259, [1, 0] : vector<512x7xf32> -> vector<7x512xf32>
      %convert_element_type3A_260 = arith.fptosi %transpose3A : vector<7x512xf32> to vector<7x512xi32>
      %swap3A = arith.constant 0 : index
      %swap3A_261 = arith.constant 0 : index
      %swap3A_262 = arith.constant 0 : index
      %swap3A_263 = vector.load %arg5[%swap3A, %swap3A_261, %swap3A_262] : memref<1x7x512xi32, #tpu.memory_space<vmem>>, vector<1x7x512xi32>
      %swap3A_264 = vector.shape_cast %swap3A_263 : vector<1x7x512xi32> to vector<7x512xi32>
      %swap3A_265 = vector.shape_cast %convert_element_type3A_260 : vector<7x512xi32> to vector<1x7x512xi32>
      tpu.vector_store %arg5[%swap3A, %swap3A_261, %swap3A_262], %swap3A_265 {strides = array<i32>} : memref<1x7x512xi32, #tpu.memory_space<vmem>>, vector<1x7x512xi32>,
    } else {
    }
    return
  }
  func.func @transform_0(%arg0: i32, %arg1: i32) -> i32 {
    %c0_i32 = arith.constant 0 : i32
    %c0_i32_0 = arith.constant 0 : i32
    return %c0_i32 : i32
  }
  func.func @transform_1(%arg0: i32, %arg1: i32) -> (i32, i32, i32) {
    %c0_i32 = arith.constant 0 : i32
    %c0_i32_0 = arith.constant 0 : i32
    return %arg0, %arg1, %c0_i32 : i32, i32, i32
  }
  func.func @transform_2(%arg0: i32, %arg1: i32) -> (i32, i32, i32) {
    %c0_i32 = arith.constant 0 : i32
    %c0_i32_0 = arith.constant 0 : i32
    %c0_i32_1 = arith.constant 0 : i32
    return %arg0, %c0_i32, %c0_i32_0 : i32, i32, i32
  }
  func.func @transform_3(%arg0: i32, %arg1: i32) -> (i32, i32, i32) {
    %c0_i32 = arith.constant 0 : i32
    %c0_i32_0 = arith.constant 0 : i32
    return %arg0, %c0_i32, %arg1 : i32, i32, i32
  }
}

module attributes {stable_mosaic.version = 14 : i64} {
  func.func @_mp_body(%arg0: i32, %arg1: i32, %arg2: memref<4xi32, #tpu.memory_space<smem>>, %arg3: memref<1x512x32xf32, #tpu.memory_space<vmem>>, %arg4: memref<7x512x128xf32, #tpu.memory_space<vmem>>, %arg5: memref<33x66xf32, #tpu.memory_space<vmem>>, %arg6: memref<1x66xf32, #tpu.memory_space<vmem>>, %arg7: memref<66x16xf32, #tpu.memory_space<vmem>>, %arg8: memref<1x16xf32, #tpu.memory_space<vmem>>, %arg9: memref<32x32xf32, #tpu.memory_space<vmem>>, %arg10: memref<1x32xf32, #tpu.memory_space<vmem>>, %arg11: memref<32x16xf32, #tpu.memory_space<vmem>>, %arg12: memref<1x16xf32, #tpu.memory_space<vmem>>, %arg13: memref<16x64xf32, #tpu.memory_space<vmem>>, %arg14: memref<1x64xf32, #tpu.memory_space<vmem>>, %arg15: memref<64x1xf32, #tpu.memory_space<vmem>>, %arg16: memref<1x1xf32, #tpu.memory_space<vmem>>, %arg17: memref<1x16xf32, #tpu.memory_space<vmem>>, %arg18: memref<1x16xf32, #tpu.memory_space<vmem>>, %arg19: memref<1x512x32xf32, #tpu.memory_space<vmem>>, %arg20: memref<1x3x512xf32, #tpu.memory_space<vmem>>) attributes {dimension_semantics = [#tpu.dimension_semantics<arbitrary>, #tpu.dimension_semantics<arbitrary>], iteration_bounds = array<i64: 4, 4>, scalar_prefetch = 0 : i64, scratch_operands = 0 : i64, tpu.core_type = #tpu.core_type<tc>, window_params = [{transform_indices = @transform_0, window_bounds = array<i64: 4>}, {transform_indices = @transform_1, window_bounds = array<i64: 1, 512, 32>}, {transform_indices = @transform_2, window_bounds = array<i64: 7, 512, 128>}, {pipeline_mode = #tpu.pipeline_mode<synchronous>, transform_indices = @transform_3, window_bounds = array<i64: 33, 66>}, {pipeline_mode = #tpu.pipeline_mode<synchronous>, transform_indices = @transform_4, window_bounds = array<i64: 1, 66>}, {pipeline_mode = #tpu.pipeline_mode<synchronous>, transform_indices = @transform_5, window_bounds = array<i64: 66, 16>}, {pipeline_mode = #tpu.pipeline_mode<synchronous>, transform_indices = @transform_6, window_bounds = array<i64: 1, 16>}, {pipeline_mode = #tpu.pipeline_mode<synchronous>, transform_indices = @transform_7, window_bounds = array<i64: 32, 32>}, {pipeline_mode = #tpu.pipeline_mode<synchronous>, transform_indices = @transform_8, window_bounds = array<i64: 1, 32>}, {pipeline_mode = #tpu.pipeline_mode<synchronous>, transform_indices = @transform_9, window_bounds = array<i64: 32, 16>}, {pipeline_mode = #tpu.pipeline_mode<synchronous>, transform_indices = @transform_10, window_bounds = array<i64: 1, 16>}, {pipeline_mode = #tpu.pipeline_mode<synchronous>, transform_indices = @transform_11, window_bounds = array<i64: 16, 64>}, {pipeline_mode = #tpu.pipeline_mode<synchronous>, transform_indices = @transform_12, window_bounds = array<i64: 1, 64>}, {pipeline_mode = #tpu.pipeline_mode<synchronous>, transform_indices = @transform_13, window_bounds = array<i64: 64, 1>}, {pipeline_mode = #tpu.pipeline_mode<synchronous>, transform_indices = @transform_14, window_bounds = array<i64: 1, 1>}, {pipeline_mode = #tpu.pipeline_mode<synchronous>, transform_indices = @transform_15, window_bounds = array<i64: 1, 16>}, {pipeline_mode = #tpu.pipeline_mode<synchronous>, transform_indices = @transform_16, window_bounds = array<i64: 1, 16>}, {transform_indices = @transform_17, window_bounds = array<i64: 1, 512, 32>}, {transform_indices = @transform_18, window_bounds = array<i64: 1, 3, 512>}]} {
    %get3A = arith.index_cast %arg0 : i32 to index
    %get3A_0 = memref.load %arg2[%get3A] : memref<4xi32, #tpu.memory_space<smem>>
    %get3A_1 = arith.constant 0 : index
    %get3A_2 = arith.constant 0 : index
    %get3A_3 = arith.constant 0 : index
    %get3A_4 = vector.load %arg3[%get3A_1, %get3A_2, %get3A_3] : memref<1x512x32xf32, #tpu.memory_space<vmem>>, vector<1x512x32xf32>
    %get3A_5 = vector.shape_cast %get3A_4 : vector<1x512x32xf32> to vector<512x32xf32>
    %slice3A = vector.extract_strided_slice %get3A_5 {offsets = [0, 0], sizes = [512, 16], strides = [1, 1]} : vector<512x32xf32> to vector<512x16xf32>
    %slice3A_6 = vector.extract_strided_slice %get3A_5 {offsets = [0, 16], sizes = [512, 3], strides = [1, 1]} : vector<512x32xf32> to vector<512x3xf32>
    %mul3A = arith.constant 512 : i32
    %mul3A_7 = arith.muli %arg1, %mul3A : i32
    %ge3A = arith.cmpi sge, %mul3A_7, %get3A_0 : i32
    %convert_element_type3A = arith.extui %ge3A : i1 to i32
    %cond3A = arith.constant 0 : i32
    %cond3A_8 = arith.cmpi ne, %convert_element_type3A, %cond3A : i32
    scf.if %cond3A_8 {
      %broadcast_in_dim3A = arith.constant 0.000000e+00 : f32
      %broadcast_in_dim3A_14 = vector.broadcast %broadcast_in_dim3A : f32 to vector<512x16xf32>
      %reduce_sum3A = arith.constant dense<0.000000e+00> : vector<512xf32>
      %reduce_sum3A_15 = vector.multi_reduction <add>, %slice3A, %reduce_sum3A [1] : vector<512x16xf32> to vector<512xf32>
      %broadcast_in_dim3A_16 = vector.shape_cast %reduce_sum3A_15 : vector<512xf32> to vector<512x1xf32>
      %div3A = arith.constant 1.600000e+01 : f32
      %div3A_17 = vector.broadcast %div3A : f32 to vector<512x1xf32>
      %div3A_18 = arith.divf %broadcast_in_dim3A_16, %div3A_17 : vector<512x1xf32>
      %sub3A = vector.broadcast %div3A_18 : vector<512x1xf32> to vector<512x16xf32>
      %sub3A_19 = arith.subf %slice3A, %sub3A : vector<512x16xf32>
      %integer_pow3A = arith.mulf %sub3A_19, %sub3A_19 : vector<512x16xf32>
      %reduce_sum3A_20 = arith.constant dense<0.000000e+00> : vector<512xf32>
      %reduce_sum3A_21 = vector.multi_reduction <add>, %integer_pow3A, %reduce_sum3A_20 [1] : vector<512x16xf32> to vector<512xf32>
      %broadcast_in_dim3A_22 = vector.shape_cast %reduce_sum3A_21 : vector<512xf32> to vector<512x1xf32>
      %div3A_23 = arith.constant 1.600000e+01 : f32
      %div3A_24 = vector.broadcast %div3A_23 : f32 to vector<512x1xf32>
      %div3A_25 = arith.divf %broadcast_in_dim3A_22, %div3A_24 : vector<512x1xf32>
      %sub3A_26 = vector.broadcast %div3A_18 : vector<512x1xf32> to vector<512x16xf32>
      %sub3A_27 = arith.subf %slice3A, %sub3A_26 : vector<512x16xf32>
      %add3A = arith.constant 9.99999974E-6 : f32
      %add3A_28 = vector.broadcast %add3A : f32 to vector<512x1xf32>
      %add3A_29 = arith.addf %div3A_25, %add3A_28 : vector<512x1xf32>
      %sqrt3A = math.sqrt %add3A_29 : vector<512x1xf32>
      %div3A_30 = vector.broadcast %sqrt3A : vector<512x1xf32> to vector<512x16xf32>
      %div3A_31 = arith.divf %sub3A_27, %div3A_30 : vector<512x16xf32>
      %get3A_32 = arith.constant 0 : index
      %get3A_33 = arith.constant 0 : index
      %get3A_34 = vector.load %arg17[%get3A_32, %get3A_33] : memref<1x16xf32, #tpu.memory_space<vmem>>, vector<1x16xf32>
      %mul3A_35 = vector.broadcast %get3A_34 : vector<1x16xf32> to vector<512x16xf32>
      %mul3A_36 = arith.mulf %div3A_31, %mul3A_35 : vector<512x16xf32>
      %get3A_37 = arith.constant 0 : index
      %get3A_38 = arith.constant 0 : index
      %get3A_39 = vector.load %arg18[%get3A_37, %get3A_38] : memref<1x16xf32, #tpu.memory_space<vmem>>, vector<1x16xf32>
      %add3A_40 = vector.broadcast %get3A_39 : vector<1x16xf32> to vector<512x16xf32>
      %add3A_41 = arith.addf %mul3A_36, %add3A_40 : vector<512x16xf32>
      %get3A_42 = arith.constant 0 : index
      %get3A_43 = arith.constant 0 : index
      %get3A_44 = vector.load %arg9[%get3A_42, %get3A_43] : memref<32x32xf32, #tpu.memory_space<vmem>>, vector<16x32xf32>
      %dot_general3A = arith.constant dense<0.000000e+00> : vector<512x32xf32>
      %dot_general3A_45 = tpu.matmul %add3A_41, %get3A_44, %dot_general3A {dimension_numbers = #tpu.dot_dimension_numbers<[1], [0], [0], [1], [0, 0, 1, 1], [], []>, transpose_lhs_hint = false} : vector<512x16xf32>, vector<16x32xf32>, vector<512x32xf32> -> vector<512x32xf32>
      %get3A_46 = arith.constant 16 : index
      %get3A_47 = arith.constant 0 : index
      %get3A_48 = vector.load %arg9[%get3A_46, %get3A_47] : memref<32x32xf32, #tpu.memory_space<vmem>>, vector<16x32xf32>
      %dot_general3A_49 = arith.constant dense<0.000000e+00> : vector<512x32xf32>
      %dot_general3A_50 = tpu.matmul %broadcast_in_dim3A_14, %get3A_48, %dot_general3A_49 {dimension_numbers = #tpu.dot_dimension_numbers<[1], [0], [0], [1], [0, 0, 1, 1], [], []>, transpose_lhs_hint = false} : vector<512x16xf32>, vector<16x32xf32>, vector<512x32xf32> -> vector<512x32xf32>
      %add3A_51 = arith.addf %dot_general3A_45, %dot_general3A_50 : vector<512x32xf32>
      %get3A_52 = arith.constant 0 : index
      %get3A_53 = arith.constant 0 : index
      %get3A_54 = vector.load %arg10[%get3A_52, %get3A_53] : memref<1x32xf32, #tpu.memory_space<vmem>>, vector<1x32xf32>
      %add3A_55 = vector.broadcast %get3A_54 : vector<1x32xf32> to vector<512x32xf32>
      %add3A_56 = arith.addf %add3A_51, %add3A_55 : vector<512x32xf32>
      %logistic3A = arith.negf %add3A_56 : vector<512x32xf32>
      %logistic3A_57 = math.exp %logistic3A : vector<512x32xf32>
      %logistic3A_58 = arith.constant 1.000000e+00 : f32
      %logistic3A_59 = vector.broadcast %logistic3A_58 : f32 to vector<512x32xf32>
      %logistic3A_60 = arith.addf %logistic3A_59, %logistic3A_57 : vector<512x32xf32>
      %logistic3A_61 = arith.divf %logistic3A_59, %logistic3A_60 : vector<512x32xf32>
      %mul3A_62 = arith.mulf %add3A_56, %logistic3A_61 : vector<512x32xf32>
      %get3A_63 = arith.constant 0 : index
      %get3A_64 = arith.constant 0 : index
      %get3A_65 = vector.load %arg11[%get3A_63, %get3A_64] : memref<32x16xf32, #tpu.memory_space<vmem>>, vector<32x16xf32>
      %dot_general3A_66 = arith.constant dense<0.000000e+00> : vector<512x16xf32>
      %dot_general3A_67 = tpu.matmul %mul3A_62, %get3A_65, %dot_general3A_66 {dimension_numbers = #tpu.dot_dimension_numbers<[1], [0], [0], [1], [0, 0, 1, 1], [], []>, transpose_lhs_hint = false} : vector<512x32xf32>, vector<32x16xf32>, vector<512x16xf32> -> vector<512x16xf32>
      %get3A_68 = arith.constant 0 : index
      %get3A_69 = arith.constant 0 : index
      %get3A_70 = vector.load %arg12[%get3A_68, %get3A_69] : memref<1x16xf32, #tpu.memory_space<vmem>>, vector<1x16xf32>
      %add3A_71 = vector.broadcast %get3A_70 : vector<1x16xf32> to vector<512x16xf32>
      %add3A_72 = arith.addf %dot_general3A_67, %add3A_71 : vector<512x16xf32>
      %add3A_73 = arith.addf %add3A_72, %slice3A : vector<512x16xf32>
      %mul3A_74 = arith.constant 512 : i32
      %mul3A_75 = arith.muli %arg1, %mul3A_74 : i32
      %iota3A = tpu.iota {dimensions = array<i32: 0>} : vector<512x1xi32>
      %add3A_76 = vector.broadcast %mul3A_75 : i32 to vector<512x1xi32>
      %add3A_77 = arith.addi %add3A_76, %iota3A : vector<512x1xi32>
      %lt3A_78 = vector.broadcast %get3A_0 : i32 to vector<512x1xi32>
      %lt3A_79 = arith.cmpi slt, %add3A_77, %lt3A_78 : vector<512x1xi32>
      %convert_element_type3A_80 = arith.extui %lt3A_79 : vector<512x1xi1> to vector<512x1xi32>
      %convert_element_type3A_81 = arith.sitofp %convert_element_type3A_80 : vector<512x1xi32> to vector<512x1xf32>
      %broadcast_in_dim3A_82 = arith.constant 0.000000e+00 : f32
      %broadcast_in_dim3A_83 = vector.broadcast %broadcast_in_dim3A_82 : f32 to vector<512x12xf32>
      %concatenate3A = tpu.concatenate %add3A_73, %slice3A_6, %convert_element_type3A_81, %broadcast_in_dim3A_83 in 1 : vector<512x16xf32>, vector<512x3xf32>, vector<512x1xf32>, vector<512x12xf32> -> vector<512x32xf32>
      %swap3A = arith.constant 0 : index
      %swap3A_84 = arith.constant 0 : index
      %swap3A_85 = arith.constant 0 : index
      %swap3A_86 = vector.load %arg19[%swap3A, %swap3A_84, %swap3A_85] : memref<1x512x32xf32, #tpu.memory_space<vmem>>, vector<1x512x32xf32>
      %swap3A_87 = vector.shape_cast %swap3A_86 : vector<1x512x32xf32> to vector<512x32xf32>
      %swap3A_88 = vector.shape_cast %concatenate3A : vector<512x32xf32> to vector<1x512x32xf32>
      tpu.vector_store %arg19[%swap3A, %swap3A_84, %swap3A_85], %swap3A_88 {strides = array<i32>} : memref<1x512x32xf32, #tpu.memory_space<vmem>>, vector<1x512x32xf32>,
      %transpose3A = tpu.transpose %slice3A_6, [1, 0] : vector<512x3xf32> -> vector<3x512xf32>
      %swap3A_89 = arith.constant 0 : index
      %swap3A_90 = arith.constant 0 : index
      %swap3A_91 = arith.constant 0 : index
      %swap3A_92 = vector.load %arg20[%swap3A_89, %swap3A_90, %swap3A_91] : memref<1x3x512xf32, #tpu.memory_space<vmem>>, vector<1x3x512xf32>
      %swap3A_93 = vector.shape_cast %swap3A_92 : vector<1x3x512xf32> to vector<3x512xf32>
      %swap3A_94 = vector.shape_cast %transpose3A : vector<3x512xf32> to vector<1x3x512xf32>
      tpu.vector_store %arg20[%swap3A_89, %swap3A_90, %swap3A_91], %swap3A_94 {strides = array<i32>} : memref<1x3x512xf32, #tpu.memory_space<vmem>>, vector<1x3x512xf32>,
    } else {
    }
    %mul3A_9 = arith.constant 512 : i32
    %mul3A_10 = arith.muli %arg1, %mul3A_9 : i32
    %lt3A = arith.cmpi slt, %mul3A_10, %get3A_0 : i32
    %convert_element_type3A_11 = arith.extui %lt3A : i1 to i32
    %cond3A_12 = arith.constant 0 : i32
    %cond3A_13 = arith.cmpi ne, %convert_element_type3A_11, %cond3A_12 : i32
    scf.if %cond3A_13 {
      %mul3A_14 = arith.constant 512 : i32
      %mul3A_15 = arith.muli %arg1, %mul3A_14 : i32
      %iota3A = tpu.iota {dimensions = array<i32: 0>} : vector<512x1xi32>
      %add3A = vector.broadcast %mul3A_15 : i32 to vector<512x1xi32>
      %add3A_16 = arith.addi %add3A, %iota3A : vector<512x1xi32>
      %lt3A_17 = vector.broadcast %get3A_0 : i32 to vector<512x1xi32>
      %lt3A_18 = arith.cmpi slt, %add3A_16, %lt3A_17 : vector<512x1xi32>
      %get3A_19 = arith.constant 0 : index
      %get3A_20 = arith.constant 0 : index
      %get3A_21 = vector.load %arg5[%get3A_19, %get3A_20] : memref<33x66xf32, #tpu.memory_space<vmem>>, vector<16x66xf32>
      %get3A_22 = arith.constant 16 : index
      %get3A_23 = arith.constant 0 : index
      %get3A_24 = vector.load %arg5[%get3A_22, %get3A_23] : memref<33x66xf32, #tpu.memory_space<vmem>>, vector<16x66xf32>
      %get3A_25 = arith.constant 32 : index
      %get3A_26 = arith.constant 0 : index
      %get3A_27 = vector.load %arg5[%get3A_25, %get3A_26] : memref<33x66xf32, #tpu.memory_space<vmem>>, vector<1x66xf32>
      %dot_general3A = arith.constant dense<0.000000e+00> : vector<512x66xf32>
      %dot_general3A_28 = tpu.matmul %slice3A, %get3A_21, %dot_general3A {dimension_numbers = #tpu.dot_dimension_numbers<[1], [0], [0], [1], [0, 0, 1, 1], [], []>, transpose_lhs_hint = false} : vector<512x16xf32>, vector<16x66xf32>, vector<512x66xf32> -> vector<512x66xf32>
      %get3A_29 = arith.constant 0 : index
      %get3A_30 = arith.constant 0 : index
      %get3A_31 = vector.load %arg6[%get3A_29, %get3A_30] : memref<1x66xf32, #tpu.memory_space<vmem>>, vector<1x66xf32>
      %add3A_32 = vector.broadcast %get3A_31 : vector<1x66xf32> to vector<512x66xf32>
      %add3A_33 = arith.addf %dot_general3A_28, %add3A_32 : vector<512x66xf32>
      %dot_general3A_34 = arith.constant dense<0.000000e+00> : vector<512x66xf32>
      %dot_general3A_35 = tpu.matmul %slice3A, %get3A_24, %dot_general3A_34 {dimension_numbers = #tpu.dot_dimension_numbers<[1], [0], [0], [1], [0, 0, 1, 1], [], []>, transpose_lhs_hint = false} : vector<512x16xf32>, vector<16x66xf32>, vector<512x66xf32> -> vector<512x66xf32>
      %add3A_36 = arith.addf %add3A_33, %dot_general3A_35 : vector<512x66xf32>
      %logistic3A = arith.negf %add3A_36 : vector<512x66xf32>
      %logistic3A_37 = math.exp %logistic3A : vector<512x66xf32>
      %logistic3A_38 = arith.constant 1.000000e+00 : f32
      %logistic3A_39 = vector.broadcast %logistic3A_38 : f32 to vector<512x66xf32>
      %logistic3A_40 = arith.addf %logistic3A_39, %logistic3A_37 : vector<512x66xf32>
      %logistic3A_41 = arith.divf %logistic3A_39, %logistic3A_40 : vector<512x66xf32>
      %mul3A_42 = arith.mulf %add3A_36, %logistic3A_41 : vector<512x66xf32>
      %get3A_43 = arith.constant 0 : index
      %get3A_44 = arith.constant 0 : index
      %get3A_45 = vector.load %arg7[%get3A_43, %get3A_44] : memref<66x16xf32, #tpu.memory_space<vmem>>, vector<66x16xf32>
      %dot_general3A_46 = arith.constant dense<0.000000e+00> : vector<512x16xf32>
      %dot_general3A_47 = tpu.matmul %mul3A_42, %get3A_45, %dot_general3A_46 {dimension_numbers = #tpu.dot_dimension_numbers<[1], [0], [0], [1], [0, 0, 1, 1], [], []>, transpose_lhs_hint = false} : vector<512x66xf32>, vector<66x16xf32>, vector<512x16xf32> -> vector<512x16xf32>
      %get3A_48 = arith.constant 0 : index
      %get3A_49 = arith.constant 0 : index
      %get3A_50 = vector.load %arg8[%get3A_48, %get3A_49] : memref<1x16xf32, #tpu.memory_space<vmem>>, vector<1x16xf32>
      %add3A_51 = vector.broadcast %get3A_50 : vector<1x16xf32> to vector<512x16xf32>
      %add3A_52 = arith.addf %dot_general3A_47, %add3A_51 : vector<512x16xf32>
      %logistic3A_53 = arith.negf %add3A_52 : vector<512x16xf32>
      %logistic3A_54 = math.exp %logistic3A_53 : vector<512x16xf32>
      %logistic3A_55 = arith.constant 1.000000e+00 : f32
      %logistic3A_56 = vector.broadcast %logistic3A_55 : f32 to vector<512x16xf32>
      %logistic3A_57 = arith.addf %logistic3A_56, %logistic3A_54 : vector<512x16xf32>
      %logistic3A_58 = arith.divf %logistic3A_56, %logistic3A_57 : vector<512x16xf32>
      %mul3A_59 = arith.mulf %add3A_52, %logistic3A_58 : vector<512x16xf32>
      %jit3A = arith.constant 0.000000e+00 : f32
      %broadcast_in_dim3A = vector.shape_cast %lt3A_18 : vector<512x1xi1> to vector<512x1xi1>
      %broadcast_in_dim3A_60 = vector.broadcast %broadcast_in_dim3A : vector<512x1xi1> to vector<512x16xi1>
      %broadcast_in_dim3A_61 = vector.broadcast %jit3A : f32 to vector<512x16xf32>
      %select_n3A = arith.select %broadcast_in_dim3A_60, %mul3A_59, %broadcast_in_dim3A_61 : vector<512x16xi1>, vector<512x16xf32>
      %get3A_62 = arith.constant 0 : index
      %get3A_63 = arith.constant 0 : index
      %get3A_64 = arith.constant 0 : index
      %get3A_65 = vector.load %arg4[%get3A_62, %get3A_63, %get3A_64] : memref<7x512x128xf32, #tpu.memory_space<vmem>>, vector<1x512x128xf32>
      %get3A_66 = vector.shape_cast %get3A_65 : vector<1x512x128xf32> to vector<512x128xf32>
      %slice3A_67 = vector.extract_strided_slice %get3A_66 {offsets = [0, 0], sizes = [512, 16], strides = [1, 1]} : vector<512x128xf32> to vector<512x16xf32>
      %slice3A_68 = vector.extract_strided_slice %get3A_66 {offsets = [0, 16], sizes = [512, 3], strides = [1, 1]} : vector<512x128xf32> to vector<512x3xf32>
      %sub3A = arith.subf %slice3A_6, %slice3A_68 : vector<512x3xf32>
      %slice3A_69 = vector.extract_strided_slice %sub3A {offsets = [0, 0], sizes = [512, 1], strides = [1, 1]} : vector<512x3xf32> to vector<512x1xf32>
      %slice3A_70 = vector.extract_strided_slice %sub3A {offsets = [0, 1], sizes = [512, 1], strides = [1, 1]} : vector<512x3xf32> to vector<512x1xf32>
      %slice3A_71 = vector.extract_strided_slice %sub3A {offsets = [0, 2], sizes = [512, 1], strides = [1, 1]} : vector<512x3xf32> to vector<512x1xf32>
      %mul3A_72 = arith.mulf %slice3A_69, %slice3A_69 : vector<512x1xf32>
      %mul3A_73 = arith.mulf %slice3A_70, %slice3A_70 : vector<512x1xf32>
      %add3A_74 = arith.addf %mul3A_72, %mul3A_73 : vector<512x1xf32>
      %mul3A_75 = arith.mulf %slice3A_71, %slice3A_71 : vector<512x1xf32>
      %add3A_76 = arith.addf %add3A_74, %mul3A_75 : vector<512x1xf32>
      %slice3A_77 = vector.extract_strided_slice %get3A_66 {offsets = [0, 19], sizes = [512, 1], strides = [1, 1]} : vector<512x128xf32> to vector<512x1xf32>
      %gt3A = arith.constant 5.000000e-01 : f32
      %gt3A_78 = vector.broadcast %gt3A : f32 to vector<512x1xf32>
      %gt3A_79 = arith.cmpf ogt, %slice3A_77, %gt3A_78 : vector<512x1xf32>
      %and3A = arith.andi %lt3A_18, %gt3A_79 : vector<512x1xi1>
      %dot_general3A_80 = arith.constant dense<0.000000e+00> : vector<512x66xf32>
      %dot_general3A_81 = tpu.matmul %slice3A_67, %get3A_24, %dot_general3A_80 {dimension_numbers = #tpu.dot_dimension_numbers<[1], [0], [0], [1], [0, 0, 1, 1], [], []>, transpose_lhs_hint = false} : vector<512x16xf32>, vector<16x66xf32>, vector<512x66xf32> -> vector<512x66xf32>
      %add3A_82 = arith.addf %add3A_33, %dot_general3A_81 : vector<512x66xf32>
      %mul3A_83 = vector.broadcast %add3A_76 : vector<512x1xf32> to vector<512x66xf32>
      %mul3A_84 = vector.broadcast %get3A_27 : vector<1x66xf32> to vector<512x66xf32>
      %mul3A_85 = arith.mulf %mul3A_83, %mul3A_84 : vector<512x66xf32>
      %add3A_86 = arith.addf %add3A_82, %mul3A_85 : vector<512x66xf32>
      %logistic3A_87 = arith.negf %add3A_86 : vector<512x66xf32>
      %logistic3A_88 = math.exp %logistic3A_87 : vector<512x66xf32>
      %logistic3A_89 = arith.constant 1.000000e+00 : f32
      %logistic3A_90 = vector.broadcast %logistic3A_89 : f32 to vector<512x66xf32>
      %logistic3A_91 = arith.addf %logistic3A_90, %logistic3A_88 : vector<512x66xf32>
      %logistic3A_92 = arith.divf %logistic3A_90, %logistic3A_91 : vector<512x66xf32>
      %mul3A_93 = arith.mulf %add3A_86, %logistic3A_92 : vector<512x66xf32>
      %get3A_94 = arith.constant 0 : index
      %get3A_95 = arith.constant 0 : index
      %get3A_96 = vector.load %arg7[%get3A_94, %get3A_95] : memref<66x16xf32, #tpu.memory_space<vmem>>, vector<66x16xf32>
      %dot_general3A_97 = arith.constant dense<0.000000e+00> : vector<512x16xf32>
      %dot_general3A_98 = tpu.matmul %mul3A_93, %get3A_96, %dot_general3A_97 {dimension_numbers = #tpu.dot_dimension_numbers<[1], [0], [0], [1], [0, 0, 1, 1], [], []>, transpose_lhs_hint = false} : vector<512x66xf32>, vector<66x16xf32>, vector<512x16xf32> -> vector<512x16xf32>
      %get3A_99 = arith.constant 0 : index
      %get3A_100 = arith.constant 0 : index
      %get3A_101 = vector.load %arg8[%get3A_99, %get3A_100] : memref<1x16xf32, #tpu.memory_space<vmem>>, vector<1x16xf32>
      %add3A_102 = vector.broadcast %get3A_101 : vector<1x16xf32> to vector<512x16xf32>
      %add3A_103 = arith.addf %dot_general3A_98, %add3A_102 : vector<512x16xf32>
      %logistic3A_104 = arith.negf %add3A_103 : vector<512x16xf32>
      %logistic3A_105 = math.exp %logistic3A_104 : vector<512x16xf32>
      %logistic3A_106 = arith.constant 1.000000e+00 : f32
      %logistic3A_107 = vector.broadcast %logistic3A_106 : f32 to vector<512x16xf32>
      %logistic3A_108 = arith.addf %logistic3A_107, %logistic3A_105 : vector<512x16xf32>
      %logistic3A_109 = arith.divf %logistic3A_107, %logistic3A_108 : vector<512x16xf32>
      %mul3A_110 = arith.mulf %add3A_103, %logistic3A_109 : vector<512x16xf32>
      %jit3A_111 = arith.constant 0.000000e+00 : f32
      %broadcast_in_dim3A_112 = vector.shape_cast %and3A : vector<512x1xi1> to vector<512x1xi1>
      %broadcast_in_dim3A_113 = vector.broadcast %broadcast_in_dim3A_112 : vector<512x1xi1> to vector<512x16xi1>
      %broadcast_in_dim3A_114 = vector.broadcast %jit3A_111 : f32 to vector<512x16xf32>
      %select_n3A_115 = arith.select %broadcast_in_dim3A_113, %mul3A_110, %broadcast_in_dim3A_114 : vector<512x16xi1>, vector<512x16xf32>
      %add3A_116 = arith.addf %select_n3A, %select_n3A_115 : vector<512x16xf32>
      %get3A_117 = arith.constant 0 : index
      %get3A_118 = arith.constant 0 : index
      %get3A_119 = vector.load %arg13[%get3A_117, %get3A_118] : memref<16x64xf32, #tpu.memory_space<vmem>>, vector<16x64xf32>
      %dot_general3A_120 = arith.constant dense<0.000000e+00> : vector<512x64xf32>
      %dot_general3A_121 = tpu.matmul %select_n3A_115, %get3A_119, %dot_general3A_120 {dimension_numbers = #tpu.dot_dimension_numbers<[1], [0], [0], [1], [0, 0, 1, 1], [], []>, transpose_lhs_hint = false} : vector<512x16xf32>, vector<16x64xf32>, vector<512x64xf32> -> vector<512x64xf32>
      %get3A_122 = arith.constant 0 : index
      %get3A_123 = arith.constant 0 : index
      %get3A_124 = vector.load %arg14[%get3A_122, %get3A_123] : memref<1x64xf32, #tpu.memory_space<vmem>>, vector<1x64xf32>
      %add3A_125 = vector.broadcast %get3A_124 : vector<1x64xf32> to vector<512x64xf32>
      %add3A_126 = arith.addf %dot_general3A_121, %add3A_125 : vector<512x64xf32>
      %logistic3A_127 = arith.negf %add3A_126 : vector<512x64xf32>
      %logistic3A_128 = math.exp %logistic3A_127 : vector<512x64xf32>
      %logistic3A_129 = arith.constant 1.000000e+00 : f32
      %logistic3A_130 = vector.broadcast %logistic3A_129 : f32 to vector<512x64xf32>
      %logistic3A_131 = arith.addf %logistic3A_130, %logistic3A_128 : vector<512x64xf32>
      %logistic3A_132 = arith.divf %logistic3A_130, %logistic3A_131 : vector<512x64xf32>
      %mul3A_133 = arith.mulf %add3A_126, %logistic3A_132 : vector<512x64xf32>
      %get3A_134 = arith.constant 0 : index
      %get3A_135 = arith.constant 0 : index
      %get3A_136 = vector.load %arg15[%get3A_134, %get3A_135] : memref<64x1xf32, #tpu.memory_space<vmem>>, vector<64x1xf32>
      %dot_general3A_137 = arith.constant dense<0.000000e+00> : vector<512x1xf32>
      %dot_general3A_138 = tpu.matmul %mul3A_133, %get3A_136, %dot_general3A_137 {dimension_numbers = #tpu.dot_dimension_numbers<[1], [0], [0], [1], [0, 0, 1, 1], [], []>, transpose_lhs_hint = false} : vector<512x64xf32>, vector<64x1xf32>, vector<512x1xf32> -> vector<512x1xf32>
      %get3A_139 = arith.constant 0 : index
      %get3A_140 = arith.constant 0 : index
      %get3A_141 = vector.load %arg16[%get3A_139, %get3A_140] : memref<1x1xf32, #tpu.memory_space<vmem>>, vector<1x1xf32>
      %add3A_142 = vector.broadcast %get3A_141 : vector<1x1xf32> to vector<512x1xf32>
      %add3A_143 = arith.addf %dot_general3A_138, %add3A_142 : vector<512x1xf32>
      %jit3A_144 = arith.constant 0.000000e+00 : f32
      %broadcast_in_dim3A_145 = vector.broadcast %jit3A_144 : f32 to vector<512x1xf32>
      %select_n3A_146 = arith.select %and3A, %add3A_143, %broadcast_in_dim3A_145 : vector<512x1xi1>, vector<512x1xf32>
      %mul3A_147 = vector.broadcast %select_n3A_146 : vector<512x1xf32> to vector<512x3xf32>
      %mul3A_148 = arith.mulf %mul3A_147, %sub3A : vector<512x3xf32>
      %add3A_149 = arith.addf %slice3A_6, %mul3A_148 : vector<512x3xf32>
      %get3A_150 = arith.constant 1 : index
      %get3A_151 = arith.constant 0 : index
      %get3A_152 = arith.constant 0 : index
      %get3A_153 = vector.load %arg4[%get3A_150, %get3A_151, %get3A_152] : memref<7x512x128xf32, #tpu.memory_space<vmem>>, vector<1x512x128xf32>
      %get3A_154 = vector.shape_cast %get3A_153 : vector<1x512x128xf32> to vector<512x128xf32>
      %slice3A_155 = vector.extract_strided_slice %get3A_154 {offsets = [0, 0], sizes = [512, 16], strides = [1, 1]} : vector<512x128xf32> to vector<512x16xf32>
      %slice3A_156 = vector.extract_strided_slice %get3A_154 {offsets = [0, 16], sizes = [512, 3], strides = [1, 1]} : vector<512x128xf32> to vector<512x3xf32>
      %sub3A_157 = arith.subf %slice3A_6, %slice3A_156 : vector<512x3xf32>
      %slice3A_158 = vector.extract_strided_slice %sub3A_157 {offsets = [0, 0], sizes = [512, 1], strides = [1, 1]} : vector<512x3xf32> to vector<512x1xf32>
      %slice3A_159 = vector.extract_strided_slice %sub3A_157 {offsets = [0, 1], sizes = [512, 1], strides = [1, 1]} : vector<512x3xf32> to vector<512x1xf32>
      %slice3A_160 = vector.extract_strided_slice %sub3A_157 {offsets = [0, 2], sizes = [512, 1], strides = [1, 1]} : vector<512x3xf32> to vector<512x1xf32>
      %mul3A_161 = arith.mulf %slice3A_158, %slice3A_158 : vector<512x1xf32>
      %mul3A_162 = arith.mulf %slice3A_159, %slice3A_159 : vector<512x1xf32>
      %add3A_163 = arith.addf %mul3A_161, %mul3A_162 : vector<512x1xf32>
      %mul3A_164 = arith.mulf %slice3A_160, %slice3A_160 : vector<512x1xf32>
      %add3A_165 = arith.addf %add3A_163, %mul3A_164 : vector<512x1xf32>
      %slice3A_166 = vector.extract_strided_slice %get3A_154 {offsets = [0, 19], sizes = [512, 1], strides = [1, 1]} : vector<512x128xf32> to vector<512x1xf32>
      %gt3A_167 = arith.constant 5.000000e-01 : f32
      %gt3A_168 = vector.broadcast %gt3A_167 : f32 to vector<512x1xf32>
      %gt3A_169 = arith.cmpf ogt, %slice3A_166, %gt3A_168 : vector<512x1xf32>
      %and3A_170 = arith.andi %lt3A_18, %gt3A_169 : vector<512x1xi1>
      %dot_general3A_171 = arith.constant dense<0.000000e+00> : vector<512x66xf32>
      %dot_general3A_172 = tpu.matmul %slice3A_155, %get3A_24, %dot_general3A_171 {dimension_numbers = #tpu.dot_dimension_numbers<[1], [0], [0], [1], [0, 0, 1, 1], [], []>, transpose_lhs_hint = false} : vector<512x16xf32>, vector<16x66xf32>, vector<512x66xf32> -> vector<512x66xf32>
      %add3A_173 = arith.addf %add3A_33, %dot_general3A_172 : vector<512x66xf32>
      %mul3A_174 = vector.broadcast %add3A_165 : vector<512x1xf32> to vector<512x66xf32>
      %mul3A_175 = vector.broadcast %get3A_27 : vector<1x66xf32> to vector<512x66xf32>
      %mul3A_176 = arith.mulf %mul3A_174, %mul3A_175 : vector<512x66xf32>
      %add3A_177 = arith.addf %add3A_173, %mul3A_176 : vector<512x66xf32>
      %logistic3A_178 = arith.negf %add3A_177 : vector<512x66xf32>
      %logistic3A_179 = math.exp %logistic3A_178 : vector<512x66xf32>
      %logistic3A_180 = arith.constant 1.000000e+00 : f32
      %logistic3A_181 = vector.broadcast %logistic3A_180 : f32 to vector<512x66xf32>
      %logistic3A_182 = arith.addf %logistic3A_181, %logistic3A_179 : vector<512x66xf32>
      %logistic3A_183 = arith.divf %logistic3A_181, %logistic3A_182 : vector<512x66xf32>
      %mul3A_184 = arith.mulf %add3A_177, %logistic3A_183 : vector<512x66xf32>
      %get3A_185 = arith.constant 0 : index
      %get3A_186 = arith.constant 0 : index
      %get3A_187 = vector.load %arg7[%get3A_185, %get3A_186] : memref<66x16xf32, #tpu.memory_space<vmem>>, vector<66x16xf32>
      %dot_general3A_188 = arith.constant dense<0.000000e+00> : vector<512x16xf32>
      %dot_general3A_189 = tpu.matmul %mul3A_184, %get3A_187, %dot_general3A_188 {dimension_numbers = #tpu.dot_dimension_numbers<[1], [0], [0], [1], [0, 0, 1, 1], [], []>, transpose_lhs_hint = false} : vector<512x66xf32>, vector<66x16xf32>, vector<512x16xf32> -> vector<512x16xf32>
      %get3A_190 = arith.constant 0 : index
      %get3A_191 = arith.constant 0 : index
      %get3A_192 = vector.load %arg8[%get3A_190, %get3A_191] : memref<1x16xf32, #tpu.memory_space<vmem>>, vector<1x16xf32>
      %add3A_193 = vector.broadcast %get3A_192 : vector<1x16xf32> to vector<512x16xf32>
      %add3A_194 = arith.addf %dot_general3A_189, %add3A_193 : vector<512x16xf32>
      %logistic3A_195 = arith.negf %add3A_194 : vector<512x16xf32>
      %logistic3A_196 = math.exp %logistic3A_195 : vector<512x16xf32>
      %logistic3A_197 = arith.constant 1.000000e+00 : f32
      %logistic3A_198 = vector.broadcast %logistic3A_197 : f32 to vector<512x16xf32>
      %logistic3A_199 = arith.addf %logistic3A_198, %logistic3A_196 : vector<512x16xf32>
      %logistic3A_200 = arith.divf %logistic3A_198, %logistic3A_199 : vector<512x16xf32>
      %mul3A_201 = arith.mulf %add3A_194, %logistic3A_200 : vector<512x16xf32>
      %jit3A_202 = arith.constant 0.000000e+00 : f32
      %broadcast_in_dim3A_203 = vector.shape_cast %and3A_170 : vector<512x1xi1> to vector<512x1xi1>
      %broadcast_in_dim3A_204 = vector.broadcast %broadcast_in_dim3A_203 : vector<512x1xi1> to vector<512x16xi1>
      %broadcast_in_dim3A_205 = vector.broadcast %jit3A_202 : f32 to vector<512x16xf32>
      %select_n3A_206 = arith.select %broadcast_in_dim3A_204, %mul3A_201, %broadcast_in_dim3A_205 : vector<512x16xi1>, vector<512x16xf32>
      %add3A_207 = arith.addf %add3A_116, %select_n3A_206 : vector<512x16xf32>
      %get3A_208 = arith.constant 0 : index
      %get3A_209 = arith.constant 0 : index
      %get3A_210 = vector.load %arg13[%get3A_208, %get3A_209] : memref<16x64xf32, #tpu.memory_space<vmem>>, vector<16x64xf32>
      %dot_general3A_211 = arith.constant dense<0.000000e+00> : vector<512x64xf32>
      %dot_general3A_212 = tpu.matmul %select_n3A_206, %get3A_210, %dot_general3A_211 {dimension_numbers = #tpu.dot_dimension_numbers<[1], [0], [0], [1], [0, 0, 1, 1], [], []>, transpose_lhs_hint = false} : vector<512x16xf32>, vector<16x64xf32>, vector<512x64xf32> -> vector<512x64xf32>
      %get3A_213 = arith.constant 0 : index
      %get3A_214 = arith.constant 0 : index
      %get3A_215 = vector.load %arg14[%get3A_213, %get3A_214] : memref<1x64xf32, #tpu.memory_space<vmem>>, vector<1x64xf32>
      %add3A_216 = vector.broadcast %get3A_215 : vector<1x64xf32> to vector<512x64xf32>
      %add3A_217 = arith.addf %dot_general3A_212, %add3A_216 : vector<512x64xf32>
      %logistic3A_218 = arith.negf %add3A_217 : vector<512x64xf32>
      %logistic3A_219 = math.exp %logistic3A_218 : vector<512x64xf32>
      %logistic3A_220 = arith.constant 1.000000e+00 : f32
      %logistic3A_221 = vector.broadcast %logistic3A_220 : f32 to vector<512x64xf32>
      %logistic3A_222 = arith.addf %logistic3A_221, %logistic3A_219 : vector<512x64xf32>
      %logistic3A_223 = arith.divf %logistic3A_221, %logistic3A_222 : vector<512x64xf32>
      %mul3A_224 = arith.mulf %add3A_217, %logistic3A_223 : vector<512x64xf32>
      %get3A_225 = arith.constant 0 : index
      %get3A_226 = arith.constant 0 : index
      %get3A_227 = vector.load %arg15[%get3A_225, %get3A_226] : memref<64x1xf32, #tpu.memory_space<vmem>>, vector<64x1xf32>
      %dot_general3A_228 = arith.constant dense<0.000000e+00> : vector<512x1xf32>
      %dot_general3A_229 = tpu.matmul %mul3A_224, %get3A_227, %dot_general3A_228 {dimension_numbers = #tpu.dot_dimension_numbers<[1], [0], [0], [1], [0, 0, 1, 1], [], []>, transpose_lhs_hint = false} : vector<512x64xf32>, vector<64x1xf32>, vector<512x1xf32> -> vector<512x1xf32>
      %get3A_230 = arith.constant 0 : index
      %get3A_231 = arith.constant 0 : index
      %get3A_232 = vector.load %arg16[%get3A_230, %get3A_231] : memref<1x1xf32, #tpu.memory_space<vmem>>, vector<1x1xf32>
      %add3A_233 = vector.broadcast %get3A_232 : vector<1x1xf32> to vector<512x1xf32>
      %add3A_234 = arith.addf %dot_general3A_229, %add3A_233 : vector<512x1xf32>
      %jit3A_235 = arith.constant 0.000000e+00 : f32
      %broadcast_in_dim3A_236 = vector.broadcast %jit3A_235 : f32 to vector<512x1xf32>
      %select_n3A_237 = arith.select %and3A_170, %add3A_234, %broadcast_in_dim3A_236 : vector<512x1xi1>, vector<512x1xf32>
      %mul3A_238 = vector.broadcast %select_n3A_237 : vector<512x1xf32> to vector<512x3xf32>
      %mul3A_239 = arith.mulf %mul3A_238, %sub3A_157 : vector<512x3xf32>
      %add3A_240 = arith.addf %add3A_149, %mul3A_239 : vector<512x3xf32>
      %get3A_241 = arith.constant 2 : index
      %get3A_242 = arith.constant 0 : index
      %get3A_243 = arith.constant 0 : index
      %get3A_244 = vector.load %arg4[%get3A_241, %get3A_242, %get3A_243] : memref<7x512x128xf32, #tpu.memory_space<vmem>>, vector<1x512x128xf32>
      %get3A_245 = vector.shape_cast %get3A_244 : vector<1x512x128xf32> to vector<512x128xf32>
      %slice3A_246 = vector.extract_strided_slice %get3A_245 {offsets = [0, 0], sizes = [512, 16], strides = [1, 1]} : vector<512x128xf32> to vector<512x16xf32>
      %slice3A_247 = vector.extract_strided_slice %get3A_245 {offsets = [0, 16], sizes = [512, 3], strides = [1, 1]} : vector<512x128xf32> to vector<512x3xf32>
      %sub3A_248 = arith.subf %slice3A_6, %slice3A_247 : vector<512x3xf32>
      %slice3A_249 = vector.extract_strided_slice %sub3A_248 {offsets = [0, 0], sizes = [512, 1], strides = [1, 1]} : vector<512x3xf32> to vector<512x1xf32>
      %slice3A_250 = vector.extract_strided_slice %sub3A_248 {offsets = [0, 1], sizes = [512, 1], strides = [1, 1]} : vector<512x3xf32> to vector<512x1xf32>
      %slice3A_251 = vector.extract_strided_slice %sub3A_248 {offsets = [0, 2], sizes = [512, 1], strides = [1, 1]} : vector<512x3xf32> to vector<512x1xf32>
      %mul3A_252 = arith.mulf %slice3A_249, %slice3A_249 : vector<512x1xf32>
      %mul3A_253 = arith.mulf %slice3A_250, %slice3A_250 : vector<512x1xf32>
      %add3A_254 = arith.addf %mul3A_252, %mul3A_253 : vector<512x1xf32>
      %mul3A_255 = arith.mulf %slice3A_251, %slice3A_251 : vector<512x1xf32>
      %add3A_256 = arith.addf %add3A_254, %mul3A_255 : vector<512x1xf32>
      %slice3A_257 = vector.extract_strided_slice %get3A_245 {offsets = [0, 19], sizes = [512, 1], strides = [1, 1]} : vector<512x128xf32> to vector<512x1xf32>
      %gt3A_258 = arith.constant 5.000000e-01 : f32
      %gt3A_259 = vector.broadcast %gt3A_258 : f32 to vector<512x1xf32>
      %gt3A_260 = arith.cmpf ogt, %slice3A_257, %gt3A_259 : vector<512x1xf32>
      %and3A_261 = arith.andi %lt3A_18, %gt3A_260 : vector<512x1xi1>
      %dot_general3A_262 = arith.constant dense<0.000000e+00> : vector<512x66xf32>
      %dot_general3A_263 = tpu.matmul %slice3A_246, %get3A_24, %dot_general3A_262 {dimension_numbers = #tpu.dot_dimension_numbers<[1], [0], [0], [1], [0, 0, 1, 1], [], []>, transpose_lhs_hint = false} : vector<512x16xf32>, vector<16x66xf32>, vector<512x66xf32> -> vector<512x66xf32>
      %add3A_264 = arith.addf %add3A_33, %dot_general3A_263 : vector<512x66xf32>
      %mul3A_265 = vector.broadcast %add3A_256 : vector<512x1xf32> to vector<512x66xf32>
      %mul3A_266 = vector.broadcast %get3A_27 : vector<1x66xf32> to vector<512x66xf32>
      %mul3A_267 = arith.mulf %mul3A_265, %mul3A_266 : vector<512x66xf32>
      %add3A_268 = arith.addf %add3A_264, %mul3A_267 : vector<512x66xf32>
      %logistic3A_269 = arith.negf %add3A_268 : vector<512x66xf32>
      %logistic3A_270 = math.exp %logistic3A_269 : vector<512x66xf32>
      %logistic3A_271 = arith.constant 1.000000e+00 : f32
      %logistic3A_272 = vector.broadcast %logistic3A_271 : f32 to vector<512x66xf32>
      %logistic3A_273 = arith.addf %logistic3A_272, %logistic3A_270 : vector<512x66xf32>
      %logistic3A_274 = arith.divf %logistic3A_272, %logistic3A_273 : vector<512x66xf32>
      %mul3A_275 = arith.mulf %add3A_268, %logistic3A_274 : vector<512x66xf32>
      %get3A_276 = arith.constant 0 : index
      %get3A_277 = arith.constant 0 : index
      %get3A_278 = vector.load %arg7[%get3A_276, %get3A_277] : memref<66x16xf32, #tpu.memory_space<vmem>>, vector<66x16xf32>
      %dot_general3A_279 = arith.constant dense<0.000000e+00> : vector<512x16xf32>
      %dot_general3A_280 = tpu.matmul %mul3A_275, %get3A_278, %dot_general3A_279 {dimension_numbers = #tpu.dot_dimension_numbers<[1], [0], [0], [1], [0, 0, 1, 1], [], []>, transpose_lhs_hint = false} : vector<512x66xf32>, vector<66x16xf32>, vector<512x16xf32> -> vector<512x16xf32>
      %get3A_281 = arith.constant 0 : index
      %get3A_282 = arith.constant 0 : index
      %get3A_283 = vector.load %arg8[%get3A_281, %get3A_282] : memref<1x16xf32, #tpu.memory_space<vmem>>, vector<1x16xf32>
      %add3A_284 = vector.broadcast %get3A_283 : vector<1x16xf32> to vector<512x16xf32>
      %add3A_285 = arith.addf %dot_general3A_280, %add3A_284 : vector<512x16xf32>
      %logistic3A_286 = arith.negf %add3A_285 : vector<512x16xf32>
      %logistic3A_287 = math.exp %logistic3A_286 : vector<512x16xf32>
      %logistic3A_288 = arith.constant 1.000000e+00 : f32
      %logistic3A_289 = vector.broadcast %logistic3A_288 : f32 to vector<512x16xf32>
      %logistic3A_290 = arith.addf %logistic3A_289, %logistic3A_287 : vector<512x16xf32>
      %logistic3A_291 = arith.divf %logistic3A_289, %logistic3A_290 : vector<512x16xf32>
      %mul3A_292 = arith.mulf %add3A_285, %logistic3A_291 : vector<512x16xf32>
      %jit3A_293 = arith.constant 0.000000e+00 : f32
      %broadcast_in_dim3A_294 = vector.shape_cast %and3A_261 : vector<512x1xi1> to vector<512x1xi1>
      %broadcast_in_dim3A_295 = vector.broadcast %broadcast_in_dim3A_294 : vector<512x1xi1> to vector<512x16xi1>
      %broadcast_in_dim3A_296 = vector.broadcast %jit3A_293 : f32 to vector<512x16xf32>
      %select_n3A_297 = arith.select %broadcast_in_dim3A_295, %mul3A_292, %broadcast_in_dim3A_296 : vector<512x16xi1>, vector<512x16xf32>
      %add3A_298 = arith.addf %add3A_207, %select_n3A_297 : vector<512x16xf32>
      %get3A_299 = arith.constant 0 : index
      %get3A_300 = arith.constant 0 : index
      %get3A_301 = vector.load %arg13[%get3A_299, %get3A_300] : memref<16x64xf32, #tpu.memory_space<vmem>>, vector<16x64xf32>
      %dot_general3A_302 = arith.constant dense<0.000000e+00> : vector<512x64xf32>
      %dot_general3A_303 = tpu.matmul %select_n3A_297, %get3A_301, %dot_general3A_302 {dimension_numbers = #tpu.dot_dimension_numbers<[1], [0], [0], [1], [0, 0, 1, 1], [], []>, transpose_lhs_hint = false} : vector<512x16xf32>, vector<16x64xf32>, vector<512x64xf32> -> vector<512x64xf32>
      %get3A_304 = arith.constant 0 : index
      %get3A_305 = arith.constant 0 : index
      %get3A_306 = vector.load %arg14[%get3A_304, %get3A_305] : memref<1x64xf32, #tpu.memory_space<vmem>>, vector<1x64xf32>
      %add3A_307 = vector.broadcast %get3A_306 : vector<1x64xf32> to vector<512x64xf32>
      %add3A_308 = arith.addf %dot_general3A_303, %add3A_307 : vector<512x64xf32>
      %logistic3A_309 = arith.negf %add3A_308 : vector<512x64xf32>
      %logistic3A_310 = math.exp %logistic3A_309 : vector<512x64xf32>
      %logistic3A_311 = arith.constant 1.000000e+00 : f32
      %logistic3A_312 = vector.broadcast %logistic3A_311 : f32 to vector<512x64xf32>
      %logistic3A_313 = arith.addf %logistic3A_312, %logistic3A_310 : vector<512x64xf32>
      %logistic3A_314 = arith.divf %logistic3A_312, %logistic3A_313 : vector<512x64xf32>
      %mul3A_315 = arith.mulf %add3A_308, %logistic3A_314 : vector<512x64xf32>
      %get3A_316 = arith.constant 0 : index
      %get3A_317 = arith.constant 0 : index
      %get3A_318 = vector.load %arg15[%get3A_316, %get3A_317] : memref<64x1xf32, #tpu.memory_space<vmem>>, vector<64x1xf32>
      %dot_general3A_319 = arith.constant dense<0.000000e+00> : vector<512x1xf32>
      %dot_general3A_320 = tpu.matmul %mul3A_315, %get3A_318, %dot_general3A_319 {dimension_numbers = #tpu.dot_dimension_numbers<[1], [0], [0], [1], [0, 0, 1, 1], [], []>, transpose_lhs_hint = false} : vector<512x64xf32>, vector<64x1xf32>, vector<512x1xf32> -> vector<512x1xf32>
      %get3A_321 = arith.constant 0 : index
      %get3A_322 = arith.constant 0 : index
      %get3A_323 = vector.load %arg16[%get3A_321, %get3A_322] : memref<1x1xf32, #tpu.memory_space<vmem>>, vector<1x1xf32>
      %add3A_324 = vector.broadcast %get3A_323 : vector<1x1xf32> to vector<512x1xf32>
      %add3A_325 = arith.addf %dot_general3A_320, %add3A_324 : vector<512x1xf32>
      %jit3A_326 = arith.constant 0.000000e+00 : f32
      %broadcast_in_dim3A_327 = vector.broadcast %jit3A_326 : f32 to vector<512x1xf32>
      %select_n3A_328 = arith.select %and3A_261, %add3A_325, %broadcast_in_dim3A_327 : vector<512x1xi1>, vector<512x1xf32>
      %mul3A_329 = vector.broadcast %select_n3A_328 : vector<512x1xf32> to vector<512x3xf32>
      %mul3A_330 = arith.mulf %mul3A_329, %sub3A_248 : vector<512x3xf32>
      %add3A_331 = arith.addf %add3A_240, %mul3A_330 : vector<512x3xf32>
      %get3A_332 = arith.constant 3 : index
      %get3A_333 = arith.constant 0 : index
      %get3A_334 = arith.constant 0 : index
      %get3A_335 = vector.load %arg4[%get3A_332, %get3A_333, %get3A_334] : memref<7x512x128xf32, #tpu.memory_space<vmem>>, vector<1x512x128xf32>
      %get3A_336 = vector.shape_cast %get3A_335 : vector<1x512x128xf32> to vector<512x128xf32>
      %slice3A_337 = vector.extract_strided_slice %get3A_336 {offsets = [0, 0], sizes = [512, 16], strides = [1, 1]} : vector<512x128xf32> to vector<512x16xf32>
      %slice3A_338 = vector.extract_strided_slice %get3A_336 {offsets = [0, 16], sizes = [512, 3], strides = [1, 1]} : vector<512x128xf32> to vector<512x3xf32>
      %sub3A_339 = arith.subf %slice3A_6, %slice3A_338 : vector<512x3xf32>
      %slice3A_340 = vector.extract_strided_slice %sub3A_339 {offsets = [0, 0], sizes = [512, 1], strides = [1, 1]} : vector<512x3xf32> to vector<512x1xf32>
      %slice3A_341 = vector.extract_strided_slice %sub3A_339 {offsets = [0, 1], sizes = [512, 1], strides = [1, 1]} : vector<512x3xf32> to vector<512x1xf32>
      %slice3A_342 = vector.extract_strided_slice %sub3A_339 {offsets = [0, 2], sizes = [512, 1], strides = [1, 1]} : vector<512x3xf32> to vector<512x1xf32>
      %mul3A_343 = arith.mulf %slice3A_340, %slice3A_340 : vector<512x1xf32>
      %mul3A_344 = arith.mulf %slice3A_341, %slice3A_341 : vector<512x1xf32>
      %add3A_345 = arith.addf %mul3A_343, %mul3A_344 : vector<512x1xf32>
      %mul3A_346 = arith.mulf %slice3A_342, %slice3A_342 : vector<512x1xf32>
      %add3A_347 = arith.addf %add3A_345, %mul3A_346 : vector<512x1xf32>
      %slice3A_348 = vector.extract_strided_slice %get3A_336 {offsets = [0, 19], sizes = [512, 1], strides = [1, 1]} : vector<512x128xf32> to vector<512x1xf32>
      %gt3A_349 = arith.constant 5.000000e-01 : f32
      %gt3A_350 = vector.broadcast %gt3A_349 : f32 to vector<512x1xf32>
      %gt3A_351 = arith.cmpf ogt, %slice3A_348, %gt3A_350 : vector<512x1xf32>
      %and3A_352 = arith.andi %lt3A_18, %gt3A_351 : vector<512x1xi1>
      %dot_general3A_353 = arith.constant dense<0.000000e+00> : vector<512x66xf32>
      %dot_general3A_354 = tpu.matmul %slice3A_337, %get3A_24, %dot_general3A_353 {dimension_numbers = #tpu.dot_dimension_numbers<[1], [0], [0], [1], [0, 0, 1, 1], [], []>, transpose_lhs_hint = false} : vector<512x16xf32>, vector<16x66xf32>, vector<512x66xf32> -> vector<512x66xf32>
      %add3A_355 = arith.addf %add3A_33, %dot_general3A_354 : vector<512x66xf32>
      %mul3A_356 = vector.broadcast %add3A_347 : vector<512x1xf32> to vector<512x66xf32>
      %mul3A_357 = vector.broadcast %get3A_27 : vector<1x66xf32> to vector<512x66xf32>
      %mul3A_358 = arith.mulf %mul3A_356, %mul3A_357 : vector<512x66xf32>
      %add3A_359 = arith.addf %add3A_355, %mul3A_358 : vector<512x66xf32>
      %logistic3A_360 = arith.negf %add3A_359 : vector<512x66xf32>
      %logistic3A_361 = math.exp %logistic3A_360 : vector<512x66xf32>
      %logistic3A_362 = arith.constant 1.000000e+00 : f32
      %logistic3A_363 = vector.broadcast %logistic3A_362 : f32 to vector<512x66xf32>
      %logistic3A_364 = arith.addf %logistic3A_363, %logistic3A_361 : vector<512x66xf32>
      %logistic3A_365 = arith.divf %logistic3A_363, %logistic3A_364 : vector<512x66xf32>
      %mul3A_366 = arith.mulf %add3A_359, %logistic3A_365 : vector<512x66xf32>
      %get3A_367 = arith.constant 0 : index
      %get3A_368 = arith.constant 0 : index
      %get3A_369 = vector.load %arg7[%get3A_367, %get3A_368] : memref<66x16xf32, #tpu.memory_space<vmem>>, vector<66x16xf32>
      %dot_general3A_370 = arith.constant dense<0.000000e+00> : vector<512x16xf32>
      %dot_general3A_371 = tpu.matmul %mul3A_366, %get3A_369, %dot_general3A_370 {dimension_numbers = #tpu.dot_dimension_numbers<[1], [0], [0], [1], [0, 0, 1, 1], [], []>, transpose_lhs_hint = false} : vector<512x66xf32>, vector<66x16xf32>, vector<512x16xf32> -> vector<512x16xf32>
      %get3A_372 = arith.constant 0 : index
      %get3A_373 = arith.constant 0 : index
      %get3A_374 = vector.load %arg8[%get3A_372, %get3A_373] : memref<1x16xf32, #tpu.memory_space<vmem>>, vector<1x16xf32>
      %add3A_375 = vector.broadcast %get3A_374 : vector<1x16xf32> to vector<512x16xf32>
      %add3A_376 = arith.addf %dot_general3A_371, %add3A_375 : vector<512x16xf32>
      %logistic3A_377 = arith.negf %add3A_376 : vector<512x16xf32>
      %logistic3A_378 = math.exp %logistic3A_377 : vector<512x16xf32>
      %logistic3A_379 = arith.constant 1.000000e+00 : f32
      %logistic3A_380 = vector.broadcast %logistic3A_379 : f32 to vector<512x16xf32>
      %logistic3A_381 = arith.addf %logistic3A_380, %logistic3A_378 : vector<512x16xf32>
      %logistic3A_382 = arith.divf %logistic3A_380, %logistic3A_381 : vector<512x16xf32>
      %mul3A_383 = arith.mulf %add3A_376, %logistic3A_382 : vector<512x16xf32>
      %jit3A_384 = arith.constant 0.000000e+00 : f32
      %broadcast_in_dim3A_385 = vector.shape_cast %and3A_352 : vector<512x1xi1> to vector<512x1xi1>
      %broadcast_in_dim3A_386 = vector.broadcast %broadcast_in_dim3A_385 : vector<512x1xi1> to vector<512x16xi1>
      %broadcast_in_dim3A_387 = vector.broadcast %jit3A_384 : f32 to vector<512x16xf32>
      %select_n3A_388 = arith.select %broadcast_in_dim3A_386, %mul3A_383, %broadcast_in_dim3A_387 : vector<512x16xi1>, vector<512x16xf32>
      %add3A_389 = arith.addf %add3A_298, %select_n3A_388 : vector<512x16xf32>
      %get3A_390 = arith.constant 0 : index
      %get3A_391 = arith.constant 0 : index
      %get3A_392 = vector.load %arg13[%get3A_390, %get3A_391] : memref<16x64xf32, #tpu.memory_space<vmem>>, vector<16x64xf32>
      %dot_general3A_393 = arith.constant dense<0.000000e+00> : vector<512x64xf32>
      %dot_general3A_394 = tpu.matmul %select_n3A_388, %get3A_392, %dot_general3A_393 {dimension_numbers = #tpu.dot_dimension_numbers<[1], [0], [0], [1], [0, 0, 1, 1], [], []>, transpose_lhs_hint = false} : vector<512x16xf32>, vector<16x64xf32>, vector<512x64xf32> -> vector<512x64xf32>
      %get3A_395 = arith.constant 0 : index
      %get3A_396 = arith.constant 0 : index
      %get3A_397 = vector.load %arg14[%get3A_395, %get3A_396] : memref<1x64xf32, #tpu.memory_space<vmem>>, vector<1x64xf32>
      %add3A_398 = vector.broadcast %get3A_397 : vector<1x64xf32> to vector<512x64xf32>
      %add3A_399 = arith.addf %dot_general3A_394, %add3A_398 : vector<512x64xf32>
      %logistic3A_400 = arith.negf %add3A_399 : vector<512x64xf32>
      %logistic3A_401 = math.exp %logistic3A_400 : vector<512x64xf32>
      %logistic3A_402 = arith.constant 1.000000e+00 : f32
      %logistic3A_403 = vector.broadcast %logistic3A_402 : f32 to vector<512x64xf32>
      %logistic3A_404 = arith.addf %logistic3A_403, %logistic3A_401 : vector<512x64xf32>
      %logistic3A_405 = arith.divf %logistic3A_403, %logistic3A_404 : vector<512x64xf32>
      %mul3A_406 = arith.mulf %add3A_399, %logistic3A_405 : vector<512x64xf32>
      %get3A_407 = arith.constant 0 : index
      %get3A_408 = arith.constant 0 : index
      %get3A_409 = vector.load %arg15[%get3A_407, %get3A_408] : memref<64x1xf32, #tpu.memory_space<vmem>>, vector<64x1xf32>
      %dot_general3A_410 = arith.constant dense<0.000000e+00> : vector<512x1xf32>
      %dot_general3A_411 = tpu.matmul %mul3A_406, %get3A_409, %dot_general3A_410 {dimension_numbers = #tpu.dot_dimension_numbers<[1], [0], [0], [1], [0, 0, 1, 1], [], []>, transpose_lhs_hint = false} : vector<512x64xf32>, vector<64x1xf32>, vector<512x1xf32> -> vector<512x1xf32>
      %get3A_412 = arith.constant 0 : index
      %get3A_413 = arith.constant 0 : index
      %get3A_414 = vector.load %arg16[%get3A_412, %get3A_413] : memref<1x1xf32, #tpu.memory_space<vmem>>, vector<1x1xf32>
      %add3A_415 = vector.broadcast %get3A_414 : vector<1x1xf32> to vector<512x1xf32>
      %add3A_416 = arith.addf %dot_general3A_411, %add3A_415 : vector<512x1xf32>
      %jit3A_417 = arith.constant 0.000000e+00 : f32
      %broadcast_in_dim3A_418 = vector.broadcast %jit3A_417 : f32 to vector<512x1xf32>
      %select_n3A_419 = arith.select %and3A_352, %add3A_416, %broadcast_in_dim3A_418 : vector<512x1xi1>, vector<512x1xf32>
      %mul3A_420 = vector.broadcast %select_n3A_419 : vector<512x1xf32> to vector<512x3xf32>
      %mul3A_421 = arith.mulf %mul3A_420, %sub3A_339 : vector<512x3xf32>
      %add3A_422 = arith.addf %add3A_331, %mul3A_421 : vector<512x3xf32>
      %get3A_423 = arith.constant 4 : index
      %get3A_424 = arith.constant 0 : index
      %get3A_425 = arith.constant 0 : index
      %get3A_426 = vector.load %arg4[%get3A_423, %get3A_424, %get3A_425] : memref<7x512x128xf32, #tpu.memory_space<vmem>>, vector<1x512x128xf32>
      %get3A_427 = vector.shape_cast %get3A_426 : vector<1x512x128xf32> to vector<512x128xf32>
      %slice3A_428 = vector.extract_strided_slice %get3A_427 {offsets = [0, 0], sizes = [512, 16], strides = [1, 1]} : vector<512x128xf32> to vector<512x16xf32>
      %slice3A_429 = vector.extract_strided_slice %get3A_427 {offsets = [0, 16], sizes = [512, 3], strides = [1, 1]} : vector<512x128xf32> to vector<512x3xf32>
      %sub3A_430 = arith.subf %slice3A_6, %slice3A_429 : vector<512x3xf32>
      %slice3A_431 = vector.extract_strided_slice %sub3A_430 {offsets = [0, 0], sizes = [512, 1], strides = [1, 1]} : vector<512x3xf32> to vector<512x1xf32>
      %slice3A_432 = vector.extract_strided_slice %sub3A_430 {offsets = [0, 1], sizes = [512, 1], strides = [1, 1]} : vector<512x3xf32> to vector<512x1xf32>
      %slice3A_433 = vector.extract_strided_slice %sub3A_430 {offsets = [0, 2], sizes = [512, 1], strides = [1, 1]} : vector<512x3xf32> to vector<512x1xf32>
      %mul3A_434 = arith.mulf %slice3A_431, %slice3A_431 : vector<512x1xf32>
      %mul3A_435 = arith.mulf %slice3A_432, %slice3A_432 : vector<512x1xf32>
      %add3A_436 = arith.addf %mul3A_434, %mul3A_435 : vector<512x1xf32>
      %mul3A_437 = arith.mulf %slice3A_433, %slice3A_433 : vector<512x1xf32>
      %add3A_438 = arith.addf %add3A_436, %mul3A_437 : vector<512x1xf32>
      %slice3A_439 = vector.extract_strided_slice %get3A_427 {offsets = [0, 19], sizes = [512, 1], strides = [1, 1]} : vector<512x128xf32> to vector<512x1xf32>
      %gt3A_440 = arith.constant 5.000000e-01 : f32
      %gt3A_441 = vector.broadcast %gt3A_440 : f32 to vector<512x1xf32>
      %gt3A_442 = arith.cmpf ogt, %slice3A_439, %gt3A_441 : vector<512x1xf32>
      %and3A_443 = arith.andi %lt3A_18, %gt3A_442 : vector<512x1xi1>
      %dot_general3A_444 = arith.constant dense<0.000000e+00> : vector<512x66xf32>
      %dot_general3A_445 = tpu.matmul %slice3A_428, %get3A_24, %dot_general3A_444 {dimension_numbers = #tpu.dot_dimension_numbers<[1], [0], [0], [1], [0, 0, 1, 1], [], []>, transpose_lhs_hint = false} : vector<512x16xf32>, vector<16x66xf32>, vector<512x66xf32> -> vector<512x66xf32>
      %add3A_446 = arith.addf %add3A_33, %dot_general3A_445 : vector<512x66xf32>
      %mul3A_447 = vector.broadcast %add3A_438 : vector<512x1xf32> to vector<512x66xf32>
      %mul3A_448 = vector.broadcast %get3A_27 : vector<1x66xf32> to vector<512x66xf32>
      %mul3A_449 = arith.mulf %mul3A_447, %mul3A_448 : vector<512x66xf32>
      %add3A_450 = arith.addf %add3A_446, %mul3A_449 : vector<512x66xf32>
      %logistic3A_451 = arith.negf %add3A_450 : vector<512x66xf32>
      %logistic3A_452 = math.exp %logistic3A_451 : vector<512x66xf32>
      %logistic3A_453 = arith.constant 1.000000e+00 : f32
      %logistic3A_454 = vector.broadcast %logistic3A_453 : f32 to vector<512x66xf32>
      %logistic3A_455 = arith.addf %logistic3A_454, %logistic3A_452 : vector<512x66xf32>
      %logistic3A_456 = arith.divf %logistic3A_454, %logistic3A_455 : vector<512x66xf32>
      %mul3A_457 = arith.mulf %add3A_450, %logistic3A_456 : vector<512x66xf32>
      %get3A_458 = arith.constant 0 : index
      %get3A_459 = arith.constant 0 : index
      %get3A_460 = vector.load %arg7[%get3A_458, %get3A_459] : memref<66x16xf32, #tpu.memory_space<vmem>>, vector<66x16xf32>
      %dot_general3A_461 = arith.constant dense<0.000000e+00> : vector<512x16xf32>
      %dot_general3A_462 = tpu.matmul %mul3A_457, %get3A_460, %dot_general3A_461 {dimension_numbers = #tpu.dot_dimension_numbers<[1], [0], [0], [1], [0, 0, 1, 1], [], []>, transpose_lhs_hint = false} : vector<512x66xf32>, vector<66x16xf32>, vector<512x16xf32> -> vector<512x16xf32>
      %get3A_463 = arith.constant 0 : index
      %get3A_464 = arith.constant 0 : index
      %get3A_465 = vector.load %arg8[%get3A_463, %get3A_464] : memref<1x16xf32, #tpu.memory_space<vmem>>, vector<1x16xf32>
      %add3A_466 = vector.broadcast %get3A_465 : vector<1x16xf32> to vector<512x16xf32>
      %add3A_467 = arith.addf %dot_general3A_462, %add3A_466 : vector<512x16xf32>
      %logistic3A_468 = arith.negf %add3A_467 : vector<512x16xf32>
      %logistic3A_469 = math.exp %logistic3A_468 : vector<512x16xf32>
      %logistic3A_470 = arith.constant 1.000000e+00 : f32
      %logistic3A_471 = vector.broadcast %logistic3A_470 : f32 to vector<512x16xf32>
      %logistic3A_472 = arith.addf %logistic3A_471, %logistic3A_469 : vector<512x16xf32>
      %logistic3A_473 = arith.divf %logistic3A_471, %logistic3A_472 : vector<512x16xf32>
      %mul3A_474 = arith.mulf %add3A_467, %logistic3A_473 : vector<512x16xf32>
      %jit3A_475 = arith.constant 0.000000e+00 : f32
      %broadcast_in_dim3A_476 = vector.shape_cast %and3A_443 : vector<512x1xi1> to vector<512x1xi1>
      %broadcast_in_dim3A_477 = vector.broadcast %broadcast_in_dim3A_476 : vector<512x1xi1> to vector<512x16xi1>
      %broadcast_in_dim3A_478 = vector.broadcast %jit3A_475 : f32 to vector<512x16xf32>
      %select_n3A_479 = arith.select %broadcast_in_dim3A_477, %mul3A_474, %broadcast_in_dim3A_478 : vector<512x16xi1>, vector<512x16xf32>
      %add3A_480 = arith.addf %add3A_389, %select_n3A_479 : vector<512x16xf32>
      %get3A_481 = arith.constant 0 : index
      %get3A_482 = arith.constant 0 : index
      %get3A_483 = vector.load %arg13[%get3A_481, %get3A_482] : memref<16x64xf32, #tpu.memory_space<vmem>>, vector<16x64xf32>
      %dot_general3A_484 = arith.constant dense<0.000000e+00> : vector<512x64xf32>
      %dot_general3A_485 = tpu.matmul %select_n3A_479, %get3A_483, %dot_general3A_484 {dimension_numbers = #tpu.dot_dimension_numbers<[1], [0], [0], [1], [0, 0, 1, 1], [], []>, transpose_lhs_hint = false} : vector<512x16xf32>, vector<16x64xf32>, vector<512x64xf32> -> vector<512x64xf32>
      %get3A_486 = arith.constant 0 : index
      %get3A_487 = arith.constant 0 : index
      %get3A_488 = vector.load %arg14[%get3A_486, %get3A_487] : memref<1x64xf32, #tpu.memory_space<vmem>>, vector<1x64xf32>
      %add3A_489 = vector.broadcast %get3A_488 : vector<1x64xf32> to vector<512x64xf32>
      %add3A_490 = arith.addf %dot_general3A_485, %add3A_489 : vector<512x64xf32>
      %logistic3A_491 = arith.negf %add3A_490 : vector<512x64xf32>
      %logistic3A_492 = math.exp %logistic3A_491 : vector<512x64xf32>
      %logistic3A_493 = arith.constant 1.000000e+00 : f32
      %logistic3A_494 = vector.broadcast %logistic3A_493 : f32 to vector<512x64xf32>
      %logistic3A_495 = arith.addf %logistic3A_494, %logistic3A_492 : vector<512x64xf32>
      %logistic3A_496 = arith.divf %logistic3A_494, %logistic3A_495 : vector<512x64xf32>
      %mul3A_497 = arith.mulf %add3A_490, %logistic3A_496 : vector<512x64xf32>
      %get3A_498 = arith.constant 0 : index
      %get3A_499 = arith.constant 0 : index
      %get3A_500 = vector.load %arg15[%get3A_498, %get3A_499] : memref<64x1xf32, #tpu.memory_space<vmem>>, vector<64x1xf32>
      %dot_general3A_501 = arith.constant dense<0.000000e+00> : vector<512x1xf32>
      %dot_general3A_502 = tpu.matmul %mul3A_497, %get3A_500, %dot_general3A_501 {dimension_numbers = #tpu.dot_dimension_numbers<[1], [0], [0], [1], [0, 0, 1, 1], [], []>, transpose_lhs_hint = false} : vector<512x64xf32>, vector<64x1xf32>, vector<512x1xf32> -> vector<512x1xf32>
      %get3A_503 = arith.constant 0 : index
      %get3A_504 = arith.constant 0 : index
      %get3A_505 = vector.load %arg16[%get3A_503, %get3A_504] : memref<1x1xf32, #tpu.memory_space<vmem>>, vector<1x1xf32>
      %add3A_506 = vector.broadcast %get3A_505 : vector<1x1xf32> to vector<512x1xf32>
      %add3A_507 = arith.addf %dot_general3A_502, %add3A_506 : vector<512x1xf32>
      %jit3A_508 = arith.constant 0.000000e+00 : f32
      %broadcast_in_dim3A_509 = vector.broadcast %jit3A_508 : f32 to vector<512x1xf32>
      %select_n3A_510 = arith.select %and3A_443, %add3A_507, %broadcast_in_dim3A_509 : vector<512x1xi1>, vector<512x1xf32>
      %mul3A_511 = vector.broadcast %select_n3A_510 : vector<512x1xf32> to vector<512x3xf32>
      %mul3A_512 = arith.mulf %mul3A_511, %sub3A_430 : vector<512x3xf32>
      %add3A_513 = arith.addf %add3A_422, %mul3A_512 : vector<512x3xf32>
      %get3A_514 = arith.constant 5 : index
      %get3A_515 = arith.constant 0 : index
      %get3A_516 = arith.constant 0 : index
      %get3A_517 = vector.load %arg4[%get3A_514, %get3A_515, %get3A_516] : memref<7x512x128xf32, #tpu.memory_space<vmem>>, vector<1x512x128xf32>
      %get3A_518 = vector.shape_cast %get3A_517 : vector<1x512x128xf32> to vector<512x128xf32>
      %slice3A_519 = vector.extract_strided_slice %get3A_518 {offsets = [0, 0], sizes = [512, 16], strides = [1, 1]} : vector<512x128xf32> to vector<512x16xf32>
      %slice3A_520 = vector.extract_strided_slice %get3A_518 {offsets = [0, 16], sizes = [512, 3], strides = [1, 1]} : vector<512x128xf32> to vector<512x3xf32>
      %sub3A_521 = arith.subf %slice3A_6, %slice3A_520 : vector<512x3xf32>
      %slice3A_522 = vector.extract_strided_slice %sub3A_521 {offsets = [0, 0], sizes = [512, 1], strides = [1, 1]} : vector<512x3xf32> to vector<512x1xf32>
      %slice3A_523 = vector.extract_strided_slice %sub3A_521 {offsets = [0, 1], sizes = [512, 1], strides = [1, 1]} : vector<512x3xf32> to vector<512x1xf32>
      %slice3A_524 = vector.extract_strided_slice %sub3A_521 {offsets = [0, 2], sizes = [512, 1], strides = [1, 1]} : vector<512x3xf32> to vector<512x1xf32>
      %mul3A_525 = arith.mulf %slice3A_522, %slice3A_522 : vector<512x1xf32>
      %mul3A_526 = arith.mulf %slice3A_523, %slice3A_523 : vector<512x1xf32>
      %add3A_527 = arith.addf %mul3A_525, %mul3A_526 : vector<512x1xf32>
      %mul3A_528 = arith.mulf %slice3A_524, %slice3A_524 : vector<512x1xf32>
      %add3A_529 = arith.addf %add3A_527, %mul3A_528 : vector<512x1xf32>
      %slice3A_530 = vector.extract_strided_slice %get3A_518 {offsets = [0, 19], sizes = [512, 1], strides = [1, 1]} : vector<512x128xf32> to vector<512x1xf32>
      %gt3A_531 = arith.constant 5.000000e-01 : f32
      %gt3A_532 = vector.broadcast %gt3A_531 : f32 to vector<512x1xf32>
      %gt3A_533 = arith.cmpf ogt, %slice3A_530, %gt3A_532 : vector<512x1xf32>
      %and3A_534 = arith.andi %lt3A_18, %gt3A_533 : vector<512x1xi1>
      %dot_general3A_535 = arith.constant dense<0.000000e+00> : vector<512x66xf32>
      %dot_general3A_536 = tpu.matmul %slice3A_519, %get3A_24, %dot_general3A_535 {dimension_numbers = #tpu.dot_dimension_numbers<[1], [0], [0], [1], [0, 0, 1, 1], [], []>, transpose_lhs_hint = false} : vector<512x16xf32>, vector<16x66xf32>, vector<512x66xf32> -> vector<512x66xf32>
      %add3A_537 = arith.addf %add3A_33, %dot_general3A_536 : vector<512x66xf32>
      %mul3A_538 = vector.broadcast %add3A_529 : vector<512x1xf32> to vector<512x66xf32>
      %mul3A_539 = vector.broadcast %get3A_27 : vector<1x66xf32> to vector<512x66xf32>
      %mul3A_540 = arith.mulf %mul3A_538, %mul3A_539 : vector<512x66xf32>
      %add3A_541 = arith.addf %add3A_537, %mul3A_540 : vector<512x66xf32>
      %logistic3A_542 = arith.negf %add3A_541 : vector<512x66xf32>
      %logistic3A_543 = math.exp %logistic3A_542 : vector<512x66xf32>
      %logistic3A_544 = arith.constant 1.000000e+00 : f32
      %logistic3A_545 = vector.broadcast %logistic3A_544 : f32 to vector<512x66xf32>
      %logistic3A_546 = arith.addf %logistic3A_545, %logistic3A_543 : vector<512x66xf32>
      %logistic3A_547 = arith.divf %logistic3A_545, %logistic3A_546 : vector<512x66xf32>
      %mul3A_548 = arith.mulf %add3A_541, %logistic3A_547 : vector<512x66xf32>
      %get3A_549 = arith.constant 0 : index
      %get3A_550 = arith.constant 0 : index
      %get3A_551 = vector.load %arg7[%get3A_549, %get3A_550] : memref<66x16xf32, #tpu.memory_space<vmem>>, vector<66x16xf32>
      %dot_general3A_552 = arith.constant dense<0.000000e+00> : vector<512x16xf32>
      %dot_general3A_553 = tpu.matmul %mul3A_548, %get3A_551, %dot_general3A_552 {dimension_numbers = #tpu.dot_dimension_numbers<[1], [0], [0], [1], [0, 0, 1, 1], [], []>, transpose_lhs_hint = false} : vector<512x66xf32>, vector<66x16xf32>, vector<512x16xf32> -> vector<512x16xf32>
      %get3A_554 = arith.constant 0 : index
      %get3A_555 = arith.constant 0 : index
      %get3A_556 = vector.load %arg8[%get3A_554, %get3A_555] : memref<1x16xf32, #tpu.memory_space<vmem>>, vector<1x16xf32>
      %add3A_557 = vector.broadcast %get3A_556 : vector<1x16xf32> to vector<512x16xf32>
      %add3A_558 = arith.addf %dot_general3A_553, %add3A_557 : vector<512x16xf32>
      %logistic3A_559 = arith.negf %add3A_558 : vector<512x16xf32>
      %logistic3A_560 = math.exp %logistic3A_559 : vector<512x16xf32>
      %logistic3A_561 = arith.constant 1.000000e+00 : f32
      %logistic3A_562 = vector.broadcast %logistic3A_561 : f32 to vector<512x16xf32>
      %logistic3A_563 = arith.addf %logistic3A_562, %logistic3A_560 : vector<512x16xf32>
      %logistic3A_564 = arith.divf %logistic3A_562, %logistic3A_563 : vector<512x16xf32>
      %mul3A_565 = arith.mulf %add3A_558, %logistic3A_564 : vector<512x16xf32>
      %jit3A_566 = arith.constant 0.000000e+00 : f32
      %broadcast_in_dim3A_567 = vector.shape_cast %and3A_534 : vector<512x1xi1> to vector<512x1xi1>
      %broadcast_in_dim3A_568 = vector.broadcast %broadcast_in_dim3A_567 : vector<512x1xi1> to vector<512x16xi1>
      %broadcast_in_dim3A_569 = vector.broadcast %jit3A_566 : f32 to vector<512x16xf32>
      %select_n3A_570 = arith.select %broadcast_in_dim3A_568, %mul3A_565, %broadcast_in_dim3A_569 : vector<512x16xi1>, vector<512x16xf32>
      %add3A_571 = arith.addf %add3A_480, %select_n3A_570 : vector<512x16xf32>
      %get3A_572 = arith.constant 0 : index
      %get3A_573 = arith.constant 0 : index
      %get3A_574 = vector.load %arg13[%get3A_572, %get3A_573] : memref<16x64xf32, #tpu.memory_space<vmem>>, vector<16x64xf32>
      %dot_general3A_575 = arith.constant dense<0.000000e+00> : vector<512x64xf32>
      %dot_general3A_576 = tpu.matmul %select_n3A_570, %get3A_574, %dot_general3A_575 {dimension_numbers = #tpu.dot_dimension_numbers<[1], [0], [0], [1], [0, 0, 1, 1], [], []>, transpose_lhs_hint = false} : vector<512x16xf32>, vector<16x64xf32>, vector<512x64xf32> -> vector<512x64xf32>
      %get3A_577 = arith.constant 0 : index
      %get3A_578 = arith.constant 0 : index
      %get3A_579 = vector.load %arg14[%get3A_577, %get3A_578] : memref<1x64xf32, #tpu.memory_space<vmem>>, vector<1x64xf32>
      %add3A_580 = vector.broadcast %get3A_579 : vector<1x64xf32> to vector<512x64xf32>
      %add3A_581 = arith.addf %dot_general3A_576, %add3A_580 : vector<512x64xf32>
      %logistic3A_582 = arith.negf %add3A_581 : vector<512x64xf32>
      %logistic3A_583 = math.exp %logistic3A_582 : vector<512x64xf32>
      %logistic3A_584 = arith.constant 1.000000e+00 : f32
      %logistic3A_585 = vector.broadcast %logistic3A_584 : f32 to vector<512x64xf32>
      %logistic3A_586 = arith.addf %logistic3A_585, %logistic3A_583 : vector<512x64xf32>
      %logistic3A_587 = arith.divf %logistic3A_585, %logistic3A_586 : vector<512x64xf32>
      %mul3A_588 = arith.mulf %add3A_581, %logistic3A_587 : vector<512x64xf32>
      %get3A_589 = arith.constant 0 : index
      %get3A_590 = arith.constant 0 : index
      %get3A_591 = vector.load %arg15[%get3A_589, %get3A_590] : memref<64x1xf32, #tpu.memory_space<vmem>>, vector<64x1xf32>
      %dot_general3A_592 = arith.constant dense<0.000000e+00> : vector<512x1xf32>
      %dot_general3A_593 = tpu.matmul %mul3A_588, %get3A_591, %dot_general3A_592 {dimension_numbers = #tpu.dot_dimension_numbers<[1], [0], [0], [1], [0, 0, 1, 1], [], []>, transpose_lhs_hint = false} : vector<512x64xf32>, vector<64x1xf32>, vector<512x1xf32> -> vector<512x1xf32>
      %get3A_594 = arith.constant 0 : index
      %get3A_595 = arith.constant 0 : index
      %get3A_596 = vector.load %arg16[%get3A_594, %get3A_595] : memref<1x1xf32, #tpu.memory_space<vmem>>, vector<1x1xf32>
      %add3A_597 = vector.broadcast %get3A_596 : vector<1x1xf32> to vector<512x1xf32>
      %add3A_598 = arith.addf %dot_general3A_593, %add3A_597 : vector<512x1xf32>
      %jit3A_599 = arith.constant 0.000000e+00 : f32
      %broadcast_in_dim3A_600 = vector.broadcast %jit3A_599 : f32 to vector<512x1xf32>
      %select_n3A_601 = arith.select %and3A_534, %add3A_598, %broadcast_in_dim3A_600 : vector<512x1xi1>, vector<512x1xf32>
      %mul3A_602 = vector.broadcast %select_n3A_601 : vector<512x1xf32> to vector<512x3xf32>
      %mul3A_603 = arith.mulf %mul3A_602, %sub3A_521 : vector<512x3xf32>
      %add3A_604 = arith.addf %add3A_513, %mul3A_603 : vector<512x3xf32>
      %get3A_605 = arith.constant 6 : index
      %get3A_606 = arith.constant 0 : index
      %get3A_607 = arith.constant 0 : index
      %get3A_608 = vector.load %arg4[%get3A_605, %get3A_606, %get3A_607] : memref<7x512x128xf32, #tpu.memory_space<vmem>>, vector<1x512x128xf32>
      %get3A_609 = vector.shape_cast %get3A_608 : vector<1x512x128xf32> to vector<512x128xf32>
      %slice3A_610 = vector.extract_strided_slice %get3A_609 {offsets = [0, 0], sizes = [512, 16], strides = [1, 1]} : vector<512x128xf32> to vector<512x16xf32>
      %slice3A_611 = vector.extract_strided_slice %get3A_609 {offsets = [0, 16], sizes = [512, 3], strides = [1, 1]} : vector<512x128xf32> to vector<512x3xf32>
      %sub3A_612 = arith.subf %slice3A_6, %slice3A_611 : vector<512x3xf32>
      %slice3A_613 = vector.extract_strided_slice %sub3A_612 {offsets = [0, 0], sizes = [512, 1], strides = [1, 1]} : vector<512x3xf32> to vector<512x1xf32>
      %slice3A_614 = vector.extract_strided_slice %sub3A_612 {offsets = [0, 1], sizes = [512, 1], strides = [1, 1]} : vector<512x3xf32> to vector<512x1xf32>
      %slice3A_615 = vector.extract_strided_slice %sub3A_612 {offsets = [0, 2], sizes = [512, 1], strides = [1, 1]} : vector<512x3xf32> to vector<512x1xf32>
      %mul3A_616 = arith.mulf %slice3A_613, %slice3A_613 : vector<512x1xf32>
      %mul3A_617 = arith.mulf %slice3A_614, %slice3A_614 : vector<512x1xf32>
      %add3A_618 = arith.addf %mul3A_616, %mul3A_617 : vector<512x1xf32>
      %mul3A_619 = arith.mulf %slice3A_615, %slice3A_615 : vector<512x1xf32>
      %add3A_620 = arith.addf %add3A_618, %mul3A_619 : vector<512x1xf32>
      %slice3A_621 = vector.extract_strided_slice %get3A_609 {offsets = [0, 19], sizes = [512, 1], strides = [1, 1]} : vector<512x128xf32> to vector<512x1xf32>
      %gt3A_622 = arith.constant 5.000000e-01 : f32
      %gt3A_623 = vector.broadcast %gt3A_622 : f32 to vector<512x1xf32>
      %gt3A_624 = arith.cmpf ogt, %slice3A_621, %gt3A_623 : vector<512x1xf32>
      %and3A_625 = arith.andi %lt3A_18, %gt3A_624 : vector<512x1xi1>
      %dot_general3A_626 = arith.constant dense<0.000000e+00> : vector<512x66xf32>
      %dot_general3A_627 = tpu.matmul %slice3A_610, %get3A_24, %dot_general3A_626 {dimension_numbers = #tpu.dot_dimension_numbers<[1], [0], [0], [1], [0, 0, 1, 1], [], []>, transpose_lhs_hint = false} : vector<512x16xf32>, vector<16x66xf32>, vector<512x66xf32> -> vector<512x66xf32>
      %add3A_628 = arith.addf %add3A_33, %dot_general3A_627 : vector<512x66xf32>
      %mul3A_629 = vector.broadcast %add3A_620 : vector<512x1xf32> to vector<512x66xf32>
      %mul3A_630 = vector.broadcast %get3A_27 : vector<1x66xf32> to vector<512x66xf32>
      %mul3A_631 = arith.mulf %mul3A_629, %mul3A_630 : vector<512x66xf32>
      %add3A_632 = arith.addf %add3A_628, %mul3A_631 : vector<512x66xf32>
      %logistic3A_633 = arith.negf %add3A_632 : vector<512x66xf32>
      %logistic3A_634 = math.exp %logistic3A_633 : vector<512x66xf32>
      %logistic3A_635 = arith.constant 1.000000e+00 : f32
      %logistic3A_636 = vector.broadcast %logistic3A_635 : f32 to vector<512x66xf32>
      %logistic3A_637 = arith.addf %logistic3A_636, %logistic3A_634 : vector<512x66xf32>
      %logistic3A_638 = arith.divf %logistic3A_636, %logistic3A_637 : vector<512x66xf32>
      %mul3A_639 = arith.mulf %add3A_632, %logistic3A_638 : vector<512x66xf32>
      %get3A_640 = arith.constant 0 : index
      %get3A_641 = arith.constant 0 : index
      %get3A_642 = vector.load %arg7[%get3A_640, %get3A_641] : memref<66x16xf32, #tpu.memory_space<vmem>>, vector<66x16xf32>
      %dot_general3A_643 = arith.constant dense<0.000000e+00> : vector<512x16xf32>
      %dot_general3A_644 = tpu.matmul %mul3A_639, %get3A_642, %dot_general3A_643 {dimension_numbers = #tpu.dot_dimension_numbers<[1], [0], [0], [1], [0, 0, 1, 1], [], []>, transpose_lhs_hint = false} : vector<512x66xf32>, vector<66x16xf32>, vector<512x16xf32> -> vector<512x16xf32>
      %get3A_645 = arith.constant 0 : index
      %get3A_646 = arith.constant 0 : index
      %get3A_647 = vector.load %arg8[%get3A_645, %get3A_646] : memref<1x16xf32, #tpu.memory_space<vmem>>, vector<1x16xf32>
      %add3A_648 = vector.broadcast %get3A_647 : vector<1x16xf32> to vector<512x16xf32>
      %add3A_649 = arith.addf %dot_general3A_644, %add3A_648 : vector<512x16xf32>
      %logistic3A_650 = arith.negf %add3A_649 : vector<512x16xf32>
      %logistic3A_651 = math.exp %logistic3A_650 : vector<512x16xf32>
      %logistic3A_652 = arith.constant 1.000000e+00 : f32
      %logistic3A_653 = vector.broadcast %logistic3A_652 : f32 to vector<512x16xf32>
      %logistic3A_654 = arith.addf %logistic3A_653, %logistic3A_651 : vector<512x16xf32>
      %logistic3A_655 = arith.divf %logistic3A_653, %logistic3A_654 : vector<512x16xf32>
      %mul3A_656 = arith.mulf %add3A_649, %logistic3A_655 : vector<512x16xf32>
      %jit3A_657 = arith.constant 0.000000e+00 : f32
      %broadcast_in_dim3A_658 = vector.shape_cast %and3A_625 : vector<512x1xi1> to vector<512x1xi1>
      %broadcast_in_dim3A_659 = vector.broadcast %broadcast_in_dim3A_658 : vector<512x1xi1> to vector<512x16xi1>
      %broadcast_in_dim3A_660 = vector.broadcast %jit3A_657 : f32 to vector<512x16xf32>
      %select_n3A_661 = arith.select %broadcast_in_dim3A_659, %mul3A_656, %broadcast_in_dim3A_660 : vector<512x16xi1>, vector<512x16xf32>
      %add3A_662 = arith.addf %add3A_571, %select_n3A_661 : vector<512x16xf32>
      %get3A_663 = arith.constant 0 : index
      %get3A_664 = arith.constant 0 : index
      %get3A_665 = vector.load %arg13[%get3A_663, %get3A_664] : memref<16x64xf32, #tpu.memory_space<vmem>>, vector<16x64xf32>
      %dot_general3A_666 = arith.constant dense<0.000000e+00> : vector<512x64xf32>
      %dot_general3A_667 = tpu.matmul %select_n3A_661, %get3A_665, %dot_general3A_666 {dimension_numbers = #tpu.dot_dimension_numbers<[1], [0], [0], [1], [0, 0, 1, 1], [], []>, transpose_lhs_hint = false} : vector<512x16xf32>, vector<16x64xf32>, vector<512x64xf32> -> vector<512x64xf32>
      %get3A_668 = arith.constant 0 : index
      %get3A_669 = arith.constant 0 : index
      %get3A_670 = vector.load %arg14[%get3A_668, %get3A_669] : memref<1x64xf32, #tpu.memory_space<vmem>>, vector<1x64xf32>
      %add3A_671 = vector.broadcast %get3A_670 : vector<1x64xf32> to vector<512x64xf32>
      %add3A_672 = arith.addf %dot_general3A_667, %add3A_671 : vector<512x64xf32>
      %logistic3A_673 = arith.negf %add3A_672 : vector<512x64xf32>
      %logistic3A_674 = math.exp %logistic3A_673 : vector<512x64xf32>
      %logistic3A_675 = arith.constant 1.000000e+00 : f32
      %logistic3A_676 = vector.broadcast %logistic3A_675 : f32 to vector<512x64xf32>
      %logistic3A_677 = arith.addf %logistic3A_676, %logistic3A_674 : vector<512x64xf32>
      %logistic3A_678 = arith.divf %logistic3A_676, %logistic3A_677 : vector<512x64xf32>
      %mul3A_679 = arith.mulf %add3A_672, %logistic3A_678 : vector<512x64xf32>
      %get3A_680 = arith.constant 0 : index
      %get3A_681 = arith.constant 0 : index
      %get3A_682 = vector.load %arg15[%get3A_680, %get3A_681] : memref<64x1xf32, #tpu.memory_space<vmem>>, vector<64x1xf32>
      %dot_general3A_683 = arith.constant dense<0.000000e+00> : vector<512x1xf32>
      %dot_general3A_684 = tpu.matmul %mul3A_679, %get3A_682, %dot_general3A_683 {dimension_numbers = #tpu.dot_dimension_numbers<[1], [0], [0], [1], [0, 0, 1, 1], [], []>, transpose_lhs_hint = false} : vector<512x64xf32>, vector<64x1xf32>, vector<512x1xf32> -> vector<512x1xf32>
      %get3A_685 = arith.constant 0 : index
      %get3A_686 = arith.constant 0 : index
      %get3A_687 = vector.load %arg16[%get3A_685, %get3A_686] : memref<1x1xf32, #tpu.memory_space<vmem>>, vector<1x1xf32>
      %add3A_688 = vector.broadcast %get3A_687 : vector<1x1xf32> to vector<512x1xf32>
      %add3A_689 = arith.addf %dot_general3A_684, %add3A_688 : vector<512x1xf32>
      %jit3A_690 = arith.constant 0.000000e+00 : f32
      %broadcast_in_dim3A_691 = vector.broadcast %jit3A_690 : f32 to vector<512x1xf32>
      %select_n3A_692 = arith.select %and3A_625, %add3A_689, %broadcast_in_dim3A_691 : vector<512x1xi1>, vector<512x1xf32>
      %mul3A_693 = vector.broadcast %select_n3A_692 : vector<512x1xf32> to vector<512x3xf32>
      %mul3A_694 = arith.mulf %mul3A_693, %sub3A_612 : vector<512x3xf32>
      %add3A_695 = arith.addf %add3A_604, %mul3A_694 : vector<512x3xf32>
      %reduce_sum3A = arith.constant dense<0.000000e+00> : vector<512xf32>
      %reduce_sum3A_696 = vector.multi_reduction <add>, %slice3A, %reduce_sum3A [1] : vector<512x16xf32> to vector<512xf32>
      %broadcast_in_dim3A_697 = vector.shape_cast %reduce_sum3A_696 : vector<512xf32> to vector<512x1xf32>
      %div3A = arith.constant 1.600000e+01 : f32
      %div3A_698 = vector.broadcast %div3A : f32 to vector<512x1xf32>
      %div3A_699 = arith.divf %broadcast_in_dim3A_697, %div3A_698 : vector<512x1xf32>
      %sub3A_700 = vector.broadcast %div3A_699 : vector<512x1xf32> to vector<512x16xf32>
      %sub3A_701 = arith.subf %slice3A, %sub3A_700 : vector<512x16xf32>
      %integer_pow3A = arith.mulf %sub3A_701, %sub3A_701 : vector<512x16xf32>
      %reduce_sum3A_702 = arith.constant dense<0.000000e+00> : vector<512xf32>
      %reduce_sum3A_703 = vector.multi_reduction <add>, %integer_pow3A, %reduce_sum3A_702 [1] : vector<512x16xf32> to vector<512xf32>
      %broadcast_in_dim3A_704 = vector.shape_cast %reduce_sum3A_703 : vector<512xf32> to vector<512x1xf32>
      %div3A_705 = arith.constant 1.600000e+01 : f32
      %div3A_706 = vector.broadcast %div3A_705 : f32 to vector<512x1xf32>
      %div3A_707 = arith.divf %broadcast_in_dim3A_704, %div3A_706 : vector<512x1xf32>
      %sub3A_708 = vector.broadcast %div3A_699 : vector<512x1xf32> to vector<512x16xf32>
      %sub3A_709 = arith.subf %slice3A, %sub3A_708 : vector<512x16xf32>
      %add3A_710 = arith.constant 9.99999974E-6 : f32
      %add3A_711 = vector.broadcast %add3A_710 : f32 to vector<512x1xf32>
      %add3A_712 = arith.addf %div3A_707, %add3A_711 : vector<512x1xf32>
      %sqrt3A = math.sqrt %add3A_712 : vector<512x1xf32>
      %div3A_713 = vector.broadcast %sqrt3A : vector<512x1xf32> to vector<512x16xf32>
      %div3A_714 = arith.divf %sub3A_709, %div3A_713 : vector<512x16xf32>
      %get3A_715 = arith.constant 0 : index
      %get3A_716 = arith.constant 0 : index
      %get3A_717 = vector.load %arg17[%get3A_715, %get3A_716] : memref<1x16xf32, #tpu.memory_space<vmem>>, vector<1x16xf32>
      %mul3A_718 = vector.broadcast %get3A_717 : vector<1x16xf32> to vector<512x16xf32>
      %mul3A_719 = arith.mulf %div3A_714, %mul3A_718 : vector<512x16xf32>
      %get3A_720 = arith.constant 0 : index
      %get3A_721 = arith.constant 0 : index
      %get3A_722 = vector.load %arg18[%get3A_720, %get3A_721] : memref<1x16xf32, #tpu.memory_space<vmem>>, vector<1x16xf32>
      %add3A_723 = vector.broadcast %get3A_722 : vector<1x16xf32> to vector<512x16xf32>
      %add3A_724 = arith.addf %mul3A_719, %add3A_723 : vector<512x16xf32>
      %get3A_725 = arith.constant 0 : index
      %get3A_726 = arith.constant 0 : index
      %get3A_727 = vector.load %arg9[%get3A_725, %get3A_726] : memref<32x32xf32, #tpu.memory_space<vmem>>, vector<16x32xf32>
      %dot_general3A_728 = arith.constant dense<0.000000e+00> : vector<512x32xf32>
      %dot_general3A_729 = tpu.matmul %add3A_724, %get3A_727, %dot_general3A_728 {dimension_numbers = #tpu.dot_dimension_numbers<[1], [0], [0], [1], [0, 0, 1, 1], [], []>, transpose_lhs_hint = false} : vector<512x16xf32>, vector<16x32xf32>, vector<512x32xf32> -> vector<512x32xf32>
      %get3A_730 = arith.constant 16 : index
      %get3A_731 = arith.constant 0 : index
      %get3A_732 = vector.load %arg9[%get3A_730, %get3A_731] : memref<32x32xf32, #tpu.memory_space<vmem>>, vector<16x32xf32>
      %dot_general3A_733 = arith.constant dense<0.000000e+00> : vector<512x32xf32>
      %dot_general3A_734 = tpu.matmul %add3A_662, %get3A_732, %dot_general3A_733 {dimension_numbers = #tpu.dot_dimension_numbers<[1], [0], [0], [1], [0, 0, 1, 1], [], []>, transpose_lhs_hint = false} : vector<512x16xf32>, vector<16x32xf32>, vector<512x32xf32> -> vector<512x32xf32>
      %add3A_735 = arith.addf %dot_general3A_729, %dot_general3A_734 : vector<512x32xf32>
      %get3A_736 = arith.constant 0 : index
      %get3A_737 = arith.constant 0 : index
      %get3A_738 = vector.load %arg10[%get3A_736, %get3A_737] : memref<1x32xf32, #tpu.memory_space<vmem>>, vector<1x32xf32>
      %add3A_739 = vector.broadcast %get3A_738 : vector<1x32xf32> to vector<512x32xf32>
      %add3A_740 = arith.addf %add3A_735, %add3A_739 : vector<512x32xf32>
      %logistic3A_741 = arith.negf %add3A_740 : vector<512x32xf32>
      %logistic3A_742 = math.exp %logistic3A_741 : vector<512x32xf32>
      %logistic3A_743 = arith.constant 1.000000e+00 : f32
      %logistic3A_744 = vector.broadcast %logistic3A_743 : f32 to vector<512x32xf32>
      %logistic3A_745 = arith.addf %logistic3A_744, %logistic3A_742 : vector<512x32xf32>
      %logistic3A_746 = arith.divf %logistic3A_744, %logistic3A_745 : vector<512x32xf32>
      %mul3A_747 = arith.mulf %add3A_740, %logistic3A_746 : vector<512x32xf32>
      %get3A_748 = arith.constant 0 : index
      %get3A_749 = arith.constant 0 : index
      %get3A_750 = vector.load %arg11[%get3A_748, %get3A_749] : memref<32x16xf32, #tpu.memory_space<vmem>>, vector<32x16xf32>
      %dot_general3A_751 = arith.constant dense<0.000000e+00> : vector<512x16xf32>
      %dot_general3A_752 = tpu.matmul %mul3A_747, %get3A_750, %dot_general3A_751 {dimension_numbers = #tpu.dot_dimension_numbers<[1], [0], [0], [1], [0, 0, 1, 1], [], []>, transpose_lhs_hint = false} : vector<512x32xf32>, vector<32x16xf32>, vector<512x16xf32> -> vector<512x16xf32>
      %get3A_753 = arith.constant 0 : index
      %get3A_754 = arith.constant 0 : index
      %get3A_755 = vector.load %arg12[%get3A_753, %get3A_754] : memref<1x16xf32, #tpu.memory_space<vmem>>, vector<1x16xf32>
      %add3A_756 = vector.broadcast %get3A_755 : vector<1x16xf32> to vector<512x16xf32>
      %add3A_757 = arith.addf %dot_general3A_752, %add3A_756 : vector<512x16xf32>
      %add3A_758 = arith.addf %add3A_757, %slice3A : vector<512x16xf32>
      %mul3A_759 = arith.constant 512 : i32
      %mul3A_760 = arith.muli %arg1, %mul3A_759 : i32
      %iota3A_761 = tpu.iota {dimensions = array<i32: 0>} : vector<512x1xi32>
      %add3A_762 = vector.broadcast %mul3A_760 : i32 to vector<512x1xi32>
      %add3A_763 = arith.addi %add3A_762, %iota3A_761 : vector<512x1xi32>
      %lt3A_764 = vector.broadcast %get3A_0 : i32 to vector<512x1xi32>
      %lt3A_765 = arith.cmpi slt, %add3A_763, %lt3A_764 : vector<512x1xi32>
      %convert_element_type3A_766 = arith.extui %lt3A_765 : vector<512x1xi1> to vector<512x1xi32>
      %convert_element_type3A_767 = arith.sitofp %convert_element_type3A_766 : vector<512x1xi32> to vector<512x1xf32>
      %broadcast_in_dim3A_768 = arith.constant 0.000000e+00 : f32
      %broadcast_in_dim3A_769 = vector.broadcast %broadcast_in_dim3A_768 : f32 to vector<512x12xf32>
      %concatenate3A = tpu.concatenate %add3A_758, %add3A_695, %convert_element_type3A_767, %broadcast_in_dim3A_769 in 1 : vector<512x16xf32>, vector<512x3xf32>, vector<512x1xf32>, vector<512x12xf32> -> vector<512x32xf32>
      %swap3A = arith.constant 0 : index
      %swap3A_770 = arith.constant 0 : index
      %swap3A_771 = arith.constant 0 : index
      %swap3A_772 = vector.load %arg19[%swap3A, %swap3A_770, %swap3A_771] : memref<1x512x32xf32, #tpu.memory_space<vmem>>, vector<1x512x32xf32>
      %swap3A_773 = vector.shape_cast %swap3A_772 : vector<1x512x32xf32> to vector<512x32xf32>
      %swap3A_774 = vector.shape_cast %concatenate3A : vector<512x32xf32> to vector<1x512x32xf32>
      tpu.vector_store %arg19[%swap3A, %swap3A_770, %swap3A_771], %swap3A_774 {strides = array<i32>} : memref<1x512x32xf32, #tpu.memory_space<vmem>>, vector<1x512x32xf32>,
      %transpose3A = tpu.transpose %add3A_695, [1, 0] : vector<512x3xf32> -> vector<3x512xf32>
      %swap3A_775 = arith.constant 0 : index
      %swap3A_776 = arith.constant 0 : index
      %swap3A_777 = arith.constant 0 : index
      %swap3A_778 = vector.load %arg20[%swap3A_775, %swap3A_776, %swap3A_777] : memref<1x3x512xf32, #tpu.memory_space<vmem>>, vector<1x3x512xf32>
      %swap3A_779 = vector.shape_cast %swap3A_778 : vector<1x3x512xf32> to vector<3x512xf32>
      %swap3A_780 = vector.shape_cast %transpose3A : vector<3x512xf32> to vector<1x3x512xf32>
      tpu.vector_store %arg20[%swap3A_775, %swap3A_776, %swap3A_777], %swap3A_780 {strides = array<i32>} : memref<1x3x512xf32, #tpu.memory_space<vmem>>, vector<1x3x512xf32>,
    } else {
    }
    return
  }
  func.func @transform_0(%arg0: i32, %arg1: i32) -> i32 {
    %c0_i32 = arith.constant 0 : i32
    %c0_i32_0 = arith.constant 0 : i32
    return %c0_i32 : i32
  }
  func.func @transform_1(%arg0: i32, %arg1: i32) -> (i32, i32, i32) {
    %c0_i32 = arith.constant 0 : i32
    %c0_i32_0 = arith.constant 0 : i32
    return %arg0, %arg1, %c0_i32 : i32, i32, i32
  }
  func.func @transform_2(%arg0: i32, %arg1: i32) -> (i32, i32, i32) {
    %c0_i32 = arith.constant 0 : i32
    %c0_i32_0 = arith.constant 0 : i32
    return %arg0, %arg1, %c0_i32 : i32, i32, i32
  }
  func.func @transform_3(%arg0: i32, %arg1: i32) -> (i32, i32) {
    %c0_i32 = arith.constant 0 : i32
    %c0_i32_0 = arith.constant 0 : i32
    %c0_i32_1 = arith.constant 0 : i32
    return %c0_i32, %c0_i32_0 : i32, i32
  }
  func.func @transform_4(%arg0: i32, %arg1: i32) -> (i32, i32) {
    %c0_i32 = arith.constant 0 : i32
    %c0_i32_0 = arith.constant 0 : i32
    %c0_i32_1 = arith.constant 0 : i32
    return %c0_i32, %c0_i32_0 : i32, i32
  }
  func.func @transform_5(%arg0: i32, %arg1: i32) -> (i32, i32) {
    %c0_i32 = arith.constant 0 : i32
    %c0_i32_0 = arith.constant 0 : i32
    %c0_i32_1 = arith.constant 0 : i32
    return %c0_i32, %c0_i32_0 : i32, i32
  }
  func.func @transform_6(%arg0: i32, %arg1: i32) -> (i32, i32) {
    %c0_i32 = arith.constant 0 : i32
    %c0_i32_0 = arith.constant 0 : i32
    %c0_i32_1 = arith.constant 0 : i32
    return %c0_i32, %c0_i32_0 : i32, i32
  }
  func.func @transform_7(%arg0: i32, %arg1: i32) -> (i32, i32) {
    %c0_i32 = arith.constant 0 : i32
    %c0_i32_0 = arith.constant 0 : i32
    %c0_i32_1 = arith.constant 0 : i32
    return %c0_i32, %c0_i32_0 : i32, i32
  }
  func.func @transform_8(%arg0: i32, %arg1: i32) -> (i32, i32) {
    %c0_i32 = arith.constant 0 : i32
    %c0_i32_0 = arith.constant 0 : i32
    %c0_i32_1 = arith.constant 0 : i32
    return %c0_i32, %c0_i32_0 : i32, i32
  }
  func.func @transform_9(%arg0: i32, %arg1: i32) -> (i32, i32) {
    %c0_i32 = arith.constant 0 : i32
    %c0_i32_0 = arith.constant 0 : i32
    %c0_i32_1 = arith.constant 0 : i32
    return %c0_i32, %c0_i32_0 : i32, i32
  }
  func.func @transform_10(%arg0: i32, %arg1: i32) -> (i32, i32) {
    %c0_i32 = arith.constant 0 : i32
    %c0_i32_0 = arith.constant 0 : i32
    %c0_i32_1 = arith.constant 0 : i32
    return %c0_i32, %c0_i32_0 : i32, i32
  }
  func.func @transform_11(%arg0: i32, %arg1: i32) -> (i32, i32) {
    %c0_i32 = arith.constant 0 : i32
    %c0_i32_0 = arith.constant 0 : i32
    %c0_i32_1 = arith.constant 0 : i32
    return %c0_i32, %c0_i32_0 : i32, i32
  }
  func.func @transform_12(%arg0: i32, %arg1: i32) -> (i32, i32) {
    %c0_i32 = arith.constant 0 : i32
    %c0_i32_0 = arith.constant 0 : i32
    %c0_i32_1 = arith.constant 0 : i32
    return %c0_i32, %c0_i32_0 : i32, i32
  }
  func.func @transform_13(%arg0: i32, %arg1: i32) -> (i32, i32) {
    %c0_i32 = arith.constant 0 : i32
    %c0_i32_0 = arith.constant 0 : i32
    %c0_i32_1 = arith.constant 0 : i32
    return %c0_i32, %c0_i32_0 : i32, i32
  }
  func.func @transform_14(%arg0: i32, %arg1: i32) -> (i32, i32) {
    %c0_i32 = arith.constant 0 : i32
    %c0_i32_0 = arith.constant 0 : i32
    %c0_i32_1 = arith.constant 0 : i32
    return %c0_i32, %c0_i32_0 : i32, i32
  }
  func.func @transform_15(%arg0: i32, %arg1: i32) -> (i32, i32) {
    %c0_i32 = arith.constant 0 : i32
    %c0_i32_0 = arith.constant 0 : i32
    %c0_i32_1 = arith.constant 0 : i32
    return %c0_i32, %c0_i32_0 : i32, i32
  }
  func.func @transform_16(%arg0: i32, %arg1: i32) -> (i32, i32) {
    %c0_i32 = arith.constant 0 : i32
    %c0_i32_0 = arith.constant 0 : i32
    %c0_i32_1 = arith.constant 0 : i32
    return %c0_i32, %c0_i32_0 : i32, i32
  }
  func.func @transform_17(%arg0: i32, %arg1: i32) -> (i32, i32, i32) {
    %c0_i32 = arith.constant 0 : i32
    %c0_i32_0 = arith.constant 0 : i32
    return %arg0, %arg1, %c0_i32 : i32, i32, i32
  }
  func.func @transform_18(%arg0: i32, %arg1: i32) -> (i32, i32, i32) {
    %c0_i32 = arith.constant 0 : i32
    %c0_i32_0 = arith.constant 0 : i32
    return %arg0, %c0_i32, %arg1 : i32, i32, i32
  }
}

module attributes {stable_mosaic.version = 14 : i64} {
  func.func @_mp_body(%arg0: i32, %arg1: i32, %arg2: memref<4xi32, #tpu.memory_space<smem>>, %arg3: memref<1x512x32xf32, #tpu.memory_space<vmem>>, %arg4: memref<7x512x128xf32, #tpu.memory_space<vmem>>, %arg5: memref<33x66xf32, #tpu.memory_space<vmem>>, %arg6: memref<1x66xf32, #tpu.memory_space<vmem>>, %arg7: memref<66x16xf32, #tpu.memory_space<vmem>>, %arg8: memref<1x16xf32, #tpu.memory_space<vmem>>, %arg9: memref<32x32xf32, #tpu.memory_space<vmem>>, %arg10: memref<1x32xf32, #tpu.memory_space<vmem>>, %arg11: memref<32x16xf32, #tpu.memory_space<vmem>>, %arg12: memref<1x16xf32, #tpu.memory_space<vmem>>, %arg13: memref<16x64xf32, #tpu.memory_space<vmem>>, %arg14: memref<1x64xf32, #tpu.memory_space<vmem>>, %arg15: memref<64x1xf32, #tpu.memory_space<vmem>>, %arg16: memref<1x1xf32, #tpu.memory_space<vmem>>, %arg17: memref<1x16xf32, #tpu.memory_space<vmem>>, %arg18: memref<1x16xf32, #tpu.memory_space<vmem>>, %arg19: memref<16x3xf32, #tpu.memory_space<vmem>>, %arg20: memref<1x3xf32, #tpu.memory_space<vmem>>, %arg21: memref<1x512x3xf32, #tpu.memory_space<vmem>>) attributes {dimension_semantics = [#tpu.dimension_semantics<arbitrary>, #tpu.dimension_semantics<arbitrary>], iteration_bounds = array<i64: 4, 4>, scalar_prefetch = 0 : i64, scratch_operands = 0 : i64, tpu.core_type = #tpu.core_type<tc>, window_params = [{transform_indices = @transform_0, window_bounds = array<i64: 4>}, {transform_indices = @transform_1, window_bounds = array<i64: 1, 512, 32>}, {transform_indices = @transform_2, window_bounds = array<i64: 7, 512, 128>}, {pipeline_mode = #tpu.pipeline_mode<synchronous>, transform_indices = @transform_3, window_bounds = array<i64: 33, 66>}, {pipeline_mode = #tpu.pipeline_mode<synchronous>, transform_indices = @transform_4, window_bounds = array<i64: 1, 66>}, {pipeline_mode = #tpu.pipeline_mode<synchronous>, transform_indices = @transform_5, window_bounds = array<i64: 66, 16>}, {pipeline_mode = #tpu.pipeline_mode<synchronous>, transform_indices = @transform_6, window_bounds = array<i64: 1, 16>}, {pipeline_mode = #tpu.pipeline_mode<synchronous>, transform_indices = @transform_7, window_bounds = array<i64: 32, 32>}, {pipeline_mode = #tpu.pipeline_mode<synchronous>, transform_indices = @transform_8, window_bounds = array<i64: 1, 32>}, {pipeline_mode = #tpu.pipeline_mode<synchronous>, transform_indices = @transform_9, window_bounds = array<i64: 32, 16>}, {pipeline_mode = #tpu.pipeline_mode<synchronous>, transform_indices = @transform_10, window_bounds = array<i64: 1, 16>}, {pipeline_mode = #tpu.pipeline_mode<synchronous>, transform_indices = @transform_11, window_bounds = array<i64: 16, 64>}, {pipeline_mode = #tpu.pipeline_mode<synchronous>, transform_indices = @transform_12, window_bounds = array<i64: 1, 64>}, {pipeline_mode = #tpu.pipeline_mode<synchronous>, transform_indices = @transform_13, window_bounds = array<i64: 64, 1>}, {pipeline_mode = #tpu.pipeline_mode<synchronous>, transform_indices = @transform_14, window_bounds = array<i64: 1, 1>}, {pipeline_mode = #tpu.pipeline_mode<synchronous>, transform_indices = @transform_15, window_bounds = array<i64: 1, 16>}, {pipeline_mode = #tpu.pipeline_mode<synchronous>, transform_indices = @transform_16, window_bounds = array<i64: 1, 16>}, {pipeline_mode = #tpu.pipeline_mode<synchronous>, transform_indices = @transform_17, window_bounds = array<i64: 16, 3>}, {pipeline_mode = #tpu.pipeline_mode<synchronous>, transform_indices = @transform_18, window_bounds = array<i64: 1, 3>}, {transform_indices = @transform_19, window_bounds = array<i64: 1, 512, 3>}]} {
    %get3A = arith.index_cast %arg0 : i32 to index
    %get3A_0 = memref.load %arg2[%get3A] : memref<4xi32, #tpu.memory_space<smem>>
    %get3A_1 = arith.constant 0 : index
    %get3A_2 = arith.constant 0 : index
    %get3A_3 = arith.constant 0 : index
    %get3A_4 = vector.load %arg3[%get3A_1, %get3A_2, %get3A_3] : memref<1x512x32xf32, #tpu.memory_space<vmem>>, vector<1x512x32xf32>
    %get3A_5 = vector.shape_cast %get3A_4 : vector<1x512x32xf32> to vector<512x32xf32>
    %slice3A = vector.extract_strided_slice %get3A_5 {offsets = [0, 0], sizes = [512, 16], strides = [1, 1]} : vector<512x32xf32> to vector<512x16xf32>
    %slice3A_6 = vector.extract_strided_slice %get3A_5 {offsets = [0, 16], sizes = [512, 3], strides = [1, 1]} : vector<512x32xf32> to vector<512x3xf32>
    %mul3A = arith.constant 512 : i32
    %mul3A_7 = arith.muli %arg1, %mul3A : i32
    %ge3A = arith.cmpi sge, %mul3A_7, %get3A_0 : i32
    %convert_element_type3A = arith.extui %ge3A : i1 to i32
    %cond3A = arith.constant 0 : i32
    %cond3A_8 = arith.cmpi ne, %convert_element_type3A, %cond3A : i32
    scf.if %cond3A_8 {
      %broadcast_in_dim3A = arith.constant 0.000000e+00 : f32
      %broadcast_in_dim3A_14 = vector.broadcast %broadcast_in_dim3A : f32 to vector<512x16xf32>
      %reduce_sum3A = arith.constant dense<0.000000e+00> : vector<512xf32>
      %reduce_sum3A_15 = vector.multi_reduction <add>, %slice3A, %reduce_sum3A [1] : vector<512x16xf32> to vector<512xf32>
      %broadcast_in_dim3A_16 = vector.shape_cast %reduce_sum3A_15 : vector<512xf32> to vector<512x1xf32>
      %div3A = arith.constant 1.600000e+01 : f32
      %div3A_17 = vector.broadcast %div3A : f32 to vector<512x1xf32>
      %div3A_18 = arith.divf %broadcast_in_dim3A_16, %div3A_17 : vector<512x1xf32>
      %sub3A = vector.broadcast %div3A_18 : vector<512x1xf32> to vector<512x16xf32>
      %sub3A_19 = arith.subf %slice3A, %sub3A : vector<512x16xf32>
      %integer_pow3A = arith.mulf %sub3A_19, %sub3A_19 : vector<512x16xf32>
      %reduce_sum3A_20 = arith.constant dense<0.000000e+00> : vector<512xf32>
      %reduce_sum3A_21 = vector.multi_reduction <add>, %integer_pow3A, %reduce_sum3A_20 [1] : vector<512x16xf32> to vector<512xf32>
      %broadcast_in_dim3A_22 = vector.shape_cast %reduce_sum3A_21 : vector<512xf32> to vector<512x1xf32>
      %div3A_23 = arith.constant 1.600000e+01 : f32
      %div3A_24 = vector.broadcast %div3A_23 : f32 to vector<512x1xf32>
      %div3A_25 = arith.divf %broadcast_in_dim3A_22, %div3A_24 : vector<512x1xf32>
      %sub3A_26 = vector.broadcast %div3A_18 : vector<512x1xf32> to vector<512x16xf32>
      %sub3A_27 = arith.subf %slice3A, %sub3A_26 : vector<512x16xf32>
      %add3A = arith.constant 9.99999974E-6 : f32
      %add3A_28 = vector.broadcast %add3A : f32 to vector<512x1xf32>
      %add3A_29 = arith.addf %div3A_25, %add3A_28 : vector<512x1xf32>
      %sqrt3A = math.sqrt %add3A_29 : vector<512x1xf32>
      %div3A_30 = vector.broadcast %sqrt3A : vector<512x1xf32> to vector<512x16xf32>
      %div3A_31 = arith.divf %sub3A_27, %div3A_30 : vector<512x16xf32>
      %get3A_32 = arith.constant 0 : index
      %get3A_33 = arith.constant 0 : index
      %get3A_34 = vector.load %arg17[%get3A_32, %get3A_33] : memref<1x16xf32, #tpu.memory_space<vmem>>, vector<1x16xf32>
      %mul3A_35 = vector.broadcast %get3A_34 : vector<1x16xf32> to vector<512x16xf32>
      %mul3A_36 = arith.mulf %div3A_31, %mul3A_35 : vector<512x16xf32>
      %get3A_37 = arith.constant 0 : index
      %get3A_38 = arith.constant 0 : index
      %get3A_39 = vector.load %arg18[%get3A_37, %get3A_38] : memref<1x16xf32, #tpu.memory_space<vmem>>, vector<1x16xf32>
      %add3A_40 = vector.broadcast %get3A_39 : vector<1x16xf32> to vector<512x16xf32>
      %add3A_41 = arith.addf %mul3A_36, %add3A_40 : vector<512x16xf32>
      %get3A_42 = arith.constant 0 : index
      %get3A_43 = arith.constant 0 : index
      %get3A_44 = vector.load %arg9[%get3A_42, %get3A_43] : memref<32x32xf32, #tpu.memory_space<vmem>>, vector<16x32xf32>
      %dot_general3A = arith.constant dense<0.000000e+00> : vector<512x32xf32>
      %dot_general3A_45 = tpu.matmul %add3A_41, %get3A_44, %dot_general3A {dimension_numbers = #tpu.dot_dimension_numbers<[1], [0], [0], [1], [0, 0, 1, 1], [], []>, transpose_lhs_hint = false} : vector<512x16xf32>, vector<16x32xf32>, vector<512x32xf32> -> vector<512x32xf32>
      %get3A_46 = arith.constant 16 : index
      %get3A_47 = arith.constant 0 : index
      %get3A_48 = vector.load %arg9[%get3A_46, %get3A_47] : memref<32x32xf32, #tpu.memory_space<vmem>>, vector<16x32xf32>
      %dot_general3A_49 = arith.constant dense<0.000000e+00> : vector<512x32xf32>
      %dot_general3A_50 = tpu.matmul %broadcast_in_dim3A_14, %get3A_48, %dot_general3A_49 {dimension_numbers = #tpu.dot_dimension_numbers<[1], [0], [0], [1], [0, 0, 1, 1], [], []>, transpose_lhs_hint = false} : vector<512x16xf32>, vector<16x32xf32>, vector<512x32xf32> -> vector<512x32xf32>
      %add3A_51 = arith.addf %dot_general3A_45, %dot_general3A_50 : vector<512x32xf32>
      %get3A_52 = arith.constant 0 : index
      %get3A_53 = arith.constant 0 : index
      %get3A_54 = vector.load %arg10[%get3A_52, %get3A_53] : memref<1x32xf32, #tpu.memory_space<vmem>>, vector<1x32xf32>
      %add3A_55 = vector.broadcast %get3A_54 : vector<1x32xf32> to vector<512x32xf32>
      %add3A_56 = arith.addf %add3A_51, %add3A_55 : vector<512x32xf32>
      %logistic3A = arith.negf %add3A_56 : vector<512x32xf32>
      %logistic3A_57 = math.exp %logistic3A : vector<512x32xf32>
      %logistic3A_58 = arith.constant 1.000000e+00 : f32
      %logistic3A_59 = vector.broadcast %logistic3A_58 : f32 to vector<512x32xf32>
      %logistic3A_60 = arith.addf %logistic3A_59, %logistic3A_57 : vector<512x32xf32>
      %logistic3A_61 = arith.divf %logistic3A_59, %logistic3A_60 : vector<512x32xf32>
      %mul3A_62 = arith.mulf %add3A_56, %logistic3A_61 : vector<512x32xf32>
      %get3A_63 = arith.constant 0 : index
      %get3A_64 = arith.constant 0 : index
      %get3A_65 = vector.load %arg11[%get3A_63, %get3A_64] : memref<32x16xf32, #tpu.memory_space<vmem>>, vector<32x16xf32>
      %dot_general3A_66 = arith.constant dense<0.000000e+00> : vector<512x16xf32>
      %dot_general3A_67 = tpu.matmul %mul3A_62, %get3A_65, %dot_general3A_66 {dimension_numbers = #tpu.dot_dimension_numbers<[1], [0], [0], [1], [0, 0, 1, 1], [], []>, transpose_lhs_hint = false} : vector<512x32xf32>, vector<32x16xf32>, vector<512x16xf32> -> vector<512x16xf32>
      %get3A_68 = arith.constant 0 : index
      %get3A_69 = arith.constant 0 : index
      %get3A_70 = vector.load %arg12[%get3A_68, %get3A_69] : memref<1x16xf32, #tpu.memory_space<vmem>>, vector<1x16xf32>
      %add3A_71 = vector.broadcast %get3A_70 : vector<1x16xf32> to vector<512x16xf32>
      %add3A_72 = arith.addf %dot_general3A_67, %add3A_71 : vector<512x16xf32>
      %add3A_73 = arith.addf %add3A_72, %slice3A : vector<512x16xf32>
      %get3A_74 = arith.constant 0 : index
      %get3A_75 = arith.constant 0 : index
      %get3A_76 = vector.load %arg19[%get3A_74, %get3A_75] : memref<16x3xf32, #tpu.memory_space<vmem>>, vector<16x3xf32>
      %dot_general3A_77 = arith.constant dense<0.000000e+00> : vector<512x3xf32>
      %dot_general3A_78 = tpu.matmul %add3A_73, %get3A_76, %dot_general3A_77 {dimension_numbers = #tpu.dot_dimension_numbers<[1], [0], [0], [1], [0, 0, 1, 1], [], []>, transpose_lhs_hint = false} : vector<512x16xf32>, vector<16x3xf32>, vector<512x3xf32> -> vector<512x3xf32>
      %get3A_79 = arith.constant 0 : index
      %get3A_80 = arith.constant 0 : index
      %get3A_81 = vector.load %arg20[%get3A_79, %get3A_80] : memref<1x3xf32, #tpu.memory_space<vmem>>, vector<1x3xf32>
      %add3A_82 = vector.broadcast %get3A_81 : vector<1x3xf32> to vector<512x3xf32>
      %add3A_83 = arith.addf %dot_general3A_78, %add3A_82 : vector<512x3xf32>
      %swap3A = arith.constant 0 : index
      %swap3A_84 = arith.constant 0 : index
      %swap3A_85 = arith.constant 0 : index
      %swap3A_86 = vector.load %arg21[%swap3A, %swap3A_84, %swap3A_85] : memref<1x512x3xf32, #tpu.memory_space<vmem>>, vector<1x512x3xf32>
      %swap3A_87 = vector.shape_cast %swap3A_86 : vector<1x512x3xf32> to vector<512x3xf32>
      %swap3A_88 = vector.shape_cast %add3A_83 : vector<512x3xf32> to vector<1x512x3xf32>
      tpu.vector_store %arg21[%swap3A, %swap3A_84, %swap3A_85], %swap3A_88 {strides = array<i32>} : memref<1x512x3xf32, #tpu.memory_space<vmem>>, vector<1x512x3xf32>,
    } else {
    }
    %mul3A_9 = arith.constant 512 : i32
    %mul3A_10 = arith.muli %arg1, %mul3A_9 : i32
    %lt3A = arith.cmpi slt, %mul3A_10, %get3A_0 : i32
    %convert_element_type3A_11 = arith.extui %lt3A : i1 to i32
    %cond3A_12 = arith.constant 0 : i32
    %cond3A_13 = arith.cmpi ne, %convert_element_type3A_11, %cond3A_12 : i32
    scf.if %cond3A_13 {
      %mul3A_14 = arith.constant 512 : i32
      %mul3A_15 = arith.muli %arg1, %mul3A_14 : i32
      %iota3A = tpu.iota {dimensions = array<i32: 0>} : vector<512x1xi32>
      %add3A = vector.broadcast %mul3A_15 : i32 to vector<512x1xi32>
      %add3A_16 = arith.addi %add3A, %iota3A : vector<512x1xi32>
      %lt3A_17 = vector.broadcast %get3A_0 : i32 to vector<512x1xi32>
      %lt3A_18 = arith.cmpi slt, %add3A_16, %lt3A_17 : vector<512x1xi32>
      %get3A_19 = arith.constant 0 : index
      %get3A_20 = arith.constant 0 : index
      %get3A_21 = vector.load %arg5[%get3A_19, %get3A_20] : memref<33x66xf32, #tpu.memory_space<vmem>>, vector<16x66xf32>
      %get3A_22 = arith.constant 16 : index
      %get3A_23 = arith.constant 0 : index
      %get3A_24 = vector.load %arg5[%get3A_22, %get3A_23] : memref<33x66xf32, #tpu.memory_space<vmem>>, vector<16x66xf32>
      %get3A_25 = arith.constant 32 : index
      %get3A_26 = arith.constant 0 : index
      %get3A_27 = vector.load %arg5[%get3A_25, %get3A_26] : memref<33x66xf32, #tpu.memory_space<vmem>>, vector<1x66xf32>
      %dot_general3A = arith.constant dense<0.000000e+00> : vector<512x66xf32>
      %dot_general3A_28 = tpu.matmul %slice3A, %get3A_21, %dot_general3A {dimension_numbers = #tpu.dot_dimension_numbers<[1], [0], [0], [1], [0, 0, 1, 1], [], []>, transpose_lhs_hint = false} : vector<512x16xf32>, vector<16x66xf32>, vector<512x66xf32> -> vector<512x66xf32>
      %get3A_29 = arith.constant 0 : index
      %get3A_30 = arith.constant 0 : index
      %get3A_31 = vector.load %arg6[%get3A_29, %get3A_30] : memref<1x66xf32, #tpu.memory_space<vmem>>, vector<1x66xf32>
      %add3A_32 = vector.broadcast %get3A_31 : vector<1x66xf32> to vector<512x66xf32>
      %add3A_33 = arith.addf %dot_general3A_28, %add3A_32 : vector<512x66xf32>
      %dot_general3A_34 = arith.constant dense<0.000000e+00> : vector<512x66xf32>
      %dot_general3A_35 = tpu.matmul %slice3A, %get3A_24, %dot_general3A_34 {dimension_numbers = #tpu.dot_dimension_numbers<[1], [0], [0], [1], [0, 0, 1, 1], [], []>, transpose_lhs_hint = false} : vector<512x16xf32>, vector<16x66xf32>, vector<512x66xf32> -> vector<512x66xf32>
      %add3A_36 = arith.addf %add3A_33, %dot_general3A_35 : vector<512x66xf32>
      %logistic3A = arith.negf %add3A_36 : vector<512x66xf32>
      %logistic3A_37 = math.exp %logistic3A : vector<512x66xf32>
      %logistic3A_38 = arith.constant 1.000000e+00 : f32
      %logistic3A_39 = vector.broadcast %logistic3A_38 : f32 to vector<512x66xf32>
      %logistic3A_40 = arith.addf %logistic3A_39, %logistic3A_37 : vector<512x66xf32>
      %logistic3A_41 = arith.divf %logistic3A_39, %logistic3A_40 : vector<512x66xf32>
      %mul3A_42 = arith.mulf %add3A_36, %logistic3A_41 : vector<512x66xf32>
      %get3A_43 = arith.constant 0 : index
      %get3A_44 = arith.constant 0 : index
      %get3A_45 = vector.load %arg7[%get3A_43, %get3A_44] : memref<66x16xf32, #tpu.memory_space<vmem>>, vector<66x16xf32>
      %dot_general3A_46 = arith.constant dense<0.000000e+00> : vector<512x16xf32>
      %dot_general3A_47 = tpu.matmul %mul3A_42, %get3A_45, %dot_general3A_46 {dimension_numbers = #tpu.dot_dimension_numbers<[1], [0], [0], [1], [0, 0, 1, 1], [], []>, transpose_lhs_hint = false} : vector<512x66xf32>, vector<66x16xf32>, vector<512x16xf32> -> vector<512x16xf32>
      %get3A_48 = arith.constant 0 : index
      %get3A_49 = arith.constant 0 : index
      %get3A_50 = vector.load %arg8[%get3A_48, %get3A_49] : memref<1x16xf32, #tpu.memory_space<vmem>>, vector<1x16xf32>
      %add3A_51 = vector.broadcast %get3A_50 : vector<1x16xf32> to vector<512x16xf32>
      %add3A_52 = arith.addf %dot_general3A_47, %add3A_51 : vector<512x16xf32>
      %logistic3A_53 = arith.negf %add3A_52 : vector<512x16xf32>
      %logistic3A_54 = math.exp %logistic3A_53 : vector<512x16xf32>
      %logistic3A_55 = arith.constant 1.000000e+00 : f32
      %logistic3A_56 = vector.broadcast %logistic3A_55 : f32 to vector<512x16xf32>
      %logistic3A_57 = arith.addf %logistic3A_56, %logistic3A_54 : vector<512x16xf32>
      %logistic3A_58 = arith.divf %logistic3A_56, %logistic3A_57 : vector<512x16xf32>
      %mul3A_59 = arith.mulf %add3A_52, %logistic3A_58 : vector<512x16xf32>
      %jit3A = arith.constant 0.000000e+00 : f32
      %broadcast_in_dim3A = vector.shape_cast %lt3A_18 : vector<512x1xi1> to vector<512x1xi1>
      %broadcast_in_dim3A_60 = vector.broadcast %broadcast_in_dim3A : vector<512x1xi1> to vector<512x16xi1>
      %broadcast_in_dim3A_61 = vector.broadcast %jit3A : f32 to vector<512x16xf32>
      %select_n3A = arith.select %broadcast_in_dim3A_60, %mul3A_59, %broadcast_in_dim3A_61 : vector<512x16xi1>, vector<512x16xf32>
      %get3A_62 = arith.constant 0 : index
      %get3A_63 = arith.constant 0 : index
      %get3A_64 = arith.constant 0 : index
      %get3A_65 = vector.load %arg4[%get3A_62, %get3A_63, %get3A_64] : memref<7x512x128xf32, #tpu.memory_space<vmem>>, vector<1x512x128xf32>
      %get3A_66 = vector.shape_cast %get3A_65 : vector<1x512x128xf32> to vector<512x128xf32>
      %slice3A_67 = vector.extract_strided_slice %get3A_66 {offsets = [0, 0], sizes = [512, 16], strides = [1, 1]} : vector<512x128xf32> to vector<512x16xf32>
      %slice3A_68 = vector.extract_strided_slice %get3A_66 {offsets = [0, 16], sizes = [512, 3], strides = [1, 1]} : vector<512x128xf32> to vector<512x3xf32>
      %sub3A = arith.subf %slice3A_6, %slice3A_68 : vector<512x3xf32>
      %slice3A_69 = vector.extract_strided_slice %sub3A {offsets = [0, 0], sizes = [512, 1], strides = [1, 1]} : vector<512x3xf32> to vector<512x1xf32>
      %slice3A_70 = vector.extract_strided_slice %sub3A {offsets = [0, 1], sizes = [512, 1], strides = [1, 1]} : vector<512x3xf32> to vector<512x1xf32>
      %slice3A_71 = vector.extract_strided_slice %sub3A {offsets = [0, 2], sizes = [512, 1], strides = [1, 1]} : vector<512x3xf32> to vector<512x1xf32>
      %mul3A_72 = arith.mulf %slice3A_69, %slice3A_69 : vector<512x1xf32>
      %mul3A_73 = arith.mulf %slice3A_70, %slice3A_70 : vector<512x1xf32>
      %add3A_74 = arith.addf %mul3A_72, %mul3A_73 : vector<512x1xf32>
      %mul3A_75 = arith.mulf %slice3A_71, %slice3A_71 : vector<512x1xf32>
      %add3A_76 = arith.addf %add3A_74, %mul3A_75 : vector<512x1xf32>
      %slice3A_77 = vector.extract_strided_slice %get3A_66 {offsets = [0, 19], sizes = [512, 1], strides = [1, 1]} : vector<512x128xf32> to vector<512x1xf32>
      %gt3A = arith.constant 5.000000e-01 : f32
      %gt3A_78 = vector.broadcast %gt3A : f32 to vector<512x1xf32>
      %gt3A_79 = arith.cmpf ogt, %slice3A_77, %gt3A_78 : vector<512x1xf32>
      %and3A = arith.andi %lt3A_18, %gt3A_79 : vector<512x1xi1>
      %dot_general3A_80 = arith.constant dense<0.000000e+00> : vector<512x66xf32>
      %dot_general3A_81 = tpu.matmul %slice3A_67, %get3A_24, %dot_general3A_80 {dimension_numbers = #tpu.dot_dimension_numbers<[1], [0], [0], [1], [0, 0, 1, 1], [], []>, transpose_lhs_hint = false} : vector<512x16xf32>, vector<16x66xf32>, vector<512x66xf32> -> vector<512x66xf32>
      %add3A_82 = arith.addf %add3A_33, %dot_general3A_81 : vector<512x66xf32>
      %mul3A_83 = vector.broadcast %add3A_76 : vector<512x1xf32> to vector<512x66xf32>
      %mul3A_84 = vector.broadcast %get3A_27 : vector<1x66xf32> to vector<512x66xf32>
      %mul3A_85 = arith.mulf %mul3A_83, %mul3A_84 : vector<512x66xf32>
      %add3A_86 = arith.addf %add3A_82, %mul3A_85 : vector<512x66xf32>
      %logistic3A_87 = arith.negf %add3A_86 : vector<512x66xf32>
      %logistic3A_88 = math.exp %logistic3A_87 : vector<512x66xf32>
      %logistic3A_89 = arith.constant 1.000000e+00 : f32
      %logistic3A_90 = vector.broadcast %logistic3A_89 : f32 to vector<512x66xf32>
      %logistic3A_91 = arith.addf %logistic3A_90, %logistic3A_88 : vector<512x66xf32>
      %logistic3A_92 = arith.divf %logistic3A_90, %logistic3A_91 : vector<512x66xf32>
      %mul3A_93 = arith.mulf %add3A_86, %logistic3A_92 : vector<512x66xf32>
      %get3A_94 = arith.constant 0 : index
      %get3A_95 = arith.constant 0 : index
      %get3A_96 = vector.load %arg7[%get3A_94, %get3A_95] : memref<66x16xf32, #tpu.memory_space<vmem>>, vector<66x16xf32>
      %dot_general3A_97 = arith.constant dense<0.000000e+00> : vector<512x16xf32>
      %dot_general3A_98 = tpu.matmul %mul3A_93, %get3A_96, %dot_general3A_97 {dimension_numbers = #tpu.dot_dimension_numbers<[1], [0], [0], [1], [0, 0, 1, 1], [], []>, transpose_lhs_hint = false} : vector<512x66xf32>, vector<66x16xf32>, vector<512x16xf32> -> vector<512x16xf32>
      %get3A_99 = arith.constant 0 : index
      %get3A_100 = arith.constant 0 : index
      %get3A_101 = vector.load %arg8[%get3A_99, %get3A_100] : memref<1x16xf32, #tpu.memory_space<vmem>>, vector<1x16xf32>
      %add3A_102 = vector.broadcast %get3A_101 : vector<1x16xf32> to vector<512x16xf32>
      %add3A_103 = arith.addf %dot_general3A_98, %add3A_102 : vector<512x16xf32>
      %logistic3A_104 = arith.negf %add3A_103 : vector<512x16xf32>
      %logistic3A_105 = math.exp %logistic3A_104 : vector<512x16xf32>
      %logistic3A_106 = arith.constant 1.000000e+00 : f32
      %logistic3A_107 = vector.broadcast %logistic3A_106 : f32 to vector<512x16xf32>
      %logistic3A_108 = arith.addf %logistic3A_107, %logistic3A_105 : vector<512x16xf32>
      %logistic3A_109 = arith.divf %logistic3A_107, %logistic3A_108 : vector<512x16xf32>
      %mul3A_110 = arith.mulf %add3A_103, %logistic3A_109 : vector<512x16xf32>
      %jit3A_111 = arith.constant 0.000000e+00 : f32
      %broadcast_in_dim3A_112 = vector.shape_cast %and3A : vector<512x1xi1> to vector<512x1xi1>
      %broadcast_in_dim3A_113 = vector.broadcast %broadcast_in_dim3A_112 : vector<512x1xi1> to vector<512x16xi1>
      %broadcast_in_dim3A_114 = vector.broadcast %jit3A_111 : f32 to vector<512x16xf32>
      %select_n3A_115 = arith.select %broadcast_in_dim3A_113, %mul3A_110, %broadcast_in_dim3A_114 : vector<512x16xi1>, vector<512x16xf32>
      %add3A_116 = arith.addf %select_n3A, %select_n3A_115 : vector<512x16xf32>
      %get3A_117 = arith.constant 1 : index
      %get3A_118 = arith.constant 0 : index
      %get3A_119 = arith.constant 0 : index
      %get3A_120 = vector.load %arg4[%get3A_117, %get3A_118, %get3A_119] : memref<7x512x128xf32, #tpu.memory_space<vmem>>, vector<1x512x128xf32>
      %get3A_121 = vector.shape_cast %get3A_120 : vector<1x512x128xf32> to vector<512x128xf32>
      %slice3A_122 = vector.extract_strided_slice %get3A_121 {offsets = [0, 0], sizes = [512, 16], strides = [1, 1]} : vector<512x128xf32> to vector<512x16xf32>
      %slice3A_123 = vector.extract_strided_slice %get3A_121 {offsets = [0, 16], sizes = [512, 3], strides = [1, 1]} : vector<512x128xf32> to vector<512x3xf32>
      %sub3A_124 = arith.subf %slice3A_6, %slice3A_123 : vector<512x3xf32>
      %slice3A_125 = vector.extract_strided_slice %sub3A_124 {offsets = [0, 0], sizes = [512, 1], strides = [1, 1]} : vector<512x3xf32> to vector<512x1xf32>
      %slice3A_126 = vector.extract_strided_slice %sub3A_124 {offsets = [0, 1], sizes = [512, 1], strides = [1, 1]} : vector<512x3xf32> to vector<512x1xf32>
      %slice3A_127 = vector.extract_strided_slice %sub3A_124 {offsets = [0, 2], sizes = [512, 1], strides = [1, 1]} : vector<512x3xf32> to vector<512x1xf32>
      %mul3A_128 = arith.mulf %slice3A_125, %slice3A_125 : vector<512x1xf32>
      %mul3A_129 = arith.mulf %slice3A_126, %slice3A_126 : vector<512x1xf32>
      %add3A_130 = arith.addf %mul3A_128, %mul3A_129 : vector<512x1xf32>
      %mul3A_131 = arith.mulf %slice3A_127, %slice3A_127 : vector<512x1xf32>
      %add3A_132 = arith.addf %add3A_130, %mul3A_131 : vector<512x1xf32>
      %slice3A_133 = vector.extract_strided_slice %get3A_121 {offsets = [0, 19], sizes = [512, 1], strides = [1, 1]} : vector<512x128xf32> to vector<512x1xf32>
      %gt3A_134 = arith.constant 5.000000e-01 : f32
      %gt3A_135 = vector.broadcast %gt3A_134 : f32 to vector<512x1xf32>
      %gt3A_136 = arith.cmpf ogt, %slice3A_133, %gt3A_135 : vector<512x1xf32>
      %and3A_137 = arith.andi %lt3A_18, %gt3A_136 : vector<512x1xi1>
      %dot_general3A_138 = arith.constant dense<0.000000e+00> : vector<512x66xf32>
      %dot_general3A_139 = tpu.matmul %slice3A_122, %get3A_24, %dot_general3A_138 {dimension_numbers = #tpu.dot_dimension_numbers<[1], [0], [0], [1], [0, 0, 1, 1], [], []>, transpose_lhs_hint = false} : vector<512x16xf32>, vector<16x66xf32>, vector<512x66xf32> -> vector<512x66xf32>
      %add3A_140 = arith.addf %add3A_33, %dot_general3A_139 : vector<512x66xf32>
      %mul3A_141 = vector.broadcast %add3A_132 : vector<512x1xf32> to vector<512x66xf32>
      %mul3A_142 = vector.broadcast %get3A_27 : vector<1x66xf32> to vector<512x66xf32>
      %mul3A_143 = arith.mulf %mul3A_141, %mul3A_142 : vector<512x66xf32>
      %add3A_144 = arith.addf %add3A_140, %mul3A_143 : vector<512x66xf32>
      %logistic3A_145 = arith.negf %add3A_144 : vector<512x66xf32>
      %logistic3A_146 = math.exp %logistic3A_145 : vector<512x66xf32>
      %logistic3A_147 = arith.constant 1.000000e+00 : f32
      %logistic3A_148 = vector.broadcast %logistic3A_147 : f32 to vector<512x66xf32>
      %logistic3A_149 = arith.addf %logistic3A_148, %logistic3A_146 : vector<512x66xf32>
      %logistic3A_150 = arith.divf %logistic3A_148, %logistic3A_149 : vector<512x66xf32>
      %mul3A_151 = arith.mulf %add3A_144, %logistic3A_150 : vector<512x66xf32>
      %get3A_152 = arith.constant 0 : index
      %get3A_153 = arith.constant 0 : index
      %get3A_154 = vector.load %arg7[%get3A_152, %get3A_153] : memref<66x16xf32, #tpu.memory_space<vmem>>, vector<66x16xf32>
      %dot_general3A_155 = arith.constant dense<0.000000e+00> : vector<512x16xf32>
      %dot_general3A_156 = tpu.matmul %mul3A_151, %get3A_154, %dot_general3A_155 {dimension_numbers = #tpu.dot_dimension_numbers<[1], [0], [0], [1], [0, 0, 1, 1], [], []>, transpose_lhs_hint = false} : vector<512x66xf32>, vector<66x16xf32>, vector<512x16xf32> -> vector<512x16xf32>
      %get3A_157 = arith.constant 0 : index
      %get3A_158 = arith.constant 0 : index
      %get3A_159 = vector.load %arg8[%get3A_157, %get3A_158] : memref<1x16xf32, #tpu.memory_space<vmem>>, vector<1x16xf32>
      %add3A_160 = vector.broadcast %get3A_159 : vector<1x16xf32> to vector<512x16xf32>
      %add3A_161 = arith.addf %dot_general3A_156, %add3A_160 : vector<512x16xf32>
      %logistic3A_162 = arith.negf %add3A_161 : vector<512x16xf32>
      %logistic3A_163 = math.exp %logistic3A_162 : vector<512x16xf32>
      %logistic3A_164 = arith.constant 1.000000e+00 : f32
      %logistic3A_165 = vector.broadcast %logistic3A_164 : f32 to vector<512x16xf32>
      %logistic3A_166 = arith.addf %logistic3A_165, %logistic3A_163 : vector<512x16xf32>
      %logistic3A_167 = arith.divf %logistic3A_165, %logistic3A_166 : vector<512x16xf32>
      %mul3A_168 = arith.mulf %add3A_161, %logistic3A_167 : vector<512x16xf32>
      %jit3A_169 = arith.constant 0.000000e+00 : f32
      %broadcast_in_dim3A_170 = vector.shape_cast %and3A_137 : vector<512x1xi1> to vector<512x1xi1>
      %broadcast_in_dim3A_171 = vector.broadcast %broadcast_in_dim3A_170 : vector<512x1xi1> to vector<512x16xi1>
      %broadcast_in_dim3A_172 = vector.broadcast %jit3A_169 : f32 to vector<512x16xf32>
      %select_n3A_173 = arith.select %broadcast_in_dim3A_171, %mul3A_168, %broadcast_in_dim3A_172 : vector<512x16xi1>, vector<512x16xf32>
      %add3A_174 = arith.addf %add3A_116, %select_n3A_173 : vector<512x16xf32>
      %get3A_175 = arith.constant 2 : index
      %get3A_176 = arith.constant 0 : index
      %get3A_177 = arith.constant 0 : index
      %get3A_178 = vector.load %arg4[%get3A_175, %get3A_176, %get3A_177] : memref<7x512x128xf32, #tpu.memory_space<vmem>>, vector<1x512x128xf32>
      %get3A_179 = vector.shape_cast %get3A_178 : vector<1x512x128xf32> to vector<512x128xf32>
      %slice3A_180 = vector.extract_strided_slice %get3A_179 {offsets = [0, 0], sizes = [512, 16], strides = [1, 1]} : vector<512x128xf32> to vector<512x16xf32>
      %slice3A_181 = vector.extract_strided_slice %get3A_179 {offsets = [0, 16], sizes = [512, 3], strides = [1, 1]} : vector<512x128xf32> to vector<512x3xf32>
      %sub3A_182 = arith.subf %slice3A_6, %slice3A_181 : vector<512x3xf32>
      %slice3A_183 = vector.extract_strided_slice %sub3A_182 {offsets = [0, 0], sizes = [512, 1], strides = [1, 1]} : vector<512x3xf32> to vector<512x1xf32>
      %slice3A_184 = vector.extract_strided_slice %sub3A_182 {offsets = [0, 1], sizes = [512, 1], strides = [1, 1]} : vector<512x3xf32> to vector<512x1xf32>
      %slice3A_185 = vector.extract_strided_slice %sub3A_182 {offsets = [0, 2], sizes = [512, 1], strides = [1, 1]} : vector<512x3xf32> to vector<512x1xf32>
      %mul3A_186 = arith.mulf %slice3A_183, %slice3A_183 : vector<512x1xf32>
      %mul3A_187 = arith.mulf %slice3A_184, %slice3A_184 : vector<512x1xf32>
      %add3A_188 = arith.addf %mul3A_186, %mul3A_187 : vector<512x1xf32>
      %mul3A_189 = arith.mulf %slice3A_185, %slice3A_185 : vector<512x1xf32>
      %add3A_190 = arith.addf %add3A_188, %mul3A_189 : vector<512x1xf32>
      %slice3A_191 = vector.extract_strided_slice %get3A_179 {offsets = [0, 19], sizes = [512, 1], strides = [1, 1]} : vector<512x128xf32> to vector<512x1xf32>
      %gt3A_192 = arith.constant 5.000000e-01 : f32
      %gt3A_193 = vector.broadcast %gt3A_192 : f32 to vector<512x1xf32>
      %gt3A_194 = arith.cmpf ogt, %slice3A_191, %gt3A_193 : vector<512x1xf32>
      %and3A_195 = arith.andi %lt3A_18, %gt3A_194 : vector<512x1xi1>
      %dot_general3A_196 = arith.constant dense<0.000000e+00> : vector<512x66xf32>
      %dot_general3A_197 = tpu.matmul %slice3A_180, %get3A_24, %dot_general3A_196 {dimension_numbers = #tpu.dot_dimension_numbers<[1], [0], [0], [1], [0, 0, 1, 1], [], []>, transpose_lhs_hint = false} : vector<512x16xf32>, vector<16x66xf32>, vector<512x66xf32> -> vector<512x66xf32>
      %add3A_198 = arith.addf %add3A_33, %dot_general3A_197 : vector<512x66xf32>
      %mul3A_199 = vector.broadcast %add3A_190 : vector<512x1xf32> to vector<512x66xf32>
      %mul3A_200 = vector.broadcast %get3A_27 : vector<1x66xf32> to vector<512x66xf32>
      %mul3A_201 = arith.mulf %mul3A_199, %mul3A_200 : vector<512x66xf32>
      %add3A_202 = arith.addf %add3A_198, %mul3A_201 : vector<512x66xf32>
      %logistic3A_203 = arith.negf %add3A_202 : vector<512x66xf32>
      %logistic3A_204 = math.exp %logistic3A_203 : vector<512x66xf32>
      %logistic3A_205 = arith.constant 1.000000e+00 : f32
      %logistic3A_206 = vector.broadcast %logistic3A_205 : f32 to vector<512x66xf32>
      %logistic3A_207 = arith.addf %logistic3A_206, %logistic3A_204 : vector<512x66xf32>
      %logistic3A_208 = arith.divf %logistic3A_206, %logistic3A_207 : vector<512x66xf32>
      %mul3A_209 = arith.mulf %add3A_202, %logistic3A_208 : vector<512x66xf32>
      %get3A_210 = arith.constant 0 : index
      %get3A_211 = arith.constant 0 : index
      %get3A_212 = vector.load %arg7[%get3A_210, %get3A_211] : memref<66x16xf32, #tpu.memory_space<vmem>>, vector<66x16xf32>
      %dot_general3A_213 = arith.constant dense<0.000000e+00> : vector<512x16xf32>
      %dot_general3A_214 = tpu.matmul %mul3A_209, %get3A_212, %dot_general3A_213 {dimension_numbers = #tpu.dot_dimension_numbers<[1], [0], [0], [1], [0, 0, 1, 1], [], []>, transpose_lhs_hint = false} : vector<512x66xf32>, vector<66x16xf32>, vector<512x16xf32> -> vector<512x16xf32>
      %get3A_215 = arith.constant 0 : index
      %get3A_216 = arith.constant 0 : index
      %get3A_217 = vector.load %arg8[%get3A_215, %get3A_216] : memref<1x16xf32, #tpu.memory_space<vmem>>, vector<1x16xf32>
      %add3A_218 = vector.broadcast %get3A_217 : vector<1x16xf32> to vector<512x16xf32>
      %add3A_219 = arith.addf %dot_general3A_214, %add3A_218 : vector<512x16xf32>
      %logistic3A_220 = arith.negf %add3A_219 : vector<512x16xf32>
      %logistic3A_221 = math.exp %logistic3A_220 : vector<512x16xf32>
      %logistic3A_222 = arith.constant 1.000000e+00 : f32
      %logistic3A_223 = vector.broadcast %logistic3A_222 : f32 to vector<512x16xf32>
      %logistic3A_224 = arith.addf %logistic3A_223, %logistic3A_221 : vector<512x16xf32>
      %logistic3A_225 = arith.divf %logistic3A_223, %logistic3A_224 : vector<512x16xf32>
      %mul3A_226 = arith.mulf %add3A_219, %logistic3A_225 : vector<512x16xf32>
      %jit3A_227 = arith.constant 0.000000e+00 : f32
      %broadcast_in_dim3A_228 = vector.shape_cast %and3A_195 : vector<512x1xi1> to vector<512x1xi1>
      %broadcast_in_dim3A_229 = vector.broadcast %broadcast_in_dim3A_228 : vector<512x1xi1> to vector<512x16xi1>
      %broadcast_in_dim3A_230 = vector.broadcast %jit3A_227 : f32 to vector<512x16xf32>
      %select_n3A_231 = arith.select %broadcast_in_dim3A_229, %mul3A_226, %broadcast_in_dim3A_230 : vector<512x16xi1>, vector<512x16xf32>
      %add3A_232 = arith.addf %add3A_174, %select_n3A_231 : vector<512x16xf32>
      %get3A_233 = arith.constant 3 : index
      %get3A_234 = arith.constant 0 : index
      %get3A_235 = arith.constant 0 : index
      %get3A_236 = vector.load %arg4[%get3A_233, %get3A_234, %get3A_235] : memref<7x512x128xf32, #tpu.memory_space<vmem>>, vector<1x512x128xf32>
      %get3A_237 = vector.shape_cast %get3A_236 : vector<1x512x128xf32> to vector<512x128xf32>
      %slice3A_238 = vector.extract_strided_slice %get3A_237 {offsets = [0, 0], sizes = [512, 16], strides = [1, 1]} : vector<512x128xf32> to vector<512x16xf32>
      %slice3A_239 = vector.extract_strided_slice %get3A_237 {offsets = [0, 16], sizes = [512, 3], strides = [1, 1]} : vector<512x128xf32> to vector<512x3xf32>
      %sub3A_240 = arith.subf %slice3A_6, %slice3A_239 : vector<512x3xf32>
      %slice3A_241 = vector.extract_strided_slice %sub3A_240 {offsets = [0, 0], sizes = [512, 1], strides = [1, 1]} : vector<512x3xf32> to vector<512x1xf32>
      %slice3A_242 = vector.extract_strided_slice %sub3A_240 {offsets = [0, 1], sizes = [512, 1], strides = [1, 1]} : vector<512x3xf32> to vector<512x1xf32>
      %slice3A_243 = vector.extract_strided_slice %sub3A_240 {offsets = [0, 2], sizes = [512, 1], strides = [1, 1]} : vector<512x3xf32> to vector<512x1xf32>
      %mul3A_244 = arith.mulf %slice3A_241, %slice3A_241 : vector<512x1xf32>
      %mul3A_245 = arith.mulf %slice3A_242, %slice3A_242 : vector<512x1xf32>
      %add3A_246 = arith.addf %mul3A_244, %mul3A_245 : vector<512x1xf32>
      %mul3A_247 = arith.mulf %slice3A_243, %slice3A_243 : vector<512x1xf32>
      %add3A_248 = arith.addf %add3A_246, %mul3A_247 : vector<512x1xf32>
      %slice3A_249 = vector.extract_strided_slice %get3A_237 {offsets = [0, 19], sizes = [512, 1], strides = [1, 1]} : vector<512x128xf32> to vector<512x1xf32>
      %gt3A_250 = arith.constant 5.000000e-01 : f32
      %gt3A_251 = vector.broadcast %gt3A_250 : f32 to vector<512x1xf32>
      %gt3A_252 = arith.cmpf ogt, %slice3A_249, %gt3A_251 : vector<512x1xf32>
      %and3A_253 = arith.andi %lt3A_18, %gt3A_252 : vector<512x1xi1>
      %dot_general3A_254 = arith.constant dense<0.000000e+00> : vector<512x66xf32>
      %dot_general3A_255 = tpu.matmul %slice3A_238, %get3A_24, %dot_general3A_254 {dimension_numbers = #tpu.dot_dimension_numbers<[1], [0], [0], [1], [0, 0, 1, 1], [], []>, transpose_lhs_hint = false} : vector<512x16xf32>, vector<16x66xf32>, vector<512x66xf32> -> vector<512x66xf32>
      %add3A_256 = arith.addf %add3A_33, %dot_general3A_255 : vector<512x66xf32>
      %mul3A_257 = vector.broadcast %add3A_248 : vector<512x1xf32> to vector<512x66xf32>
      %mul3A_258 = vector.broadcast %get3A_27 : vector<1x66xf32> to vector<512x66xf32>
      %mul3A_259 = arith.mulf %mul3A_257, %mul3A_258 : vector<512x66xf32>
      %add3A_260 = arith.addf %add3A_256, %mul3A_259 : vector<512x66xf32>
      %logistic3A_261 = arith.negf %add3A_260 : vector<512x66xf32>
      %logistic3A_262 = math.exp %logistic3A_261 : vector<512x66xf32>
      %logistic3A_263 = arith.constant 1.000000e+00 : f32
      %logistic3A_264 = vector.broadcast %logistic3A_263 : f32 to vector<512x66xf32>
      %logistic3A_265 = arith.addf %logistic3A_264, %logistic3A_262 : vector<512x66xf32>
      %logistic3A_266 = arith.divf %logistic3A_264, %logistic3A_265 : vector<512x66xf32>
      %mul3A_267 = arith.mulf %add3A_260, %logistic3A_266 : vector<512x66xf32>
      %get3A_268 = arith.constant 0 : index
      %get3A_269 = arith.constant 0 : index
      %get3A_270 = vector.load %arg7[%get3A_268, %get3A_269] : memref<66x16xf32, #tpu.memory_space<vmem>>, vector<66x16xf32>
      %dot_general3A_271 = arith.constant dense<0.000000e+00> : vector<512x16xf32>
      %dot_general3A_272 = tpu.matmul %mul3A_267, %get3A_270, %dot_general3A_271 {dimension_numbers = #tpu.dot_dimension_numbers<[1], [0], [0], [1], [0, 0, 1, 1], [], []>, transpose_lhs_hint = false} : vector<512x66xf32>, vector<66x16xf32>, vector<512x16xf32> -> vector<512x16xf32>
      %get3A_273 = arith.constant 0 : index
      %get3A_274 = arith.constant 0 : index
      %get3A_275 = vector.load %arg8[%get3A_273, %get3A_274] : memref<1x16xf32, #tpu.memory_space<vmem>>, vector<1x16xf32>
      %add3A_276 = vector.broadcast %get3A_275 : vector<1x16xf32> to vector<512x16xf32>
      %add3A_277 = arith.addf %dot_general3A_272, %add3A_276 : vector<512x16xf32>
      %logistic3A_278 = arith.negf %add3A_277 : vector<512x16xf32>
      %logistic3A_279 = math.exp %logistic3A_278 : vector<512x16xf32>
      %logistic3A_280 = arith.constant 1.000000e+00 : f32
      %logistic3A_281 = vector.broadcast %logistic3A_280 : f32 to vector<512x16xf32>
      %logistic3A_282 = arith.addf %logistic3A_281, %logistic3A_279 : vector<512x16xf32>
      %logistic3A_283 = arith.divf %logistic3A_281, %logistic3A_282 : vector<512x16xf32>
      %mul3A_284 = arith.mulf %add3A_277, %logistic3A_283 : vector<512x16xf32>
      %jit3A_285 = arith.constant 0.000000e+00 : f32
      %broadcast_in_dim3A_286 = vector.shape_cast %and3A_253 : vector<512x1xi1> to vector<512x1xi1>
      %broadcast_in_dim3A_287 = vector.broadcast %broadcast_in_dim3A_286 : vector<512x1xi1> to vector<512x16xi1>
      %broadcast_in_dim3A_288 = vector.broadcast %jit3A_285 : f32 to vector<512x16xf32>
      %select_n3A_289 = arith.select %broadcast_in_dim3A_287, %mul3A_284, %broadcast_in_dim3A_288 : vector<512x16xi1>, vector<512x16xf32>
      %add3A_290 = arith.addf %add3A_232, %select_n3A_289 : vector<512x16xf32>
      %get3A_291 = arith.constant 4 : index
      %get3A_292 = arith.constant 0 : index
      %get3A_293 = arith.constant 0 : index
      %get3A_294 = vector.load %arg4[%get3A_291, %get3A_292, %get3A_293] : memref<7x512x128xf32, #tpu.memory_space<vmem>>, vector<1x512x128xf32>
      %get3A_295 = vector.shape_cast %get3A_294 : vector<1x512x128xf32> to vector<512x128xf32>
      %slice3A_296 = vector.extract_strided_slice %get3A_295 {offsets = [0, 0], sizes = [512, 16], strides = [1, 1]} : vector<512x128xf32> to vector<512x16xf32>
      %slice3A_297 = vector.extract_strided_slice %get3A_295 {offsets = [0, 16], sizes = [512, 3], strides = [1, 1]} : vector<512x128xf32> to vector<512x3xf32>
      %sub3A_298 = arith.subf %slice3A_6, %slice3A_297 : vector<512x3xf32>
      %slice3A_299 = vector.extract_strided_slice %sub3A_298 {offsets = [0, 0], sizes = [512, 1], strides = [1, 1]} : vector<512x3xf32> to vector<512x1xf32>
      %slice3A_300 = vector.extract_strided_slice %sub3A_298 {offsets = [0, 1], sizes = [512, 1], strides = [1, 1]} : vector<512x3xf32> to vector<512x1xf32>
      %slice3A_301 = vector.extract_strided_slice %sub3A_298 {offsets = [0, 2], sizes = [512, 1], strides = [1, 1]} : vector<512x3xf32> to vector<512x1xf32>
      %mul3A_302 = arith.mulf %slice3A_299, %slice3A_299 : vector<512x1xf32>
      %mul3A_303 = arith.mulf %slice3A_300, %slice3A_300 : vector<512x1xf32>
      %add3A_304 = arith.addf %mul3A_302, %mul3A_303 : vector<512x1xf32>
      %mul3A_305 = arith.mulf %slice3A_301, %slice3A_301 : vector<512x1xf32>
      %add3A_306 = arith.addf %add3A_304, %mul3A_305 : vector<512x1xf32>
      %slice3A_307 = vector.extract_strided_slice %get3A_295 {offsets = [0, 19], sizes = [512, 1], strides = [1, 1]} : vector<512x128xf32> to vector<512x1xf32>
      %gt3A_308 = arith.constant 5.000000e-01 : f32
      %gt3A_309 = vector.broadcast %gt3A_308 : f32 to vector<512x1xf32>
      %gt3A_310 = arith.cmpf ogt, %slice3A_307, %gt3A_309 : vector<512x1xf32>
      %and3A_311 = arith.andi %lt3A_18, %gt3A_310 : vector<512x1xi1>
      %dot_general3A_312 = arith.constant dense<0.000000e+00> : vector<512x66xf32>
      %dot_general3A_313 = tpu.matmul %slice3A_296, %get3A_24, %dot_general3A_312 {dimension_numbers = #tpu.dot_dimension_numbers<[1], [0], [0], [1], [0, 0, 1, 1], [], []>, transpose_lhs_hint = false} : vector<512x16xf32>, vector<16x66xf32>, vector<512x66xf32> -> vector<512x66xf32>
      %add3A_314 = arith.addf %add3A_33, %dot_general3A_313 : vector<512x66xf32>
      %mul3A_315 = vector.broadcast %add3A_306 : vector<512x1xf32> to vector<512x66xf32>
      %mul3A_316 = vector.broadcast %get3A_27 : vector<1x66xf32> to vector<512x66xf32>
      %mul3A_317 = arith.mulf %mul3A_315, %mul3A_316 : vector<512x66xf32>
      %add3A_318 = arith.addf %add3A_314, %mul3A_317 : vector<512x66xf32>
      %logistic3A_319 = arith.negf %add3A_318 : vector<512x66xf32>
      %logistic3A_320 = math.exp %logistic3A_319 : vector<512x66xf32>
      %logistic3A_321 = arith.constant 1.000000e+00 : f32
      %logistic3A_322 = vector.broadcast %logistic3A_321 : f32 to vector<512x66xf32>
      %logistic3A_323 = arith.addf %logistic3A_322, %logistic3A_320 : vector<512x66xf32>
      %logistic3A_324 = arith.divf %logistic3A_322, %logistic3A_323 : vector<512x66xf32>
      %mul3A_325 = arith.mulf %add3A_318, %logistic3A_324 : vector<512x66xf32>
      %get3A_326 = arith.constant 0 : index
      %get3A_327 = arith.constant 0 : index
      %get3A_328 = vector.load %arg7[%get3A_326, %get3A_327] : memref<66x16xf32, #tpu.memory_space<vmem>>, vector<66x16xf32>
      %dot_general3A_329 = arith.constant dense<0.000000e+00> : vector<512x16xf32>
      %dot_general3A_330 = tpu.matmul %mul3A_325, %get3A_328, %dot_general3A_329 {dimension_numbers = #tpu.dot_dimension_numbers<[1], [0], [0], [1], [0, 0, 1, 1], [], []>, transpose_lhs_hint = false} : vector<512x66xf32>, vector<66x16xf32>, vector<512x16xf32> -> vector<512x16xf32>
      %get3A_331 = arith.constant 0 : index
      %get3A_332 = arith.constant 0 : index
      %get3A_333 = vector.load %arg8[%get3A_331, %get3A_332] : memref<1x16xf32, #tpu.memory_space<vmem>>, vector<1x16xf32>
      %add3A_334 = vector.broadcast %get3A_333 : vector<1x16xf32> to vector<512x16xf32>
      %add3A_335 = arith.addf %dot_general3A_330, %add3A_334 : vector<512x16xf32>
      %logistic3A_336 = arith.negf %add3A_335 : vector<512x16xf32>
      %logistic3A_337 = math.exp %logistic3A_336 : vector<512x16xf32>
      %logistic3A_338 = arith.constant 1.000000e+00 : f32
      %logistic3A_339 = vector.broadcast %logistic3A_338 : f32 to vector<512x16xf32>
      %logistic3A_340 = arith.addf %logistic3A_339, %logistic3A_337 : vector<512x16xf32>
      %logistic3A_341 = arith.divf %logistic3A_339, %logistic3A_340 : vector<512x16xf32>
      %mul3A_342 = arith.mulf %add3A_335, %logistic3A_341 : vector<512x16xf32>
      %jit3A_343 = arith.constant 0.000000e+00 : f32
      %broadcast_in_dim3A_344 = vector.shape_cast %and3A_311 : vector<512x1xi1> to vector<512x1xi1>
      %broadcast_in_dim3A_345 = vector.broadcast %broadcast_in_dim3A_344 : vector<512x1xi1> to vector<512x16xi1>
      %broadcast_in_dim3A_346 = vector.broadcast %jit3A_343 : f32 to vector<512x16xf32>
      %select_n3A_347 = arith.select %broadcast_in_dim3A_345, %mul3A_342, %broadcast_in_dim3A_346 : vector<512x16xi1>, vector<512x16xf32>
      %add3A_348 = arith.addf %add3A_290, %select_n3A_347 : vector<512x16xf32>
      %get3A_349 = arith.constant 5 : index
      %get3A_350 = arith.constant 0 : index
      %get3A_351 = arith.constant 0 : index
      %get3A_352 = vector.load %arg4[%get3A_349, %get3A_350, %get3A_351] : memref<7x512x128xf32, #tpu.memory_space<vmem>>, vector<1x512x128xf32>
      %get3A_353 = vector.shape_cast %get3A_352 : vector<1x512x128xf32> to vector<512x128xf32>
      %slice3A_354 = vector.extract_strided_slice %get3A_353 {offsets = [0, 0], sizes = [512, 16], strides = [1, 1]} : vector<512x128xf32> to vector<512x16xf32>
      %slice3A_355 = vector.extract_strided_slice %get3A_353 {offsets = [0, 16], sizes = [512, 3], strides = [1, 1]} : vector<512x128xf32> to vector<512x3xf32>
      %sub3A_356 = arith.subf %slice3A_6, %slice3A_355 : vector<512x3xf32>
      %slice3A_357 = vector.extract_strided_slice %sub3A_356 {offsets = [0, 0], sizes = [512, 1], strides = [1, 1]} : vector<512x3xf32> to vector<512x1xf32>
      %slice3A_358 = vector.extract_strided_slice %sub3A_356 {offsets = [0, 1], sizes = [512, 1], strides = [1, 1]} : vector<512x3xf32> to vector<512x1xf32>
      %slice3A_359 = vector.extract_strided_slice %sub3A_356 {offsets = [0, 2], sizes = [512, 1], strides = [1, 1]} : vector<512x3xf32> to vector<512x1xf32>
      %mul3A_360 = arith.mulf %slice3A_357, %slice3A_357 : vector<512x1xf32>
      %mul3A_361 = arith.mulf %slice3A_358, %slice3A_358 : vector<512x1xf32>
      %add3A_362 = arith.addf %mul3A_360, %mul3A_361 : vector<512x1xf32>
      %mul3A_363 = arith.mulf %slice3A_359, %slice3A_359 : vector<512x1xf32>
      %add3A_364 = arith.addf %add3A_362, %mul3A_363 : vector<512x1xf32>
      %slice3A_365 = vector.extract_strided_slice %get3A_353 {offsets = [0, 19], sizes = [512, 1], strides = [1, 1]} : vector<512x128xf32> to vector<512x1xf32>
      %gt3A_366 = arith.constant 5.000000e-01 : f32
      %gt3A_367 = vector.broadcast %gt3A_366 : f32 to vector<512x1xf32>
      %gt3A_368 = arith.cmpf ogt, %slice3A_365, %gt3A_367 : vector<512x1xf32>
      %and3A_369 = arith.andi %lt3A_18, %gt3A_368 : vector<512x1xi1>
      %dot_general3A_370 = arith.constant dense<0.000000e+00> : vector<512x66xf32>
      %dot_general3A_371 = tpu.matmul %slice3A_354, %get3A_24, %dot_general3A_370 {dimension_numbers = #tpu.dot_dimension_numbers<[1], [0], [0], [1], [0, 0, 1, 1], [], []>, transpose_lhs_hint = false} : vector<512x16xf32>, vector<16x66xf32>, vector<512x66xf32> -> vector<512x66xf32>
      %add3A_372 = arith.addf %add3A_33, %dot_general3A_371 : vector<512x66xf32>
      %mul3A_373 = vector.broadcast %add3A_364 : vector<512x1xf32> to vector<512x66xf32>
      %mul3A_374 = vector.broadcast %get3A_27 : vector<1x66xf32> to vector<512x66xf32>
      %mul3A_375 = arith.mulf %mul3A_373, %mul3A_374 : vector<512x66xf32>
      %add3A_376 = arith.addf %add3A_372, %mul3A_375 : vector<512x66xf32>
      %logistic3A_377 = arith.negf %add3A_376 : vector<512x66xf32>
      %logistic3A_378 = math.exp %logistic3A_377 : vector<512x66xf32>
      %logistic3A_379 = arith.constant 1.000000e+00 : f32
      %logistic3A_380 = vector.broadcast %logistic3A_379 : f32 to vector<512x66xf32>
      %logistic3A_381 = arith.addf %logistic3A_380, %logistic3A_378 : vector<512x66xf32>
      %logistic3A_382 = arith.divf %logistic3A_380, %logistic3A_381 : vector<512x66xf32>
      %mul3A_383 = arith.mulf %add3A_376, %logistic3A_382 : vector<512x66xf32>
      %get3A_384 = arith.constant 0 : index
      %get3A_385 = arith.constant 0 : index
      %get3A_386 = vector.load %arg7[%get3A_384, %get3A_385] : memref<66x16xf32, #tpu.memory_space<vmem>>, vector<66x16xf32>
      %dot_general3A_387 = arith.constant dense<0.000000e+00> : vector<512x16xf32>
      %dot_general3A_388 = tpu.matmul %mul3A_383, %get3A_386, %dot_general3A_387 {dimension_numbers = #tpu.dot_dimension_numbers<[1], [0], [0], [1], [0, 0, 1, 1], [], []>, transpose_lhs_hint = false} : vector<512x66xf32>, vector<66x16xf32>, vector<512x16xf32> -> vector<512x16xf32>
      %get3A_389 = arith.constant 0 : index
      %get3A_390 = arith.constant 0 : index
      %get3A_391 = vector.load %arg8[%get3A_389, %get3A_390] : memref<1x16xf32, #tpu.memory_space<vmem>>, vector<1x16xf32>
      %add3A_392 = vector.broadcast %get3A_391 : vector<1x16xf32> to vector<512x16xf32>
      %add3A_393 = arith.addf %dot_general3A_388, %add3A_392 : vector<512x16xf32>
      %logistic3A_394 = arith.negf %add3A_393 : vector<512x16xf32>
      %logistic3A_395 = math.exp %logistic3A_394 : vector<512x16xf32>
      %logistic3A_396 = arith.constant 1.000000e+00 : f32
      %logistic3A_397 = vector.broadcast %logistic3A_396 : f32 to vector<512x16xf32>
      %logistic3A_398 = arith.addf %logistic3A_397, %logistic3A_395 : vector<512x16xf32>
      %logistic3A_399 = arith.divf %logistic3A_397, %logistic3A_398 : vector<512x16xf32>
      %mul3A_400 = arith.mulf %add3A_393, %logistic3A_399 : vector<512x16xf32>
      %jit3A_401 = arith.constant 0.000000e+00 : f32
      %broadcast_in_dim3A_402 = vector.shape_cast %and3A_369 : vector<512x1xi1> to vector<512x1xi1>
      %broadcast_in_dim3A_403 = vector.broadcast %broadcast_in_dim3A_402 : vector<512x1xi1> to vector<512x16xi1>
      %broadcast_in_dim3A_404 = vector.broadcast %jit3A_401 : f32 to vector<512x16xf32>
      %select_n3A_405 = arith.select %broadcast_in_dim3A_403, %mul3A_400, %broadcast_in_dim3A_404 : vector<512x16xi1>, vector<512x16xf32>
      %add3A_406 = arith.addf %add3A_348, %select_n3A_405 : vector<512x16xf32>
      %get3A_407 = arith.constant 6 : index
      %get3A_408 = arith.constant 0 : index
      %get3A_409 = arith.constant 0 : index
      %get3A_410 = vector.load %arg4[%get3A_407, %get3A_408, %get3A_409] : memref<7x512x128xf32, #tpu.memory_space<vmem>>, vector<1x512x128xf32>
      %get3A_411 = vector.shape_cast %get3A_410 : vector<1x512x128xf32> to vector<512x128xf32>
      %slice3A_412 = vector.extract_strided_slice %get3A_411 {offsets = [0, 0], sizes = [512, 16], strides = [1, 1]} : vector<512x128xf32> to vector<512x16xf32>
      %slice3A_413 = vector.extract_strided_slice %get3A_411 {offsets = [0, 16], sizes = [512, 3], strides = [1, 1]} : vector<512x128xf32> to vector<512x3xf32>
      %sub3A_414 = arith.subf %slice3A_6, %slice3A_413 : vector<512x3xf32>
      %slice3A_415 = vector.extract_strided_slice %sub3A_414 {offsets = [0, 0], sizes = [512, 1], strides = [1, 1]} : vector<512x3xf32> to vector<512x1xf32>
      %slice3A_416 = vector.extract_strided_slice %sub3A_414 {offsets = [0, 1], sizes = [512, 1], strides = [1, 1]} : vector<512x3xf32> to vector<512x1xf32>
      %slice3A_417 = vector.extract_strided_slice %sub3A_414 {offsets = [0, 2], sizes = [512, 1], strides = [1, 1]} : vector<512x3xf32> to vector<512x1xf32>
      %mul3A_418 = arith.mulf %slice3A_415, %slice3A_415 : vector<512x1xf32>
      %mul3A_419 = arith.mulf %slice3A_416, %slice3A_416 : vector<512x1xf32>
      %add3A_420 = arith.addf %mul3A_418, %mul3A_419 : vector<512x1xf32>
      %mul3A_421 = arith.mulf %slice3A_417, %slice3A_417 : vector<512x1xf32>
      %add3A_422 = arith.addf %add3A_420, %mul3A_421 : vector<512x1xf32>
      %slice3A_423 = vector.extract_strided_slice %get3A_411 {offsets = [0, 19], sizes = [512, 1], strides = [1, 1]} : vector<512x128xf32> to vector<512x1xf32>
      %gt3A_424 = arith.constant 5.000000e-01 : f32
      %gt3A_425 = vector.broadcast %gt3A_424 : f32 to vector<512x1xf32>
      %gt3A_426 = arith.cmpf ogt, %slice3A_423, %gt3A_425 : vector<512x1xf32>
      %and3A_427 = arith.andi %lt3A_18, %gt3A_426 : vector<512x1xi1>
      %dot_general3A_428 = arith.constant dense<0.000000e+00> : vector<512x66xf32>
      %dot_general3A_429 = tpu.matmul %slice3A_412, %get3A_24, %dot_general3A_428 {dimension_numbers = #tpu.dot_dimension_numbers<[1], [0], [0], [1], [0, 0, 1, 1], [], []>, transpose_lhs_hint = false} : vector<512x16xf32>, vector<16x66xf32>, vector<512x66xf32> -> vector<512x66xf32>
      %add3A_430 = arith.addf %add3A_33, %dot_general3A_429 : vector<512x66xf32>
      %mul3A_431 = vector.broadcast %add3A_422 : vector<512x1xf32> to vector<512x66xf32>
      %mul3A_432 = vector.broadcast %get3A_27 : vector<1x66xf32> to vector<512x66xf32>
      %mul3A_433 = arith.mulf %mul3A_431, %mul3A_432 : vector<512x66xf32>
      %add3A_434 = arith.addf %add3A_430, %mul3A_433 : vector<512x66xf32>
      %logistic3A_435 = arith.negf %add3A_434 : vector<512x66xf32>
      %logistic3A_436 = math.exp %logistic3A_435 : vector<512x66xf32>
      %logistic3A_437 = arith.constant 1.000000e+00 : f32
      %logistic3A_438 = vector.broadcast %logistic3A_437 : f32 to vector<512x66xf32>
      %logistic3A_439 = arith.addf %logistic3A_438, %logistic3A_436 : vector<512x66xf32>
      %logistic3A_440 = arith.divf %logistic3A_438, %logistic3A_439 : vector<512x66xf32>
      %mul3A_441 = arith.mulf %add3A_434, %logistic3A_440 : vector<512x66xf32>
      %get3A_442 = arith.constant 0 : index
      %get3A_443 = arith.constant 0 : index
      %get3A_444 = vector.load %arg7[%get3A_442, %get3A_443] : memref<66x16xf32, #tpu.memory_space<vmem>>, vector<66x16xf32>
      %dot_general3A_445 = arith.constant dense<0.000000e+00> : vector<512x16xf32>
      %dot_general3A_446 = tpu.matmul %mul3A_441, %get3A_444, %dot_general3A_445 {dimension_numbers = #tpu.dot_dimension_numbers<[1], [0], [0], [1], [0, 0, 1, 1], [], []>, transpose_lhs_hint = false} : vector<512x66xf32>, vector<66x16xf32>, vector<512x16xf32> -> vector<512x16xf32>
      %get3A_447 = arith.constant 0 : index
      %get3A_448 = arith.constant 0 : index
      %get3A_449 = vector.load %arg8[%get3A_447, %get3A_448] : memref<1x16xf32, #tpu.memory_space<vmem>>, vector<1x16xf32>
      %add3A_450 = vector.broadcast %get3A_449 : vector<1x16xf32> to vector<512x16xf32>
      %add3A_451 = arith.addf %dot_general3A_446, %add3A_450 : vector<512x16xf32>
      %logistic3A_452 = arith.negf %add3A_451 : vector<512x16xf32>
      %logistic3A_453 = math.exp %logistic3A_452 : vector<512x16xf32>
      %logistic3A_454 = arith.constant 1.000000e+00 : f32
      %logistic3A_455 = vector.broadcast %logistic3A_454 : f32 to vector<512x16xf32>
      %logistic3A_456 = arith.addf %logistic3A_455, %logistic3A_453 : vector<512x16xf32>
      %logistic3A_457 = arith.divf %logistic3A_455, %logistic3A_456 : vector<512x16xf32>
      %mul3A_458 = arith.mulf %add3A_451, %logistic3A_457 : vector<512x16xf32>
      %jit3A_459 = arith.constant 0.000000e+00 : f32
      %broadcast_in_dim3A_460 = vector.shape_cast %and3A_427 : vector<512x1xi1> to vector<512x1xi1>
      %broadcast_in_dim3A_461 = vector.broadcast %broadcast_in_dim3A_460 : vector<512x1xi1> to vector<512x16xi1>
      %broadcast_in_dim3A_462 = vector.broadcast %jit3A_459 : f32 to vector<512x16xf32>
      %select_n3A_463 = arith.select %broadcast_in_dim3A_461, %mul3A_458, %broadcast_in_dim3A_462 : vector<512x16xi1>, vector<512x16xf32>
      %add3A_464 = arith.addf %add3A_406, %select_n3A_463 : vector<512x16xf32>
      %reduce_sum3A = arith.constant dense<0.000000e+00> : vector<512xf32>
      %reduce_sum3A_465 = vector.multi_reduction <add>, %slice3A, %reduce_sum3A [1] : vector<512x16xf32> to vector<512xf32>
      %broadcast_in_dim3A_466 = vector.shape_cast %reduce_sum3A_465 : vector<512xf32> to vector<512x1xf32>
      %div3A = arith.constant 1.600000e+01 : f32
      %div3A_467 = vector.broadcast %div3A : f32 to vector<512x1xf32>
      %div3A_468 = arith.divf %broadcast_in_dim3A_466, %div3A_467 : vector<512x1xf32>
      %sub3A_469 = vector.broadcast %div3A_468 : vector<512x1xf32> to vector<512x16xf32>
      %sub3A_470 = arith.subf %slice3A, %sub3A_469 : vector<512x16xf32>
      %integer_pow3A = arith.mulf %sub3A_470, %sub3A_470 : vector<512x16xf32>
      %reduce_sum3A_471 = arith.constant dense<0.000000e+00> : vector<512xf32>
      %reduce_sum3A_472 = vector.multi_reduction <add>, %integer_pow3A, %reduce_sum3A_471 [1] : vector<512x16xf32> to vector<512xf32>
      %broadcast_in_dim3A_473 = vector.shape_cast %reduce_sum3A_472 : vector<512xf32> to vector<512x1xf32>
      %div3A_474 = arith.constant 1.600000e+01 : f32
      %div3A_475 = vector.broadcast %div3A_474 : f32 to vector<512x1xf32>
      %div3A_476 = arith.divf %broadcast_in_dim3A_473, %div3A_475 : vector<512x1xf32>
      %sub3A_477 = vector.broadcast %div3A_468 : vector<512x1xf32> to vector<512x16xf32>
      %sub3A_478 = arith.subf %slice3A, %sub3A_477 : vector<512x16xf32>
      %add3A_479 = arith.constant 9.99999974E-6 : f32
      %add3A_480 = vector.broadcast %add3A_479 : f32 to vector<512x1xf32>
      %add3A_481 = arith.addf %div3A_476, %add3A_480 : vector<512x1xf32>
      %sqrt3A = math.sqrt %add3A_481 : vector<512x1xf32>
      %div3A_482 = vector.broadcast %sqrt3A : vector<512x1xf32> to vector<512x16xf32>
      %div3A_483 = arith.divf %sub3A_478, %div3A_482 : vector<512x16xf32>
      %get3A_484 = arith.constant 0 : index
      %get3A_485 = arith.constant 0 : index
      %get3A_486 = vector.load %arg17[%get3A_484, %get3A_485] : memref<1x16xf32, #tpu.memory_space<vmem>>, vector<1x16xf32>
      %mul3A_487 = vector.broadcast %get3A_486 : vector<1x16xf32> to vector<512x16xf32>
      %mul3A_488 = arith.mulf %div3A_483, %mul3A_487 : vector<512x16xf32>
      %get3A_489 = arith.constant 0 : index
      %get3A_490 = arith.constant 0 : index
      %get3A_491 = vector.load %arg18[%get3A_489, %get3A_490] : memref<1x16xf32, #tpu.memory_space<vmem>>, vector<1x16xf32>
      %add3A_492 = vector.broadcast %get3A_491 : vector<1x16xf32> to vector<512x16xf32>
      %add3A_493 = arith.addf %mul3A_488, %add3A_492 : vector<512x16xf32>
      %get3A_494 = arith.constant 0 : index
      %get3A_495 = arith.constant 0 : index
      %get3A_496 = vector.load %arg9[%get3A_494, %get3A_495] : memref<32x32xf32, #tpu.memory_space<vmem>>, vector<16x32xf32>
      %dot_general3A_497 = arith.constant dense<0.000000e+00> : vector<512x32xf32>
      %dot_general3A_498 = tpu.matmul %add3A_493, %get3A_496, %dot_general3A_497 {dimension_numbers = #tpu.dot_dimension_numbers<[1], [0], [0], [1], [0, 0, 1, 1], [], []>, transpose_lhs_hint = false} : vector<512x16xf32>, vector<16x32xf32>, vector<512x32xf32> -> vector<512x32xf32>
      %get3A_499 = arith.constant 16 : index
      %get3A_500 = arith.constant 0 : index
      %get3A_501 = vector.load %arg9[%get3A_499, %get3A_500] : memref<32x32xf32, #tpu.memory_space<vmem>>, vector<16x32xf32>
      %dot_general3A_502 = arith.constant dense<0.000000e+00> : vector<512x32xf32>
      %dot_general3A_503 = tpu.matmul %add3A_464, %get3A_501, %dot_general3A_502 {dimension_numbers = #tpu.dot_dimension_numbers<[1], [0], [0], [1], [0, 0, 1, 1], [], []>, transpose_lhs_hint = false} : vector<512x16xf32>, vector<16x32xf32>, vector<512x32xf32> -> vector<512x32xf32>
      %add3A_504 = arith.addf %dot_general3A_498, %dot_general3A_503 : vector<512x32xf32>
      %get3A_505 = arith.constant 0 : index
      %get3A_506 = arith.constant 0 : index
      %get3A_507 = vector.load %arg10[%get3A_505, %get3A_506] : memref<1x32xf32, #tpu.memory_space<vmem>>, vector<1x32xf32>
      %add3A_508 = vector.broadcast %get3A_507 : vector<1x32xf32> to vector<512x32xf32>
      %add3A_509 = arith.addf %add3A_504, %add3A_508 : vector<512x32xf32>
      %logistic3A_510 = arith.negf %add3A_509 : vector<512x32xf32>
      %logistic3A_511 = math.exp %logistic3A_510 : vector<512x32xf32>
      %logistic3A_512 = arith.constant 1.000000e+00 : f32
      %logistic3A_513 = vector.broadcast %logistic3A_512 : f32 to vector<512x32xf32>
      %logistic3A_514 = arith.addf %logistic3A_513, %logistic3A_511 : vector<512x32xf32>
      %logistic3A_515 = arith.divf %logistic3A_513, %logistic3A_514 : vector<512x32xf32>
      %mul3A_516 = arith.mulf %add3A_509, %logistic3A_515 : vector<512x32xf32>
      %get3A_517 = arith.constant 0 : index
      %get3A_518 = arith.constant 0 : index
      %get3A_519 = vector.load %arg11[%get3A_517, %get3A_518] : memref<32x16xf32, #tpu.memory_space<vmem>>, vector<32x16xf32>
      %dot_general3A_520 = arith.constant dense<0.000000e+00> : vector<512x16xf32>
      %dot_general3A_521 = tpu.matmul %mul3A_516, %get3A_519, %dot_general3A_520 {dimension_numbers = #tpu.dot_dimension_numbers<[1], [0], [0], [1], [0, 0, 1, 1], [], []>, transpose_lhs_hint = false} : vector<512x32xf32>, vector<32x16xf32>, vector<512x16xf32> -> vector<512x16xf32>
      %get3A_522 = arith.constant 0 : index
      %get3A_523 = arith.constant 0 : index
      %get3A_524 = vector.load %arg12[%get3A_522, %get3A_523] : memref<1x16xf32, #tpu.memory_space<vmem>>, vector<1x16xf32>
      %add3A_525 = vector.broadcast %get3A_524 : vector<1x16xf32> to vector<512x16xf32>
      %add3A_526 = arith.addf %dot_general3A_521, %add3A_525 : vector<512x16xf32>
      %add3A_527 = arith.addf %add3A_526, %slice3A : vector<512x16xf32>
      %get3A_528 = arith.constant 0 : index
      %get3A_529 = arith.constant 0 : index
      %get3A_530 = vector.load %arg19[%get3A_528, %get3A_529] : memref<16x3xf32, #tpu.memory_space<vmem>>, vector<16x3xf32>
      %dot_general3A_531 = arith.constant dense<0.000000e+00> : vector<512x3xf32>
      %dot_general3A_532 = tpu.matmul %add3A_527, %get3A_530, %dot_general3A_531 {dimension_numbers = #tpu.dot_dimension_numbers<[1], [0], [0], [1], [0, 0, 1, 1], [], []>, transpose_lhs_hint = false} : vector<512x16xf32>, vector<16x3xf32>, vector<512x3xf32> -> vector<512x3xf32>
      %get3A_533 = arith.constant 0 : index
      %get3A_534 = arith.constant 0 : index
      %get3A_535 = vector.load %arg20[%get3A_533, %get3A_534] : memref<1x3xf32, #tpu.memory_space<vmem>>, vector<1x3xf32>
      %add3A_536 = vector.broadcast %get3A_535 : vector<1x3xf32> to vector<512x3xf32>
      %add3A_537 = arith.addf %dot_general3A_532, %add3A_536 : vector<512x3xf32>
      %swap3A = arith.constant 0 : index
      %swap3A_538 = arith.constant 0 : index
      %swap3A_539 = arith.constant 0 : index
      %swap3A_540 = vector.load %arg21[%swap3A, %swap3A_538, %swap3A_539] : memref<1x512x3xf32, #tpu.memory_space<vmem>>, vector<1x512x3xf32>
      %swap3A_541 = vector.shape_cast %swap3A_540 : vector<1x512x3xf32> to vector<512x3xf32>
      %swap3A_542 = vector.shape_cast %add3A_537 : vector<512x3xf32> to vector<1x512x3xf32>
      tpu.vector_store %arg21[%swap3A, %swap3A_538, %swap3A_539], %swap3A_542 {strides = array<i32>} : memref<1x512x3xf32, #tpu.memory_space<vmem>>, vector<1x512x3xf32>,
    } else {
    }
    return
  }
  func.func @transform_0(%arg0: i32, %arg1: i32) -> i32 {
    %c0_i32 = arith.constant 0 : i32
    %c0_i32_0 = arith.constant 0 : i32
    return %c0_i32 : i32
  }
  func.func @transform_1(%arg0: i32, %arg1: i32) -> (i32, i32, i32) {
    %c0_i32 = arith.constant 0 : i32
    %c0_i32_0 = arith.constant 0 : i32
    return %arg0, %arg1, %c0_i32 : i32, i32, i32
  }
  func.func @transform_2(%arg0: i32, %arg1: i32) -> (i32, i32, i32) {
    %c0_i32 = arith.constant 0 : i32
    %c0_i32_0 = arith.constant 0 : i32
    return %arg0, %arg1, %c0_i32 : i32, i32, i32
  }
  func.func @transform_3(%arg0: i32, %arg1: i32) -> (i32, i32) {
    %c0_i32 = arith.constant 0 : i32
    %c0_i32_0 = arith.constant 0 : i32
    %c0_i32_1 = arith.constant 0 : i32
    return %c0_i32, %c0_i32_0 : i32, i32
  }
  func.func @transform_4(%arg0: i32, %arg1: i32) -> (i32, i32) {
    %c0_i32 = arith.constant 0 : i32
    %c0_i32_0 = arith.constant 0 : i32
    %c0_i32_1 = arith.constant 0 : i32
    return %c0_i32, %c0_i32_0 : i32, i32
  }
  func.func @transform_5(%arg0: i32, %arg1: i32) -> (i32, i32) {
    %c0_i32 = arith.constant 0 : i32
    %c0_i32_0 = arith.constant 0 : i32
    %c0_i32_1 = arith.constant 0 : i32
    return %c0_i32, %c0_i32_0 : i32, i32
  }
  func.func @transform_6(%arg0: i32, %arg1: i32) -> (i32, i32) {
    %c0_i32 = arith.constant 0 : i32
    %c0_i32_0 = arith.constant 0 : i32
    %c0_i32_1 = arith.constant 0 : i32
    return %c0_i32, %c0_i32_0 : i32, i32
  }
  func.func @transform_7(%arg0: i32, %arg1: i32) -> (i32, i32) {
    %c0_i32 = arith.constant 0 : i32
    %c0_i32_0 = arith.constant 0 : i32
    %c0_i32_1 = arith.constant 0 : i32
    return %c0_i32, %c0_i32_0 : i32, i32
  }
  func.func @transform_8(%arg0: i32, %arg1: i32) -> (i32, i32) {
    %c0_i32 = arith.constant 0 : i32
    %c0_i32_0 = arith.constant 0 : i32
    %c0_i32_1 = arith.constant 0 : i32
    return %c0_i32, %c0_i32_0 : i32, i32
  }
  func.func @transform_9(%arg0: i32, %arg1: i32) -> (i32, i32) {
    %c0_i32 = arith.constant 0 : i32
    %c0_i32_0 = arith.constant 0 : i32
    %c0_i32_1 = arith.constant 0 : i32
    return %c0_i32, %c0_i32_0 : i32, i32
  }
  func.func @transform_10(%arg0: i32, %arg1: i32) -> (i32, i32) {
    %c0_i32 = arith.constant 0 : i32
    %c0_i32_0 = arith.constant 0 : i32
    %c0_i32_1 = arith.constant 0 : i32
    return %c0_i32, %c0_i32_0 : i32, i32
  }
  func.func @transform_11(%arg0: i32, %arg1: i32) -> (i32, i32) {
    %c0_i32 = arith.constant 0 : i32
    %c0_i32_0 = arith.constant 0 : i32
    %c0_i32_1 = arith.constant 0 : i32
    return %c0_i32, %c0_i32_0 : i32, i32
  }
  func.func @transform_12(%arg0: i32, %arg1: i32) -> (i32, i32) {
    %c0_i32 = arith.constant 0 : i32
    %c0_i32_0 = arith.constant 0 : i32
    %c0_i32_1 = arith.constant 0 : i32
    return %c0_i32, %c0_i32_0 : i32, i32
  }
  func.func @transform_13(%arg0: i32, %arg1: i32) -> (i32, i32) {
    %c0_i32 = arith.constant 0 : i32
    %c0_i32_0 = arith.constant 0 : i32
    %c0_i32_1 = arith.constant 0 : i32
    return %c0_i32, %c0_i32_0 : i32, i32
  }
  func.func @transform_14(%arg0: i32, %arg1: i32) -> (i32, i32) {
    %c0_i32 = arith.constant 0 : i32
    %c0_i32_0 = arith.constant 0 : i32
    %c0_i32_1 = arith.constant 0 : i32
    return %c0_i32, %c0_i32_0 : i32, i32
  }
  func.func @transform_15(%arg0: i32, %arg1: i32) -> (i32, i32) {
    %c0_i32 = arith.constant 0 : i32
    %c0_i32_0 = arith.constant 0 : i32
    %c0_i32_1 = arith.constant 0 : i32
    return %c0_i32, %c0_i32_0 : i32, i32
  }
  func.func @transform_16(%arg0: i32, %arg1: i32) -> (i32, i32) {
    %c0_i32 = arith.constant 0 : i32
    %c0_i32_0 = arith.constant 0 : i32
    %c0_i32_1 = arith.constant 0 : i32
    return %c0_i32, %c0_i32_0 : i32, i32
  }
  func.func @transform_17(%arg0: i32, %arg1: i32) -> (i32, i32) {
    %c0_i32 = arith.constant 0 : i32
    %c0_i32_0 = arith.constant 0 : i32
    %c0_i32_1 = arith.constant 0 : i32
    return %c0_i32, %c0_i32_0 : i32, i32
  }
  func.func @transform_18(%arg0: i32, %arg1: i32) -> (i32, i32) {
    %c0_i32 = arith.constant 0 : i32
    %c0_i32_0 = arith.constant 0 : i32
    %c0_i32_1 = arith.constant 0 : i32
    return %c0_i32, %c0_i32_0 : i32, i32
  }
  func.func @transform_19(%arg0: i32, %arg1: i32) -> (i32, i32, i32) {
    %c0_i32 = arith.constant 0 : i32
    %c0_i32_0 = arith.constant 0 : i32
    return %arg0, %arg1, %c0_i32 : i32, i32, i32
  }
}

</mosaic_0001>

<sc_bundles>
// kernel: kernel.12.cloned.1.call-start
scs
__scs_entry_jumppad:
0x0: {  	(pc) =	sbr.rel $0x88, $3  }
0x1: {  	(tag) =	ssettag $0x0;
	lr =	simm.s32 $0x1  }
0x2: {  	[smem:$0x3F70] =	sst lr;
	_ =	strace $0xD0000000  }
0x3: {  	_ = 	snop  }
0x4: {  	_ = 	snop  }
0x5: {  	_ = 	snop  }
0x6: {  	_ = 	snop  }
0x7: {  	_ = 	snop  }
__scs_overlays_trampoline_lowered:
0x8: {  	[smem:$0x3F7F] =	sst s0  }
0x9: {  	[smem:$0x3F80] =	sst s1  }
0xa: {  	[smem:$0x3F81] =	sst s2  }
0xb: {  	[smem:$0x3F82] =	sst s3  }
0xc: {  	[smem:$0x3F83] =	sst s4  }
0xd: {  	[smem:$0x3F84] =	sst s5  }
0xe: {  	[smem:$0x3F85] =	sst s6  }
0xf: {  	[smem:$0x3F86] =	sst s7  }
0x10: {  	[smem:$0x3F87] =	sst s8  }
0x11: {  	[smem:$0x3F88] =	sst s9;
	s0 =	simm.s32 @!p0 $0x0  }
0x12: {  	s1 =	sld [smem:$0x3F6E];
	s0 =	simm.s32 @p0 $0x1  }
0x13: {  	[smem:$0x3F89] =	sst s0;
	s0 =	simm.s32 @!p1 $0x0  }
0x14: {  	s2 =	sld [smem:$0x3F6D];
	s0 =	simm.s32 @p1 $0x1  }
0x15: {  	[smem:$0x3F8A] =	sst s0;
	s0 =	simm.s32 @!p2 $0x0  }
0x16: {  	s3 =	sld [smem:$0x3FDB];
	s0 =	simm.s32 @p2 $0x1  }
0x17: {  	s4 =	simm.s32 $0x1BF5;
	[smem:$0x3F8C] =	sst s0  }
0x18: {  	s0 =	sld [smem:$0x3F6F];
	_ =	swait.ge [sflag:s4], $0x0  }
0x19: {  	s7 =	sld [smem:$0x3F70]  }
0x1a: {  	s8 =	sadd.s32 $0xFFFFE003, lr  }
0x1b: {  	s9 =	sadd.s32 $0xFFFFFEF7, lr;
	s5 =	simm.s32 $0xFFFFFFFF;
	p2 =	slt.u32 s8, $0xFFFFF086  }
0x1c: {  	p1 =	slt.u32 s9, $0xF7A;
	s5 =	simm.s32 @!p2 $0x0  }
0x1d: {  	s5 =	simm.s32 @p1 $0x1;
	p0 =	seq.s32 s7, s2  }
0x1e: {  	s7 =	smul.u32 @!p0 $0xF7A, s2;
	p2 =	seq.s32 @!p0 s5, $0x0  }
0x1f: {  	s9 =	smul.u32 $0xF7A, s1;
	s8 =	simm.s32 @!p0 $0x1BF5;
	p2 =	por !p2, p0  }
0x20: {  	[sflag:s8] =	ssyncset.s32 @!p0 $0xFFFFF086;
	s6 =	sadd.s32 @!p0 s3, s7;
	s7 =	simm.s32 @!p0 $0x108  }
0x21: {  	s3 =	sadd.s32 s3, s9;
	s6 =	sadd.s32 @!p0 $0x88, s6;
	s7 =	simm.s32 @p2 $0x1082  }
0x22: {  	[simem:s7], [sflag:s8] =	dma.local @!p0 [hbm:s6], $0xF7A  }
0x23: {  	s9 =	sor.u32 $0xD0000000, s2;
	s6 =	simm.s32 $0x108;
	_ =	swait.ge @!p0 [sflag:s8], $0x0  }
0x24: {  	s3 =	sadd.s32 $0x88, s3;
	s6 =	simm.s32 @!p1 $0x1082;
	[sflag:s4] =	ssyncset.s32 $0xFFFFF086  }
0x25: {  	[simem:s6], [sflag:s4] =	dma.local [hbm:s3], $0xF7A  }
0x26: {  	[smem:$0x3F70] =	sst s1;
	(tag) =	ssettag s2;
	_ =	strace s9  }
0x27: {  	s1 =	sld [smem:$0x3F80]  }
0x28: {  	s2 =	sld [smem:$0x3F81]  }
0x29: {  	s4 =	sld [smem:$0x3F83]  }
0x2a: {  	p0 =	seq.s32 s5, $0x0;
	s5 =	sld [smem:$0x3F84]  }
0x2b: {  	s6 =	sld [smem:$0x3F85]  }
0x2c: {  	s7 =	sld [smem:$0x3F86]  }
0x2d: {  	s3 =	simm.s32 $0x108;
	s8 =	sld [smem:$0x3F87]  }
0x2e: {  	s3 =	simm.s32 @!p0 $0x1082;
	s9 =	sld [smem:$0x3F88]  }
0x2f: {  	lr =	sadd.s32 s0, s3;
	s0 =	sld [smem:$0x3F7F]  }
0x30: {  	s3 =	sld [smem:$0x3F82]  }
0x31: {  	[smem:$0x3F8B] =	sst s10  }
0x32: {  	s10 =	sld [smem:$0x3F89];
	_ =	sdelay $0x3  }
0x33: {  	p0 =	seq.s32 s10, $0x1;
	s10 =	sld [smem:$0x3F8B];
	_ =	sdelay $0x3  }
0x34: {  	[smem:$0x3F8B] =	sst s10  }
0x35: {  	s10 =	sld [smem:$0x3F8A];
	_ =	sdelay $0x3  }
0x36: {  	p1 =	seq.s32 s10, $0x1;
	s10 =	sld [smem:$0x3F8B];
	_ =	sdelay $0x3  }
0x37: {  	[smem:$0x3F8B] =	sst s10  }
0x38: {  	s10 =	sld [smem:$0x3F8C]  }
0x39: {  	_ = 	snop;
	(pc) =	sbr.ind lr, $3  }
0x3a: {  	_ = 	snop  }
0x3b: {  	_ = 	snop  }
0x3c: {  	p2 =	seq.s32 s10, $0x1;
	s10 =	sld [smem:$0x3F8B]  }
0x3d: {  	_ =	shalt  }
0x3e: {  	_ =	shalt  }
0x3f: {  	_ =	shalt  }
0x40: {  	_ =	shalt  }
0x41: {  	_ =	shalt  }
0x42: {  	_ =	shalt  }
0x43: {  	_ =	shalt  }
0x44: {  	_ =	shalt  }
0x45: {  	_ =	shalt  }
0x46: {  	_ =	shalt  }
0x47: {  	_ =	shalt  }
0x48: {  	_ =	shalt  }
0x49: {  	_ =	shalt  }
0x4a: {  	_ =	shalt  }
0x4b: {  	_ =	shalt  }
0x4c: {  	_ =	shalt  }
0x4d: {  	_ =	shalt  }
0x4e: {  	_ =	shalt  }
0x4f: {  	_ =	shalt  }
0x50: {  	_ =	shalt  }
0x51: {  	_ =	shalt  }
0x52: {  	_ =	shalt  }
0x53: {  	_ =	shalt  }
0x54: {  	_ =	shalt  }
0x55: {  	_ =	shalt  }
0x56: {  	_ =	shalt  }
0x57: {  	_ =	shalt  }
0x58: {  	_ =	shalt  }
0x59: {  	_ =	shalt  }
0x5a: {  	_ =	shalt  }
0x5b: {  	_ =	shalt  }
0x5c: {  	_ =	shalt  }
0x5d: {  	_ =	shalt  }
0x5e: {  	_ =	shalt  }
0x5f: {  	_ =	shalt  }
0x60: {  	_ =	shalt  }
0x61: {  	_ =	shalt  }
0x62: {  	_ =	shalt  }
0x63: {  	_ =	shalt  }
0x64: {  	_ =	shalt  }
0x65: {  	_ =	shalt  }
0x66: {  	_ =	shalt  }
0x67: {  	_ =	shalt  }
0x68: {  	_ =	shalt  }
0x69: {  	_ =	shalt  }
0x6a: {  	_ =	shalt  }
0x6b: {  	_ =	shalt  }
0x6c: {  	_ =	shalt  }
0x6d: {  	_ =	shalt  }
0x6e: {  	_ =	shalt  }
0x6f: {  	_ =	shalt  }
0x70: {  	_ =	shalt  }
0x71: {  	_ =	shalt  }
0x72: {  	_ =	shalt  }
0x73: {  	_ =	shalt  }
0x74: {  	_ =	shalt  }
0x75: {  	_ =	shalt  }
0x76: {  	_ =	shalt  }
0x77: {  	_ =	shalt  }
0x78: {  	_ =	shalt  }
0x79: {  	_ =	shalt  }
0x7a: {  	_ =	shalt  }
0x7b: {  	_ =	shalt  }
0x7c: {  	_ =	shalt  }
0x7d: {  	_ =	shalt  }
0x7e: {  	_ =	shalt  }
0x7f: {  	_ =	shalt  }
0x80: {  	_ =	shalt  }
0x81: {  	_ =	shalt  }
0x82: {  	_ =	shalt  }
0x83: {  	_ =	shalt  }
0x84: {  	_ =	shalt  }
0x85: {  	_ =	shalt  }
0x86: {  	_ =	shalt  }
0x87: {  	_ =	shalt  }
.Lfunc_end0:
.L_simem_size_0:
called_computation_lowered:
.L_overlay_start_0:
0x88: {  	s2 =	sld [smem:$0x3FD9]  }
0x89: {  	s3 =	sld [smem:$0x3FFE];
	_ =	sdelay $0x1  }
0x8a: {  	s1 =	srdreg.scid  }
0x8b: {  	s0 =	sand.u32 $0x1, s1  }
0x8c: {  	s16 =	sshll.u32 s0, $0xA;
	s2 =	sadd.s32 s3, s2  }
0x8d: {  	s2 =	sadd.s32 s2, s16  }
0x8e: {  	[smem:$0x3F97] =	sst s2  }
0x8f: {  	_ = 	snop  }
0x90: {  	(tm) =	ssettm $0x1  }
0x91: {  	s17 =	sld [smem:$0x3FFB];
	_ =	sdelay $0x3  }
0x92: {  	_ =	strace s17  }
0x93: {  	s2 =	sld [smem:$0x3FFC];
	_ =	sdelay $0x3  }
0x94: {  	_ =	strace s2  }
0x95: {  	s2 =	sld [smem:$0x3FFD];
	_ =	sdelay $0x3  }
0x96: {  	_ =	strace s2  }
0x97: {  	_ =	strace $0x8FFFFFFF  }
0x98: {  	s18 =	sld [smem:$0x3FDB];
	_ =	sdelay $0x1  }
0x99: {  	s19 =	simm.s32 $_scs_section_size  }
0x9a: {  	s4 =	simm.s32 $_size__tile_overlayer_lowered;
	s5 =	simm.s32 $_tile_overlayer_lowered  }
0x9b: {  	s22 =	simm.s32 $0x1BFF;
	s21 =	sshll.u32 s5, $0x1;
	s2 =	sadd.s32 s19, s18  }
0x9c: {  	s6 =	simm.s32 $0x0;
	s20 =	sshll.u32 s4, $0x1;
	s4 =	sadd.s32 s21, s2  }
0x9d: {  	[timem:s6], [sflag:s22] =	dma.local [hbm:s4], s20  }
0x9e: {  	_ =	swait.ge [sflag:s22], s20  }
0x9f: {  	s3 =	ssub.s32 $0x0, s20;
	[sflag:s22] =	ssyncset.done $0x0  }
0xa0: {  	[sflag:s22] =	ssyncadd.s32 s3;
	_ =	sdelay $0x1  }
0xa1: {  	s23 =	simm.s32 $0x1B8B  }
0xa2: {  	_ =	swait.ge [sflag:s23], $0x1  }
0xa3: {  	[sflag:s23] =	ssyncset.done $0x0  }
0xa4: {  	s25 =	simm.s32 $0x1B8E;
	s24 =	sld [smem:$0x3FFE];
	[sflag:s23] =	ssyncadd.s32 $0xFFFFFFFF  }
0xa5: {  	s26 =	simm.s32 $execute0_lowered;
	[smem:$0x3FD2] =	sst s25  }
0xa6: {  	s4 =	sshll.u32 s26, $0x1;
	_ =	strace $0x80000046;
	[dreg:$0x1] =	wrdreg $0xFFFFFFFF  }
0xa7: {  	s28 =	simm.s32 $_size_execute0_lowered;
	s2 =	sadd.s32 s2, s4;
	[dreg:$0x0] =	wrdreg $0x0  }
0xa8: {  	s4 =	sshll.u32 s28, $0x1;
	[dreg:$0x2] =	wrdreg s2  }
0xa9: {  	[dreg:$0x3] =	wrdreg s4  }
0xaa: {  	[dreg:$0x4] =	wrdreg $0xC0  }
0xab: {  	_ =	task [dreg:s6], $0x5FFFF  }
0xac: {  	[dreg:$0x1] =	wrdreg $0xFFFFFFFF  }
0xad: {  	[dreg:$0x0] =	wrdreg $0x60  }
0xae: {  	[dreg:$0x2] =	wrdreg s24  }
0xaf: {  	[dreg:$0x3] =	wrdreg $0xE7000  }
0xb0: {  	[dreg:$0x4] =	wrdreg $0x9  }
0xb1: {  	_ =	task.clear_ibuf [dreg:s6], $0x5FFFF;
	_ =	strace $0x90000046  }
0xb2: {  	s29 =	simm.s32 $0x9;
	_ =	strace $0x80000048  }
0xb3: {  	_ =	swait.ge [sflag:s29], $0x1  }
0xb4: {  	[sflag:s29] =	ssyncadd.s32 $0xFFFFFFFF  }
0xb5: {  	_ =	strace $0x90000048  }
0xb6: {  	_ =	sfence  }
0xb7: {  	s30 =	sld [smem:$0x0];
	_ =	sdelay $0x2  }
0xb8: {  	s31 =	sshll.u32 s1, $0xD;
	s1 =	sshrl.u32 s1, $0x2  }
0xb9: {  	s3 =	sand.u32 $0x4000, s31;
	s1 =	sadd.s32 s1, s30  }
0xba: {  	s0 =	sor.u32 s3, s0;
	s1 =	sshll.u32 s1, $0x11  }
0xbb: {  	s0 =	sor.u32 s1, s0  }
0xbc: {  	s0 =	sadd.s32 $0x8F2B, s0  }
0xbd: {  	[sflag:s0] =	ssyncadd.remote.s32 $0x1  }
0xbe: {  	_ =	sfence.sel $0xFFFF  }
0xbf: {  	[dreg:$0x0] =	wrdreg $0xFFFFFFFF;
	(pc) =	sbr.abs _section_cstart, $3  }
0xc0: {  	[dreg:$0x1] =	wrdreg $0xFFFFFFFF  }
0xc1: {  	_ =	task.clear_ibuf [dreg:s6], $0x2FFFF;
	_ =	strace $0x9FFFFFFF  }
0xc2: {  	(tm) =	ssettm $0x7FFFFFFF  }
0xc3: {  	_ =	shalt  }
tec
execute0_lowered:
.L_overlay_start_1:
0x0: {  	(tag) =	ssettag $0x1  }
0x1: {  	s4 =	rddreg [dreg:$0x0];
	s0 =	stileid.u32  }
0x2: {  	s1 =	srdreg.scid;
	s2 =	rddreg [dreg:$0x1]  }
0x3: {  	s3 =	simm.s32 $0x0;
	s16 =	simm.s32 $0x1700;
	s19 =	simm.s32 $0x100  }
0x4: {  	s21 =	simm.s32 $0x2700;
	s1 =	sand.u32 $0x1, s1;
	[smem:$0x7FF] =	sst s3  }
0x5: {  	s5 =	sshll.u32 s0, $0x1;
	_ =	strace $0x80000047;
	[dreg:$0x8] =	wrdreg s16  }
0x6: {  	s6 =	sshll.u32 s0, $0xB;
	s8 =	sshll.u32 s0, $0x6;
	[dreg:$0x9] =	wrdreg s19  }
0x7: {  	s6 =	sadd.s32 s6, s4;
	s12 =	sor.u32 $0x1C02, s8;
	[dreg:$0xa] =	wrdreg s21  }
0x8: {  	s5 =	sor.u32 s1, s5;
	s6 =	sadd.s32 $0x8800, s6;
	[dreg:$0x4] =	wrdreg s12  }
0x9: {  	s13 =	sshll.u32 s0, $0xE;
	s7 =	smul.u32 $0xE0, s5;
	[dreg:$0x3] =	wrdreg s6  }
0xa: {  	s5 =	smul.u32 $0x7000, s5;
	s6 =	sadd.s32 s13, s2;
	s20 =	rddreg [dreg:$0x4]  }
0xb: {  	s7 =	sadd.s32 s7, s4;
	s15 =	sshrl.u32 s6, $0x3;
	s17 =	rddreg [dreg:$0x3]  }
0xc: {  	s4 =	sadd.s32 s5, s4;
	s14 =	sadd.s32 $0x6C00, s7;
	[dreg:$0x7] =	wrdreg s15  }
0xd: {  	s4 =	sadd.s32 $0x10800, s4;
	[dreg:$0x5] =	wrdreg s14  }
0xe: {  	[dreg:$0x6] =	wrdreg s4  }
0xf: {  	s18 =	rddreg [dreg:$0x7];
	s4 =	simm.s32 $0x2  }
0x10: {  	[spmem:s18], [sflag:s20] =	dma.local [hbm:s17], $0x800  }
0x11: {  	_ =	swait.ge [sflag:s4], $0x800  }
0x12: {  	[sflag:s4] =	ssyncset.done $0x0  }
0x13: {  	s22 =	rddreg [dreg:$0x5];
	[sflag:s4] =	ssyncadd.s32 $0xFFFFF800  }
0x14: {  	[tilespmem:s3], [sflag:$0x2] =	stream.linear.gather [hbm4b:s22+s3], $0x700, $0x38;
	[tilespmem:$0x12700] =	vst v63  }
0x15: {  	_ =	swait.ge [sflag:s4], $0x700  }
0x16: {  	[sflag:s4] =	ssyncset.done $0x0  }
0x17: {  	[sflag:s4] =	ssyncadd.s32 $0xFFFFF900  }
0x18: {  	s5 =	simm.s32 $0x80;
	s6 =	simm.s32 $0x700;
	[bflag:$0x0] =	sbarrier.arrive $0xFFFF  }
0x19: {  	[tilespmem:s6], [sflag:$0x1] =	stream.indirect.gather [spmem:s2], $0x20, s3, s5, $0xb8;
	[tilespmem:$0x12700] =	vst v63  }
0x1a: {  	s23 =	rddreg [dreg:$0x8]  }
0x1b: {  	s24 =	rddreg [dreg:$0xa]  }
0x1c: {  	[tilespmem:s23], [sflag:$0x1] =	stream.indirect.gather [spmem:s2], $0x20, s5, s5, $0xb8;
	[tilespmem:$0x12700] =	vst v63  }
0x1d: {  	s9 =	rddreg [dreg:$0x9]  }
0x1e: {  	[tilespmem:s24], [sflag:$0x1] =	stream.indirect.gather [spmem:s2], $0x20, s9, s5, $0xb8;
	[tilespmem:$0x12700] =	vst v63  }
0x1f: {  	s25 =	simm.s32 $0x180;
	s26 =	simm.s32 $0x3700  }
0x20: {  	[tilespmem:s26], [sflag:$0x1] =	stream.indirect.gather [spmem:s2], $0x20, s25, s5, $0xb8;
	[tilespmem:$0x12700] =	vst v63  }
0x21: {  	s10 =	simm.s32 $0x4700;
	s9 =	simm.s32 $0x200  }
0x22: {  	[tilespmem:s10], [sflag:$0x1] =	stream.indirect.gather [spmem:s2], $0x20, s9, s5, $0xb8;
	[tilespmem:$0x12700] =	vst v63  }
0x23: {  	s11 =	simm.s32 $0x280;
	s12 =	simm.s32 $0x5700  }
0x24: {  	[tilespmem:s12], [sflag:$0x1] =	stream.indirect.gather [spmem:s2], $0x20, s11, s5, $0xb8;
	[tilespmem:$0x12700] =	vst v63  }
0x25: {  	s13 =	simm.s32 $0x300;
	s14 =	simm.s32 $0x6700  }
0x26: {  	[tilespmem:s14], [sflag:$0x1] =	stream.indirect.gather [spmem:s2], $0x20, s13, s5, $0xb8;
	[tilespmem:$0x12700] =	vst v63  }
0x27: {  	s16 =	simm.s32 $0x7700;
	s15 =	simm.s32 $0x380  }
0x28: {  	[tilespmem:s16], [sflag:$0x1] =	stream.indirect.gather [spmem:s2], $0x20, s15, s5, $0xb8;
	[tilespmem:$0x12700] =	vst v63  }
0x29: {  	s17 =	simm.s32 $0x400;
	s18 =	simm.s32 $0x8700  }
0x2a: {  	[tilespmem:s18], [sflag:$0x1] =	stream.indirect.gather [spmem:s2], $0x20, s17, s5, $0xb8;
	[tilespmem:$0x12700] =	vst v63  }
0x2b: {  	s19 =	simm.s32 $0x480;
	s20 =	simm.s32 $0x9700  }
0x2c: {  	[tilespmem:s20], [sflag:$0x1] =	stream.indirect.gather [spmem:s2], $0x20, s19, s5, $0xb8;
	[tilespmem:$0x12700] =	vst v63  }
0x2d: {  	s21 =	simm.s32 $0x500;
	s22 =	simm.s32 $0xA700  }
0x2e: {  	[tilespmem:s22], [sflag:$0x1] =	stream.indirect.gather [spmem:s2], $0x20, s21, s5, $0xb8;
	[tilespmem:$0x12700] =	vst v63  }
0x2f: {  	s23 =	simm.s32 $0x580;
	s24 =	simm.s32 $0xB700  }
0x30: {  	[tilespmem:s24], [sflag:$0x1] =	stream.indirect.gather [spmem:s2], $0x20, s23, s5, $0xb8;
	[tilespmem:$0x12700] =	vst v63  }
0x31: {  	s25 =	simm.s32 $0x600;
	s26 =	simm.s32 $0xC700  }
0x32: {  	[tilespmem:s26], [sflag:$0x1] =	stream.indirect.gather [spmem:s2], $0x20, s25, s5, $0xb8;
	[tilespmem:$0x12700] =	vst v63  }
0x33: {  	s28 =	simm.s32 $0x680;
	s29 =	simm.s32 $0xD700;
	s30 =	simm.s32 $0x1  }
0x34: {  	[tilespmem:s29], [sflag:$0x1] =	stream.indirect.gather [spmem:s2], $0x20, s28, s5, $0xb8;
	[tilespmem:$0x12700] =	vst v63  }
0x35: {  	_ =	swait.ge [sflag:s30], $0x1000  }
0x36: {  	[sflag:s30] =	ssyncset.done $0x0  }
0x37: {  	[sflag:s30] =	ssyncadd.s32 $0xFFFFF000  }
0x38: {  	_ =	swait.ge [sflag:s30], $0x1000  }
0x39: {  	[sflag:s30] =	ssyncset.done $0x0  }
0x3a: {  	[sflag:s30] =	ssyncadd.s32 $0xFFFFF000  }
0x3b: {  	_ =	swait.ge [sflag:s30], $0x1000  }
0x3c: {  	[sflag:s30] =	ssyncset.done $0x0  }
0x3d: {  	[sflag:s30] =	ssyncadd.s32 $0xFFFFF000  }
0x3e: {  	_ =	swait.ge [sflag:s30], $0x1000  }
0x3f: {  	[sflag:s30] =	ssyncset.done $0x0  }
0x40: {  	[sflag:s30] =	ssyncadd.s32 $0xFFFFF000  }
0x41: {  	_ =	swait.ge [sflag:s30], $0x1000  }
0x42: {  	[sflag:s30] =	ssyncset.done $0x0  }
0x43: {  	[sflag:s30] =	ssyncadd.s32 $0xFFFFF000  }
0x44: {  	_ =	swait.ge [sflag:s30], $0x1000  }
0x45: {  	[sflag:s30] =	ssyncset.done $0x0  }
0x46: {  	[sflag:s30] =	ssyncadd.s32 $0xFFFFF000  }
0x47: {  	_ =	swait.ge [sflag:s30], $0x1000  }
0x48: {  	[sflag:s30] =	ssyncset.done $0x0  }
0x49: {  	[sflag:s30] =	ssyncadd.s32 $0xFFFFF000  }
0x4a: {  	_ =	swait.ge [sflag:s30], $0x1000  }
0x4b: {  	[sflag:s30] =	ssyncset.done $0x0  }
0x4c: {  	[sflag:s30] =	ssyncadd.s32 $0xFFFFF000  }
0x4d: {  	_ =	swait.ge [sflag:s30], $0x1000  }
0x4e: {  	[sflag:s30] =	ssyncset.done $0x0  }
0x4f: {  	[sflag:s30] =	ssyncadd.s32 $0xFFFFF000  }
0x50: {  	_ =	swait.ge [sflag:s30], $0x1000  }
0x51: {  	[sflag:s30] =	ssyncset.done $0x0  }
0x52: {  	[sflag:s30] =	ssyncadd.s32 $0xFFFFF000  }
0x53: {  	_ =	swait.ge [sflag:s30], $0x1000  }
0x54: {  	[sflag:s30] =	ssyncset.done $0x0  }
0x55: {  	[sflag:s30] =	ssyncadd.s32 $0xFFFFF000  }
0x56: {  	_ =	swait.ge [sflag:s30], $0x1000  }
0x57: {  	s1 =	ssub.s32 $0x2, s1;
	[sflag:s30] =	ssyncset.done $0x0  }
0x58: {  	s31 =	sshrl.u32 s1, $0x1;
	[sflag:s30] =	ssyncadd.s32 $0xFFFFF000  }
0x59: {  	s1 =	ssub.s32 s1, s31;
	_ =	swait.ge [sflag:s30], $0x1000  }
0x5a: {  	s8 =	smax.u32 s1, $0x1;
	[sflag:s30] =	ssyncset.done $0x0  }
0x5b: {  	p0 =	sne.s32 s8, $0x1;
	[sflag:s30] =	ssyncadd.s32 $0xFFFFF000  }
.Ltmp0:
0x5c: {  	_ =	swait.ge [sflag:s30], $0x1000;
	(pc) =	sbr.rel @!p0 .LBB2_2-.Ltmp0, $4  }
0x5d: {  	[sflag:s30] =	ssyncset.done $0x0  }
0x5e: {  	s31 =	simm.s32 $0x20;
	s7 =	rddreg [dreg:$0x6];
	[sflag:s30] =	ssyncadd.s32 $0xFFFFF000  }
0x5f: {  	[hbm4b:s7+s31] =	stream.strided.scatter [tilespmem:s6], [sflag:$0x2], $0xE000, s5, s31, $0x38;
	[tilespmem:$0x12700] =	vst v63  }
0x60: {  	s1 =	sadd.s32 $0xFFFFFFFF, s8;
	_ =	swait.ge [sflag:s4], $0xE000  }
.LBB2_1:
0x61: {  	s0 =	rddreg [dreg:$0x3]  }
0x62: {  	[sflag:s4] =	ssyncset.done $0x0;
	s7 =	rddreg [dreg:$0x7]  }
0x63: {  	s8 =	rddreg [dreg:$0x4];
	[sflag:s4] =	ssyncadd.s32 $0xFFFF2000  }
0x64: {  	[spmem:s7], [sflag:s8] =	dma.local [hbm:s0], $0x800  }
0x65: {  	_ =	swait.ge [sflag:s4], $0x800  }
0x66: {  	[sflag:s4] =	ssyncset.done $0x0  }
0x67: {  	s8 =	rddreg [dreg:$0x5];
	[sflag:s4] =	ssyncadd.s32 $0xFFFFF800  }
0x68: {  	[tilespmem:s3], [sflag:$0x2] =	stream.linear.gather [hbm4b:s8+s3], $0x700, $0x38;
	[tilespmem:$0x12700] =	vst v63  }
0x69: {  	_ =	swait.ge [sflag:s4], $0x700  }
0x6a: {  	[sflag:s4] =	ssyncset.done $0x0  }
0x6b: {  	[sflag:s4] =	ssyncadd.s32 $0xFFFFF900  }
0x6c: {  	[bflag:$0x0] =	sbarrier.arrive $0xFFFF  }
0x6d: {  	[tilespmem:s6], [sflag:$0x1] =	stream.indirect.gather [spmem:s2], $0x20, s3, s5, $0xb8;
	[tilespmem:$0x12700] =	vst v63  }
0x6e: {  	s0 =	rddreg [dreg:$0x8]  }
0x6f: {  	s7 =	rddreg [dreg:$0xa]  }
0x70: {  	[tilespmem:s0], [sflag:$0x1] =	stream.indirect.gather [spmem:s2], $0x20, s5, s5, $0xb8;
	[tilespmem:$0x12700] =	vst v63  }
0x71: {  	s8 =	rddreg [dreg:$0x9]  }
0x72: {  	[tilespmem:s7], [sflag:$0x1] =	stream.indirect.gather [spmem:s2], $0x20, s8, s5, $0xb8;
	[tilespmem:$0x12700] =	vst v63  }
0x73: {  	s7 =	simm.s32 $0x180;
	s8 =	simm.s32 $0x3700  }
0x74: {  	[tilespmem:s8], [sflag:$0x1] =	stream.indirect.gather [spmem:s2], $0x20, s7, s5, $0xb8;
	[tilespmem:$0x12700] =	vst v63  }
0x75: {  	_ = 	snop  }
0x76: {  	[tilespmem:s10], [sflag:$0x1] =	stream.indirect.gather [spmem:s2], $0x20, s9, s5, $0xb8;
	[tilespmem:$0x12700] =	vst v63  }
0x77: {  	_ = 	snop  }
0x78: {  	[tilespmem:s12], [sflag:$0x1] =	stream.indirect.gather [spmem:s2], $0x20, s11, s5, $0xb8;
	[tilespmem:$0x12700] =	vst v63  }
0x79: {  	_ = 	snop  }
0x7a: {  	[tilespmem:s14], [sflag:$0x1] =	stream.indirect.gather [spmem:s2], $0x20, s13, s5, $0xb8;
	[tilespmem:$0x12700] =	vst v63  }
0x7b: {  	_ = 	snop  }
0x7c: {  	[tilespmem:s16], [sflag:$0x1] =	stream.indirect.gather [spmem:s2], $0x20, s15, s5, $0xb8;
	[tilespmem:$0x12700] =	vst v63  }
0x7d: {  	_ = 	snop  }
0x7e: {  	[tilespmem:s18], [sflag:$0x1] =	stream.indirect.gather [spmem:s2], $0x20, s17, s5, $0xb8;
	[tilespmem:$0x12700] =	vst v63  }
0x7f: {  	_ = 	snop  }
0x80: {  	[tilespmem:s20], [sflag:$0x1] =	stream.indirect.gather [spmem:s2], $0x20, s19, s5, $0xb8;
	[tilespmem:$0x12700] =	vst v63  }
0x81: {  	_ = 	snop  }
0x82: {  	[tilespmem:s22], [sflag:$0x1] =	stream.indirect.gather [spmem:s2], $0x20, s21, s5, $0xb8;
	[tilespmem:$0x12700] =	vst v63  }
0x83: {  	_ = 	snop  }
0x84: {  	[tilespmem:s24], [sflag:$0x1] =	stream.indirect.gather [spmem:s2], $0x20, s23, s5, $0xb8;
	[tilespmem:$0x12700] =	vst v63  }
0x85: {  	_ = 	snop  }
0x86: {  	[tilespmem:s26], [sflag:$0x1] =	stream.indirect.gather [spmem:s2], $0x20, s25, s5, $0xb8;
	[tilespmem:$0x12700] =	vst v63  }
0x87: {  	_ = 	snop  }
0x88: {  	[tilespmem:s29], [sflag:$0x1] =	stream.indirect.gather [spmem:s2], $0x20, s28, s5, $0xb8;
	[tilespmem:$0x12700] =	vst v63  }
0x89: {  	_ =	swait.ge [sflag:s30], $0x1000  }
0x8a: {  	[sflag:s30] =	ssyncset.done $0x0  }
0x8b: {  	[sflag:s30] =	ssyncadd.s32 $0xFFFFF000  }
0x8c: {  	_ =	swait.ge [sflag:s30], $0x1000  }
0x8d: {  	[sflag:s30] =	ssyncset.done $0x0  }
0x8e: {  	[sflag:s30] =	ssyncadd.s32 $0xFFFFF000  }
0x8f: {  	_ =	swait.ge [sflag:s30], $0x1000  }
0x90: {  	[sflag:s30] =	ssyncset.done $0x0  }
0x91: {  	[sflag:s30] =	ssyncadd.s32 $0xFFFFF000  }
0x92: {  	_ =	swait.ge [sflag:s30], $0x1000  }
0x93: {  	[sflag:s30] =	ssyncset.done $0x0  }
0x94: {  	[sflag:s30] =	ssyncadd.s32 $0xFFFFF000  }
0x95: {  	_ =	swait.ge [sflag:s30], $0x1000  }
0x96: {  	[sflag:s30] =	ssyncset.done $0x0  }
0x97: {  	[sflag:s30] =	ssyncadd.s32 $0xFFFFF000  }
0x98: {  	_ =	swait.ge [sflag:s30], $0x1000  }
0x99: {  	[sflag:s30] =	ssyncset.done $0x0  }
0x9a: {  	[sflag:s30] =	ssyncadd.s32 $0xFFFFF000  }
0x9b: {  	_ =	swait.ge [sflag:s30], $0x1000  }
0x9c: {  	[sflag:s30] =	ssyncset.done $0x0  }
0x9d: {  	[sflag:s30] =	ssyncadd.s32 $0xFFFFF000  }
0x9e: {  	_ =	swait.ge [sflag:s30], $0x1000  }
0x9f: {  	[sflag:s30] =	ssyncset.done $0x0  }
0xa0: {  	[sflag:s30] =	ssyncadd.s32 $0xFFFFF000  }
0xa1: {  	_ =	swait.ge [sflag:s30], $0x1000  }
0xa2: {  	[sflag:s30] =	ssyncset.done $0x0  }
0xa3: {  	[sflag:s30] =	ssyncadd.s32 $0xFFFFF000  }
0xa4: {  	_ =	swait.ge [sflag:s30], $0x1000  }
0xa5: {  	[sflag:s30] =	ssyncset.done $0x0  }
0xa6: {  	[sflag:s30] =	ssyncadd.s32 $0xFFFFF000  }
0xa7: {  	_ =	swait.ge [sflag:s30], $0x1000  }
0xa8: {  	[sflag:s30] =	ssyncset.done $0x0  }
0xa9: {  	[sflag:s30] =	ssyncadd.s32 $0xFFFFF000  }
0xaa: {  	_ =	swait.ge [sflag:s30], $0x1000  }
0xab: {  	[sflag:s30] =	ssyncset.done $0x0  }
0xac: {  	[sflag:s30] =	ssyncadd.s32 $0xFFFFF000  }
0xad: {  	_ =	swait.ge [sflag:s30], $0x1000  }
0xae: {  	[sflag:s30] =	ssyncset.done $0x0  }
0xaf: {  	p0 =	sne.s32 s1, $0x1;
	[sflag:s30] =	ssyncadd.s32 $0xFFFFF000  }
.Ltmp1:
0xb0: {  	_ =	swait.ge [sflag:s30], $0x1000;
	(pc) =	sbr.rel @p0 .LBB2_1-.Ltmp1, $4  }
0xb1: {  	[sflag:s30] =	ssyncset.done $0x0  }
0xb2: {  	s8 =	rddreg [dreg:$0x6];
	[sflag:s30] =	ssyncadd.s32 $0xFFFFF000  }
0xb3: {  	[hbm4b:s8+s31] =	stream.strided.scatter [tilespmem:s6], [sflag:$0x2], $0xE000, s5, s31, $0x38;
	[tilespmem:$0x12700] =	vst v63  }
0xb4: {  	s1 =	sadd.s32 $0xFFFFFFFF, s1;
	_ =	swait.ge [sflag:s4], $0xE000  }
.LBB2_2:
0xb5: {  	[sflag:s4] =	ssyncset.done $0x0  }
0xb6: {  	[sflag:s4] =	ssyncadd.s32 $0xFFFF2000  }
0xb7: {  	_ =	sfence.sel $0x180000  }
0xb8: {  	[bflag:$0x0] =	sbarrier.arrive $0xFFFF  }
0xb9: {  	_ =	strace $0x90000047  }
0xba: {  	s0 =	stileid.u32;
	[bflag:$0x2] =	sbarrier.arrive $0xFFFF  }
0xbb: {  	p0 =	sne.s32 s0, $0x0;
	s0 =	rddreg [dreg:$0x2]  }
0xbc: {  	s0 =	sadd.s32 @!p0 $0x100000, s0  }
0xbd: {  	[sflag:s0] =	ssyncadd.tile.s32 @!p0 $0x1;
	_ =	shalt  }
.Lfunc_end2:
_tile_overlayer_lowered:
.L_overlay_start_2:
0xbe: {  	(tag) =	ssettag $0x2  }
0xbf: {  	s0 =	rddreg [dreg:$0x0];
	s2 =	stileid.u32  }
0xc0: {  	s1 =	rddreg [dreg:$0x1];
	p0 =	sne.s32 s2, $0x0  }
0xc1: {  	s3 =	rddreg [dreg:$0x2];
	[bflag:$0x3] =	sbarrier.arrive $0xFFFF;
	s2 =	simm.s32 @!p0 $0x1C02  }
0xc2: {  	[timem:s3], [sflag:s2] =	dma.local @!p0 [hbm:s0], s1  }
0xc3: {  	s0 =	simm.s32 @!p0 $0x2  }
0xc4: {  	_ =	swait.ge @!p0 [sflag:s0], s1  }
0xc5: {  	s1 =	ssub.s32 @!p0 $0x0, s1;
	[sflag:s0] =	ssyncset.done @!p0 $0x0  }
0xc6: {  	[sflag:s0] =	ssyncadd.s32 @!p0 s1  }
0xc7: {  	[bflag:$0x3] =	sbarrier.arrive $0xFFFF  }
0xc8: {  	_ =	shalt  }

// kernel: kernel.15.cloned.1.call-start
scs
__scs_entry_jumppad:
0x0: {  	(pc) =	sbr.rel $0x88, $3  }
0x1: {  	(tag) =	ssettag $0x0;
	lr =	simm.s32 $0x1  }
0x2: {  	[smem:$0x3F70] =	sst lr;
	_ =	strace $0xD0000000  }
0x3: {  	_ = 	snop  }
0x4: {  	_ = 	snop  }
0x5: {  	_ = 	snop  }
0x6: {  	_ = 	snop  }
0x7: {  	_ = 	snop  }
__scs_overlays_trampoline_lowered:
0x8: {  	[smem:$0x3F7F] =	sst s0  }
0x9: {  	[smem:$0x3F80] =	sst s1  }
0xa: {  	[smem:$0x3F81] =	sst s2  }
0xb: {  	[smem:$0x3F82] =	sst s3  }
0xc: {  	[smem:$0x3F83] =	sst s4  }
0xd: {  	[smem:$0x3F84] =	sst s5  }
0xe: {  	[smem:$0x3F85] =	sst s6  }
0xf: {  	[smem:$0x3F86] =	sst s7  }
0x10: {  	[smem:$0x3F87] =	sst s8  }
0x11: {  	[smem:$0x3F88] =	sst s9;
	s0 =	simm.s32 @!p0 $0x0  }
0x12: {  	s1 =	sld [smem:$0x3F6E];
	s0 =	simm.s32 @p0 $0x1  }
0x13: {  	[smem:$0x3F89] =	sst s0;
	s0 =	simm.s32 @!p1 $0x0  }
0x14: {  	s2 =	sld [smem:$0x3F6D];
	s0 =	simm.s32 @p1 $0x1  }
0x15: {  	[smem:$0x3F8A] =	sst s0;
	s0 =	simm.s32 @!p2 $0x0  }
0x16: {  	s3 =	sld [smem:$0x3FDB];
	s0 =	simm.s32 @p2 $0x1  }
0x17: {  	s4 =	simm.s32 $0x1BF5;
	[smem:$0x3F8C] =	sst s0  }
0x18: {  	s0 =	sld [smem:$0x3F6F];
	_ =	swait.ge [sflag:s4], $0x0  }
0x19: {  	s7 =	sld [smem:$0x3F70]  }
0x1a: {  	s8 =	sadd.s32 $0xFFFFE003, lr  }
0x1b: {  	s9 =	sadd.s32 $0xFFFFFEF7, lr;
	s5 =	simm.s32 $0xFFFFFFFF;
	p2 =	slt.u32 s8, $0xFFFFF086  }
0x1c: {  	p1 =	slt.u32 s9, $0xF7A;
	s5 =	simm.s32 @!p2 $0x0  }
0x1d: {  	s5 =	simm.s32 @p1 $0x1;
	p0 =	seq.s32 s7, s2  }
0x1e: {  	s7 =	smul.u32 @!p0 $0xF7A, s2;
	p2 =	seq.s32 @!p0 s5, $0x0  }
0x1f: {  	s9 =	smul.u32 $0xF7A, s1;
	s8 =	simm.s32 @!p0 $0x1BF5;
	p2 =	por !p2, p0  }
0x20: {  	[sflag:s8] =	ssyncset.s32 @!p0 $0xFFFFF086;
	s6 =	sadd.s32 @!p0 s3, s7;
	s7 =	simm.s32 @!p0 $0x108  }
0x21: {  	s3 =	sadd.s32 s3, s9;
	s6 =	sadd.s32 @!p0 $0x88, s6;
	s7 =	simm.s32 @p2 $0x1082  }
0x22: {  	[simem:s7], [sflag:s8] =	dma.local @!p0 [hbm:s6], $0xF7A  }
0x23: {  	s9 =	sor.u32 $0xD0000000, s2;
	s6 =	simm.s32 $0x108;
	_ =	swait.ge @!p0 [sflag:s8], $0x0  }
0x24: {  	s3 =	sadd.s32 $0x88, s3;
	s6 =	simm.s32 @!p1 $0x1082;
	[sflag:s4] =	ssyncset.s32 $0xFFFFF086  }
0x25: {  	[simem:s6], [sflag:s4] =	dma.local [hbm:s3], $0xF7A  }
0x26: {  	[smem:$0x3F70] =	sst s1;
	(tag) =	ssettag s2;
	_ =	strace s9  }
0x27: {  	s1 =	sld [smem:$0x3F80]  }
0x28: {  	s2 =	sld [smem:$0x3F81]  }
0x29: {  	s4 =	sld [smem:$0x3F83]  }
0x2a: {  	p0 =	seq.s32 s5, $0x0;
	s5 =	sld [smem:$0x3F84]  }
0x2b: {  	s6 =	sld [smem:$0x3F85]  }
0x2c: {  	s7 =	sld [smem:$0x3F86]  }
0x2d: {  	s3 =	simm.s32 $0x108;
	s8 =	sld [smem:$0x3F87]  }
0x2e: {  	s3 =	simm.s32 @!p0 $0x1082;
	s9 =	sld [smem:$0x3F88]  }
0x2f: {  	lr =	sadd.s32 s0, s3;
	s0 =	sld [smem:$0x3F7F]  }
0x30: {  	s3 =	sld [smem:$0x3F82]  }
0x31: {  	[smem:$0x3F8B] =	sst s10  }
0x32: {  	s10 =	sld [smem:$0x3F89];
	_ =	sdelay $0x3  }
0x33: {  	p0 =	seq.s32 s10, $0x1;
	s10 =	sld [smem:$0x3F8B];
	_ =	sdelay $0x3  }
0x34: {  	[smem:$0x3F8B] =	sst s10  }
0x35: {  	s10 =	sld [smem:$0x3F8A];
	_ =	sdelay $0x3  }
0x36: {  	p1 =	seq.s32 s10, $0x1;
	s10 =	sld [smem:$0x3F8B];
	_ =	sdelay $0x3  }
0x37: {  	[smem:$0x3F8B] =	sst s10  }
0x38: {  	s10 =	sld [smem:$0x3F8C]  }
0x39: {  	_ = 	snop;
	(pc) =	sbr.ind lr, $3  }
0x3a: {  	_ = 	snop  }
0x3b: {  	_ = 	snop  }
0x3c: {  	p2 =	seq.s32 s10, $0x1;
	s10 =	sld [smem:$0x3F8B]  }
0x3d: {  	_ =	shalt  }
0x3e: {  	_ =	shalt  }
0x3f: {  	_ =	shalt  }
0x40: {  	_ =	shalt  }
0x41: {  	_ =	shalt  }
0x42: {  	_ =	shalt  }
0x43: {  	_ =	shalt  }
0x44: {  	_ =	shalt  }
0x45: {  	_ =	shalt  }
0x46: {  	_ =	shalt  }
0x47: {  	_ =	shalt  }
0x48: {  	_ =	shalt  }
0x49: {  	_ =	shalt  }
0x4a: {  	_ =	shalt  }
0x4b: {  	_ =	shalt  }
0x4c: {  	_ =	shalt  }
0x4d: {  	_ =	shalt  }
0x4e: {  	_ =	shalt  }
0x4f: {  	_ =	shalt  }
0x50: {  	_ =	shalt  }
0x51: {  	_ =	shalt  }
0x52: {  	_ =	shalt  }
0x53: {  	_ =	shalt  }
0x54: {  	_ =	shalt  }
0x55: {  	_ =	shalt  }
0x56: {  	_ =	shalt  }
0x57: {  	_ =	shalt  }
0x58: {  	_ =	shalt  }
0x59: {  	_ =	shalt  }
0x5a: {  	_ =	shalt  }
0x5b: {  	_ =	shalt  }
0x5c: {  	_ =	shalt  }
0x5d: {  	_ =	shalt  }
0x5e: {  	_ =	shalt  }
0x5f: {  	_ =	shalt  }
0x60: {  	_ =	shalt  }
0x61: {  	_ =	shalt  }
0x62: {  	_ =	shalt  }
0x63: {  	_ =	shalt  }
0x64: {  	_ =	shalt  }
0x65: {  	_ =	shalt  }
0x66: {  	_ =	shalt  }
0x67: {  	_ =	shalt  }
0x68: {  	_ =	shalt  }
0x69: {  	_ =	shalt  }
0x6a: {  	_ =	shalt  }
0x6b: {  	_ =	shalt  }
0x6c: {  	_ =	shalt  }
0x6d: {  	_ =	shalt  }
0x6e: {  	_ =	shalt  }
0x6f: {  	_ =	shalt  }
0x70: {  	_ =	shalt  }
0x71: {  	_ =	shalt  }
0x72: {  	_ =	shalt  }
0x73: {  	_ =	shalt  }
0x74: {  	_ =	shalt  }
0x75: {  	_ =	shalt  }
0x76: {  	_ =	shalt  }
0x77: {  	_ =	shalt  }
0x78: {  	_ =	shalt  }
0x79: {  	_ =	shalt  }
0x7a: {  	_ =	shalt  }
0x7b: {  	_ =	shalt  }
0x7c: {  	_ =	shalt  }
0x7d: {  	_ =	shalt  }
0x7e: {  	_ =	shalt  }
0x7f: {  	_ =	shalt  }
0x80: {  	_ =	shalt  }
0x81: {  	_ =	shalt  }
0x82: {  	_ =	shalt  }
0x83: {  	_ =	shalt  }
0x84: {  	_ =	shalt  }
0x85: {  	_ =	shalt  }
0x86: {  	_ =	shalt  }
0x87: {  	_ =	shalt  }
.Lfunc_end0:
.L_simem_size_0:
called_computation.1_lowered:
.L_overlay_start_0:
0x88: {  	s2 =	sld [smem:$0x3FD9]  }
0x89: {  	s3 =	sld [smem:$0x3FFE];
	_ =	sdelay $0x1  }
0x8a: {  	s1 =	srdreg.scid  }
0x8b: {  	s0 =	sand.u32 $0x1, s1  }
0x8c: {  	s16 =	sshll.u32 s0, $0xA;
	s2 =	sadd.s32 s3, s2  }
0x8d: {  	s2 =	sadd.s32 s2, s16  }
0x8e: {  	[smem:$0x3F97] =	sst s2  }
0x8f: {  	_ = 	snop  }
0x90: {  	(tm) =	ssettm $0x1  }
0x91: {  	s17 =	sld [smem:$0x3FFB];
	_ =	sdelay $0x3  }
0x92: {  	_ =	strace s17  }
0x93: {  	s2 =	sld [smem:$0x3FFC];
	_ =	sdelay $0x3  }
0x94: {  	_ =	strace s2  }
0x95: {  	s2 =	sld [smem:$0x3FFD];
	_ =	sdelay $0x3  }
0x96: {  	_ =	strace s2  }
0x97: {  	_ =	strace $0x8FFFFFFF  }
0x98: {  	s18 =	sld [smem:$0x3FDB];
	_ =	sdelay $0x1  }
0x99: {  	s19 =	simm.s32 $_scs_section_size  }
0x9a: {  	s4 =	simm.s32 $_size__tile_overlayer_lowered;
	s5 =	simm.s32 $_tile_overlayer_lowered  }
0x9b: {  	s22 =	simm.s32 $0x1BFF;
	s21 =	sshll.u32 s5, $0x1;
	s2 =	sadd.s32 s19, s18  }
0x9c: {  	s6 =	simm.s32 $0x0;
	s20 =	sshll.u32 s4, $0x1;
	s4 =	sadd.s32 s21, s2  }
0x9d: {  	[timem:s6], [sflag:s22] =	dma.local [hbm:s4], s20  }
0x9e: {  	_ =	swait.ge [sflag:s22], s20  }
0x9f: {  	s3 =	ssub.s32 $0x0, s20;
	[sflag:s22] =	ssyncset.done $0x0  }
0xa0: {  	[sflag:s22] =	ssyncadd.s32 s3;
	_ =	sdelay $0x1  }
0xa1: {  	s23 =	simm.s32 $0x1B8B  }
0xa2: {  	_ =	swait.ge [sflag:s23], $0x1  }
0xa3: {  	[sflag:s23] =	ssyncset.done $0x0  }
0xa4: {  	s25 =	simm.s32 $0x1B8E;
	s24 =	sld [smem:$0x3FFE];
	[sflag:s23] =	ssyncadd.s32 $0xFFFFFFFF  }
0xa5: {  	s26 =	simm.s32 $execute0_lowered;
	[smem:$0x3FD2] =	sst s25  }
0xa6: {  	s4 =	sshll.u32 s26, $0x1;
	_ =	strace $0x80000049;
	[dreg:$0x1] =	wrdreg $0xFFFFFFFF  }
0xa7: {  	s28 =	simm.s32 $_size_execute0_lowered;
	s2 =	sadd.s32 s2, s4;
	[dreg:$0x0] =	wrdreg $0x0  }
0xa8: {  	s4 =	sshll.u32 s28, $0x1;
	[dreg:$0x2] =	wrdreg s2  }
0xa9: {  	[dreg:$0x3] =	wrdreg s4  }
0xaa: {  	[dreg:$0x4] =	wrdreg $0xC0  }
0xab: {  	_ =	task [dreg:s6], $0x5FFFF  }
0xac: {  	[dreg:$0x1] =	wrdreg $0xFFFFFFFF  }
0xad: {  	[dreg:$0x0] =	wrdreg $0x60  }
0xae: {  	[dreg:$0x2] =	wrdreg s24  }
0xaf: {  	[dreg:$0x3] =	wrdreg $0xE7000  }
0xb0: {  	[dreg:$0x4] =	wrdreg $0x9  }
0xb1: {  	_ =	task.clear_ibuf [dreg:s6], $0x5FFFF;
	_ =	strace $0x90000049  }
0xb2: {  	s29 =	simm.s32 $0x9;
	_ =	strace $0x8000004B  }
0xb3: {  	_ =	swait.ge [sflag:s29], $0x1  }
0xb4: {  	[sflag:s29] =	ssyncadd.s32 $0xFFFFFFFF  }
0xb5: {  	_ =	strace $0x9000004B  }
0xb6: {  	_ =	sfence  }
0xb7: {  	s30 =	sld [smem:$0x0];
	_ =	sdelay $0x2  }
0xb8: {  	s31 =	sshll.u32 s1, $0xD;
	s1 =	sshrl.u32 s1, $0x2  }
0xb9: {  	s3 =	sand.u32 $0x4000, s31;
	s1 =	sadd.s32 s1, s30  }
0xba: {  	s0 =	sor.u32 s3, s0;
	s1 =	sshll.u32 s1, $0x11  }
0xbb: {  	s0 =	sor.u32 s1, s0  }
0xbc: {  	s0 =	sadd.s32 $0x8F2B, s0  }
0xbd: {  	[sflag:s0] =	ssyncadd.remote.s32 $0x1  }
0xbe: {  	_ =	sfence.sel $0xFFFF  }
0xbf: {  	[dreg:$0x0] =	wrdreg $0xFFFFFFFF;
	(pc) =	sbr.abs _section_cstart, $3  }
0xc0: {  	[dreg:$0x1] =	wrdreg $0xFFFFFFFF  }
0xc1: {  	_ =	task.clear_ibuf [dreg:s6], $0x2FFFF;
	_ =	strace $0x9FFFFFFF  }
0xc2: {  	(tm) =	ssettm $0x7FFFFFFF  }
0xc3: {  	_ =	shalt  }
tec
execute0_lowered:
.L_overlay_start_1:
0x0: {  	(tag) =	ssettag $0x1  }
0x1: {  	s4 =	rddreg [dreg:$0x0];
	s0 =	stileid.u32  }
0x2: {  	s1 =	srdreg.scid;
	s2 =	rddreg [dreg:$0x1]  }
0x3: {  	s3 =	simm.s32 $0x0;
	s16 =	simm.s32 $0x1700;
	s19 =	simm.s32 $0x100  }
0x4: {  	s21 =	simm.s32 $0x2700;
	s1 =	sand.u32 $0x1, s1;
	[smem:$0x7FF] =	sst s3  }
0x5: {  	s5 =	sshll.u32 s0, $0x1;
	_ =	strace $0x8000004A;
	[dreg:$0x8] =	wrdreg s16  }
0x6: {  	s6 =	sshll.u32 s0, $0xB;
	s8 =	sshll.u32 s0, $0x6;
	[dreg:$0x9] =	wrdreg s19  }
0x7: {  	s6 =	sadd.s32 s6, s4;
	s12 =	sor.u32 $0x1C02, s8;
	[dreg:$0xa] =	wrdreg s21  }
0x8: {  	s5 =	sor.u32 s1, s5;
	s6 =	sadd.s32 $0x8800, s6;
	[dreg:$0x4] =	wrdreg s12  }
0x9: {  	s13 =	sshll.u32 s0, $0xE;
	s7 =	smul.u32 $0xE0, s5;
	[dreg:$0x3] =	wrdreg s6  }
0xa: {  	s5 =	smul.u32 $0x7000, s5;
	s6 =	sadd.s32 s13, s2;
	s20 =	rddreg [dreg:$0x4]  }
0xb: {  	s7 =	sadd.s32 s7, s4;
	s15 =	sshrl.u32 s6, $0x3;
	s17 =	rddreg [dreg:$0x3]  }
0xc: {  	s4 =	sadd.s32 s5, s4;
	s14 =	sadd.s32 $0x6C00, s7;
	[dreg:$0x7] =	wrdreg s15  }
0xd: {  	s4 =	sadd.s32 $0x10800, s4;
	[dreg:$0x5] =	wrdreg s14  }
0xe: {  	[dreg:$0x6] =	wrdreg s4  }
0xf: {  	s18 =	rddreg [dreg:$0x7];
	s4 =	simm.s32 $0x2  }
0x10: {  	[spmem:s18], [sflag:s20] =	dma.local [hbm:s17], $0x800  }
0x11: {  	_ =	swait.ge [sflag:s4], $0x800  }
0x12: {  	[sflag:s4] =	ssyncset.done $0x0  }
0x13: {  	s22 =	rddreg [dreg:$0x5];
	[sflag:s4] =	ssyncadd.s32 $0xFFFFF800  }
0x14: {  	[tilespmem:s3], [sflag:$0x2] =	stream.linear.gather [hbm4b:s22+s3], $0x700, $0x38;
	[tilespmem:$0x12700] =	vst v63  }
0x15: {  	_ =	swait.ge [sflag:s4], $0x700  }
0x16: {  	[sflag:s4] =	ssyncset.done $0x0  }
0x17: {  	[sflag:s4] =	ssyncadd.s32 $0xFFFFF900  }
0x18: {  	s5 =	simm.s32 $0x80;
	s6 =	simm.s32 $0x700;
	[bflag:$0x0] =	sbarrier.arrive $0xFFFF  }
0x19: {  	[tilespmem:s6], [sflag:$0x1] =	stream.indirect.gather [spmem:s2], $0x20, s3, s5, $0xb8;
	[tilespmem:$0x12700] =	vst v63  }
0x1a: {  	s23 =	rddreg [dreg:$0x8]  }
0x1b: {  	s24 =	rddreg [dreg:$0xa]  }
0x1c: {  	[tilespmem:s23], [sflag:$0x1] =	stream.indirect.gather [spmem:s2], $0x20, s5, s5, $0xb8;
	[tilespmem:$0x12700] =	vst v63  }
0x1d: {  	s9 =	rddreg [dreg:$0x9]  }
0x1e: {  	[tilespmem:s24], [sflag:$0x1] =	stream.indirect.gather [spmem:s2], $0x20, s9, s5, $0xb8;
	[tilespmem:$0x12700] =	vst v63  }
0x1f: {  	s25 =	simm.s32 $0x180;
	s26 =	simm.s32 $0x3700  }
0x20: {  	[tilespmem:s26], [sflag:$0x1] =	stream.indirect.gather [spmem:s2], $0x20, s25, s5, $0xb8;
	[tilespmem:$0x12700] =	vst v63  }
0x21: {  	s10 =	simm.s32 $0x4700;
	s9 =	simm.s32 $0x200  }
0x22: {  	[tilespmem:s10], [sflag:$0x1] =	stream.indirect.gather [spmem:s2], $0x20, s9, s5, $0xb8;
	[tilespmem:$0x12700] =	vst v63  }
0x23: {  	s11 =	simm.s32 $0x280;
	s12 =	simm.s32 $0x5700  }
0x24: {  	[tilespmem:s12], [sflag:$0x1] =	stream.indirect.gather [spmem:s2], $0x20, s11, s5, $0xb8;
	[tilespmem:$0x12700] =	vst v63  }
0x25: {  	s13 =	simm.s32 $0x300;
	s14 =	simm.s32 $0x6700  }
0x26: {  	[tilespmem:s14], [sflag:$0x1] =	stream.indirect.gather [spmem:s2], $0x20, s13, s5, $0xb8;
	[tilespmem:$0x12700] =	vst v63  }
0x27: {  	s16 =	simm.s32 $0x7700;
	s15 =	simm.s32 $0x380  }
0x28: {  	[tilespmem:s16], [sflag:$0x1] =	stream.indirect.gather [spmem:s2], $0x20, s15, s5, $0xb8;
	[tilespmem:$0x12700] =	vst v63  }
0x29: {  	s17 =	simm.s32 $0x400;
	s18 =	simm.s32 $0x8700  }
0x2a: {  	[tilespmem:s18], [sflag:$0x1] =	stream.indirect.gather [spmem:s2], $0x20, s17, s5, $0xb8;
	[tilespmem:$0x12700] =	vst v63  }
0x2b: {  	s19 =	simm.s32 $0x480;
	s20 =	simm.s32 $0x9700  }
0x2c: {  	[tilespmem:s20], [sflag:$0x1] =	stream.indirect.gather [spmem:s2], $0x20, s19, s5, $0xb8;
	[tilespmem:$0x12700] =	vst v63  }
0x2d: {  	s21 =	simm.s32 $0x500;
	s22 =	simm.s32 $0xA700  }
0x2e: {  	[tilespmem:s22], [sflag:$0x1] =	stream.indirect.gather [spmem:s2], $0x20, s21, s5, $0xb8;
	[tilespmem:$0x12700] =	vst v63  }
0x2f: {  	s23 =	simm.s32 $0x580;
	s24 =	simm.s32 $0xB700  }
0x30: {  	[tilespmem:s24], [sflag:$0x1] =	stream.indirect.gather [spmem:s2], $0x20, s23, s5, $0xb8;
	[tilespmem:$0x12700] =	vst v63  }
0x31: {  	s25 =	simm.s32 $0x600;
	s26 =	simm.s32 $0xC700  }
0x32: {  	[tilespmem:s26], [sflag:$0x1] =	stream.indirect.gather [spmem:s2], $0x20, s25, s5, $0xb8;
	[tilespmem:$0x12700] =	vst v63  }
0x33: {  	s28 =	simm.s32 $0x680;
	s29 =	simm.s32 $0xD700;
	s30 =	simm.s32 $0x1  }
0x34: {  	[tilespmem:s29], [sflag:$0x1] =	stream.indirect.gather [spmem:s2], $0x20, s28, s5, $0xb8;
	[tilespmem:$0x12700] =	vst v63  }
0x35: {  	_ =	swait.ge [sflag:s30], $0x1000  }
0x36: {  	[sflag:s30] =	ssyncset.done $0x0  }
0x37: {  	[sflag:s30] =	ssyncadd.s32 $0xFFFFF000  }
0x38: {  	_ =	swait.ge [sflag:s30], $0x1000  }
0x39: {  	[sflag:s30] =	ssyncset.done $0x0  }
0x3a: {  	[sflag:s30] =	ssyncadd.s32 $0xFFFFF000  }
0x3b: {  	_ =	swait.ge [sflag:s30], $0x1000  }
0x3c: {  	[sflag:s30] =	ssyncset.done $0x0  }
0x3d: {  	[sflag:s30] =	ssyncadd.s32 $0xFFFFF000  }
0x3e: {  	_ =	swait.ge [sflag:s30], $0x1000  }
0x3f: {  	[sflag:s30] =	ssyncset.done $0x0  }
0x40: {  	[sflag:s30] =	ssyncadd.s32 $0xFFFFF000  }
0x41: {  	_ =	swait.ge [sflag:s30], $0x1000  }
0x42: {  	[sflag:s30] =	ssyncset.done $0x0  }
0x43: {  	[sflag:s30] =	ssyncadd.s32 $0xFFFFF000  }
0x44: {  	_ =	swait.ge [sflag:s30], $0x1000  }
0x45: {  	[sflag:s30] =	ssyncset.done $0x0  }
0x46: {  	[sflag:s30] =	ssyncadd.s32 $0xFFFFF000  }
0x47: {  	_ =	swait.ge [sflag:s30], $0x1000  }
0x48: {  	[sflag:s30] =	ssyncset.done $0x0  }
0x49: {  	[sflag:s30] =	ssyncadd.s32 $0xFFFFF000  }
0x4a: {  	_ =	swait.ge [sflag:s30], $0x1000  }
0x4b: {  	[sflag:s30] =	ssyncset.done $0x0  }
0x4c: {  	[sflag:s30] =	ssyncadd.s32 $0xFFFFF000  }
0x4d: {  	_ =	swait.ge [sflag:s30], $0x1000  }
0x4e: {  	[sflag:s30] =	ssyncset.done $0x0  }
0x4f: {  	[sflag:s30] =	ssyncadd.s32 $0xFFFFF000  }
0x50: {  	_ =	swait.ge [sflag:s30], $0x1000  }
0x51: {  	[sflag:s30] =	ssyncset.done $0x0  }
0x52: {  	[sflag:s30] =	ssyncadd.s32 $0xFFFFF000  }
0x53: {  	_ =	swait.ge [sflag:s30], $0x1000  }
0x54: {  	[sflag:s30] =	ssyncset.done $0x0  }
0x55: {  	[sflag:s30] =	ssyncadd.s32 $0xFFFFF000  }
0x56: {  	_ =	swait.ge [sflag:s30], $0x1000  }
0x57: {  	s1 =	ssub.s32 $0x2, s1;
	[sflag:s30] =	ssyncset.done $0x0  }
0x58: {  	s31 =	sshrl.u32 s1, $0x1;
	[sflag:s30] =	ssyncadd.s32 $0xFFFFF000  }
0x59: {  	s1 =	ssub.s32 s1, s31;
	_ =	swait.ge [sflag:s30], $0x1000  }
0x5a: {  	s8 =	smax.u32 s1, $0x1;
	[sflag:s30] =	ssyncset.done $0x0  }
0x5b: {  	p0 =	sne.s32 s8, $0x1;
	[sflag:s30] =	ssyncadd.s32 $0xFFFFF000  }
.Ltmp0:
0x5c: {  	_ =	swait.ge [sflag:s30], $0x1000;
	(pc) =	sbr.rel @!p0 .LBB2_2-.Ltmp0, $4  }
0x5d: {  	[sflag:s30] =	ssyncset.done $0x0  }
0x5e: {  	s31 =	simm.s32 $0x20;
	s7 =	rddreg [dreg:$0x6];
	[sflag:s30] =	ssyncadd.s32 $0xFFFFF000  }
0x5f: {  	[hbm4b:s7+s31] =	stream.strided.scatter [tilespmem:s6], [sflag:$0x2], $0xE000, s5, s31, $0x38;
	[tilespmem:$0x12700] =	vst v63  }
0x60: {  	s1 =	sadd.s32 $0xFFFFFFFF, s8;
	_ =	swait.ge [sflag:s4], $0xE000  }
.LBB2_1:
0x61: {  	s0 =	rddreg [dreg:$0x3]  }
0x62: {  	[sflag:s4] =	ssyncset.done $0x0;
	s7 =	rddreg [dreg:$0x7]  }
0x63: {  	s8 =	rddreg [dreg:$0x4];
	[sflag:s4] =	ssyncadd.s32 $0xFFFF2000  }
0x64: {  	[spmem:s7], [sflag:s8] =	dma.local [hbm:s0], $0x800  }
0x65: {  	_ =	swait.ge [sflag:s4], $0x800  }
0x66: {  	[sflag:s4] =	ssyncset.done $0x0  }
0x67: {  	s8 =	rddreg [dreg:$0x5];
	[sflag:s4] =	ssyncadd.s32 $0xFFFFF800  }
0x68: {  	[tilespmem:s3], [sflag:$0x2] =	stream.linear.gather [hbm4b:s8+s3], $0x700, $0x38;
	[tilespmem:$0x12700] =	vst v63  }
0x69: {  	_ =	swait.ge [sflag:s4], $0x700  }
0x6a: {  	[sflag:s4] =	ssyncset.done $0x0  }
0x6b: {  	[sflag:s4] =	ssyncadd.s32 $0xFFFFF900  }
0x6c: {  	[bflag:$0x0] =	sbarrier.arrive $0xFFFF  }
0x6d: {  	[tilespmem:s6], [sflag:$0x1] =	stream.indirect.gather [spmem:s2], $0x20, s3, s5, $0xb8;
	[tilespmem:$0x12700] =	vst v63  }
0x6e: {  	s0 =	rddreg [dreg:$0x8]  }
0x6f: {  	s7 =	rddreg [dreg:$0xa]  }
0x70: {  	[tilespmem:s0], [sflag:$0x1] =	stream.indirect.gather [spmem:s2], $0x20, s5, s5, $0xb8;
	[tilespmem:$0x12700] =	vst v63  }
0x71: {  	s8 =	rddreg [dreg:$0x9]  }
0x72: {  	[tilespmem:s7], [sflag:$0x1] =	stream.indirect.gather [spmem:s2], $0x20, s8, s5, $0xb8;
	[tilespmem:$0x12700] =	vst v63  }
0x73: {  	s7 =	simm.s32 $0x180;
	s8 =	simm.s32 $0x3700  }
0x74: {  	[tilespmem:s8], [sflag:$0x1] =	stream.indirect.gather [spmem:s2], $0x20, s7, s5, $0xb8;
	[tilespmem:$0x12700] =	vst v63  }
0x75: {  	_ = 	snop  }
0x76: {  	[tilespmem:s10], [sflag:$0x1] =	stream.indirect.gather [spmem:s2], $0x20, s9, s5, $0xb8;
	[tilespmem:$0x12700] =	vst v63  }
0x77: {  	_ = 	snop  }
0x78: {  	[tilespmem:s12], [sflag:$0x1] =	stream.indirect.gather [spmem:s2], $0x20, s11, s5, $0xb8;
	[tilespmem:$0x12700] =	vst v63  }
0x79: {  	_ = 	snop  }
0x7a: {  	[tilespmem:s14], [sflag:$0x1] =	stream.indirect.gather [spmem:s2], $0x20, s13, s5, $0xb8;
	[tilespmem:$0x12700] =	vst v63  }
0x7b: {  	_ = 	snop  }
0x7c: {  	[tilespmem:s16], [sflag:$0x1] =	stream.indirect.gather [spmem:s2], $0x20, s15, s5, $0xb8;
	[tilespmem:$0x12700] =	vst v63  }
0x7d: {  	_ = 	snop  }
0x7e: {  	[tilespmem:s18], [sflag:$0x1] =	stream.indirect.gather [spmem:s2], $0x20, s17, s5, $0xb8;
	[tilespmem:$0x12700] =	vst v63  }
0x7f: {  	_ = 	snop  }
0x80: {  	[tilespmem:s20], [sflag:$0x1] =	stream.indirect.gather [spmem:s2], $0x20, s19, s5, $0xb8;
	[tilespmem:$0x12700] =	vst v63  }
0x81: {  	_ = 	snop  }
0x82: {  	[tilespmem:s22], [sflag:$0x1] =	stream.indirect.gather [spmem:s2], $0x20, s21, s5, $0xb8;
	[tilespmem:$0x12700] =	vst v63  }
0x83: {  	_ = 	snop  }
0x84: {  	[tilespmem:s24], [sflag:$0x1] =	stream.indirect.gather [spmem:s2], $0x20, s23, s5, $0xb8;
	[tilespmem:$0x12700] =	vst v63  }
0x85: {  	_ = 	snop  }
0x86: {  	[tilespmem:s26], [sflag:$0x1] =	stream.indirect.gather [spmem:s2], $0x20, s25, s5, $0xb8;
	[tilespmem:$0x12700] =	vst v63  }
0x87: {  	_ = 	snop  }
0x88: {  	[tilespmem:s29], [sflag:$0x1] =	stream.indirect.gather [spmem:s2], $0x20, s28, s5, $0xb8;
	[tilespmem:$0x12700] =	vst v63  }
0x89: {  	_ =	swait.ge [sflag:s30], $0x1000  }
0x8a: {  	[sflag:s30] =	ssyncset.done $0x0  }
0x8b: {  	[sflag:s30] =	ssyncadd.s32 $0xFFFFF000  }
0x8c: {  	_ =	swait.ge [sflag:s30], $0x1000  }
0x8d: {  	[sflag:s30] =	ssyncset.done $0x0  }
0x8e: {  	[sflag:s30] =	ssyncadd.s32 $0xFFFFF000  }
0x8f: {  	_ =	swait.ge [sflag:s30], $0x1000  }
0x90: {  	[sflag:s30] =	ssyncset.done $0x0  }
0x91: {  	[sflag:s30] =	ssyncadd.s32 $0xFFFFF000  }
0x92: {  	_ =	swait.ge [sflag:s30], $0x1000  }
0x93: {  	[sflag:s30] =	ssyncset.done $0x0  }
0x94: {  	[sflag:s30] =	ssyncadd.s32 $0xFFFFF000  }
0x95: {  	_ =	swait.ge [sflag:s30], $0x1000  }
0x96: {  	[sflag:s30] =	ssyncset.done $0x0  }
0x97: {  	[sflag:s30] =	ssyncadd.s32 $0xFFFFF000  }
0x98: {  	_ =	swait.ge [sflag:s30], $0x1000  }
0x99: {  	[sflag:s30] =	ssyncset.done $0x0  }
0x9a: {  	[sflag:s30] =	ssyncadd.s32 $0xFFFFF000  }
0x9b: {  	_ =	swait.ge [sflag:s30], $0x1000  }
0x9c: {  	[sflag:s30] =	ssyncset.done $0x0  }
0x9d: {  	[sflag:s30] =	ssyncadd.s32 $0xFFFFF000  }
0x9e: {  	_ =	swait.ge [sflag:s30], $0x1000  }
0x9f: {  	[sflag:s30] =	ssyncset.done $0x0  }
0xa0: {  	[sflag:s30] =	ssyncadd.s32 $0xFFFFF000  }
0xa1: {  	_ =	swait.ge [sflag:s30], $0x1000  }
0xa2: {  	[sflag:s30] =	ssyncset.done $0x0  }
0xa3: {  	[sflag:s30] =	ssyncadd.s32 $0xFFFFF000  }
0xa4: {  	_ =	swait.ge [sflag:s30], $0x1000  }
0xa5: {  	[sflag:s30] =	ssyncset.done $0x0  }
0xa6: {  	[sflag:s30] =	ssyncadd.s32 $0xFFFFF000  }
0xa7: {  	_ =	swait.ge [sflag:s30], $0x1000  }
0xa8: {  	[sflag:s30] =	ssyncset.done $0x0  }
0xa9: {  	[sflag:s30] =	ssyncadd.s32 $0xFFFFF000  }
0xaa: {  	_ =	swait.ge [sflag:s30], $0x1000  }
0xab: {  	[sflag:s30] =	ssyncset.done $0x0  }
0xac: {  	[sflag:s30] =	ssyncadd.s32 $0xFFFFF000  }
0xad: {  	_ =	swait.ge [sflag:s30], $0x1000  }
0xae: {  	[sflag:s30] =	ssyncset.done $0x0  }
0xaf: {  	p0 =	sne.s32 s1, $0x1;
	[sflag:s30] =	ssyncadd.s32 $0xFFFFF000  }
.Ltmp1:
0xb0: {  	_ =	swait.ge [sflag:s30], $0x1000;
	(pc) =	sbr.rel @p0 .LBB2_1-.Ltmp1, $4  }
0xb1: {  	[sflag:s30] =	ssyncset.done $0x0  }
0xb2: {  	s8 =	rddreg [dreg:$0x6];
	[sflag:s30] =	ssyncadd.s32 $0xFFFFF000  }
0xb3: {  	[hbm4b:s8+s31] =	stream.strided.scatter [tilespmem:s6], [sflag:$0x2], $0xE000, s5, s31, $0x38;
	[tilespmem:$0x12700] =	vst v63  }
0xb4: {  	s1 =	sadd.s32 $0xFFFFFFFF, s1;
	_ =	swait.ge [sflag:s4], $0xE000  }
.LBB2_2:
0xb5: {  	[sflag:s4] =	ssyncset.done $0x0  }
0xb6: {  	[sflag:s4] =	ssyncadd.s32 $0xFFFF2000  }
0xb7: {  	_ =	sfence.sel $0x180000  }
0xb8: {  	[bflag:$0x0] =	sbarrier.arrive $0xFFFF  }
0xb9: {  	_ =	strace $0x9000004A  }
0xba: {  	s0 =	stileid.u32;
	[bflag:$0x2] =	sbarrier.arrive $0xFFFF  }
0xbb: {  	p0 =	sne.s32 s0, $0x0;
	s0 =	rddreg [dreg:$0x2]  }
0xbc: {  	s0 =	sadd.s32 @!p0 $0x100000, s0  }
0xbd: {  	[sflag:s0] =	ssyncadd.tile.s32 @!p0 $0x1;
	_ =	shalt  }
.Lfunc_end2:
_tile_overlayer_lowered:
.L_overlay_start_2:
0xbe: {  	(tag) =	ssettag $0x2  }
0xbf: {  	s0 =	rddreg [dreg:$0x0];
	s2 =	stileid.u32  }
0xc0: {  	s1 =	rddreg [dreg:$0x1];
	p0 =	sne.s32 s2, $0x0  }
0xc1: {  	s3 =	rddreg [dreg:$0x2];
	[bflag:$0x3] =	sbarrier.arrive $0xFFFF;
	s2 =	simm.s32 @!p0 $0x1C02  }
0xc2: {  	[timem:s3], [sflag:s2] =	dma.local @!p0 [hbm:s0], s1  }
0xc3: {  	s0 =	simm.s32 @!p0 $0x2  }
0xc4: {  	_ =	swait.ge @!p0 [sflag:s0], s1  }
0xc5: {  	s1 =	ssub.s32 @!p0 $0x0, s1;
	[sflag:s0] =	ssyncset.done @!p0 $0x0  }
0xc6: {  	[sflag:s0] =	ssyncadd.s32 @!p0 s1  }
0xc7: {  	[bflag:$0x3] =	sbarrier.arrive $0xFFFF  }
0xc8: {  	_ =	shalt  }

// kernel: kernel.18.cloned.1.call-start
scs
__scs_entry_jumppad:
0x0: {  	(pc) =	sbr.rel $0x88, $3  }
0x1: {  	(tag) =	ssettag $0x0;
	lr =	simm.s32 $0x1  }
0x2: {  	[smem:$0x3F70] =	sst lr;
	_ =	strace $0xD0000000  }
0x3: {  	_ = 	snop  }
0x4: {  	_ = 	snop  }
0x5: {  	_ = 	snop  }
0x6: {  	_ = 	snop  }
0x7: {  	_ = 	snop  }
__scs_overlays_trampoline_lowered:
0x8: {  	[smem:$0x3F7F] =	sst s0  }
0x9: {  	[smem:$0x3F80] =	sst s1  }
0xa: {  	[smem:$0x3F81] =	sst s2  }
0xb: {  	[smem:$0x3F82] =	sst s3  }
0xc: {  	[smem:$0x3F83] =	sst s4  }
0xd: {  	[smem:$0x3F84] =	sst s5  }
0xe: {  	[smem:$0x3F85] =	sst s6  }
0xf: {  	[smem:$0x3F86] =	sst s7  }
0x10: {  	[smem:$0x3F87] =	sst s8  }
0x11: {  	[smem:$0x3F88] =	sst s9;
	s0 =	simm.s32 @!p0 $0x0  }
0x12: {  	s1 =	sld [smem:$0x3F6E];
	s0 =	simm.s32 @p0 $0x1  }
0x13: {  	[smem:$0x3F89] =	sst s0;
	s0 =	simm.s32 @!p1 $0x0  }
0x14: {  	s2 =	sld [smem:$0x3F6D];
	s0 =	simm.s32 @p1 $0x1  }
0x15: {  	[smem:$0x3F8A] =	sst s0;
	s0 =	simm.s32 @!p2 $0x0  }
0x16: {  	s3 =	sld [smem:$0x3FDB];
	s0 =	simm.s32 @p2 $0x1  }
0x17: {  	s4 =	simm.s32 $0x1BF5;
	[smem:$0x3F8C] =	sst s0  }
0x18: {  	s0 =	sld [smem:$0x3F6F];
	_ =	swait.ge [sflag:s4], $0x0  }
0x19: {  	s7 =	sld [smem:$0x3F70]  }
0x1a: {  	s8 =	sadd.s32 $0xFFFFE003, lr  }
0x1b: {  	s9 =	sadd.s32 $0xFFFFFEF7, lr;
	s5 =	simm.s32 $0xFFFFFFFF;
	p2 =	slt.u32 s8, $0xFFFFF086  }
0x1c: {  	p1 =	slt.u32 s9, $0xF7A;
	s5 =	simm.s32 @!p2 $0x0  }
0x1d: {  	s5 =	simm.s32 @p1 $0x1;
	p0 =	seq.s32 s7, s2  }
0x1e: {  	s7 =	smul.u32 @!p0 $0xF7A, s2;
	p2 =	seq.s32 @!p0 s5, $0x0  }
0x1f: {  	s9 =	smul.u32 $0xF7A, s1;
	s8 =	simm.s32 @!p0 $0x1BF5;
	p2 =	por !p2, p0  }
0x20: {  	[sflag:s8] =	ssyncset.s32 @!p0 $0xFFFFF086;
	s6 =	sadd.s32 @!p0 s3, s7;
	s7 =	simm.s32 @!p0 $0x108  }
0x21: {  	s3 =	sadd.s32 s3, s9;
	s6 =	sadd.s32 @!p0 $0x88, s6;
	s7 =	simm.s32 @p2 $0x1082  }
0x22: {  	[simem:s7], [sflag:s8] =	dma.local @!p0 [hbm:s6], $0xF7A  }
0x23: {  	s9 =	sor.u32 $0xD0000000, s2;
	s6 =	simm.s32 $0x108;
	_ =	swait.ge @!p0 [sflag:s8], $0x0  }
0x24: {  	s3 =	sadd.s32 $0x88, s3;
	s6 =	simm.s32 @!p1 $0x1082;
	[sflag:s4] =	ssyncset.s32 $0xFFFFF086  }
0x25: {  	[simem:s6], [sflag:s4] =	dma.local [hbm:s3], $0xF7A  }
0x26: {  	[smem:$0x3F70] =	sst s1;
	(tag) =	ssettag s2;
	_ =	strace s9  }
0x27: {  	s1 =	sld [smem:$0x3F80]  }
0x28: {  	s2 =	sld [smem:$0x3F81]  }
0x29: {  	s4 =	sld [smem:$0x3F83]  }
0x2a: {  	p0 =	seq.s32 s5, $0x0;
	s5 =	sld [smem:$0x3F84]  }
0x2b: {  	s6 =	sld [smem:$0x3F85]  }
0x2c: {  	s7 =	sld [smem:$0x3F86]  }
0x2d: {  	s3 =	simm.s32 $0x108;
	s8 =	sld [smem:$0x3F87]  }
0x2e: {  	s3 =	simm.s32 @!p0 $0x1082;
	s9 =	sld [smem:$0x3F88]  }
0x2f: {  	lr =	sadd.s32 s0, s3;
	s0 =	sld [smem:$0x3F7F]  }
0x30: {  	s3 =	sld [smem:$0x3F82]  }
0x31: {  	[smem:$0x3F8B] =	sst s10  }
0x32: {  	s10 =	sld [smem:$0x3F89];
	_ =	sdelay $0x3  }
0x33: {  	p0 =	seq.s32 s10, $0x1;
	s10 =	sld [smem:$0x3F8B];
	_ =	sdelay $0x3  }
0x34: {  	[smem:$0x3F8B] =	sst s10  }
0x35: {  	s10 =	sld [smem:$0x3F8A];
	_ =	sdelay $0x3  }
0x36: {  	p1 =	seq.s32 s10, $0x1;
	s10 =	sld [smem:$0x3F8B];
	_ =	sdelay $0x3  }
0x37: {  	[smem:$0x3F8B] =	sst s10  }
0x38: {  	s10 =	sld [smem:$0x3F8C]  }
0x39: {  	_ = 	snop;
	(pc) =	sbr.ind lr, $3  }
0x3a: {  	_ = 	snop  }
0x3b: {  	_ = 	snop  }
0x3c: {  	p2 =	seq.s32 s10, $0x1;
	s10 =	sld [smem:$0x3F8B]  }
0x3d: {  	_ =	shalt  }
0x3e: {  	_ =	shalt  }
0x3f: {  	_ =	shalt  }
0x40: {  	_ =	shalt  }
0x41: {  	_ =	shalt  }
0x42: {  	_ =	shalt  }
0x43: {  	_ =	shalt  }
0x44: {  	_ =	shalt  }
0x45: {  	_ =	shalt  }
0x46: {  	_ =	shalt  }
0x47: {  	_ =	shalt  }
0x48: {  	_ =	shalt  }
0x49: {  	_ =	shalt  }
0x4a: {  	_ =	shalt  }
0x4b: {  	_ =	shalt  }
0x4c: {  	_ =	shalt  }
0x4d: {  	_ =	shalt  }
0x4e: {  	_ =	shalt  }
0x4f: {  	_ =	shalt  }
0x50: {  	_ =	shalt  }
0x51: {  	_ =	shalt  }
0x52: {  	_ =	shalt  }
0x53: {  	_ =	shalt  }
0x54: {  	_ =	shalt  }
0x55: {  	_ =	shalt  }
0x56: {  	_ =	shalt  }
0x57: {  	_ =	shalt  }
0x58: {  	_ =	shalt  }
0x59: {  	_ =	shalt  }
0x5a: {  	_ =	shalt  }
0x5b: {  	_ =	shalt  }
0x5c: {  	_ =	shalt  }
0x5d: {  	_ =	shalt  }
0x5e: {  	_ =	shalt  }
0x5f: {  	_ =	shalt  }
0x60: {  	_ =	shalt  }
0x61: {  	_ =	shalt  }
0x62: {  	_ =	shalt  }
0x63: {  	_ =	shalt  }
0x64: {  	_ =	shalt  }
0x65: {  	_ =	shalt  }
0x66: {  	_ =	shalt  }
0x67: {  	_ =	shalt  }
0x68: {  	_ =	shalt  }
0x69: {  	_ =	shalt  }
0x6a: {  	_ =	shalt  }
0x6b: {  	_ =	shalt  }
0x6c: {  	_ =	shalt  }
0x6d: {  	_ =	shalt  }
0x6e: {  	_ =	shalt  }
0x6f: {  	_ =	shalt  }
0x70: {  	_ =	shalt  }
0x71: {  	_ =	shalt  }
0x72: {  	_ =	shalt  }
0x73: {  	_ =	shalt  }
0x74: {  	_ =	shalt  }
0x75: {  	_ =	shalt  }
0x76: {  	_ =	shalt  }
0x77: {  	_ =	shalt  }
0x78: {  	_ =	shalt  }
0x79: {  	_ =	shalt  }
0x7a: {  	_ =	shalt  }
0x7b: {  	_ =	shalt  }
0x7c: {  	_ =	shalt  }
0x7d: {  	_ =	shalt  }
0x7e: {  	_ =	shalt  }
0x7f: {  	_ =	shalt  }
0x80: {  	_ =	shalt  }
0x81: {  	_ =	shalt  }
0x82: {  	_ =	shalt  }
0x83: {  	_ =	shalt  }
0x84: {  	_ =	shalt  }
0x85: {  	_ =	shalt  }
0x86: {  	_ =	shalt  }
0x87: {  	_ =	shalt  }
.Lfunc_end0:
.L_simem_size_0:
called_computation.2_lowered:
.L_overlay_start_0:
0x88: {  	s2 =	sld [smem:$0x3FD9]  }
0x89: {  	s3 =	sld [smem:$0x3FFE];
	_ =	sdelay $0x1  }
0x8a: {  	s1 =	srdreg.scid  }
0x8b: {  	s0 =	sand.u32 $0x1, s1  }
0x8c: {  	s16 =	sshll.u32 s0, $0xA;
	s2 =	sadd.s32 s3, s2  }
0x8d: {  	s2 =	sadd.s32 s2, s16  }
0x8e: {  	[smem:$0x3F97] =	sst s2  }
0x8f: {  	_ = 	snop  }
0x90: {  	(tm) =	ssettm $0x1  }
0x91: {  	s17 =	sld [smem:$0x3FFB];
	_ =	sdelay $0x3  }
0x92: {  	_ =	strace s17  }
0x93: {  	s2 =	sld [smem:$0x3FFC];
	_ =	sdelay $0x3  }
0x94: {  	_ =	strace s2  }
0x95: {  	s2 =	sld [smem:$0x3FFD];
	_ =	sdelay $0x3  }
0x96: {  	_ =	strace s2  }
0x97: {  	_ =	strace $0x8FFFFFFF  }
0x98: {  	s18 =	sld [smem:$0x3FDB];
	_ =	sdelay $0x1  }
0x99: {  	s19 =	simm.s32 $_scs_section_size  }
0x9a: {  	s4 =	simm.s32 $_size__tile_overlayer_lowered;
	s5 =	simm.s32 $_tile_overlayer_lowered  }
0x9b: {  	s22 =	simm.s32 $0x1BFF;
	s21 =	sshll.u32 s5, $0x1;
	s2 =	sadd.s32 s19, s18  }
0x9c: {  	s6 =	simm.s32 $0x0;
	s20 =	sshll.u32 s4, $0x1;
	s4 =	sadd.s32 s21, s2  }
0x9d: {  	[timem:s6], [sflag:s22] =	dma.local [hbm:s4], s20  }
0x9e: {  	_ =	swait.ge [sflag:s22], s20  }
0x9f: {  	s3 =	ssub.s32 $0x0, s20;
	[sflag:s22] =	ssyncset.done $0x0  }
0xa0: {  	[sflag:s22] =	ssyncadd.s32 s3;
	_ =	sdelay $0x1  }
0xa1: {  	s23 =	simm.s32 $0x1B8B  }
0xa2: {  	_ =	swait.ge [sflag:s23], $0x1  }
0xa3: {  	[sflag:s23] =	ssyncset.done $0x0  }
0xa4: {  	s25 =	simm.s32 $0x1B8E;
	s24 =	sld [smem:$0x3FFE];
	[sflag:s23] =	ssyncadd.s32 $0xFFFFFFFF  }
0xa5: {  	s26 =	simm.s32 $execute0_lowered;
	[smem:$0x3FD2] =	sst s25  }
0xa6: {  	s4 =	sshll.u32 s26, $0x1;
	_ =	strace $0x8000004C;
	[dreg:$0x1] =	wrdreg $0xFFFFFFFF  }
0xa7: {  	s28 =	simm.s32 $_size_execute0_lowered;
	s2 =	sadd.s32 s2, s4;
	[dreg:$0x0] =	wrdreg $0x0  }
0xa8: {  	s4 =	sshll.u32 s28, $0x1;
	[dreg:$0x2] =	wrdreg s2  }
0xa9: {  	[dreg:$0x3] =	wrdreg s4  }
0xaa: {  	[dreg:$0x4] =	wrdreg $0xC0  }
0xab: {  	_ =	task [dreg:s6], $0x5FFFF  }
0xac: {  	[dreg:$0x1] =	wrdreg $0xFFFFFFFF  }
0xad: {  	[dreg:$0x0] =	wrdreg $0x60  }
0xae: {  	[dreg:$0x2] =	wrdreg s24  }
0xaf: {  	[dreg:$0x3] =	wrdreg $0xE7000  }
0xb0: {  	[dreg:$0x4] =	wrdreg $0x9  }
0xb1: {  	_ =	task.clear_ibuf [dreg:s6], $0x5FFFF;
	_ =	strace $0x9000004C  }
0xb2: {  	s29 =	simm.s32 $0x9;
	_ =	strace $0x8000004E  }
0xb3: {  	_ =	swait.ge [sflag:s29], $0x1  }
0xb4: {  	[sflag:s29] =	ssyncadd.s32 $0xFFFFFFFF  }
0xb5: {  	_ =	strace $0x9000004E  }
0xb6: {  	_ =	sfence  }
0xb7: {  	s30 =	sld [smem:$0x0];
	_ =	sdelay $0x2  }
0xb8: {  	s31 =	sshll.u32 s1, $0xD;
	s1 =	sshrl.u32 s1, $0x2  }
0xb9: {  	s3 =	sand.u32 $0x4000, s31;
	s1 =	sadd.s32 s1, s30  }
0xba: {  	s0 =	sor.u32 s3, s0;
	s1 =	sshll.u32 s1, $0x11  }
0xbb: {  	s0 =	sor.u32 s1, s0  }
0xbc: {  	s0 =	sadd.s32 $0x8F2B, s0  }
0xbd: {  	[sflag:s0] =	ssyncadd.remote.s32 $0x1  }
0xbe: {  	_ =	sfence.sel $0xFFFF  }
0xbf: {  	[dreg:$0x0] =	wrdreg $0xFFFFFFFF;
	(pc) =	sbr.abs _section_cstart, $3  }
0xc0: {  	[dreg:$0x1] =	wrdreg $0xFFFFFFFF  }
0xc1: {  	_ =	task.clear_ibuf [dreg:s6], $0x2FFFF;
	_ =	strace $0x9FFFFFFF  }
0xc2: {  	(tm) =	ssettm $0x7FFFFFFF  }
0xc3: {  	_ =	shalt  }
tec
execute0_lowered:
.L_overlay_start_1:
0x0: {  	(tag) =	ssettag $0x1  }
0x1: {  	s4 =	rddreg [dreg:$0x0];
	s0 =	stileid.u32  }
0x2: {  	s1 =	srdreg.scid;
	s2 =	rddreg [dreg:$0x1]  }
0x3: {  	s3 =	simm.s32 $0x0;
	s16 =	simm.s32 $0x1700;
	s19 =	simm.s32 $0x100  }
0x4: {  	s21 =	simm.s32 $0x2700;
	s1 =	sand.u32 $0x1, s1;
	[smem:$0x7FF] =	sst s3  }
0x5: {  	s5 =	sshll.u32 s0, $0x1;
	_ =	strace $0x8000004D;
	[dreg:$0x8] =	wrdreg s16  }
0x6: {  	s6 =	sshll.u32 s0, $0xB;
	s8 =	sshll.u32 s0, $0x6;
	[dreg:$0x9] =	wrdreg s19  }
0x7: {  	s6 =	sadd.s32 s6, s4;
	s12 =	sor.u32 $0x1C02, s8;
	[dreg:$0xa] =	wrdreg s21  }
0x8: {  	s5 =	sor.u32 s1, s5;
	s6 =	sadd.s32 $0x8800, s6;
	[dreg:$0x4] =	wrdreg s12  }
0x9: {  	s13 =	sshll.u32 s0, $0xE;
	s7 =	smul.u32 $0xE0, s5;
	[dreg:$0x3] =	wrdreg s6  }
0xa: {  	s5 =	smul.u32 $0x7000, s5;
	s6 =	sadd.s32 s13, s2;
	s20 =	rddreg [dreg:$0x4]  }
0xb: {  	s7 =	sadd.s32 s7, s4;
	s15 =	sshrl.u32 s6, $0x3;
	s17 =	rddreg [dreg:$0x3]  }
0xc: {  	s4 =	sadd.s32 s5, s4;
	s14 =	sadd.s32 $0x6C00, s7;
	[dreg:$0x7] =	wrdreg s15  }
0xd: {  	s4 =	sadd.s32 $0x10800, s4;
	[dreg:$0x5] =	wrdreg s14  }
0xe: {  	[dreg:$0x6] =	wrdreg s4  }
0xf: {  	s18 =	rddreg [dreg:$0x7];
	s4 =	simm.s32 $0x2  }
0x10: {  	[spmem:s18], [sflag:s20] =	dma.local [hbm:s17], $0x800  }
0x11: {  	_ =	swait.ge [sflag:s4], $0x800  }
0x12: {  	[sflag:s4] =	ssyncset.done $0x0  }
0x13: {  	s22 =	rddreg [dreg:$0x5];
	[sflag:s4] =	ssyncadd.s32 $0xFFFFF800  }
0x14: {  	[tilespmem:s3], [sflag:$0x2] =	stream.linear.gather [hbm4b:s22+s3], $0x700, $0x38;
	[tilespmem:$0x12700] =	vst v63  }
0x15: {  	_ =	swait.ge [sflag:s4], $0x700  }
0x16: {  	[sflag:s4] =	ssyncset.done $0x0  }
0x17: {  	[sflag:s4] =	ssyncadd.s32 $0xFFFFF900  }
0x18: {  	s5 =	simm.s32 $0x80;
	s6 =	simm.s32 $0x700;
	[bflag:$0x0] =	sbarrier.arrive $0xFFFF  }
0x19: {  	[tilespmem:s6], [sflag:$0x1] =	stream.indirect.gather [spmem:s2], $0x20, s3, s5, $0xb8;
	[tilespmem:$0x12700] =	vst v63  }
0x1a: {  	s23 =	rddreg [dreg:$0x8]  }
0x1b: {  	s24 =	rddreg [dreg:$0xa]  }
0x1c: {  	[tilespmem:s23], [sflag:$0x1] =	stream.indirect.gather [spmem:s2], $0x20, s5, s5, $0xb8;
	[tilespmem:$0x12700] =	vst v63  }
0x1d: {  	s9 =	rddreg [dreg:$0x9]  }
0x1e: {  	[tilespmem:s24], [sflag:$0x1] =	stream.indirect.gather [spmem:s2], $0x20, s9, s5, $0xb8;
	[tilespmem:$0x12700] =	vst v63  }
0x1f: {  	s25 =	simm.s32 $0x180;
	s26 =	simm.s32 $0x3700  }
0x20: {  	[tilespmem:s26], [sflag:$0x1] =	stream.indirect.gather [spmem:s2], $0x20, s25, s5, $0xb8;
	[tilespmem:$0x12700] =	vst v63  }
0x21: {  	s10 =	simm.s32 $0x4700;
	s9 =	simm.s32 $0x200  }
0x22: {  	[tilespmem:s10], [sflag:$0x1] =	stream.indirect.gather [spmem:s2], $0x20, s9, s5, $0xb8;
	[tilespmem:$0x12700] =	vst v63  }
0x23: {  	s11 =	simm.s32 $0x280;
	s12 =	simm.s32 $0x5700  }
0x24: {  	[tilespmem:s12], [sflag:$0x1] =	stream.indirect.gather [spmem:s2], $0x20, s11, s5, $0xb8;
	[tilespmem:$0x12700] =	vst v63  }
0x25: {  	s13 =	simm.s32 $0x300;
	s14 =	simm.s32 $0x6700  }
0x26: {  	[tilespmem:s14], [sflag:$0x1] =	stream.indirect.gather [spmem:s2], $0x20, s13, s5, $0xb8;
	[tilespmem:$0x12700] =	vst v63  }
0x27: {  	s16 =	simm.s32 $0x7700;
	s15 =	simm.s32 $0x380  }
0x28: {  	[tilespmem:s16], [sflag:$0x1] =	stream.indirect.gather [spmem:s2], $0x20, s15, s5, $0xb8;
	[tilespmem:$0x12700] =	vst v63  }
0x29: {  	s17 =	simm.s32 $0x400;
	s18 =	simm.s32 $0x8700  }
0x2a: {  	[tilespmem:s18], [sflag:$0x1] =	stream.indirect.gather [spmem:s2], $0x20, s17, s5, $0xb8;
	[tilespmem:$0x12700] =	vst v63  }
0x2b: {  	s19 =	simm.s32 $0x480;
	s20 =	simm.s32 $0x9700  }
0x2c: {  	[tilespmem:s20], [sflag:$0x1] =	stream.indirect.gather [spmem:s2], $0x20, s19, s5, $0xb8;
	[tilespmem:$0x12700] =	vst v63  }
0x2d: {  	s21 =	simm.s32 $0x500;
	s22 =	simm.s32 $0xA700  }
0x2e: {  	[tilespmem:s22], [sflag:$0x1] =	stream.indirect.gather [spmem:s2], $0x20, s21, s5, $0xb8;
	[tilespmem:$0x12700] =	vst v63  }
0x2f: {  	s23 =	simm.s32 $0x580;
	s24 =	simm.s32 $0xB700  }
0x30: {  	[tilespmem:s24], [sflag:$0x1] =	stream.indirect.gather [spmem:s2], $0x20, s23, s5, $0xb8;
	[tilespmem:$0x12700] =	vst v63  }
0x31: {  	s25 =	simm.s32 $0x600;
	s26 =	simm.s32 $0xC700  }
0x32: {  	[tilespmem:s26], [sflag:$0x1] =	stream.indirect.gather [spmem:s2], $0x20, s25, s5, $0xb8;
	[tilespmem:$0x12700] =	vst v63  }
0x33: {  	s28 =	simm.s32 $0x680;
	s29 =	simm.s32 $0xD700;
	s30 =	simm.s32 $0x1  }
0x34: {  	[tilespmem:s29], [sflag:$0x1] =	stream.indirect.gather [spmem:s2], $0x20, s28, s5, $0xb8;
	[tilespmem:$0x12700] =	vst v63  }
0x35: {  	_ =	swait.ge [sflag:s30], $0x1000  }
0x36: {  	[sflag:s30] =	ssyncset.done $0x0  }
0x37: {  	[sflag:s30] =	ssyncadd.s32 $0xFFFFF000  }
0x38: {  	_ =	swait.ge [sflag:s30], $0x1000  }
0x39: {  	[sflag:s30] =	ssyncset.done $0x0  }
0x3a: {  	[sflag:s30] =	ssyncadd.s32 $0xFFFFF000  }
0x3b: {  	_ =	swait.ge [sflag:s30], $0x1000  }
0x3c: {  	[sflag:s30] =	ssyncset.done $0x0  }
0x3d: {  	[sflag:s30] =	ssyncadd.s32 $0xFFFFF000  }
0x3e: {  	_ =	swait.ge [sflag:s30], $0x1000  }
0x3f: {  	[sflag:s30] =	ssyncset.done $0x0  }
0x40: {  	[sflag:s30] =	ssyncadd.s32 $0xFFFFF000  }
0x41: {  	_ =	swait.ge [sflag:s30], $0x1000  }
0x42: {  	[sflag:s30] =	ssyncset.done $0x0  }
0x43: {  	[sflag:s30] =	ssyncadd.s32 $0xFFFFF000  }
0x44: {  	_ =	swait.ge [sflag:s30], $0x1000  }
0x45: {  	[sflag:s30] =	ssyncset.done $0x0  }
0x46: {  	[sflag:s30] =	ssyncadd.s32 $0xFFFFF000  }
0x47: {  	_ =	swait.ge [sflag:s30], $0x1000  }
0x48: {  	[sflag:s30] =	ssyncset.done $0x0  }
0x49: {  	[sflag:s30] =	ssyncadd.s32 $0xFFFFF000  }
0x4a: {  	_ =	swait.ge [sflag:s30], $0x1000  }
0x4b: {  	[sflag:s30] =	ssyncset.done $0x0  }
0x4c: {  	[sflag:s30] =	ssyncadd.s32 $0xFFFFF000  }
0x4d: {  	_ =	swait.ge [sflag:s30], $0x1000  }
0x4e: {  	[sflag:s30] =	ssyncset.done $0x0  }
0x4f: {  	[sflag:s30] =	ssyncadd.s32 $0xFFFFF000  }
0x50: {  	_ =	swait.ge [sflag:s30], $0x1000  }
0x51: {  	[sflag:s30] =	ssyncset.done $0x0  }
0x52: {  	[sflag:s30] =	ssyncadd.s32 $0xFFFFF000  }
0x53: {  	_ =	swait.ge [sflag:s30], $0x1000  }
0x54: {  	[sflag:s30] =	ssyncset.done $0x0  }
0x55: {  	[sflag:s30] =	ssyncadd.s32 $0xFFFFF000  }
0x56: {  	_ =	swait.ge [sflag:s30], $0x1000  }
0x57: {  	s1 =	ssub.s32 $0x2, s1;
	[sflag:s30] =	ssyncset.done $0x0  }
0x58: {  	s31 =	sshrl.u32 s1, $0x1;
	[sflag:s30] =	ssyncadd.s32 $0xFFFFF000  }
0x59: {  	s1 =	ssub.s32 s1, s31;
	_ =	swait.ge [sflag:s30], $0x1000  }
0x5a: {  	s8 =	smax.u32 s1, $0x1;
	[sflag:s30] =	ssyncset.done $0x0  }
0x5b: {  	p0 =	sne.s32 s8, $0x1;
	[sflag:s30] =	ssyncadd.s32 $0xFFFFF000  }
.Ltmp0:
0x5c: {  	_ =	swait.ge [sflag:s30], $0x1000;
	(pc) =	sbr.rel @!p0 .LBB2_2-.Ltmp0, $4  }
0x5d: {  	[sflag:s30] =	ssyncset.done $0x0  }
0x5e: {  	s31 =	simm.s32 $0x20;
	s7 =	rddreg [dreg:$0x6];
	[sflag:s30] =	ssyncadd.s32 $0xFFFFF000  }
0x5f: {  	[hbm4b:s7+s31] =	stream.strided.scatter [tilespmem:s6], [sflag:$0x2], $0xE000, s5, s31, $0x38;
	[tilespmem:$0x12700] =	vst v63  }
0x60: {  	s1 =	sadd.s32 $0xFFFFFFFF, s8;
	_ =	swait.ge [sflag:s4], $0xE000  }
.LBB2_1:
0x61: {  	s0 =	rddreg [dreg:$0x3]  }
0x62: {  	[sflag:s4] =	ssyncset.done $0x0;
	s7 =	rddreg [dreg:$0x7]  }
0x63: {  	s8 =	rddreg [dreg:$0x4];
	[sflag:s4] =	ssyncadd.s32 $0xFFFF2000  }
0x64: {  	[spmem:s7], [sflag:s8] =	dma.local [hbm:s0], $0x800  }
0x65: {  	_ =	swait.ge [sflag:s4], $0x800  }
0x66: {  	[sflag:s4] =	ssyncset.done $0x0  }
0x67: {  	s8 =	rddreg [dreg:$0x5];
	[sflag:s4] =	ssyncadd.s32 $0xFFFFF800  }
0x68: {  	[tilespmem:s3], [sflag:$0x2] =	stream.linear.gather [hbm4b:s8+s3], $0x700, $0x38;
	[tilespmem:$0x12700] =	vst v63  }
0x69: {  	_ =	swait.ge [sflag:s4], $0x700  }
0x6a: {  	[sflag:s4] =	ssyncset.done $0x0  }
0x6b: {  	[sflag:s4] =	ssyncadd.s32 $0xFFFFF900  }
0x6c: {  	[bflag:$0x0] =	sbarrier.arrive $0xFFFF  }
0x6d: {  	[tilespmem:s6], [sflag:$0x1] =	stream.indirect.gather [spmem:s2], $0x20, s3, s5, $0xb8;
	[tilespmem:$0x12700] =	vst v63  }
0x6e: {  	s0 =	rddreg [dreg:$0x8]  }
0x6f: {  	s7 =	rddreg [dreg:$0xa]  }
0x70: {  	[tilespmem:s0], [sflag:$0x1] =	stream.indirect.gather [spmem:s2], $0x20, s5, s5, $0xb8;
	[tilespmem:$0x12700] =	vst v63  }
0x71: {  	s8 =	rddreg [dreg:$0x9]  }
0x72: {  	[tilespmem:s7], [sflag:$0x1] =	stream.indirect.gather [spmem:s2], $0x20, s8, s5, $0xb8;
	[tilespmem:$0x12700] =	vst v63  }
0x73: {  	s7 =	simm.s32 $0x180;
	s8 =	simm.s32 $0x3700  }
0x74: {  	[tilespmem:s8], [sflag:$0x1] =	stream.indirect.gather [spmem:s2], $0x20, s7, s5, $0xb8;
	[tilespmem:$0x12700] =	vst v63  }
0x75: {  	_ = 	snop  }
0x76: {  	[tilespmem:s10], [sflag:$0x1] =	stream.indirect.gather [spmem:s2], $0x20, s9, s5, $0xb8;
	[tilespmem:$0x12700] =	vst v63  }
0x77: {  	_ = 	snop  }
0x78: {  	[tilespmem:s12], [sflag:$0x1] =	stream.indirect.gather [spmem:s2], $0x20, s11, s5, $0xb8;
	[tilespmem:$0x12700] =	vst v63  }
0x79: {  	_ = 	snop  }
0x7a: {  	[tilespmem:s14], [sflag:$0x1] =	stream.indirect.gather [spmem:s2], $0x20, s13, s5, $0xb8;
	[tilespmem:$0x12700] =	vst v63  }
0x7b: {  	_ = 	snop  }
0x7c: {  	[tilespmem:s16], [sflag:$0x1] =	stream.indirect.gather [spmem:s2], $0x20, s15, s5, $0xb8;
	[tilespmem:$0x12700] =	vst v63  }
0x7d: {  	_ = 	snop  }
0x7e: {  	[tilespmem:s18], [sflag:$0x1] =	stream.indirect.gather [spmem:s2], $0x20, s17, s5, $0xb8;
	[tilespmem:$0x12700] =	vst v63  }
0x7f: {  	_ = 	snop  }
0x80: {  	[tilespmem:s20], [sflag:$0x1] =	stream.indirect.gather [spmem:s2], $0x20, s19, s5, $0xb8;
	[tilespmem:$0x12700] =	vst v63  }
0x81: {  	_ = 	snop  }
0x82: {  	[tilespmem:s22], [sflag:$0x1] =	stream.indirect.gather [spmem:s2], $0x20, s21, s5, $0xb8;
	[tilespmem:$0x12700] =	vst v63  }
0x83: {  	_ = 	snop  }
0x84: {  	[tilespmem:s24], [sflag:$0x1] =	stream.indirect.gather [spmem:s2], $0x20, s23, s5, $0xb8;
	[tilespmem:$0x12700] =	vst v63  }
0x85: {  	_ = 	snop  }
0x86: {  	[tilespmem:s26], [sflag:$0x1] =	stream.indirect.gather [spmem:s2], $0x20, s25, s5, $0xb8;
	[tilespmem:$0x12700] =	vst v63  }
0x87: {  	_ = 	snop  }
0x88: {  	[tilespmem:s29], [sflag:$0x1] =	stream.indirect.gather [spmem:s2], $0x20, s28, s5, $0xb8;
	[tilespmem:$0x12700] =	vst v63  }
0x89: {  	_ =	swait.ge [sflag:s30], $0x1000  }
0x8a: {  	[sflag:s30] =	ssyncset.done $0x0  }
0x8b: {  	[sflag:s30] =	ssyncadd.s32 $0xFFFFF000  }
0x8c: {  	_ =	swait.ge [sflag:s30], $0x1000  }
0x8d: {  	[sflag:s30] =	ssyncset.done $0x0  }
0x8e: {  	[sflag:s30] =	ssyncadd.s32 $0xFFFFF000  }
0x8f: {  	_ =	swait.ge [sflag:s30], $0x1000  }
0x90: {  	[sflag:s30] =	ssyncset.done $0x0  }
0x91: {  	[sflag:s30] =	ssyncadd.s32 $0xFFFFF000  }
0x92: {  	_ =	swait.ge [sflag:s30], $0x1000  }
0x93: {  	[sflag:s30] =	ssyncset.done $0x0  }
0x94: {  	[sflag:s30] =	ssyncadd.s32 $0xFFFFF000  }
0x95: {  	_ =	swait.ge [sflag:s30], $0x1000  }
0x96: {  	[sflag:s30] =	ssyncset.done $0x0  }
0x97: {  	[sflag:s30] =	ssyncadd.s32 $0xFFFFF000  }
0x98: {  	_ =	swait.ge [sflag:s30], $0x1000  }
0x99: {  	[sflag:s30] =	ssyncset.done $0x0  }
0x9a: {  	[sflag:s30] =	ssyncadd.s32 $0xFFFFF000  }
0x9b: {  	_ =	swait.ge [sflag:s30], $0x1000  }
0x9c: {  	[sflag:s30] =	ssyncset.done $0x0  }
0x9d: {  	[sflag:s30] =	ssyncadd.s32 $0xFFFFF000  }
0x9e: {  	_ =	swait.ge [sflag:s30], $0x1000  }
0x9f: {  	[sflag:s30] =	ssyncset.done $0x0  }
0xa0: {  	[sflag:s30] =	ssyncadd.s32 $0xFFFFF000  }
0xa1: {  	_ =	swait.ge [sflag:s30], $0x1000  }
0xa2: {  	[sflag:s30] =	ssyncset.done $0x0  }
0xa3: {  	[sflag:s30] =	ssyncadd.s32 $0xFFFFF000  }
0xa4: {  	_ =	swait.ge [sflag:s30], $0x1000  }
0xa5: {  	[sflag:s30] =	ssyncset.done $0x0  }
0xa6: {  	[sflag:s30] =	ssyncadd.s32 $0xFFFFF000  }
0xa7: {  	_ =	swait.ge [sflag:s30], $0x1000  }
0xa8: {  	[sflag:s30] =	ssyncset.done $0x0  }
0xa9: {  	[sflag:s30] =	ssyncadd.s32 $0xFFFFF000  }
0xaa: {  	_ =	swait.ge [sflag:s30], $0x1000  }
0xab: {  	[sflag:s30] =	ssyncset.done $0x0  }
0xac: {  	[sflag:s30] =	ssyncadd.s32 $0xFFFFF000  }
0xad: {  	_ =	swait.ge [sflag:s30], $0x1000  }
0xae: {  	[sflag:s30] =	ssyncset.done $0x0  }
0xaf: {  	p0 =	sne.s32 s1, $0x1;
	[sflag:s30] =	ssyncadd.s32 $0xFFFFF000  }
.Ltmp1:
0xb0: {  	_ =	swait.ge [sflag:s30], $0x1000;
	(pc) =	sbr.rel @p0 .LBB2_1-.Ltmp1, $4  }
0xb1: {  	[sflag:s30] =	ssyncset.done $0x0  }
0xb2: {  	s8 =	rddreg [dreg:$0x6];
	[sflag:s30] =	ssyncadd.s32 $0xFFFFF000  }
0xb3: {  	[hbm4b:s8+s31] =	stream.strided.scatter [tilespmem:s6], [sflag:$0x2], $0xE000, s5, s31, $0x38;
	[tilespmem:$0x12700] =	vst v63  }
0xb4: {  	s1 =	sadd.s32 $0xFFFFFFFF, s1;
	_ =	swait.ge [sflag:s4], $0xE000  }
.LBB2_2:
0xb5: {  	[sflag:s4] =	ssyncset.done $0x0  }
0xb6: {  	[sflag:s4] =	ssyncadd.s32 $0xFFFF2000  }
0xb7: {  	_ =	sfence.sel $0x180000  }
0xb8: {  	[bflag:$0x0] =	sbarrier.arrive $0xFFFF  }
0xb9: {  	_ =	strace $0x9000004D  }
0xba: {  	s0 =	stileid.u32;
	[bflag:$0x2] =	sbarrier.arrive $0xFFFF  }
0xbb: {  	p0 =	sne.s32 s0, $0x0;
	s0 =	rddreg [dreg:$0x2]  }
0xbc: {  	s0 =	sadd.s32 @!p0 $0x100000, s0  }
0xbd: {  	[sflag:s0] =	ssyncadd.tile.s32 @!p0 $0x1;
	_ =	shalt  }
.Lfunc_end2:
_tile_overlayer_lowered:
.L_overlay_start_2:
0xbe: {  	(tag) =	ssettag $0x2  }
0xbf: {  	s0 =	rddreg [dreg:$0x0];
	s2 =	stileid.u32  }
0xc0: {  	s1 =	rddreg [dreg:$0x1];
	p0 =	sne.s32 s2, $0x0  }
0xc1: {  	s3 =	rddreg [dreg:$0x2];
	[bflag:$0x3] =	sbarrier.arrive $0xFFFF;
	s2 =	simm.s32 @!p0 $0x1C02  }
0xc2: {  	[timem:s3], [sflag:s2] =	dma.local @!p0 [hbm:s0], s1  }
0xc3: {  	s0 =	simm.s32 @!p0 $0x2  }
0xc4: {  	_ =	swait.ge @!p0 [sflag:s0], s1  }
0xc5: {  	s1 =	ssub.s32 @!p0 $0x0, s1;
	[sflag:s0] =	ssyncset.done @!p0 $0x0  }
0xc6: {  	[sflag:s0] =	ssyncadd.s32 @!p0 s1  }
0xc7: {  	[bflag:$0x3] =	sbarrier.arrive $0xFFFF  }
0xc8: {  	_ =	shalt  }

</sc_bundles>
